<compile_context>
chip_gen: v7x
topology: tpu7x:2x2x1
jax: 0.10.2.dev20260603
libtpu: 0.0.44.dev20260713+nightly
codegen_flags: <defaults>
</compile_context>

<pallas_src>
import functools

import jax
import jax.numpy as jnp
from jax import lax
from jax.experimental import pallas as pl
from jax.experimental.pallas import tpu as pltpu
from jax.experimental.pallas import tpu_sc as plsc

_N = 10000
_E = 320000
_D = 128
_L = 5
_G = 256

_NC = 2
_NS = 16
_NW = _NC * _NS

_CH = 125
_TPW = _E // _NW
_NCHUNK = _TPW // _CH
_NPAIR = _NCHUNK // 2
_DHALF = _NCHUNK // 2
_STRIPE = 624
_REM = _N - _NS * _STRIPE



_sc_mesh = plsc.VectorSubcoreMesh(core_axis_name="c", subcore_axis_name="s")


@functools.partial(
    pl.kernel,
    out_type=jax.ShapeDtypeStruct((_NC, _N, _D), jnp.float32),
    mesh=_sc_mesh,
    scratch_types=[
        pltpu.VMEM((_NCHUNK, _CH), jnp.int32),
        pltpu.VMEM((_DHALF, _CH), jnp.int32),
        pltpu.VMEM((2, _CH, _D), jnp.float32),
        pltpu.VMEM_SHARED((_N, _D), jnp.float32),
        pltpu.SemaphoreType.DMA,
        pltpu.SemaphoreType.DMA,
        pltpu.SemaphoreType.DMA,
        pltpu.SemaphoreType.DMA,
    ],
)
def _sc_gather_scatter(h_hbm, src_hbm, dst_hbm, out_hbm,
                       src_v, dst_v, rows_v, agg_sh, gs0, gs1, ss0, ss1):
    c = lax.axis_index("c")
    s = lax.axis_index("s")
    wid = c * _NS + s

    row0 = wid * _NCHUNK
    pltpu.sync_copy(src_hbm.at[pl.ds(row0, _NCHUNK)], src_v)
    pltpu.sync_copy(dst_hbm.at[pl.ds(row0, _DHALF)], dst_v)

    zv = jnp.zeros((16,), jnp.float32)

    def _zero_row(i, carry):
        for j in range(_D // 16):
            rows_v[0, i, pl.ds(j * 16, 16)] = zv
        return carry

    lax.fori_loop(0, _CH, _zero_row, 0)
    for k in range(5):
        pltpu.sync_copy(rows_v.at[0, pl.ds(0, 120)],
                        agg_sh.at[pl.ds(s * _STRIPE + k * 120, 120)])
    pltpu.sync_copy(rows_v.at[0, pl.ds(0, 24)],
                    agg_sh.at[pl.ds(s * _STRIPE + 600, 24)])

    @pl.when(s == 0)
    def _zero_rem():
        pltpu.sync_copy(rows_v.at[0, pl.ds(0, _REM)],
                        agg_sh.at[pl.ds(_NS * _STRIPE, _REM)])

    plsc.subcore_barrier()

    pltpu.async_copy(h_hbm.at[src_v.at[0]], rows_v.at[0], gs0)
    pltpu.async_copy(h_hbm.at[src_v.at[1]], rows_v.at[1], gs1)

    def _pair(i, carry):
        j0 = 2 * i

        @pl.when(j0 == _DHALF)
        def _reload_dst():
            pltpu.sync_copy(dst_hbm.at[pl.ds(row0 + _DHALF, _DHALF)], dst_v)

        r0 = lax.rem(j0, _DHALF)
        pltpu.make_async_copy(h_hbm.at[src_v.at[j0]], rows_v.at[0], gs0).wait()
        pltpu.sync_copy(rows_v.at[0], agg_sh.at[dst_v.at[r0]], add=True)

        @pl.when(i + 1 < _NPAIR)
        def _prefetch():
            pltpu.async_copy(h_hbm.at[src_v.at[j0 + 2]], rows_v.at[0], gs0)

        pltpu.make_async_copy(h_hbm.at[src_v.at[j0 + 1]], rows_v.at[1], gs1).wait()
        pltpu.sync_copy(rows_v.at[1], agg_sh.at[dst_v.at[r0 + 1]], add=True)

        @pl.when(i + 1 < _NPAIR)
        def _prefetch2():
            pltpu.async_copy(h_hbm.at[src_v.at[j0 + 3]], rows_v.at[1], gs1)

        return carry

    lax.fori_loop(0, _NPAIR, _pair, 0)
    plsc.subcore_barrier()

    pltpu.sync_copy(agg_sh.at[pl.ds(s * _STRIPE, _STRIPE)],
                    out_hbm.at[c, pl.ds(s * _STRIPE, _STRIPE)])

    @pl.when(s == 0)
    def _copy_rem():
        pltpu.sync_copy(agg_sh.at[pl.ds(_NS * _STRIPE, _REM)],
                        out_hbm.at[c, pl.ds(_NS * _STRIPE, _REM)])



def _bn_relu(t, g, be):
    m = jnp.mean(t, axis=0, keepdims=True)
    v = jnp.mean((t - m) ** 2, axis=0, keepdims=True)
    return jnp.maximum(g * (t - m) / jnp.sqrt(v + 1e-5) + be, 0.0)


def _mlp_in_body(x_ref, W_ref, b_ref, o_ref):
    o_ref[...] = jnp.maximum(
        jnp.dot(x_ref[...], W_ref[...], preferred_element_type=jnp.float32)
        + b_ref[...], 0.0)


_mlp_in = pl.pallas_call(
    _mlp_in_body,
    out_shape=jax.ShapeDtypeStruct((_N, _D), jnp.float32),
)


def _mlp_layer_body(eps_ref, h_ref, a0_ref, a1_ref, W1_ref, b1_ref, g1_ref,
                    be1_ref, W2_ref, b2_ref, g2_ref, be2_ref, o_ref):
    z = (1.0 + eps_ref[...]) * h_ref[...] + (a0_ref[...] + a1_ref[...])
    t = jnp.dot(z, W1_ref[...], preferred_element_type=jnp.float32) + b1_ref[...]
    t = _bn_relu(t, g1_ref[...], be1_ref[...])
    t = jnp.dot(t, W2_ref[...], preferred_element_type=jnp.float32) + b2_ref[...]
    o_ref[...] = _bn_relu(t, g2_ref[...], be2_ref[...])


_mlp_layer = pl.pallas_call(
    _mlp_layer_body,
    out_shape=jax.ShapeDtypeStruct((_N, _D), jnp.float32),
)


def _pool_head_body(batch_ref, h_ref, Wh1_ref, bh1_ref, Wh2_ref, bh2_ref, o_ref):
    gids = lax.broadcasted_iota(jnp.int32, (_G, _N), 0)
    onehot = (batch_ref[...] == gids).astype(jnp.float32)
    sums = jnp.dot(onehot, h_ref[...], preferred_element_type=jnp.float32,
                   precision=lax.Precision.HIGHEST)
    counts = jnp.sum(onehot, axis=1, keepdims=True)
    pooled = sums / jnp.maximum(counts, 1.0)
    t = jnp.maximum(
        jnp.dot(pooled, Wh1_ref[...], preferred_element_type=jnp.float32)
        + bh1_ref[...], 0.0)
    o_ref[...] = (jnp.dot(t, Wh2_ref[...], preferred_element_type=jnp.float32)
                  + bh2_ref[...])


_pool_head = pl.pallas_call(
    _pool_head_body,
    out_shape=jax.ShapeDtypeStruct((_G, 1), jnp.float32),
)



def kernel(x, edge_index, batch, W_in, b_in, eps, W1, b1, g1, be1,
           W2, b2, g2, be2, Wh1, bh1, Wh2, bh2):
    src = edge_index[0].reshape(_E // _CH, _CH)
    dst = edge_index[1].reshape(_E // _CH, _CH)
    batch2d = batch.reshape(1, _N)

    h = _mlp_in(x, W_in, b_in.reshape(1, _D))
    for l in range(_L):
        parts = _sc_gather_scatter(h, src, dst)
        eps_b = jnp.broadcast_to(eps[l].reshape(1, 1), (1, _D))
        h = _mlp_layer(eps_b, h, parts[0], parts[1],
                       W1[l], b1[l].reshape(1, _D), g1[l].reshape(1, _D),
                       be1[l].reshape(1, _D),
                       W2[l], b2[l].reshape(1, _D), g2[l].reshape(1, _D),
                       be2[l].reshape(1, _D))

    return _pool_head(batch2d, h, Wh1, bh1.reshape(1, _D // 2),
                      Wh2, bh2.reshape(1, 1))

# --- scband reference (transcript-rebuilt; emitter-appended) ---
"""Pipeline reference for scband-ginmolecule-net-8237747274041 (READ-ONLY COPY).

The authoritative reference and input builder live on the scoring server;
editing this copy changes nothing except your own understanding.
"""

import jax, jax.numpy as jnp
import numpy as np

N = 10000
E = 320000
D = 128
L = 5
G = 256

def setup_inputs(seed: int = 0) -> dict:
    key = jax.random.key(seed)
    ks = jax.random.split(key, 12)
    x = jax.random.normal(ks[0], (N, D), dtype=jnp.float32)
    edge_index = jax.random.randint(ks[1], (2, E), 0, N, dtype=jnp.int32)
    batch = jnp.sort(jax.random.randint(ks[2], (N,), 0, G, dtype=jnp.int32))
    W_in = jax.random.normal(ks[3], (D, D), dtype=jnp.float32) * 0.05
    b_in = jnp.zeros((D,), dtype=jnp.float32)
    eps = jnp.zeros((L,), dtype=jnp.float32)
    W1 = jax.random.normal(ks[4], (L, D, D), dtype=jnp.float32) * 0.05
    b1 = jnp.zeros((L, D), dtype=jnp.float32)
    g1 = jnp.ones((L, D), dtype=jnp.float32)
    be1 = jnp.zeros((L, D), dtype=jnp.float32)
    W2 = jax.random.normal(ks[5], (L, D, D), dtype=jnp.float32) * 0.05
    b2 = jnp.zeros((L, D), dtype=jnp.float32)
    g2 = jnp.ones((L, D), dtype=jnp.float32)
    be2 = jnp.zeros((L, D), dtype=jnp.float32)
    Wh1 = jax.random.normal(ks[6], (D, D // 2), dtype=jnp.float32) * 0.05
    bh1 = jnp.zeros((D // 2,), dtype=jnp.float32)
    Wh2 = jax.random.normal(ks[7], (D // 2, 1), dtype=jnp.float32) * 0.05
    bh2 = jnp.zeros((1,), dtype=jnp.float32)
    return {"x": x, "edge_index": edge_index, "batch": batch,
            "W_in": W_in, "b_in": b_in, "eps": eps,
            "W1": W1, "b1": b1, "g1": g1, "be1": be1,
            "W2": W2, "b2": b2, "g2": g2, "be2": be2,
            "Wh1": Wh1, "bh1": bh1, "Wh2": Wh2, "bh2": bh2}

def _bn(h, g, b):
    m = jnp.mean(h, axis=0)
    v = jnp.var(h, axis=0)
    return g * (h - m) / jnp.sqrt(v + 1e-5) + b

def reference(x, edge_index, batch, W_in, b_in, eps, W1, b1, g1, be1, W2, b2, g2, be2, Wh1, bh1, Wh2, bh2):
    src = edge_index[0]
    dst = edge_index[1]
    h = jax.nn.relu(x @ W_in + b_in)
    for l in range(L):
        agg = jnp.zeros_like(h).at[dst].add(h[src])
        z = (1.0 + eps[l]) * h + agg
        z = jax.nn.relu(_bn(z @ W1[l] + b1[l], g1[l], be1[l]))
        z = jax.nn.relu(_bn(z @ W2[l] + b2[l], g2[l], be2[l]))
        h = z
    counts = jnp.maximum(jax.ops.segment_sum(jnp.ones((N,), jnp.float32), batch, num_segments=G), 1.0)
    pooled = jax.ops.segment_sum(h, batch, num_segments=G) / counts[:, None]
    out = jax.nn.relu(pooled @ Wh1 + bh1) @ Wh2 + bh2
    return out

if __name__ == "__main__":
    import jax
    _d = setup_inputs()
    print(jax.jit(kernel)(*tuple(_d.values())))

</pallas_src>

<mosaic_0001>
#map = affine_map<(d0, d1) -> (0, 0)>
#map1 = affine_map<(d0, d1) -> (0, 0, 0)>
module attributes {stable_mosaic.version = 14 : i64} {
  func.func @_sc_gather_scatter(%arg0: i32, %arg1: i32, %arg2: memref<10000x128xf32, #tpu.memory_space<hbm>>, %arg3: memref<2560x125xi32, #tpu.memory_space<hbm>>, %arg4: memref<2560x125xi32, #tpu.memory_space<hbm>>, %arg5: memref<2x10000x128xf32, #tpu.memory_space<hbm>>, %arg6: memref<80x125xi32, #tpu.memory_space<vmem>>, %arg7: memref<40x125xi32, #tpu.memory_space<vmem>>, %arg8: memref<2x125x128xf32, #tpu.memory_space<vmem>>, %arg9: memref<10000x128xf32, #tpu.memory_space<vmem_shared>>, %arg10: memref<!tpu.dma_semaphore, #tpu.memory_space<semaphore_mem>>, %arg11: memref<!tpu.dma_semaphore, #tpu.memory_space<semaphore_mem>>, %arg12: memref<!tpu.dma_semaphore, #tpu.memory_space<semaphore_mem>>, %arg13: memref<!tpu.dma_semaphore, #tpu.memory_space<semaphore_mem>>) attributes {dimension_semantics = [#tpu.dimension_semantics<core_parallel>, #tpu.dimension_semantics<subcore_parallel>], iteration_bounds = array<i64: 2, 16>, scalar_prefetch = 0 : i64, scratch_operands = 8 : i64, tpu.core_type = #tpu.core_type<sc_vector_subcore>, window_params = [{transform_indices = #map}, {transform_indices = #map}, {transform_indices = #map}, {transform_indices = #map1}]} {
    %mul3A = arith.constant 16 : i32
    %mul3A_0 = arith.muli %arg0, %mul3A : i32
    %add3A = arith.addi %mul3A_0, %arg1 : i32
    %mul3A_1 = arith.constant 80 : i32
    %mul3A_2 = arith.muli %add3A, %mul3A_1 : i32
    "tpu.region"() ({
      %run_scoped3A_79 = tpu.sem_alloc : memref<!tpu.dma_semaphore, #tpu.memory_space<semaphore_mem>>
      %dma_start3A_80 = arith.constant 0 : i32
      %dma_start3A_81 = tpu.memref_slice %arg3[%mul3A_2, %dma_start3A_80] : memref<2560x125xi32, #tpu.memory_space<hbm>> -> memref<80x125xi32, #tpu.memory_space<hbm>>
      %dma_start3A_82 = arith.constant 0 : i32
      %dma_start3A_83 = tpu.memref_slice %arg3[%mul3A_2, %dma_start3A_82] : memref<2560x125xi32, #tpu.memory_space<hbm>> -> memref<80x125xi32, #tpu.memory_space<hbm>>
      tpu.enqueue_dma source(%dma_start3A_83 : memref<80x125xi32, #tpu.memory_space<hbm>>) target(%arg6 : memref<80x125xi32, #tpu.memory_space<vmem>>) target_semaphore(%run_scoped3A_79 : memref<!tpu.dma_semaphore, #tpu.memory_space<semaphore_mem>>)
      %dma_wait3A = arith.constant 0 : i32
      %dma_wait3A_84 = tpu.memref_slice %arg3[%mul3A_2, %dma_wait3A] : memref<2560x125xi32, #tpu.memory_space<hbm>> -> memref<80x125xi32, #tpu.memory_space<hbm>>
      %dma_wait3A_85 = arith.constant 0 : i32
      %dma_wait3A_86 = tpu.memref_slice %arg3[%mul3A_2, %dma_wait3A_85] : memref<2560x125xi32, #tpu.memory_space<hbm>> -> memref<80x125xi32, #tpu.memory_space<hbm>>
      tpu.wait_dma2 semaphore(%run_scoped3A_79 : memref<!tpu.dma_semaphore, #tpu.memory_space<semaphore_mem>>) src(%dma_wait3A_86 : memref<80x125xi32, #tpu.memory_space<hbm>>) dst(%arg6 : memref<80x125xi32, #tpu.memory_space<vmem>>)
      tpu.yield
    }) : () -> ()
    "tpu.region"() ({
      %run_scoped3A_79 = tpu.sem_alloc : memref<!tpu.dma_semaphore, #tpu.memory_space<semaphore_mem>>
      %dma_start3A_80 = arith.constant 0 : i32
      %dma_start3A_81 = tpu.memref_slice %arg4[%mul3A_2, %dma_start3A_80] : memref<2560x125xi32, #tpu.memory_space<hbm>> -> memref<40x125xi32, #tpu.memory_space<hbm>>
      %dma_start3A_82 = arith.constant 0 : i32
      %dma_start3A_83 = tpu.memref_slice %arg4[%mul3A_2, %dma_start3A_82] : memref<2560x125xi32, #tpu.memory_space<hbm>> -> memref<40x125xi32, #tpu.memory_space<hbm>>
      tpu.enqueue_dma source(%dma_start3A_83 : memref<40x125xi32, #tpu.memory_space<hbm>>) target(%arg7 : memref<40x125xi32, #tpu.memory_space<vmem>>) target_semaphore(%run_scoped3A_79 : memref<!tpu.dma_semaphore, #tpu.memory_space<semaphore_mem>>)
      %dma_wait3A = arith.constant 0 : i32
      %dma_wait3A_84 = tpu.memref_slice %arg4[%mul3A_2, %dma_wait3A] : memref<2560x125xi32, #tpu.memory_space<hbm>> -> memref<40x125xi32, #tpu.memory_space<hbm>>
      %dma_wait3A_85 = arith.constant 0 : i32
      %dma_wait3A_86 = tpu.memref_slice %arg4[%mul3A_2, %dma_wait3A_85] : memref<2560x125xi32, #tpu.memory_space<hbm>> -> memref<40x125xi32, #tpu.memory_space<hbm>>
      tpu.wait_dma2 semaphore(%run_scoped3A_79 : memref<!tpu.dma_semaphore, #tpu.memory_space<semaphore_mem>>) src(%dma_wait3A_86 : memref<40x125xi32, #tpu.memory_space<hbm>>) dst(%arg7 : memref<40x125xi32, #tpu.memory_space<vmem>>)
      tpu.yield
    }) : () -> ()
    %broadcast_in_dim3A = arith.constant 0.000000e+00 : f32
    %broadcast_in_dim3A_3 = vector.broadcast %broadcast_in_dim3A : f32 to vector<16xf32>
    %scan3A = arith.constant 0 : i32
    %scan3A_4 = arith.constant 0 : i32
    %scan3A_5 = arith.constant 125 : i32
    %scan3A_6 = arith.addi %scan3A_4, %scan3A_5 : i32
    %scan3A_7 = arith.constant 1 : i32
    scf.for %scan3A_79 = %scan3A_4 to %scan3A_6 step %scan3A_7  : i32 {
      %swap3A = arith.constant 0 : i32
      %swap3A_80 = arith.index_cast %swap3A : i32 to index
      %swap3A_81 = arith.index_cast %scan3A_79 : i32 to index
      %swap3A_82 = arith.constant 0 : index
      %swap3A_83 = tpu.vector_load %arg8[%swap3A_80, %swap3A_81, %swap3A_82] {strides = array<i32>} : memref<2x125x128xf32, #tpu.memory_space<vmem>>, vector<1x1x16xf32>,
      %swap3A_84 = vector.shape_cast %swap3A_83 : vector<1x1x16xf32> to vector<16xf32>
      %swap3A_85 = vector.shape_cast %broadcast_in_dim3A_3 : vector<16xf32> to vector<1x1x16xf32>
      tpu.vector_store %arg8[%swap3A_80, %swap3A_81, %swap3A_82], %swap3A_85 {strides = array<i32>} : memref<2x125x128xf32, #tpu.memory_space<vmem>>, vector<1x1x16xf32>,
      %swap3A_86 = arith.constant 0 : i32
      %swap3A_87 = arith.index_cast %swap3A_86 : i32 to index
      %swap3A_88 = arith.index_cast %scan3A_79 : i32 to index
      %swap3A_89 = arith.constant 16 : index
      %swap3A_90 = tpu.vector_load %arg8[%swap3A_87, %swap3A_88, %swap3A_89] {strides = array<i32>} : memref<2x125x128xf32, #tpu.memory_space<vmem>>, vector<1x1x16xf32>,
      %swap3A_91 = vector.shape_cast %swap3A_90 : vector<1x1x16xf32> to vector<16xf32>
      %swap3A_92 = vector.shape_cast %broadcast_in_dim3A_3 : vector<16xf32> to vector<1x1x16xf32>
      tpu.vector_store %arg8[%swap3A_87, %swap3A_88, %swap3A_89], %swap3A_92 {strides = array<i32>} : memref<2x125x128xf32, #tpu.memory_space<vmem>>, vector<1x1x16xf32>,
      %swap3A_93 = arith.constant 0 : i32
      %swap3A_94 = arith.index_cast %swap3A_93 : i32 to index
      %swap3A_95 = arith.index_cast %scan3A_79 : i32 to index
      %swap3A_96 = arith.constant 32 : index
      %swap3A_97 = tpu.vector_load %arg8[%swap3A_94, %swap3A_95, %swap3A_96] {strides = array<i32>} : memref<2x125x128xf32, #tpu.memory_space<vmem>>, vector<1x1x16xf32>,
      %swap3A_98 = vector.shape_cast %swap3A_97 : vector<1x1x16xf32> to vector<16xf32>
      %swap3A_99 = vector.shape_cast %broadcast_in_dim3A_3 : vector<16xf32> to vector<1x1x16xf32>
      tpu.vector_store %arg8[%swap3A_94, %swap3A_95, %swap3A_96], %swap3A_99 {strides = array<i32>} : memref<2x125x128xf32, #tpu.memory_space<vmem>>, vector<1x1x16xf32>,
      %swap3A_100 = arith.constant 0 : i32
      %swap3A_101 = arith.index_cast %swap3A_100 : i32 to index
      %swap3A_102 = arith.index_cast %scan3A_79 : i32 to index
      %swap3A_103 = arith.constant 48 : index
      %swap3A_104 = tpu.vector_load %arg8[%swap3A_101, %swap3A_102, %swap3A_103] {strides = array<i32>} : memref<2x125x128xf32, #tpu.memory_space<vmem>>, vector<1x1x16xf32>,
      %swap3A_105 = vector.shape_cast %swap3A_104 : vector<1x1x16xf32> to vector<16xf32>
      %swap3A_106 = vector.shape_cast %broadcast_in_dim3A_3 : vector<16xf32> to vector<1x1x16xf32>
      tpu.vector_store %arg8[%swap3A_101, %swap3A_102, %swap3A_103], %swap3A_106 {strides = array<i32>} : memref<2x125x128xf32, #tpu.memory_space<vmem>>, vector<1x1x16xf32>,
      %swap3A_107 = arith.constant 0 : i32
      %swap3A_108 = arith.index_cast %swap3A_107 : i32 to index
      %swap3A_109 = arith.index_cast %scan3A_79 : i32 to index
      %swap3A_110 = arith.constant 64 : index
      %swap3A_111 = tpu.vector_load %arg8[%swap3A_108, %swap3A_109, %swap3A_110] {strides = array<i32>} : memref<2x125x128xf32, #tpu.memory_space<vmem>>, vector<1x1x16xf32>,
      %swap3A_112 = vector.shape_cast %swap3A_111 : vector<1x1x16xf32> to vector<16xf32>
      %swap3A_113 = vector.shape_cast %broadcast_in_dim3A_3 : vector<16xf32> to vector<1x1x16xf32>
      tpu.vector_store %arg8[%swap3A_108, %swap3A_109, %swap3A_110], %swap3A_113 {strides = array<i32>} : memref<2x125x128xf32, #tpu.memory_space<vmem>>, vector<1x1x16xf32>,
      %swap3A_114 = arith.constant 0 : i32
      %swap3A_115 = arith.index_cast %swap3A_114 : i32 to index
      %swap3A_116 = arith.index_cast %scan3A_79 : i32 to index
      %swap3A_117 = arith.constant 80 : index
      %swap3A_118 = tpu.vector_load %arg8[%swap3A_115, %swap3A_116, %swap3A_117] {strides = array<i32>} : memref<2x125x128xf32, #tpu.memory_space<vmem>>, vector<1x1x16xf32>,
      %swap3A_119 = vector.shape_cast %swap3A_118 : vector<1x1x16xf32> to vector<16xf32>
      %swap3A_120 = vector.shape_cast %broadcast_in_dim3A_3 : vector<16xf32> to vector<1x1x16xf32>
      tpu.vector_store %arg8[%swap3A_115, %swap3A_116, %swap3A_117], %swap3A_120 {strides = array<i32>} : memref<2x125x128xf32, #tpu.memory_space<vmem>>, vector<1x1x16xf32>,
      %swap3A_121 = arith.constant 0 : i32
      %swap3A_122 = arith.index_cast %swap3A_121 : i32 to index
      %swap3A_123 = arith.index_cast %scan3A_79 : i32 to index
      %swap3A_124 = arith.constant 96 : index
      %swap3A_125 = tpu.vector_load %arg8[%swap3A_122, %swap3A_123, %swap3A_124] {strides = array<i32>} : memref<2x125x128xf32, #tpu.memory_space<vmem>>, vector<1x1x16xf32>,
      %swap3A_126 = vector.shape_cast %swap3A_125 : vector<1x1x16xf32> to vector<16xf32>
      %swap3A_127 = vector.shape_cast %broadcast_in_dim3A_3 : vector<16xf32> to vector<1x1x16xf32>
      tpu.vector_store %arg8[%swap3A_122, %swap3A_123, %swap3A_124], %swap3A_127 {strides = array<i32>} : memref<2x125x128xf32, #tpu.memory_space<vmem>>, vector<1x1x16xf32>,
      %swap3A_128 = arith.constant 0 : i32
      %swap3A_129 = arith.index_cast %swap3A_128 : i32 to index
      %swap3A_130 = arith.index_cast %scan3A_79 : i32 to index
      %swap3A_131 = arith.constant 112 : index
      %swap3A_132 = tpu.vector_load %arg8[%swap3A_129, %swap3A_130, %swap3A_131] {strides = array<i32>} : memref<2x125x128xf32, #tpu.memory_space<vmem>>, vector<1x1x16xf32>,
      %swap3A_133 = vector.shape_cast %swap3A_132 : vector<1x1x16xf32> to vector<16xf32>
      %swap3A_134 = vector.shape_cast %broadcast_in_dim3A_3 : vector<16xf32> to vector<1x1x16xf32>
      tpu.vector_store %arg8[%swap3A_129, %swap3A_130, %swap3A_131], %swap3A_134 {strides = array<i32>} : memref<2x125x128xf32, #tpu.memory_space<vmem>>, vector<1x1x16xf32>,
    }
    %scan3A_8 = arith.constant 125 : i32
    %mul3A_9 = arith.constant 624 : i32
    %mul3A_10 = arith.muli %arg1, %mul3A_9 : i32
    %add3A_11 = arith.constant 0 : i32
    %add3A_12 = arith.addi %mul3A_10, %add3A_11 : i32
    %run_scoped3A = arith.constant 0 : i32
    "tpu.region"() ({
      %run_scoped3A_79 = tpu.sem_alloc : memref<!tpu.dma_semaphore, #tpu.memory_space<semaphore_mem>>
      %dma_start3A_80 = arith.constant 0 : i32
      %dma_start3A_81 = arith.constant 0 : i32
      %dma_start3A_82 = tpu.memref_slice %arg8[%run_scoped3A, %dma_start3A_80, %dma_start3A_81] : memref<2x125x128xf32, #tpu.memory_space<vmem>> -> memref<1x120x128xf32, #tpu.memory_space<vmem>>
      %dma_start3A_83 = tpu.memref_squeeze %dma_start3A_82 : memref<1x120x128xf32, #tpu.memory_space<vmem>> -> memref<120x128xf32, #tpu.memory_space<vmem>>
      %dma_start3A_84 = arith.constant 0 : i32
      %dma_start3A_85 = tpu.memref_slice %arg9[%add3A_12, %dma_start3A_84] : memref<10000x128xf32, #tpu.memory_space<vmem_shared>> -> memref<120x128xf32, #tpu.memory_space<vmem_shared>>
      %dma_start3A_86 = arith.constant 0 : i32
      %dma_start3A_87 = tpu.memref_slice %arg9[%add3A_12, %dma_start3A_86] : memref<10000x128xf32, #tpu.memory_space<vmem_shared>> -> memref<120x128xf32, #tpu.memory_space<vmem_shared>>
      %dma_start3A_88 = arith.constant 0 : i32
      %dma_start3A_89 = arith.constant 0 : i32
      %dma_start3A_90 = tpu.memref_slice %arg8[%run_scoped3A, %dma_start3A_88, %dma_start3A_89] : memref<2x125x128xf32, #tpu.memory_space<vmem>> -> memref<1x120x128xf32, #tpu.memory_space<vmem>>
      %dma_start3A_91 = tpu.memref_squeeze %dma_start3A_90 : memref<1x120x128xf32, #tpu.memory_space<vmem>> -> memref<120x128xf32, #tpu.memory_space<vmem>>
      tpu.enqueue_dma source(%dma_start3A_91 : memref<120x128xf32, #tpu.memory_space<vmem>>) target(%dma_start3A_87 : memref<120x128xf32, #tpu.memory_space<vmem_shared>>) target_semaphore(%run_scoped3A_79 : memref<!tpu.dma_semaphore, #tpu.memory_space<semaphore_mem>>)
      %dma_wait3A = arith.constant 0 : i32
      %dma_wait3A_92 = arith.constant 0 : i32
      %dma_wait3A_93 = tpu.memref_slice %arg8[%run_scoped3A, %dma_wait3A, %dma_wait3A_92] : memref<2x125x128xf32, #tpu.memory_space<vmem>> -> memref<1x120x128xf32, #tpu.memory_space<vmem>>
      %dma_wait3A_94 = tpu.memref_squeeze %dma_wait3A_93 : memref<1x120x128xf32, #tpu.memory_space<vmem>> -> memref<120x128xf32, #tpu.memory_space<vmem>>
      %dma_wait3A_95 = arith.constant 0 : i32
      %dma_wait3A_96 = tpu.memref_slice %arg9[%add3A_12, %dma_wait3A_95] : memref<10000x128xf32, #tpu.memory_space<vmem_shared>> -> memref<120x128xf32, #tpu.memory_space<vmem_shared>>
      %dma_wait3A_97 = arith.constant 0 : i32
      %dma_wait3A_98 = tpu.memref_slice %arg9[%add3A_12, %dma_wait3A_97] : memref<10000x128xf32, #tpu.memory_space<vmem_shared>> -> memref<120x128xf32, #tpu.memory_space<vmem_shared>>
      %dma_wait3A_99 = arith.constant 0 : i32
      %dma_wait3A_100 = arith.constant 0 : i32
      %dma_wait3A_101 = tpu.memref_slice %arg8[%run_scoped3A, %dma_wait3A_99, %dma_wait3A_100] : memref<2x125x128xf32, #tpu.memory_space<vmem>> -> memref<1x120x128xf32, #tpu.memory_space<vmem>>
      %dma_wait3A_102 = tpu.memref_squeeze %dma_wait3A_101 : memref<1x120x128xf32, #tpu.memory_space<vmem>> -> memref<120x128xf32, #tpu.memory_space<vmem>>
      tpu.wait_dma2 semaphore(%run_scoped3A_79 : memref<!tpu.dma_semaphore, #tpu.memory_space<semaphore_mem>>) src(%dma_wait3A_102 : memref<120x128xf32, #tpu.memory_space<vmem>>) dst(%dma_wait3A_98 : memref<120x128xf32, #tpu.memory_space<vmem_shared>>)
      tpu.yield
    }) : () -> ()
    %mul3A_13 = arith.constant 624 : i32
    %mul3A_14 = arith.muli %arg1, %mul3A_13 : i32
    %add3A_15 = arith.constant 120 : i32
    %add3A_16 = arith.addi %mul3A_14, %add3A_15 : i32
    %run_scoped3A_17 = arith.constant 0 : i32
    "tpu.region"() ({
      %run_scoped3A_79 = tpu.sem_alloc : memref<!tpu.dma_semaphore, #tpu.memory_space<semaphore_mem>>
      %dma_start3A_80 = arith.constant 0 : i32
      %dma_start3A_81 = arith.constant 0 : i32
      %dma_start3A_82 = tpu.memref_slice %arg8[%run_scoped3A_17, %dma_start3A_80, %dma_start3A_81] : memref<2x125x128xf32, #tpu.memory_space<vmem>> -> memref<1x120x128xf32, #tpu.memory_space<vmem>>
      %dma_start3A_83 = tpu.memref_squeeze %dma_start3A_82 : memref<1x120x128xf32, #tpu.memory_space<vmem>> -> memref<120x128xf32, #tpu.memory_space<vmem>>
      %dma_start3A_84 = arith.constant 0 : i32
      %dma_start3A_85 = tpu.memref_slice %arg9[%add3A_16, %dma_start3A_84] : memref<10000x128xf32, #tpu.memory_space<vmem_shared>> -> memref<120x128xf32, #tpu.memory_space<vmem_shared>>
      %dma_start3A_86 = arith.constant 0 : i32
      %dma_start3A_87 = tpu.memref_slice %arg9[%add3A_16, %dma_start3A_86] : memref<10000x128xf32, #tpu.memory_space<vmem_shared>> -> memref<120x128xf32, #tpu.memory_space<vmem_shared>>
      %dma_start3A_88 = arith.constant 0 : i32
      %dma_start3A_89 = arith.constant 0 : i32
      %dma_start3A_90 = tpu.memref_slice %arg8[%run_scoped3A_17, %dma_start3A_88, %dma_start3A_89] : memref<2x125x128xf32, #tpu.memory_space<vmem>> -> memref<1x120x128xf32, #tpu.memory_space<vmem>>
      %dma_start3A_91 = tpu.memref_squeeze %dma_start3A_90 : memref<1x120x128xf32, #tpu.memory_space<vmem>> -> memref<120x128xf32, #tpu.memory_space<vmem>>
      tpu.enqueue_dma source(%dma_start3A_91 : memref<120x128xf32, #tpu.memory_space<vmem>>) target(%dma_start3A_87 : memref<120x128xf32, #tpu.memory_space<vmem_shared>>) target_semaphore(%run_scoped3A_79 : memref<!tpu.dma_semaphore, #tpu.memory_space<semaphore_mem>>)
      %dma_wait3A = arith.constant 0 : i32
      %dma_wait3A_92 = arith.constant 0 : i32
      %dma_wait3A_93 = tpu.memref_slice %arg8[%run_scoped3A_17, %dma_wait3A, %dma_wait3A_92] : memref<2x125x128xf32, #tpu.memory_space<vmem>> -> memref<1x120x128xf32, #tpu.memory_space<vmem>>
      %dma_wait3A_94 = tpu.memref_squeeze %dma_wait3A_93 : memref<1x120x128xf32, #tpu.memory_space<vmem>> -> memref<120x128xf32, #tpu.memory_space<vmem>>
      %dma_wait3A_95 = arith.constant 0 : i32
      %dma_wait3A_96 = tpu.memref_slice %arg9[%add3A_16, %dma_wait3A_95] : memref<10000x128xf32, #tpu.memory_space<vmem_shared>> -> memref<120x128xf32, #tpu.memory_space<vmem_shared>>
      %dma_wait3A_97 = arith.constant 0 : i32
      %dma_wait3A_98 = tpu.memref_slice %arg9[%add3A_16, %dma_wait3A_97] : memref<10000x128xf32, #tpu.memory_space<vmem_shared>> -> memref<120x128xf32, #tpu.memory_space<vmem_shared>>
      %dma_wait3A_99 = arith.constant 0 : i32
      %dma_wait3A_100 = arith.constant 0 : i32
      %dma_wait3A_101 = tpu.memref_slice %arg8[%run_scoped3A_17, %dma_wait3A_99, %dma_wait3A_100] : memref<2x125x128xf32, #tpu.memory_space<vmem>> -> memref<1x120x128xf32, #tpu.memory_space<vmem>>
      %dma_wait3A_102 = tpu.memref_squeeze %dma_wait3A_101 : memref<1x120x128xf32, #tpu.memory_space<vmem>> -> memref<120x128xf32, #tpu.memory_space<vmem>>
      tpu.wait_dma2 semaphore(%run_scoped3A_79 : memref<!tpu.dma_semaphore, #tpu.memory_space<semaphore_mem>>) src(%dma_wait3A_102 : memref<120x128xf32, #tpu.memory_space<vmem>>) dst(%dma_wait3A_98 : memref<120x128xf32, #tpu.memory_space<vmem_shared>>)
      tpu.yield
    }) : () -> ()
    %mul3A_18 = arith.constant 624 : i32
    %mul3A_19 = arith.muli %arg1, %mul3A_18 : i32
    %add3A_20 = arith.constant 240 : i32
    %add3A_21 = arith.addi %mul3A_19, %add3A_20 : i32
    %run_scoped3A_22 = arith.constant 0 : i32
    "tpu.region"() ({
      %run_scoped3A_79 = tpu.sem_alloc : memref<!tpu.dma_semaphore, #tpu.memory_space<semaphore_mem>>
      %dma_start3A_80 = arith.constant 0 : i32
      %dma_start3A_81 = arith.constant 0 : i32
      %dma_start3A_82 = tpu.memref_slice %arg8[%run_scoped3A_22, %dma_start3A_80, %dma_start3A_81] : memref<2x125x128xf32, #tpu.memory_space<vmem>> -> memref<1x120x128xf32, #tpu.memory_space<vmem>>
      %dma_start3A_83 = tpu.memref_squeeze %dma_start3A_82 : memref<1x120x128xf32, #tpu.memory_space<vmem>> -> memref<120x128xf32, #tpu.memory_space<vmem>>
      %dma_start3A_84 = arith.constant 0 : i32
      %dma_start3A_85 = tpu.memref_slice %arg9[%add3A_21, %dma_start3A_84] : memref<10000x128xf32, #tpu.memory_space<vmem_shared>> -> memref<120x128xf32, #tpu.memory_space<vmem_shared>>
      %dma_start3A_86 = arith.constant 0 : i32
      %dma_start3A_87 = tpu.memref_slice %arg9[%add3A_21, %dma_start3A_86] : memref<10000x128xf32, #tpu.memory_space<vmem_shared>> -> memref<120x128xf32, #tpu.memory_space<vmem_shared>>
      %dma_start3A_88 = arith.constant 0 : i32
      %dma_start3A_89 = arith.constant 0 : i32
      %dma_start3A_90 = tpu.memref_slice %arg8[%run_scoped3A_22, %dma_start3A_88, %dma_start3A_89] : memref<2x125x128xf32, #tpu.memory_space<vmem>> -> memref<1x120x128xf32, #tpu.memory_space<vmem>>
      %dma_start3A_91 = tpu.memref_squeeze %dma_start3A_90 : memref<1x120x128xf32, #tpu.memory_space<vmem>> -> memref<120x128xf32, #tpu.memory_space<vmem>>
      tpu.enqueue_dma source(%dma_start3A_91 : memref<120x128xf32, #tpu.memory_space<vmem>>) target(%dma_start3A_87 : memref<120x128xf32, #tpu.memory_space<vmem_shared>>) target_semaphore(%run_scoped3A_79 : memref<!tpu.dma_semaphore, #tpu.memory_space<semaphore_mem>>)
      %dma_wait3A = arith.constant 0 : i32
      %dma_wait3A_92 = arith.constant 0 : i32
      %dma_wait3A_93 = tpu.memref_slice %arg8[%run_scoped3A_22, %dma_wait3A, %dma_wait3A_92] : memref<2x125x128xf32, #tpu.memory_space<vmem>> -> memref<1x120x128xf32, #tpu.memory_space<vmem>>
      %dma_wait3A_94 = tpu.memref_squeeze %dma_wait3A_93 : memref<1x120x128xf32, #tpu.memory_space<vmem>> -> memref<120x128xf32, #tpu.memory_space<vmem>>
      %dma_wait3A_95 = arith.constant 0 : i32
      %dma_wait3A_96 = tpu.memref_slice %arg9[%add3A_21, %dma_wait3A_95] : memref<10000x128xf32, #tpu.memory_space<vmem_shared>> -> memref<120x128xf32, #tpu.memory_space<vmem_shared>>
      %dma_wait3A_97 = arith.constant 0 : i32
      %dma_wait3A_98 = tpu.memref_slice %arg9[%add3A_21, %dma_wait3A_97] : memref<10000x128xf32, #tpu.memory_space<vmem_shared>> -> memref<120x128xf32, #tpu.memory_space<vmem_shared>>
      %dma_wait3A_99 = arith.constant 0 : i32
      %dma_wait3A_100 = arith.constant 0 : i32
      %dma_wait3A_101 = tpu.memref_slice %arg8[%run_scoped3A_22, %dma_wait3A_99, %dma_wait3A_100] : memref<2x125x128xf32, #tpu.memory_space<vmem>> -> memref<1x120x128xf32, #tpu.memory_space<vmem>>
      %dma_wait3A_102 = tpu.memref_squeeze %dma_wait3A_101 : memref<1x120x128xf32, #tpu.memory_space<vmem>> -> memref<120x128xf32, #tpu.memory_space<vmem>>
      tpu.wait_dma2 semaphore(%run_scoped3A_79 : memref<!tpu.dma_semaphore, #tpu.memory_space<semaphore_mem>>) src(%dma_wait3A_102 : memref<120x128xf32, #tpu.memory_space<vmem>>) dst(%dma_wait3A_98 : memref<120x128xf32, #tpu.memory_space<vmem_shared>>)
      tpu.yield
    }) : () -> ()
    %mul3A_23 = arith.constant 624 : i32
    %mul3A_24 = arith.muli %arg1, %mul3A_23 : i32
    %add3A_25 = arith.constant 360 : i32
    %add3A_26 = arith.addi %mul3A_24, %add3A_25 : i32
    %run_scoped3A_27 = arith.constant 0 : i32
    "tpu.region"() ({
      %run_scoped3A_79 = tpu.sem_alloc : memref<!tpu.dma_semaphore, #tpu.memory_space<semaphore_mem>>
      %dma_start3A_80 = arith.constant 0 : i32
      %dma_start3A_81 = arith.constant 0 : i32
      %dma_start3A_82 = tpu.memref_slice %arg8[%run_scoped3A_27, %dma_start3A_80, %dma_start3A_81] : memref<2x125x128xf32, #tpu.memory_space<vmem>> -> memref<1x120x128xf32, #tpu.memory_space<vmem>>
      %dma_start3A_83 = tpu.memref_squeeze %dma_start3A_82 : memref<1x120x128xf32, #tpu.memory_space<vmem>> -> memref<120x128xf32, #tpu.memory_space<vmem>>
      %dma_start3A_84 = arith.constant 0 : i32
      %dma_start3A_85 = tpu.memref_slice %arg9[%add3A_26, %dma_start3A_84] : memref<10000x128xf32, #tpu.memory_space<vmem_shared>> -> memref<120x128xf32, #tpu.memory_space<vmem_shared>>
      %dma_start3A_86 = arith.constant 0 : i32
      %dma_start3A_87 = tpu.memref_slice %arg9[%add3A_26, %dma_start3A_86] : memref<10000x128xf32, #tpu.memory_space<vmem_shared>> -> memref<120x128xf32, #tpu.memory_space<vmem_shared>>
      %dma_start3A_88 = arith.constant 0 : i32
      %dma_start3A_89 = arith.constant 0 : i32
      %dma_start3A_90 = tpu.memref_slice %arg8[%run_scoped3A_27, %dma_start3A_88, %dma_start3A_89] : memref<2x125x128xf32, #tpu.memory_space<vmem>> -> memref<1x120x128xf32, #tpu.memory_space<vmem>>
      %dma_start3A_91 = tpu.memref_squeeze %dma_start3A_90 : memref<1x120x128xf32, #tpu.memory_space<vmem>> -> memref<120x128xf32, #tpu.memory_space<vmem>>
      tpu.enqueue_dma source(%dma_start3A_91 : memref<120x128xf32, #tpu.memory_space<vmem>>) target(%dma_start3A_87 : memref<120x128xf32, #tpu.memory_space<vmem_shared>>) target_semaphore(%run_scoped3A_79 : memref<!tpu.dma_semaphore, #tpu.memory_space<semaphore_mem>>)
      %dma_wait3A = arith.constant 0 : i32
      %dma_wait3A_92 = arith.constant 0 : i32
      %dma_wait3A_93 = tpu.memref_slice %arg8[%run_scoped3A_27, %dma_wait3A, %dma_wait3A_92] : memref<2x125x128xf32, #tpu.memory_space<vmem>> -> memref<1x120x128xf32, #tpu.memory_space<vmem>>
      %dma_wait3A_94 = tpu.memref_squeeze %dma_wait3A_93 : memref<1x120x128xf32, #tpu.memory_space<vmem>> -> memref<120x128xf32, #tpu.memory_space<vmem>>
      %dma_wait3A_95 = arith.constant 0 : i32
      %dma_wait3A_96 = tpu.memref_slice %arg9[%add3A_26, %dma_wait3A_95] : memref<10000x128xf32, #tpu.memory_space<vmem_shared>> -> memref<120x128xf32, #tpu.memory_space<vmem_shared>>
      %dma_wait3A_97 = arith.constant 0 : i32
      %dma_wait3A_98 = tpu.memref_slice %arg9[%add3A_26, %dma_wait3A_97] : memref<10000x128xf32, #tpu.memory_space<vmem_shared>> -> memref<120x128xf32, #tpu.memory_space<vmem_shared>>
      %dma_wait3A_99 = arith.constant 0 : i32
      %dma_wait3A_100 = arith.constant 0 : i32
      %dma_wait3A_101 = tpu.memref_slice %arg8[%run_scoped3A_27, %dma_wait3A_99, %dma_wait3A_100] : memref<2x125x128xf32, #tpu.memory_space<vmem>> -> memref<1x120x128xf32, #tpu.memory_space<vmem>>
      %dma_wait3A_102 = tpu.memref_squeeze %dma_wait3A_101 : memref<1x120x128xf32, #tpu.memory_space<vmem>> -> memref<120x128xf32, #tpu.memory_space<vmem>>
      tpu.wait_dma2 semaphore(%run_scoped3A_79 : memref<!tpu.dma_semaphore, #tpu.memory_space<semaphore_mem>>) src(%dma_wait3A_102 : memref<120x128xf32, #tpu.memory_space<vmem>>) dst(%dma_wait3A_98 : memref<120x128xf32, #tpu.memory_space<vmem_shared>>)
      tpu.yield
    }) : () -> ()
    %mul3A_28 = arith.constant 624 : i32
    %mul3A_29 = arith.muli %arg1, %mul3A_28 : i32
    %add3A_30 = arith.constant 480 : i32
    %add3A_31 = arith.addi %mul3A_29, %add3A_30 : i32
    %run_scoped3A_32 = arith.constant 0 : i32
    "tpu.region"() ({
      %run_scoped3A_79 = tpu.sem_alloc : memref<!tpu.dma_semaphore, #tpu.memory_space<semaphore_mem>>
      %dma_start3A_80 = arith.constant 0 : i32
      %dma_start3A_81 = arith.constant 0 : i32
      %dma_start3A_82 = tpu.memref_slice %arg8[%run_scoped3A_32, %dma_start3A_80, %dma_start3A_81] : memref<2x125x128xf32, #tpu.memory_space<vmem>> -> memref<1x120x128xf32, #tpu.memory_space<vmem>>
      %dma_start3A_83 = tpu.memref_squeeze %dma_start3A_82 : memref<1x120x128xf32, #tpu.memory_space<vmem>> -> memref<120x128xf32, #tpu.memory_space<vmem>>
      %dma_start3A_84 = arith.constant 0 : i32
      %dma_start3A_85 = tpu.memref_slice %arg9[%add3A_31, %dma_start3A_84] : memref<10000x128xf32, #tpu.memory_space<vmem_shared>> -> memref<120x128xf32, #tpu.memory_space<vmem_shared>>
      %dma_start3A_86 = arith.constant 0 : i32
      %dma_start3A_87 = tpu.memref_slice %arg9[%add3A_31, %dma_start3A_86] : memref<10000x128xf32, #tpu.memory_space<vmem_shared>> -> memref<120x128xf32, #tpu.memory_space<vmem_shared>>
      %dma_start3A_88 = arith.constant 0 : i32
      %dma_start3A_89 = arith.constant 0 : i32
      %dma_start3A_90 = tpu.memref_slice %arg8[%run_scoped3A_32, %dma_start3A_88, %dma_start3A_89] : memref<2x125x128xf32, #tpu.memory_space<vmem>> -> memref<1x120x128xf32, #tpu.memory_space<vmem>>
      %dma_start3A_91 = tpu.memref_squeeze %dma_start3A_90 : memref<1x120x128xf32, #tpu.memory_space<vmem>> -> memref<120x128xf32, #tpu.memory_space<vmem>>
      tpu.enqueue_dma source(%dma_start3A_91 : memref<120x128xf32, #tpu.memory_space<vmem>>) target(%dma_start3A_87 : memref<120x128xf32, #tpu.memory_space<vmem_shared>>) target_semaphore(%run_scoped3A_79 : memref<!tpu.dma_semaphore, #tpu.memory_space<semaphore_mem>>)
      %dma_wait3A = arith.constant 0 : i32
      %dma_wait3A_92 = arith.constant 0 : i32
      %dma_wait3A_93 = tpu.memref_slice %arg8[%run_scoped3A_32, %dma_wait3A, %dma_wait3A_92] : memref<2x125x128xf32, #tpu.memory_space<vmem>> -> memref<1x120x128xf32, #tpu.memory_space<vmem>>
      %dma_wait3A_94 = tpu.memref_squeeze %dma_wait3A_93 : memref<1x120x128xf32, #tpu.memory_space<vmem>> -> memref<120x128xf32, #tpu.memory_space<vmem>>
      %dma_wait3A_95 = arith.constant 0 : i32
      %dma_wait3A_96 = tpu.memref_slice %arg9[%add3A_31, %dma_wait3A_95] : memref<10000x128xf32, #tpu.memory_space<vmem_shared>> -> memref<120x128xf32, #tpu.memory_space<vmem_shared>>
      %dma_wait3A_97 = arith.constant 0 : i32
      %dma_wait3A_98 = tpu.memref_slice %arg9[%add3A_31, %dma_wait3A_97] : memref<10000x128xf32, #tpu.memory_space<vmem_shared>> -> memref<120x128xf32, #tpu.memory_space<vmem_shared>>
      %dma_wait3A_99 = arith.constant 0 : i32
      %dma_wait3A_100 = arith.constant 0 : i32
      %dma_wait3A_101 = tpu.memref_slice %arg8[%run_scoped3A_32, %dma_wait3A_99, %dma_wait3A_100] : memref<2x125x128xf32, #tpu.memory_space<vmem>> -> memref<1x120x128xf32, #tpu.memory_space<vmem>>
      %dma_wait3A_102 = tpu.memref_squeeze %dma_wait3A_101 : memref<1x120x128xf32, #tpu.memory_space<vmem>> -> memref<120x128xf32, #tpu.memory_space<vmem>>
      tpu.wait_dma2 semaphore(%run_scoped3A_79 : memref<!tpu.dma_semaphore, #tpu.memory_space<semaphore_mem>>) src(%dma_wait3A_102 : memref<120x128xf32, #tpu.memory_space<vmem>>) dst(%dma_wait3A_98 : memref<120x128xf32, #tpu.memory_space<vmem_shared>>)
      tpu.yield
    }) : () -> ()
    %mul3A_33 = arith.constant 624 : i32
    %mul3A_34 = arith.muli %arg1, %mul3A_33 : i32
    %add3A_35 = arith.constant 600 : i32
    %add3A_36 = arith.addi %mul3A_34, %add3A_35 : i32
    %run_scoped3A_37 = arith.constant 0 : i32
    "tpu.region"() ({
      %run_scoped3A_79 = tpu.sem_alloc : memref<!tpu.dma_semaphore, #tpu.memory_space<semaphore_mem>>
      %dma_start3A_80 = arith.constant 0 : i32
      %dma_start3A_81 = arith.constant 0 : i32
      %dma_start3A_82 = tpu.memref_slice %arg8[%run_scoped3A_37, %dma_start3A_80, %dma_start3A_81] : memref<2x125x128xf32, #tpu.memory_space<vmem>> -> memref<1x24x128xf32, #tpu.memory_space<vmem>>
      %dma_start3A_83 = tpu.memref_squeeze %dma_start3A_82 : memref<1x24x128xf32, #tpu.memory_space<vmem>> -> memref<24x128xf32, #tpu.memory_space<vmem>>
      %dma_start3A_84 = arith.constant 0 : i32
      %dma_start3A_85 = tpu.memref_slice %arg9[%add3A_36, %dma_start3A_84] : memref<10000x128xf32, #tpu.memory_space<vmem_shared>> -> memref<24x128xf32, #tpu.memory_space<vmem_shared>>
      %dma_start3A_86 = arith.constant 0 : i32
      %dma_start3A_87 = tpu.memref_slice %arg9[%add3A_36, %dma_start3A_86] : memref<10000x128xf32, #tpu.memory_space<vmem_shared>> -> memref<24x128xf32, #tpu.memory_space<vmem_shared>>
      %dma_start3A_88 = arith.constant 0 : i32
      %dma_start3A_89 = arith.constant 0 : i32
      %dma_start3A_90 = tpu.memref_slice %arg8[%run_scoped3A_37, %dma_start3A_88, %dma_start3A_89] : memref<2x125x128xf32, #tpu.memory_space<vmem>> -> memref<1x24x128xf32, #tpu.memory_space<vmem>>
      %dma_start3A_91 = tpu.memref_squeeze %dma_start3A_90 : memref<1x24x128xf32, #tpu.memory_space<vmem>> -> memref<24x128xf32, #tpu.memory_space<vmem>>
      tpu.enqueue_dma source(%dma_start3A_91 : memref<24x128xf32, #tpu.memory_space<vmem>>) target(%dma_start3A_87 : memref<24x128xf32, #tpu.memory_space<vmem_shared>>) target_semaphore(%run_scoped3A_79 : memref<!tpu.dma_semaphore, #tpu.memory_space<semaphore_mem>>)
      %dma_wait3A = arith.constant 0 : i32
      %dma_wait3A_92 = arith.constant 0 : i32
      %dma_wait3A_93 = tpu.memref_slice %arg8[%run_scoped3A_37, %dma_wait3A, %dma_wait3A_92] : memref<2x125x128xf32, #tpu.memory_space<vmem>> -> memref<1x24x128xf32, #tpu.memory_space<vmem>>
      %dma_wait3A_94 = tpu.memref_squeeze %dma_wait3A_93 : memref<1x24x128xf32, #tpu.memory_space<vmem>> -> memref<24x128xf32, #tpu.memory_space<vmem>>
      %dma_wait3A_95 = arith.constant 0 : i32
      %dma_wait3A_96 = tpu.memref_slice %arg9[%add3A_36, %dma_wait3A_95] : memref<10000x128xf32, #tpu.memory_space<vmem_shared>> -> memref<24x128xf32, #tpu.memory_space<vmem_shared>>
      %dma_wait3A_97 = arith.constant 0 : i32
      %dma_wait3A_98 = tpu.memref_slice %arg9[%add3A_36, %dma_wait3A_97] : memref<10000x128xf32, #tpu.memory_space<vmem_shared>> -> memref<24x128xf32, #tpu.memory_space<vmem_shared>>
      %dma_wait3A_99 = arith.constant 0 : i32
      %dma_wait3A_100 = arith.constant 0 : i32
      %dma_wait3A_101 = tpu.memref_slice %arg8[%run_scoped3A_37, %dma_wait3A_99, %dma_wait3A_100] : memref<2x125x128xf32, #tpu.memory_space<vmem>> -> memref<1x24x128xf32, #tpu.memory_space<vmem>>
      %dma_wait3A_102 = tpu.memref_squeeze %dma_wait3A_101 : memref<1x24x128xf32, #tpu.memory_space<vmem>> -> memref<24x128xf32, #tpu.memory_space<vmem>>
      tpu.wait_dma2 semaphore(%run_scoped3A_79 : memref<!tpu.dma_semaphore, #tpu.memory_space<semaphore_mem>>) src(%dma_wait3A_102 : memref<24x128xf32, #tpu.memory_space<vmem>>) dst(%dma_wait3A_98 : memref<24x128xf32, #tpu.memory_space<vmem_shared>>)
      tpu.yield
    }) : () -> ()
    %eq3A = arith.constant 0 : i32
    %eq3A_38 = arith.cmpi eq, %arg1, %eq3A : i32
    %convert_element_type3A = arith.extui %eq3A_38 : i1 to i32
    %cond3A = arith.constant 0 : i32
    %cond3A_39 = arith.cmpi ne, %convert_element_type3A, %cond3A : i32
    scf.if %cond3A_39 {
      %run_scoped3A_79 = arith.constant 0 : i32
      "tpu.region"() ({
        %run_scoped3A_80 = tpu.sem_alloc : memref<!tpu.dma_semaphore, #tpu.memory_space<semaphore_mem>>
        %dma_start3A_81 = arith.constant 0 : i32
        %dma_start3A_82 = arith.constant 0 : i32
        %dma_start3A_83 = tpu.memref_slice %arg8[%run_scoped3A_79, %dma_start3A_81, %dma_start3A_82] : memref<2x125x128xf32, #tpu.memory_space<vmem>> -> memref<1x16x128xf32, #tpu.memory_space<vmem>>
        %dma_start3A_84 = tpu.memref_squeeze %dma_start3A_83 : memref<1x16x128xf32, #tpu.memory_space<vmem>> -> memref<16x128xf32, #tpu.memory_space<vmem>>
        %dma_start3A_85 = arith.constant 9984 : i32
        %dma_start3A_86 = arith.constant 0 : i32
        %dma_start3A_87 = tpu.memref_slice %arg9[%dma_start3A_85, %dma_start3A_86] : memref<10000x128xf32, #tpu.memory_space<vmem_shared>> -> memref<16x128xf32, #tpu.memory_space<vmem_shared>>
        %dma_start3A_88 = arith.constant 9984 : i32
        %dma_start3A_89 = arith.constant 0 : i32
        %dma_start3A_90 = tpu.memref_slice %arg9[%dma_start3A_88, %dma_start3A_89] : memref<10000x128xf32, #tpu.memory_space<vmem_shared>> -> memref<16x128xf32, #tpu.memory_space<vmem_shared>>
        %dma_start3A_91 = arith.constant 0 : i32
        %dma_start3A_92 = arith.constant 0 : i32
        %dma_start3A_93 = tpu.memref_slice %arg8[%run_scoped3A_79, %dma_start3A_91, %dma_start3A_92] : memref<2x125x128xf32, #tpu.memory_space<vmem>> -> memref<1x16x128xf32, #tpu.memory_space<vmem>>
        %dma_start3A_94 = tpu.memref_squeeze %dma_start3A_93 : memref<1x16x128xf32, #tpu.memory_space<vmem>> -> memref<16x128xf32, #tpu.memory_space<vmem>>
        tpu.enqueue_dma source(%dma_start3A_94 : memref<16x128xf32, #tpu.memory_space<vmem>>) target(%dma_start3A_90 : memref<16x128xf32, #tpu.memory_space<vmem_shared>>) target_semaphore(%run_scoped3A_80 : memref<!tpu.dma_semaphore, #tpu.memory_space<semaphore_mem>>)
        %dma_wait3A = arith.constant 0 : i32
        %dma_wait3A_95 = arith.constant 0 : i32
        %dma_wait3A_96 = tpu.memref_slice %arg8[%run_scoped3A_79, %dma_wait3A, %dma_wait3A_95] : memref<2x125x128xf32, #tpu.memory_space<vmem>> -> memref<1x16x128xf32, #tpu.memory_space<vmem>>
        %dma_wait3A_97 = tpu.memref_squeeze %dma_wait3A_96 : memref<1x16x128xf32, #tpu.memory_space<vmem>> -> memref<16x128xf32, #tpu.memory_space<vmem>>
        %dma_wait3A_98 = arith.constant 9984 : i32
        %dma_wait3A_99 = arith.constant 0 : i32
        %dma_wait3A_100 = tpu.memref_slice %arg9[%dma_wait3A_98, %dma_wait3A_99] : memref<10000x128xf32, #tpu.memory_space<vmem_shared>> -> memref<16x128xf32, #tpu.memory_space<vmem_shared>>
        %dma_wait3A_101 = arith.constant 9984 : i32
        %dma_wait3A_102 = arith.constant 0 : i32
        %dma_wait3A_103 = tpu.memref_slice %arg9[%dma_wait3A_101, %dma_wait3A_102] : memref<10000x128xf32, #tpu.memory_space<vmem_shared>> -> memref<16x128xf32, #tpu.memory_space<vmem_shared>>
        %dma_wait3A_104 = arith.constant 0 : i32
        %dma_wait3A_105 = arith.constant 0 : i32
        %dma_wait3A_106 = tpu.memref_slice %arg8[%run_scoped3A_79, %dma_wait3A_104, %dma_wait3A_105] : memref<2x125x128xf32, #tpu.memory_space<vmem>> -> memref<1x16x128xf32, #tpu.memory_space<vmem>>
        %dma_wait3A_107 = tpu.memref_squeeze %dma_wait3A_106 : memref<1x16x128xf32, #tpu.memory_space<vmem>> -> memref<16x128xf32, #tpu.memory_space<vmem>>
        tpu.wait_dma2 semaphore(%run_scoped3A_80 : memref<!tpu.dma_semaphore, #tpu.memory_space<semaphore_mem>>) src(%dma_wait3A_107 : memref<16x128xf32, #tpu.memory_space<vmem>>) dst(%dma_wait3A_103 : memref<16x128xf32, #tpu.memory_space<vmem_shared>>)
        tpu.yield
      }) : () -> ()
    } else {
    }
    %barrier3A = arith.constant 0 : index
    tpu.barrier barrier_id(%barrier3A)
    %dma_start3A = arith.constant 0 : i32
    %dma_start3A_40 = arith.constant 0 : i32
    %dma_start3A_41 = arith.constant 0 : i32
    %dma_start3A_42 = arith.constant 0 : i32
    %dma_start3A_43 = tpu.memref_slice %arg8[%dma_start3A_40, %dma_start3A_41, %dma_start3A_42] : memref<2x125x128xf32, #tpu.memory_space<vmem>> -> memref<1x125x128xf32, #tpu.memory_space<vmem>>
    %dma_start3A_44 = tpu.memref_squeeze %dma_start3A_43 : memref<1x125x128xf32, #tpu.memory_space<vmem>> -> memref<125x128xf32, #tpu.memory_space<vmem>>
    %dma_start3A_45 = arith.constant 0 : i32
    %dma_start3A_46 = tpu.memref_slice %arg6[%dma_start3A, %dma_start3A_45] : memref<80x125xi32, #tpu.memory_space<vmem>> -> memref<1x125xi32, #tpu.memory_space<vmem>>
    %dma_start3A_47 = tpu.memref_squeeze %dma_start3A_46 : memref<1x125xi32, #tpu.memory_space<vmem>> -> memref<125xi32, #tpu.memory_space<vmem>>
    %dma_start3A_48 = arith.constant 0 : i32
    %dma_start3A_49 = arith.constant 0 : i32
    %dma_start3A_50 = tpu.memref_slice %arg2[%dma_start3A_48, %dma_start3A_49] : memref<10000x128xf32, #tpu.memory_space<hbm>> -> memref<10000x128xf32, #tpu.memory_space<hbm>>
    tpu.enqueue_indirect_dma source(%dma_start3A_50 : memref<10000x128xf32, #tpu.memory_space<hbm>>) target(%dma_start3A_44 : memref<125x128xf32, #tpu.memory_space<vmem>>) offsets(%dma_start3A_47 : memref<125xi32, #tpu.memory_space<vmem>>) semaphore(%arg10 : memref<!tpu.dma_semaphore, #tpu.memory_space<semaphore_mem>>)
    %dma_start3A_51 = arith.constant 1 : i32
    %dma_start3A_52 = arith.constant 1 : i32
    %dma_start3A_53 = arith.constant 0 : i32
    %dma_start3A_54 = arith.constant 0 : i32
    %dma_start3A_55 = tpu.memref_slice %arg8[%dma_start3A_52, %dma_start3A_53, %dma_start3A_54] : memref<2x125x128xf32, #tpu.memory_space<vmem>> -> memref<1x125x128xf32, #tpu.memory_space<vmem>>
    %dma_start3A_56 = tpu.memref_squeeze %dma_start3A_55 : memref<1x125x128xf32, #tpu.memory_space<vmem>> -> memref<125x128xf32, #tpu.memory_space<vmem>>
    %dma_start3A_57 = arith.constant 0 : i32
    %dma_start3A_58 = tpu.memref_slice %arg6[%dma_start3A_51, %dma_start3A_57] : memref<80x125xi32, #tpu.memory_space<vmem>> -> memref<1x125xi32, #tpu.memory_space<vmem>>
    %dma_start3A_59 = tpu.memref_squeeze %dma_start3A_58 : memref<1x125xi32, #tpu.memory_space<vmem>> -> memref<125xi32, #tpu.memory_space<vmem>>
    %dma_start3A_60 = arith.constant 0 : i32
    %dma_start3A_61 = arith.constant 0 : i32
    %dma_start3A_62 = tpu.memref_slice %arg2[%dma_start3A_60, %dma_start3A_61] : memref<10000x128xf32, #tpu.memory_space<hbm>> -> memref<10000x128xf32, #tpu.memory_space<hbm>>
    tpu.enqueue_indirect_dma source(%dma_start3A_62 : memref<10000x128xf32, #tpu.memory_space<hbm>>) target(%dma_start3A_56 : memref<125x128xf32, #tpu.memory_space<vmem>>) offsets(%dma_start3A_59 : memref<125xi32, #tpu.memory_space<vmem>>) semaphore(%arg11 : memref<!tpu.dma_semaphore, #tpu.memory_space<semaphore_mem>>)
    %scan3A_63 = arith.constant 0 : i32
    %scan3A_64 = arith.constant 0 : i32
    %scan3A_65 = arith.constant 40 : i32
    %scan3A_66 = arith.addi %scan3A_64, %scan3A_65 : i32
    %scan3A_67 = arith.constant 1 : i32
    scf.for %scan3A_79 = %scan3A_64 to %scan3A_66 step %scan3A_67  : i32 {
      %mul3A_80 = arith.constant 2 : i32
      %mul3A_81 = arith.muli %mul3A_80, %scan3A_79 : i32
      %eq3A_82 = arith.constant 40 : i32
      %eq3A_83 = arith.cmpi eq, %mul3A_81, %eq3A_82 : i32
      %convert_element_type3A_84 = arith.extui %eq3A_83 : i1 to i32
      %cond3A_85 = arith.constant 0 : i32
      %cond3A_86 = arith.cmpi ne, %convert_element_type3A_84, %cond3A_85 : i32
      scf.if %cond3A_86 {
        %add3A_128 = arith.constant 40 : i32
        %add3A_129 = arith.addi %mul3A_2, %add3A_128 : i32
        "tpu.region"() ({
          %run_scoped3A_130 = tpu.sem_alloc : memref<!tpu.dma_semaphore, #tpu.memory_space<semaphore_mem>>
          %dma_start3A_131 = arith.constant 0 : i32
          %dma_start3A_132 = tpu.memref_slice %arg4[%add3A_129, %dma_start3A_131] : memref<2560x125xi32, #tpu.memory_space<hbm>> -> memref<40x125xi32, #tpu.memory_space<hbm>>
          %dma_start3A_133 = arith.constant 0 : i32
          %dma_start3A_134 = tpu.memref_slice %arg4[%add3A_129, %dma_start3A_133] : memref<2560x125xi32, #tpu.memory_space<hbm>> -> memref<40x125xi32, #tpu.memory_space<hbm>>
          tpu.enqueue_dma source(%dma_start3A_134 : memref<40x125xi32, #tpu.memory_space<hbm>>) target(%arg7 : memref<40x125xi32, #tpu.memory_space<vmem>>) target_semaphore(%run_scoped3A_130 : memref<!tpu.dma_semaphore, #tpu.memory_space<semaphore_mem>>)
          %dma_wait3A_135 = arith.constant 0 : i32
          %dma_wait3A_136 = tpu.memref_slice %arg4[%add3A_129, %dma_wait3A_135] : memref<2560x125xi32, #tpu.memory_space<hbm>> -> memref<40x125xi32, #tpu.memory_space<hbm>>
          %dma_wait3A_137 = arith.constant 0 : i32
          %dma_wait3A_138 = tpu.memref_slice %arg4[%add3A_129, %dma_wait3A_137] : memref<2560x125xi32, #tpu.memory_space<hbm>> -> memref<40x125xi32, #tpu.memory_space<hbm>>
          tpu.wait_dma2 semaphore(%run_scoped3A_130 : memref<!tpu.dma_semaphore, #tpu.memory_space<semaphore_mem>>) src(%dma_wait3A_138 : memref<40x125xi32, #tpu.memory_space<hbm>>) dst(%arg7 : memref<40x125xi32, #tpu.memory_space<vmem>>)
          tpu.yield
        }) : () -> ()
      } else {
      }
      %rem3A = arith.constant 40 : i32
      %rem3A_87 = arith.remsi %mul3A_81, %rem3A : i32
      %dma_wait3A = arith.constant 0 : i32
      %dma_wait3A_88 = arith.constant 0 : i32
      %dma_wait3A_89 = arith.constant 0 : i32
      %dma_wait3A_90 = tpu.memref_slice %arg8[%dma_wait3A, %dma_wait3A_88, %dma_wait3A_89] : memref<2x125x128xf32, #tpu.memory_space<vmem>> -> memref<1x125x128xf32, #tpu.memory_space<vmem>>
      %dma_wait3A_91 = tpu.memref_squeeze %dma_wait3A_90 : memref<1x125x128xf32, #tpu.memory_space<vmem>> -> memref<125x128xf32, #tpu.memory_space<vmem>>
      %dma_wait3A_92 = arith.constant 0 : i32
      %dma_wait3A_93 = tpu.memref_slice %arg6[%mul3A_81, %dma_wait3A_92] : memref<80x125xi32, #tpu.memory_space<vmem>> -> memref<1x125xi32, #tpu.memory_space<vmem>>
      %dma_wait3A_94 = tpu.memref_squeeze %dma_wait3A_93 : memref<1x125xi32, #tpu.memory_space<vmem>> -> memref<125xi32, #tpu.memory_space<vmem>>
      %dma_wait3A_95 = arith.constant 0 : i32
      %dma_wait3A_96 = arith.constant 0 : i32
      %dma_wait3A_97 = tpu.memref_slice %arg2[%dma_wait3A_95, %dma_wait3A_96] : memref<10000x128xf32, #tpu.memory_space<hbm>> -> memref<10000x128xf32, #tpu.memory_space<hbm>>
      tpu.wait_indirect_dma semaphore(%arg10 : memref<!tpu.dma_semaphore, #tpu.memory_space<semaphore_mem>>) src(%dma_wait3A_97 : memref<10000x128xf32, #tpu.memory_space<hbm>>) dst(%dma_wait3A_91 : memref<125x128xf32, #tpu.memory_space<vmem>>)
      %run_scoped3A_98 = arith.constant 0 : i32
      "tpu.region"() ({
        %run_scoped3A_128 = tpu.sem_alloc : memref<!tpu.dma_semaphore, #tpu.memory_space<semaphore_mem>>
        %dma_start3A_129 = arith.constant 0 : i32
        %dma_start3A_130 = arith.constant 0 : i32
        %dma_start3A_131 = tpu.memref_slice %arg8[%run_scoped3A_98, %dma_start3A_129, %dma_start3A_130] : memref<2x125x128xf32, #tpu.memory_space<vmem>> -> memref<1x125x128xf32, #tpu.memory_space<vmem>>
        %dma_start3A_132 = tpu.memref_squeeze %dma_start3A_131 : memref<1x125x128xf32, #tpu.memory_space<vmem>> -> memref<125x128xf32, #tpu.memory_space<vmem>>
        %dma_start3A_133 = arith.constant 0 : i32
        %dma_start3A_134 = tpu.memref_slice %arg7[%rem3A_87, %dma_start3A_133] : memref<40x125xi32, #tpu.memory_space<vmem>> -> memref<1x125xi32, #tpu.memory_space<vmem>>
        %dma_start3A_135 = tpu.memref_squeeze %dma_start3A_134 : memref<1x125xi32, #tpu.memory_space<vmem>> -> memref<125xi32, #tpu.memory_space<vmem>>
        %dma_start3A_136 = arith.constant 0 : i32
        %dma_start3A_137 = arith.constant 0 : i32
        %dma_start3A_138 = tpu.memref_slice %arg9[%dma_start3A_136, %dma_start3A_137] : memref<10000x128xf32, #tpu.memory_space<vmem_shared>> -> memref<10000x128xf32, #tpu.memory_space<vmem_shared>>
        tpu.enqueue_indirect_dma source(%dma_start3A_132 : memref<125x128xf32, #tpu.memory_space<vmem>>) target(%dma_start3A_138 : memref<10000x128xf32, #tpu.memory_space<vmem_shared>>) offsets(%dma_start3A_135 : memref<125xi32, #tpu.memory_space<vmem>>) semaphore(%run_scoped3A_128 : memref<!tpu.dma_semaphore, #tpu.memory_space<semaphore_mem>>) {add = true}
        %dma_wait3A_139 = arith.constant 0 : i32
        %dma_wait3A_140 = arith.constant 0 : i32
        %dma_wait3A_141 = tpu.memref_slice %arg8[%run_scoped3A_98, %dma_wait3A_139, %dma_wait3A_140] : memref<2x125x128xf32, #tpu.memory_space<vmem>> -> memref<1x125x128xf32, #tpu.memory_space<vmem>>
        %dma_wait3A_142 = tpu.memref_squeeze %dma_wait3A_141 : memref<1x125x128xf32, #tpu.memory_space<vmem>> -> memref<125x128xf32, #tpu.memory_space<vmem>>
        %dma_wait3A_143 = arith.constant 0 : i32
        %dma_wait3A_144 = tpu.memref_slice %arg7[%rem3A_87, %dma_wait3A_143] : memref<40x125xi32, #tpu.memory_space<vmem>> -> memref<1x125xi32, #tpu.memory_space<vmem>>
        %dma_wait3A_145 = tpu.memref_squeeze %dma_wait3A_144 : memref<1x125xi32, #tpu.memory_space<vmem>> -> memref<125xi32, #tpu.memory_space<vmem>>
        %dma_wait3A_146 = arith.constant 0 : i32
        %dma_wait3A_147 = arith.constant 0 : i32
        %dma_wait3A_148 = tpu.memref_slice %arg9[%dma_wait3A_146, %dma_wait3A_147] : memref<10000x128xf32, #tpu.memory_space<vmem_shared>> -> memref<10000x128xf32, #tpu.memory_space<vmem_shared>>
        tpu.wait_indirect_dma semaphore(%run_scoped3A_128 : memref<!tpu.dma_semaphore, #tpu.memory_space<semaphore_mem>>) src(%dma_wait3A_142 : memref<125x128xf32, #tpu.memory_space<vmem>>) dst(%dma_wait3A_148 : memref<10000x128xf32, #tpu.memory_space<vmem_shared>>)
        tpu.yield
      }) : () -> ()
      %add3A_99 = arith.constant 1 : i32
      %add3A_100 = arith.addi %scan3A_79, %add3A_99 : i32
      %lt3A = arith.constant 40 : i32
      %lt3A_101 = arith.cmpi slt, %add3A_100, %lt3A : i32
      %convert_element_type3A_102 = arith.extui %lt3A_101 : i1 to i32
      %cond3A_103 = arith.constant 0 : i32
      %cond3A_104 = arith.cmpi ne, %convert_element_type3A_102, %cond3A_103 : i32
      scf.if %cond3A_104 {
        %add3A_128 = arith.constant 2 : i32
        %add3A_129 = arith.addi %mul3A_81, %add3A_128 : i32
        %dma_start3A_130 = arith.constant 0 : i32
        %dma_start3A_131 = arith.constant 0 : i32
        %dma_start3A_132 = arith.constant 0 : i32
        %dma_start3A_133 = tpu.memref_slice %arg8[%dma_start3A_130, %dma_start3A_131, %dma_start3A_132] : memref<2x125x128xf32, #tpu.memory_space<vmem>> -> memref<1x125x128xf32, #tpu.memory_space<vmem>>
        %dma_start3A_134 = tpu.memref_squeeze %dma_start3A_133 : memref<1x125x128xf32, #tpu.memory_space<vmem>> -> memref<125x128xf32, #tpu.memory_space<vmem>>
        %dma_start3A_135 = arith.constant 0 : i32
        %dma_start3A_136 = tpu.memref_slice %arg6[%add3A_129, %dma_start3A_135] : memref<80x125xi32, #tpu.memory_space<vmem>> -> memref<1x125xi32, #tpu.memory_space<vmem>>
        %dma_start3A_137 = tpu.memref_squeeze %dma_start3A_136 : memref<1x125xi32, #tpu.memory_space<vmem>> -> memref<125xi32, #tpu.memory_space<vmem>>
        %dma_start3A_138 = arith.constant 0 : i32
        %dma_start3A_139 = arith.constant 0 : i32
        %dma_start3A_140 = tpu.memref_slice %arg2[%dma_start3A_138, %dma_start3A_139] : memref<10000x128xf32, #tpu.memory_space<hbm>> -> memref<10000x128xf32, #tpu.memory_space<hbm>>
        tpu.enqueue_indirect_dma source(%dma_start3A_140 : memref<10000x128xf32, #tpu.memory_space<hbm>>) target(%dma_start3A_134 : memref<125x128xf32, #tpu.memory_space<vmem>>) offsets(%dma_start3A_137 : memref<125xi32, #tpu.memory_space<vmem>>) semaphore(%arg10 : memref<!tpu.dma_semaphore, #tpu.memory_space<semaphore_mem>>)
      } else {
      }
      %add3A_105 = arith.constant 1 : i32
      %add3A_106 = arith.addi %mul3A_81, %add3A_105 : i32
      %dma_wait3A_107 = arith.constant 1 : i32
      %dma_wait3A_108 = arith.constant 0 : i32
      %dma_wait3A_109 = arith.constant 0 : i32
      %dma_wait3A_110 = tpu.memref_slice %arg8[%dma_wait3A_107, %dma_wait3A_108, %dma_wait3A_109] : memref<2x125x128xf32, #tpu.memory_space<vmem>> -> memref<1x125x128xf32, #tpu.memory_space<vmem>>
      %dma_wait3A_111 = tpu.memref_squeeze %dma_wait3A_110 : memref<1x125x128xf32, #tpu.memory_space<vmem>> -> memref<125x128xf32, #tpu.memory_space<vmem>>
      %dma_wait3A_112 = arith.constant 0 : i32
      %dma_wait3A_113 = tpu.memref_slice %arg6[%add3A_106, %dma_wait3A_112] : memref<80x125xi32, #tpu.memory_space<vmem>> -> memref<1x125xi32, #tpu.memory_space<vmem>>
      %dma_wait3A_114 = tpu.memref_squeeze %dma_wait3A_113 : memref<1x125xi32, #tpu.memory_space<vmem>> -> memref<125xi32, #tpu.memory_space<vmem>>
      %dma_wait3A_115 = arith.constant 0 : i32
      %dma_wait3A_116 = arith.constant 0 : i32
      %dma_wait3A_117 = tpu.memref_slice %arg2[%dma_wait3A_115, %dma_wait3A_116] : memref<10000x128xf32, #tpu.memory_space<hbm>> -> memref<10000x128xf32, #tpu.memory_space<hbm>>
      tpu.wait_indirect_dma semaphore(%arg11 : memref<!tpu.dma_semaphore, #tpu.memory_space<semaphore_mem>>) src(%dma_wait3A_117 : memref<10000x128xf32, #tpu.memory_space<hbm>>) dst(%dma_wait3A_111 : memref<125x128xf32, #tpu.memory_space<vmem>>)
      %add3A_118 = arith.constant 1 : i32
      %add3A_119 = arith.addi %rem3A_87, %add3A_118 : i32
      %run_scoped3A_120 = arith.constant 1 : i32
      "tpu.region"() ({
        %run_scoped3A_128 = tpu.sem_alloc : memref<!tpu.dma_semaphore, #tpu.memory_space<semaphore_mem>>
        %dma_start3A_129 = arith.constant 0 : i32
        %dma_start3A_130 = arith.constant 0 : i32
        %dma_start3A_131 = tpu.memref_slice %arg8[%run_scoped3A_120, %dma_start3A_129, %dma_start3A_130] : memref<2x125x128xf32, #tpu.memory_space<vmem>> -> memref<1x125x128xf32, #tpu.memory_space<vmem>>
        %dma_start3A_132 = tpu.memref_squeeze %dma_start3A_131 : memref<1x125x128xf32, #tpu.memory_space<vmem>> -> memref<125x128xf32, #tpu.memory_space<vmem>>
        %dma_start3A_133 = arith.constant 0 : i32
        %dma_start3A_134 = tpu.memref_slice %arg7[%add3A_119, %dma_start3A_133] : memref<40x125xi32, #tpu.memory_space<vmem>> -> memref<1x125xi32, #tpu.memory_space<vmem>>
        %dma_start3A_135 = tpu.memref_squeeze %dma_start3A_134 : memref<1x125xi32, #tpu.memory_space<vmem>> -> memref<125xi32, #tpu.memory_space<vmem>>
        %dma_start3A_136 = arith.constant 0 : i32
        %dma_start3A_137 = arith.constant 0 : i32
        %dma_start3A_138 = tpu.memref_slice %arg9[%dma_start3A_136, %dma_start3A_137] : memref<10000x128xf32, #tpu.memory_space<vmem_shared>> -> memref<10000x128xf32, #tpu.memory_space<vmem_shared>>
        tpu.enqueue_indirect_dma source(%dma_start3A_132 : memref<125x128xf32, #tpu.memory_space<vmem>>) target(%dma_start3A_138 : memref<10000x128xf32, #tpu.memory_space<vmem_shared>>) offsets(%dma_start3A_135 : memref<125xi32, #tpu.memory_space<vmem>>) semaphore(%run_scoped3A_128 : memref<!tpu.dma_semaphore, #tpu.memory_space<semaphore_mem>>) {add = true}
        %dma_wait3A_139 = arith.constant 0 : i32
        %dma_wait3A_140 = arith.constant 0 : i32
        %dma_wait3A_141 = tpu.memref_slice %arg8[%run_scoped3A_120, %dma_wait3A_139, %dma_wait3A_140] : memref<2x125x128xf32, #tpu.memory_space<vmem>> -> memref<1x125x128xf32, #tpu.memory_space<vmem>>
        %dma_wait3A_142 = tpu.memref_squeeze %dma_wait3A_141 : memref<1x125x128xf32, #tpu.memory_space<vmem>> -> memref<125x128xf32, #tpu.memory_space<vmem>>
        %dma_wait3A_143 = arith.constant 0 : i32
        %dma_wait3A_144 = tpu.memref_slice %arg7[%add3A_119, %dma_wait3A_143] : memref<40x125xi32, #tpu.memory_space<vmem>> -> memref<1x125xi32, #tpu.memory_space<vmem>>
        %dma_wait3A_145 = tpu.memref_squeeze %dma_wait3A_144 : memref<1x125xi32, #tpu.memory_space<vmem>> -> memref<125xi32, #tpu.memory_space<vmem>>
        %dma_wait3A_146 = arith.constant 0 : i32
        %dma_wait3A_147 = arith.constant 0 : i32
        %dma_wait3A_148 = tpu.memref_slice %arg9[%dma_wait3A_146, %dma_wait3A_147] : memref<10000x128xf32, #tpu.memory_space<vmem_shared>> -> memref<10000x128xf32, #tpu.memory_space<vmem_shared>>
        tpu.wait_indirect_dma semaphore(%run_scoped3A_128 : memref<!tpu.dma_semaphore, #tpu.memory_space<semaphore_mem>>) src(%dma_wait3A_142 : memref<125x128xf32, #tpu.memory_space<vmem>>) dst(%dma_wait3A_148 : memref<10000x128xf32, #tpu.memory_space<vmem_shared>>)
        tpu.yield
      }) : () -> ()
      %add3A_121 = arith.constant 1 : i32
      %add3A_122 = arith.addi %scan3A_79, %add3A_121 : i32
      %lt3A_123 = arith.constant 40 : i32
      %lt3A_124 = arith.cmpi slt, %add3A_122, %lt3A_123 : i32
      %convert_element_type3A_125 = arith.extui %lt3A_124 : i1 to i32
      %cond3A_126 = arith.constant 0 : i32
      %cond3A_127 = arith.cmpi ne, %convert_element_type3A_125, %cond3A_126 : i32
      scf.if %cond3A_127 {
        %add3A_128 = arith.constant 3 : i32
        %add3A_129 = arith.addi %mul3A_81, %add3A_128 : i32
        %dma_start3A_130 = arith.constant 1 : i32
        %dma_start3A_131 = arith.constant 0 : i32
        %dma_start3A_132 = arith.constant 0 : i32
        %dma_start3A_133 = tpu.memref_slice %arg8[%dma_start3A_130, %dma_start3A_131, %dma_start3A_132] : memref<2x125x128xf32, #tpu.memory_space<vmem>> -> memref<1x125x128xf32, #tpu.memory_space<vmem>>
        %dma_start3A_134 = tpu.memref_squeeze %dma_start3A_133 : memref<1x125x128xf32, #tpu.memory_space<vmem>> -> memref<125x128xf32, #tpu.memory_space<vmem>>
        %dma_start3A_135 = arith.constant 0 : i32
        %dma_start3A_136 = tpu.memref_slice %arg6[%add3A_129, %dma_start3A_135] : memref<80x125xi32, #tpu.memory_space<vmem>> -> memref<1x125xi32, #tpu.memory_space<vmem>>
        %dma_start3A_137 = tpu.memref_squeeze %dma_start3A_136 : memref<1x125xi32, #tpu.memory_space<vmem>> -> memref<125xi32, #tpu.memory_space<vmem>>
        %dma_start3A_138 = arith.constant 0 : i32
        %dma_start3A_139 = arith.constant 0 : i32
        %dma_start3A_140 = tpu.memref_slice %arg2[%dma_start3A_138, %dma_start3A_139] : memref<10000x128xf32, #tpu.memory_space<hbm>> -> memref<10000x128xf32, #tpu.memory_space<hbm>>
        tpu.enqueue_indirect_dma source(%dma_start3A_140 : memref<10000x128xf32, #tpu.memory_space<hbm>>) target(%dma_start3A_134 : memref<125x128xf32, #tpu.memory_space<vmem>>) offsets(%dma_start3A_137 : memref<125xi32, #tpu.memory_space<vmem>>) semaphore(%arg11 : memref<!tpu.dma_semaphore, #tpu.memory_space<semaphore_mem>>)
      } else {
      }
    }
    %scan3A_68 = arith.constant 40 : i32
    %barrier3A_69 = arith.constant 0 : index
    tpu.barrier barrier_id(%barrier3A_69)
    %mul3A_70 = arith.constant 624 : i32
    %mul3A_71 = arith.muli %arg1, %mul3A_70 : i32
    %mul3A_72 = arith.constant 624 : i32
    %mul3A_73 = arith.muli %arg1, %mul3A_72 : i32
    "tpu.region"() ({
      %run_scoped3A_79 = tpu.sem_alloc : memref<!tpu.dma_semaphore, #tpu.memory_space<semaphore_mem>>
      %dma_start3A_80 = arith.constant 0 : i32
      %dma_start3A_81 = tpu.memref_slice %arg5[%arg0, %mul3A_73, %dma_start3A_80] : memref<2x10000x128xf32, #tpu.memory_space<hbm>> -> memref<1x624x128xf32, #tpu.memory_space<hbm>>
      %dma_start3A_82 = tpu.memref_squeeze %dma_start3A_81 : memref<1x624x128xf32, #tpu.memory_space<hbm>> -> memref<624x128xf32, #tpu.memory_space<hbm>>
      %dma_start3A_83 = arith.constant 0 : i32
      %dma_start3A_84 = tpu.memref_slice %arg9[%mul3A_71, %dma_start3A_83] : memref<10000x128xf32, #tpu.memory_space<vmem_shared>> -> memref<624x128xf32, #tpu.memory_space<vmem_shared>>
      tpu.enqueue_dma source(%dma_start3A_84 : memref<624x128xf32, #tpu.memory_space<vmem_shared>>) target(%dma_start3A_82 : memref<624x128xf32, #tpu.memory_space<hbm>>) target_semaphore(%run_scoped3A_79 : memref<!tpu.dma_semaphore, #tpu.memory_space<semaphore_mem>>)
      %dma_wait3A = arith.constant 0 : i32
      %dma_wait3A_85 = tpu.memref_slice %arg5[%arg0, %mul3A_73, %dma_wait3A] : memref<2x10000x128xf32, #tpu.memory_space<hbm>> -> memref<1x624x128xf32, #tpu.memory_space<hbm>>
      %dma_wait3A_86 = tpu.memref_squeeze %dma_wait3A_85 : memref<1x624x128xf32, #tpu.memory_space<hbm>> -> memref<624x128xf32, #tpu.memory_space<hbm>>
      %dma_wait3A_87 = arith.constant 0 : i32
      %dma_wait3A_88 = tpu.memref_slice %arg9[%mul3A_71, %dma_wait3A_87] : memref<10000x128xf32, #tpu.memory_space<vmem_shared>> -> memref<624x128xf32, #tpu.memory_space<vmem_shared>>
      tpu.wait_dma2 semaphore(%run_scoped3A_79 : memref<!tpu.dma_semaphore, #tpu.memory_space<semaphore_mem>>) src(%dma_wait3A_88 : memref<624x128xf32, #tpu.memory_space<vmem_shared>>) dst(%dma_wait3A_86 : memref<624x128xf32, #tpu.memory_space<hbm>>)
      tpu.yield
    }) : () -> ()
    %eq3A_74 = arith.constant 0 : i32
    %eq3A_75 = arith.cmpi eq, %arg1, %eq3A_74 : i32
    %convert_element_type3A_76 = arith.extui %eq3A_75 : i1 to i32
    %cond3A_77 = arith.constant 0 : i32
    %cond3A_78 = arith.cmpi ne, %convert_element_type3A_76, %cond3A_77 : i32
    scf.if %cond3A_78 {
      "tpu.region"() ({
        %run_scoped3A_79 = tpu.sem_alloc : memref<!tpu.dma_semaphore, #tpu.memory_space<semaphore_mem>>
        %dma_start3A_80 = arith.constant 9984 : i32
        %dma_start3A_81 = arith.constant 0 : i32
        %dma_start3A_82 = tpu.memref_slice %arg5[%arg0, %dma_start3A_80, %dma_start3A_81] : memref<2x10000x128xf32, #tpu.memory_space<hbm>> -> memref<1x16x128xf32, #tpu.memory_space<hbm>>
        %dma_start3A_83 = tpu.memref_squeeze %dma_start3A_82 : memref<1x16x128xf32, #tpu.memory_space<hbm>> -> memref<16x128xf32, #tpu.memory_space<hbm>>
        %dma_start3A_84 = arith.constant 9984 : i32
        %dma_start3A_85 = arith.constant 0 : i32
        %dma_start3A_86 = tpu.memref_slice %arg9[%dma_start3A_84, %dma_start3A_85] : memref<10000x128xf32, #tpu.memory_space<vmem_shared>> -> memref<16x128xf32, #tpu.memory_space<vmem_shared>>
        tpu.enqueue_dma source(%dma_start3A_86 : memref<16x128xf32, #tpu.memory_space<vmem_shared>>) target(%dma_start3A_83 : memref<16x128xf32, #tpu.memory_space<hbm>>) target_semaphore(%run_scoped3A_79 : memref<!tpu.dma_semaphore, #tpu.memory_space<semaphore_mem>>)
        %dma_wait3A = arith.constant 9984 : i32
        %dma_wait3A_87 = arith.constant 0 : i32
        %dma_wait3A_88 = tpu.memref_slice %arg5[%arg0, %dma_wait3A, %dma_wait3A_87] : memref<2x10000x128xf32, #tpu.memory_space<hbm>> -> memref<1x16x128xf32, #tpu.memory_space<hbm>>
        %dma_wait3A_89 = tpu.memref_squeeze %dma_wait3A_88 : memref<1x16x128xf32, #tpu.memory_space<hbm>> -> memref<16x128xf32, #tpu.memory_space<hbm>>
        %dma_wait3A_90 = arith.constant 9984 : i32
        %dma_wait3A_91 = arith.constant 0 : i32
        %dma_wait3A_92 = tpu.memref_slice %arg9[%dma_wait3A_90, %dma_wait3A_91] : memref<10000x128xf32, #tpu.memory_space<vmem_shared>> -> memref<16x128xf32, #tpu.memory_space<vmem_shared>>
        tpu.wait_dma2 semaphore(%run_scoped3A_79 : memref<!tpu.dma_semaphore, #tpu.memory_space<semaphore_mem>>) src(%dma_wait3A_92 : memref<16x128xf32, #tpu.memory_space<vmem_shared>>) dst(%dma_wait3A_89 : memref<16x128xf32, #tpu.memory_space<hbm>>)
        tpu.yield
      }) : () -> ()
    } else {
    }
    return
  }
}

#map = affine_map<(d0, d1) -> (0, 0)>
#map1 = affine_map<(d0, d1) -> (0, 0, 0)>
module attributes {stable_mosaic.version = 14 : i64} {
  func.func @_sc_gather_scatter(%arg0: i32, %arg1: i32, %arg2: memref<10000x128xf32, #tpu.memory_space<hbm>>, %arg3: memref<2560x125xi32, #tpu.memory_space<hbm>>, %arg4: memref<2560x125xi32, #tpu.memory_space<hbm>>, %arg5: memref<2x10000x128xf32, #tpu.memory_space<hbm>>, %arg6: memref<80x125xi32, #tpu.memory_space<vmem>>, %arg7: memref<40x125xi32, #tpu.memory_space<vmem>>, %arg8: memref<2x125x128xf32, #tpu.memory_space<vmem>>, %arg9: memref<10000x128xf32, #tpu.memory_space<vmem_shared>>, %arg10: memref<!tpu.dma_semaphore, #tpu.memory_space<semaphore_mem>>, %arg11: memref<!tpu.dma_semaphore, #tpu.memory_space<semaphore_mem>>, %arg12: memref<!tpu.dma_semaphore, #tpu.memory_space<semaphore_mem>>, %arg13: memref<!tpu.dma_semaphore, #tpu.memory_space<semaphore_mem>>) attributes {dimension_semantics = [#tpu.dimension_semantics<core_parallel>, #tpu.dimension_semantics<subcore_parallel>], iteration_bounds = array<i64: 2, 16>, scalar_prefetch = 0 : i64, scratch_operands = 8 : i64, tpu.core_type = #tpu.core_type<sc_vector_subcore>, window_params = [{transform_indices = #map}, {transform_indices = #map}, {transform_indices = #map}, {transform_indices = #map1}]} {
    %mul3A = arith.constant 16 : i32
    %mul3A_0 = arith.muli %arg0, %mul3A : i32
    %add3A = arith.addi %mul3A_0, %arg1 : i32
    %mul3A_1 = arith.constant 80 : i32
    %mul3A_2 = arith.muli %add3A, %mul3A_1 : i32
    "tpu.region"() ({
      %run_scoped3A_79 = tpu.sem_alloc : memref<!tpu.dma_semaphore, #tpu.memory_space<semaphore_mem>>
      %dma_start3A_80 = arith.constant 0 : i32
      %dma_start3A_81 = tpu.memref_slice %arg3[%mul3A_2, %dma_start3A_80] : memref<2560x125xi32, #tpu.memory_space<hbm>> -> memref<80x125xi32, #tpu.memory_space<hbm>>
      %dma_start3A_82 = arith.constant 0 : i32
      %dma_start3A_83 = tpu.memref_slice %arg3[%mul3A_2, %dma_start3A_82] : memref<2560x125xi32, #tpu.memory_space<hbm>> -> memref<80x125xi32, #tpu.memory_space<hbm>>
      tpu.enqueue_dma source(%dma_start3A_83 : memref<80x125xi32, #tpu.memory_space<hbm>>) target(%arg6 : memref<80x125xi32, #tpu.memory_space<vmem>>) target_semaphore(%run_scoped3A_79 : memref<!tpu.dma_semaphore, #tpu.memory_space<semaphore_mem>>)
      %dma_wait3A = arith.constant 0 : i32
      %dma_wait3A_84 = tpu.memref_slice %arg3[%mul3A_2, %dma_wait3A] : memref<2560x125xi32, #tpu.memory_space<hbm>> -> memref<80x125xi32, #tpu.memory_space<hbm>>
      %dma_wait3A_85 = arith.constant 0 : i32
      %dma_wait3A_86 = tpu.memref_slice %arg3[%mul3A_2, %dma_wait3A_85] : memref<2560x125xi32, #tpu.memory_space<hbm>> -> memref<80x125xi32, #tpu.memory_space<hbm>>
      tpu.wait_dma2 semaphore(%run_scoped3A_79 : memref<!tpu.dma_semaphore, #tpu.memory_space<semaphore_mem>>) src(%dma_wait3A_86 : memref<80x125xi32, #tpu.memory_space<hbm>>) dst(%arg6 : memref<80x125xi32, #tpu.memory_space<vmem>>)
      tpu.yield
    }) : () -> ()
    "tpu.region"() ({
      %run_scoped3A_79 = tpu.sem_alloc : memref<!tpu.dma_semaphore, #tpu.memory_space<semaphore_mem>>
      %dma_start3A_80 = arith.constant 0 : i32
      %dma_start3A_81 = tpu.memref_slice %arg4[%mul3A_2, %dma_start3A_80] : memref<2560x125xi32, #tpu.memory_space<hbm>> -> memref<40x125xi32, #tpu.memory_space<hbm>>
      %dma_start3A_82 = arith.constant 0 : i32
      %dma_start3A_83 = tpu.memref_slice %arg4[%mul3A_2, %dma_start3A_82] : memref<2560x125xi32, #tpu.memory_space<hbm>> -> memref<40x125xi32, #tpu.memory_space<hbm>>
      tpu.enqueue_dma source(%dma_start3A_83 : memref<40x125xi32, #tpu.memory_space<hbm>>) target(%arg7 : memref<40x125xi32, #tpu.memory_space<vmem>>) target_semaphore(%run_scoped3A_79 : memref<!tpu.dma_semaphore, #tpu.memory_space<semaphore_mem>>)
      %dma_wait3A = arith.constant 0 : i32
      %dma_wait3A_84 = tpu.memref_slice %arg4[%mul3A_2, %dma_wait3A] : memref<2560x125xi32, #tpu.memory_space<hbm>> -> memref<40x125xi32, #tpu.memory_space<hbm>>
      %dma_wait3A_85 = arith.constant 0 : i32
      %dma_wait3A_86 = tpu.memref_slice %arg4[%mul3A_2, %dma_wait3A_85] : memref<2560x125xi32, #tpu.memory_space<hbm>> -> memref<40x125xi32, #tpu.memory_space<hbm>>
      tpu.wait_dma2 semaphore(%run_scoped3A_79 : memref<!tpu.dma_semaphore, #tpu.memory_space<semaphore_mem>>) src(%dma_wait3A_86 : memref<40x125xi32, #tpu.memory_space<hbm>>) dst(%arg7 : memref<40x125xi32, #tpu.memory_space<vmem>>)
      tpu.yield
    }) : () -> ()
    %broadcast_in_dim3A = arith.constant 0.000000e+00 : f32
    %broadcast_in_dim3A_3 = vector.broadcast %broadcast_in_dim3A : f32 to vector<16xf32>
    %scan3A = arith.constant 0 : i32
    %scan3A_4 = arith.constant 0 : i32
    %scan3A_5 = arith.constant 125 : i32
    %scan3A_6 = arith.addi %scan3A_4, %scan3A_5 : i32
    %scan3A_7 = arith.constant 1 : i32
    scf.for %scan3A_79 = %scan3A_4 to %scan3A_6 step %scan3A_7  : i32 {
      %swap3A = arith.constant 0 : i32
      %swap3A_80 = arith.index_cast %swap3A : i32 to index
      %swap3A_81 = arith.index_cast %scan3A_79 : i32 to index
      %swap3A_82 = arith.constant 0 : index
      %swap3A_83 = tpu.vector_load %arg8[%swap3A_80, %swap3A_81, %swap3A_82] {strides = array<i32>} : memref<2x125x128xf32, #tpu.memory_space<vmem>>, vector<1x1x16xf32>,
      %swap3A_84 = vector.shape_cast %swap3A_83 : vector<1x1x16xf32> to vector<16xf32>
      %swap3A_85 = vector.shape_cast %broadcast_in_dim3A_3 : vector<16xf32> to vector<1x1x16xf32>
      tpu.vector_store %arg8[%swap3A_80, %swap3A_81, %swap3A_82], %swap3A_85 {strides = array<i32>} : memref<2x125x128xf32, #tpu.memory_space<vmem>>, vector<1x1x16xf32>,
      %swap3A_86 = arith.constant 0 : i32
      %swap3A_87 = arith.index_cast %swap3A_86 : i32 to index
      %swap3A_88 = arith.index_cast %scan3A_79 : i32 to index
      %swap3A_89 = arith.constant 16 : index
      %swap3A_90 = tpu.vector_load %arg8[%swap3A_87, %swap3A_88, %swap3A_89] {strides = array<i32>} : memref<2x125x128xf32, #tpu.memory_space<vmem>>, vector<1x1x16xf32>,
      %swap3A_91 = vector.shape_cast %swap3A_90 : vector<1x1x16xf32> to vector<16xf32>
      %swap3A_92 = vector.shape_cast %broadcast_in_dim3A_3 : vector<16xf32> to vector<1x1x16xf32>
      tpu.vector_store %arg8[%swap3A_87, %swap3A_88, %swap3A_89], %swap3A_92 {strides = array<i32>} : memref<2x125x128xf32, #tpu.memory_space<vmem>>, vector<1x1x16xf32>,
      %swap3A_93 = arith.constant 0 : i32
      %swap3A_94 = arith.index_cast %swap3A_93 : i32 to index
      %swap3A_95 = arith.index_cast %scan3A_79 : i32 to index
      %swap3A_96 = arith.constant 32 : index
      %swap3A_97 = tpu.vector_load %arg8[%swap3A_94, %swap3A_95, %swap3A_96] {strides = array<i32>} : memref<2x125x128xf32, #tpu.memory_space<vmem>>, vector<1x1x16xf32>,
      %swap3A_98 = vector.shape_cast %swap3A_97 : vector<1x1x16xf32> to vector<16xf32>
      %swap3A_99 = vector.shape_cast %broadcast_in_dim3A_3 : vector<16xf32> to vector<1x1x16xf32>
      tpu.vector_store %arg8[%swap3A_94, %swap3A_95, %swap3A_96], %swap3A_99 {strides = array<i32>} : memref<2x125x128xf32, #tpu.memory_space<vmem>>, vector<1x1x16xf32>,
      %swap3A_100 = arith.constant 0 : i32
      %swap3A_101 = arith.index_cast %swap3A_100 : i32 to index
      %swap3A_102 = arith.index_cast %scan3A_79 : i32 to index
      %swap3A_103 = arith.constant 48 : index
      %swap3A_104 = tpu.vector_load %arg8[%swap3A_101, %swap3A_102, %swap3A_103] {strides = array<i32>} : memref<2x125x128xf32, #tpu.memory_space<vmem>>, vector<1x1x16xf32>,
      %swap3A_105 = vector.shape_cast %swap3A_104 : vector<1x1x16xf32> to vector<16xf32>
      %swap3A_106 = vector.shape_cast %broadcast_in_dim3A_3 : vector<16xf32> to vector<1x1x16xf32>
      tpu.vector_store %arg8[%swap3A_101, %swap3A_102, %swap3A_103], %swap3A_106 {strides = array<i32>} : memref<2x125x128xf32, #tpu.memory_space<vmem>>, vector<1x1x16xf32>,
      %swap3A_107 = arith.constant 0 : i32
      %swap3A_108 = arith.index_cast %swap3A_107 : i32 to index
      %swap3A_109 = arith.index_cast %scan3A_79 : i32 to index
      %swap3A_110 = arith.constant 64 : index
      %swap3A_111 = tpu.vector_load %arg8[%swap3A_108, %swap3A_109, %swap3A_110] {strides = array<i32>} : memref<2x125x128xf32, #tpu.memory_space<vmem>>, vector<1x1x16xf32>,
      %swap3A_112 = vector.shape_cast %swap3A_111 : vector<1x1x16xf32> to vector<16xf32>
      %swap3A_113 = vector.shape_cast %broadcast_in_dim3A_3 : vector<16xf32> to vector<1x1x16xf32>
      tpu.vector_store %arg8[%swap3A_108, %swap3A_109, %swap3A_110], %swap3A_113 {strides = array<i32>} : memref<2x125x128xf32, #tpu.memory_space<vmem>>, vector<1x1x16xf32>,
      %swap3A_114 = arith.constant 0 : i32
      %swap3A_115 = arith.index_cast %swap3A_114 : i32 to index
      %swap3A_116 = arith.index_cast %scan3A_79 : i32 to index
      %swap3A_117 = arith.constant 80 : index
      %swap3A_118 = tpu.vector_load %arg8[%swap3A_115, %swap3A_116, %swap3A_117] {strides = array<i32>} : memref<2x125x128xf32, #tpu.memory_space<vmem>>, vector<1x1x16xf32>,
      %swap3A_119 = vector.shape_cast %swap3A_118 : vector<1x1x16xf32> to vector<16xf32>
      %swap3A_120 = vector.shape_cast %broadcast_in_dim3A_3 : vector<16xf32> to vector<1x1x16xf32>
      tpu.vector_store %arg8[%swap3A_115, %swap3A_116, %swap3A_117], %swap3A_120 {strides = array<i32>} : memref<2x125x128xf32, #tpu.memory_space<vmem>>, vector<1x1x16xf32>,
      %swap3A_121 = arith.constant 0 : i32
      %swap3A_122 = arith.index_cast %swap3A_121 : i32 to index
      %swap3A_123 = arith.index_cast %scan3A_79 : i32 to index
      %swap3A_124 = arith.constant 96 : index
      %swap3A_125 = tpu.vector_load %arg8[%swap3A_122, %swap3A_123, %swap3A_124] {strides = array<i32>} : memref<2x125x128xf32, #tpu.memory_space<vmem>>, vector<1x1x16xf32>,
      %swap3A_126 = vector.shape_cast %swap3A_125 : vector<1x1x16xf32> to vector<16xf32>
      %swap3A_127 = vector.shape_cast %broadcast_in_dim3A_3 : vector<16xf32> to vector<1x1x16xf32>
      tpu.vector_store %arg8[%swap3A_122, %swap3A_123, %swap3A_124], %swap3A_127 {strides = array<i32>} : memref<2x125x128xf32, #tpu.memory_space<vmem>>, vector<1x1x16xf32>,
      %swap3A_128 = arith.constant 0 : i32
      %swap3A_129 = arith.index_cast %swap3A_128 : i32 to index
      %swap3A_130 = arith.index_cast %scan3A_79 : i32 to index
      %swap3A_131 = arith.constant 112 : index
      %swap3A_132 = tpu.vector_load %arg8[%swap3A_129, %swap3A_130, %swap3A_131] {strides = array<i32>} : memref<2x125x128xf32, #tpu.memory_space<vmem>>, vector<1x1x16xf32>,
      %swap3A_133 = vector.shape_cast %swap3A_132 : vector<1x1x16xf32> to vector<16xf32>
      %swap3A_134 = vector.shape_cast %broadcast_in_dim3A_3 : vector<16xf32> to vector<1x1x16xf32>
      tpu.vector_store %arg8[%swap3A_129, %swap3A_130, %swap3A_131], %swap3A_134 {strides = array<i32>} : memref<2x125x128xf32, #tpu.memory_space<vmem>>, vector<1x1x16xf32>,
    }
    %scan3A_8 = arith.constant 125 : i32
    %mul3A_9 = arith.constant 624 : i32
    %mul3A_10 = arith.muli %arg1, %mul3A_9 : i32
    %add3A_11 = arith.constant 0 : i32
    %add3A_12 = arith.addi %mul3A_10, %add3A_11 : i32
    %run_scoped3A = arith.constant 0 : i32
    "tpu.region"() ({
      %run_scoped3A_79 = tpu.sem_alloc : memref<!tpu.dma_semaphore, #tpu.memory_space<semaphore_mem>>
      %dma_start3A_80 = arith.constant 0 : i32
      %dma_start3A_81 = arith.constant 0 : i32
      %dma_start3A_82 = tpu.memref_slice %arg8[%run_scoped3A, %dma_start3A_80, %dma_start3A_81] : memref<2x125x128xf32, #tpu.memory_space<vmem>> -> memref<1x120x128xf32, #tpu.memory_space<vmem>>
      %dma_start3A_83 = tpu.memref_squeeze %dma_start3A_82 : memref<1x120x128xf32, #tpu.memory_space<vmem>> -> memref<120x128xf32, #tpu.memory_space<vmem>>
      %dma_start3A_84 = arith.constant 0 : i32
      %dma_start3A_85 = tpu.memref_slice %arg9[%add3A_12, %dma_start3A_84] : memref<10000x128xf32, #tpu.memory_space<vmem_shared>> -> memref<120x128xf32, #tpu.memory_space<vmem_shared>>
      %dma_start3A_86 = arith.constant 0 : i32
      %dma_start3A_87 = tpu.memref_slice %arg9[%add3A_12, %dma_start3A_86] : memref<10000x128xf32, #tpu.memory_space<vmem_shared>> -> memref<120x128xf32, #tpu.memory_space<vmem_shared>>
      %dma_start3A_88 = arith.constant 0 : i32
      %dma_start3A_89 = arith.constant 0 : i32
      %dma_start3A_90 = tpu.memref_slice %arg8[%run_scoped3A, %dma_start3A_88, %dma_start3A_89] : memref<2x125x128xf32, #tpu.memory_space<vmem>> -> memref<1x120x128xf32, #tpu.memory_space<vmem>>
      %dma_start3A_91 = tpu.memref_squeeze %dma_start3A_90 : memref<1x120x128xf32, #tpu.memory_space<vmem>> -> memref<120x128xf32, #tpu.memory_space<vmem>>
      tpu.enqueue_dma source(%dma_start3A_91 : memref<120x128xf32, #tpu.memory_space<vmem>>) target(%dma_start3A_87 : memref<120x128xf32, #tpu.memory_space<vmem_shared>>) target_semaphore(%run_scoped3A_79 : memref<!tpu.dma_semaphore, #tpu.memory_space<semaphore_mem>>)
      %dma_wait3A = arith.constant 0 : i32
      %dma_wait3A_92 = arith.constant 0 : i32
      %dma_wait3A_93 = tpu.memref_slice %arg8[%run_scoped3A, %dma_wait3A, %dma_wait3A_92] : memref<2x125x128xf32, #tpu.memory_space<vmem>> -> memref<1x120x128xf32, #tpu.memory_space<vmem>>
      %dma_wait3A_94 = tpu.memref_squeeze %dma_wait3A_93 : memref<1x120x128xf32, #tpu.memory_space<vmem>> -> memref<120x128xf32, #tpu.memory_space<vmem>>
      %dma_wait3A_95 = arith.constant 0 : i32
      %dma_wait3A_96 = tpu.memref_slice %arg9[%add3A_12, %dma_wait3A_95] : memref<10000x128xf32, #tpu.memory_space<vmem_shared>> -> memref<120x128xf32, #tpu.memory_space<vmem_shared>>
      %dma_wait3A_97 = arith.constant 0 : i32
      %dma_wait3A_98 = tpu.memref_slice %arg9[%add3A_12, %dma_wait3A_97] : memref<10000x128xf32, #tpu.memory_space<vmem_shared>> -> memref<120x128xf32, #tpu.memory_space<vmem_shared>>
      %dma_wait3A_99 = arith.constant 0 : i32
      %dma_wait3A_100 = arith.constant 0 : i32
      %dma_wait3A_101 = tpu.memref_slice %arg8[%run_scoped3A, %dma_wait3A_99, %dma_wait3A_100] : memref<2x125x128xf32, #tpu.memory_space<vmem>> -> memref<1x120x128xf32, #tpu.memory_space<vmem>>
      %dma_wait3A_102 = tpu.memref_squeeze %dma_wait3A_101 : memref<1x120x128xf32, #tpu.memory_space<vmem>> -> memref<120x128xf32, #tpu.memory_space<vmem>>
      tpu.wait_dma2 semaphore(%run_scoped3A_79 : memref<!tpu.dma_semaphore, #tpu.memory_space<semaphore_mem>>) src(%dma_wait3A_102 : memref<120x128xf32, #tpu.memory_space<vmem>>) dst(%dma_wait3A_98 : memref<120x128xf32, #tpu.memory_space<vmem_shared>>)
      tpu.yield
    }) : () -> ()
    %mul3A_13 = arith.constant 624 : i32
    %mul3A_14 = arith.muli %arg1, %mul3A_13 : i32
    %add3A_15 = arith.constant 120 : i32
    %add3A_16 = arith.addi %mul3A_14, %add3A_15 : i32
    %run_scoped3A_17 = arith.constant 0 : i32
    "tpu.region"() ({
      %run_scoped3A_79 = tpu.sem_alloc : memref<!tpu.dma_semaphore, #tpu.memory_space<semaphore_mem>>
      %dma_start3A_80 = arith.constant 0 : i32
      %dma_start3A_81 = arith.constant 0 : i32
      %dma_start3A_82 = tpu.memref_slice %arg8[%run_scoped3A_17, %dma_start3A_80, %dma_start3A_81] : memref<2x125x128xf32, #tpu.memory_space<vmem>> -> memref<1x120x128xf32, #tpu.memory_space<vmem>>
      %dma_start3A_83 = tpu.memref_squeeze %dma_start3A_82 : memref<1x120x128xf32, #tpu.memory_space<vmem>> -> memref<120x128xf32, #tpu.memory_space<vmem>>
      %dma_start3A_84 = arith.constant 0 : i32
      %dma_start3A_85 = tpu.memref_slice %arg9[%add3A_16, %dma_start3A_84] : memref<10000x128xf32, #tpu.memory_space<vmem_shared>> -> memref<120x128xf32, #tpu.memory_space<vmem_shared>>
      %dma_start3A_86 = arith.constant 0 : i32
      %dma_start3A_87 = tpu.memref_slice %arg9[%add3A_16, %dma_start3A_86] : memref<10000x128xf32, #tpu.memory_space<vmem_shared>> -> memref<120x128xf32, #tpu.memory_space<vmem_shared>>
      %dma_start3A_88 = arith.constant 0 : i32
      %dma_start3A_89 = arith.constant 0 : i32
      %dma_start3A_90 = tpu.memref_slice %arg8[%run_scoped3A_17, %dma_start3A_88, %dma_start3A_89] : memref<2x125x128xf32, #tpu.memory_space<vmem>> -> memref<1x120x128xf32, #tpu.memory_space<vmem>>
      %dma_start3A_91 = tpu.memref_squeeze %dma_start3A_90 : memref<1x120x128xf32, #tpu.memory_space<vmem>> -> memref<120x128xf32, #tpu.memory_space<vmem>>
      tpu.enqueue_dma source(%dma_start3A_91 : memref<120x128xf32, #tpu.memory_space<vmem>>) target(%dma_start3A_87 : memref<120x128xf32, #tpu.memory_space<vmem_shared>>) target_semaphore(%run_scoped3A_79 : memref<!tpu.dma_semaphore, #tpu.memory_space<semaphore_mem>>)
      %dma_wait3A = arith.constant 0 : i32
      %dma_wait3A_92 = arith.constant 0 : i32
      %dma_wait3A_93 = tpu.memref_slice %arg8[%run_scoped3A_17, %dma_wait3A, %dma_wait3A_92] : memref<2x125x128xf32, #tpu.memory_space<vmem>> -> memref<1x120x128xf32, #tpu.memory_space<vmem>>
      %dma_wait3A_94 = tpu.memref_squeeze %dma_wait3A_93 : memref<1x120x128xf32, #tpu.memory_space<vmem>> -> memref<120x128xf32, #tpu.memory_space<vmem>>
      %dma_wait3A_95 = arith.constant 0 : i32
      %dma_wait3A_96 = tpu.memref_slice %arg9[%add3A_16, %dma_wait3A_95] : memref<10000x128xf32, #tpu.memory_space<vmem_shared>> -> memref<120x128xf32, #tpu.memory_space<vmem_shared>>
      %dma_wait3A_97 = arith.constant 0 : i32
      %dma_wait3A_98 = tpu.memref_slice %arg9[%add3A_16, %dma_wait3A_97] : memref<10000x128xf32, #tpu.memory_space<vmem_shared>> -> memref<120x128xf32, #tpu.memory_space<vmem_shared>>
      %dma_wait3A_99 = arith.constant 0 : i32
      %dma_wait3A_100 = arith.constant 0 : i32
      %dma_wait3A_101 = tpu.memref_slice %arg8[%run_scoped3A_17, %dma_wait3A_99, %dma_wait3A_100] : memref<2x125x128xf32, #tpu.memory_space<vmem>> -> memref<1x120x128xf32, #tpu.memory_space<vmem>>
      %dma_wait3A_102 = tpu.memref_squeeze %dma_wait3A_101 : memref<1x120x128xf32, #tpu.memory_space<vmem>> -> memref<120x128xf32, #tpu.memory_space<vmem>>
      tpu.wait_dma2 semaphore(%run_scoped3A_79 : memref<!tpu.dma_semaphore, #tpu.memory_space<semaphore_mem>>) src(%dma_wait3A_102 : memref<120x128xf32, #tpu.memory_space<vmem>>) dst(%dma_wait3A_98 : memref<120x128xf32, #tpu.memory_space<vmem_shared>>)
      tpu.yield
    }) : () -> ()
    %mul3A_18 = arith.constant 624 : i32
    %mul3A_19 = arith.muli %arg1, %mul3A_18 : i32
    %add3A_20 = arith.constant 240 : i32
    %add3A_21 = arith.addi %mul3A_19, %add3A_20 : i32
    %run_scoped3A_22 = arith.constant 0 : i32
    "tpu.region"() ({
      %run_scoped3A_79 = tpu.sem_alloc : memref<!tpu.dma_semaphore, #tpu.memory_space<semaphore_mem>>
      %dma_start3A_80 = arith.constant 0 : i32
      %dma_start3A_81 = arith.constant 0 : i32
      %dma_start3A_82 = tpu.memref_slice %arg8[%run_scoped3A_22, %dma_start3A_80, %dma_start3A_81] : memref<2x125x128xf32, #tpu.memory_space<vmem>> -> memref<1x120x128xf32, #tpu.memory_space<vmem>>
      %dma_start3A_83 = tpu.memref_squeeze %dma_start3A_82 : memref<1x120x128xf32, #tpu.memory_space<vmem>> -> memref<120x128xf32, #tpu.memory_space<vmem>>
      %dma_start3A_84 = arith.constant 0 : i32
      %dma_start3A_85 = tpu.memref_slice %arg9[%add3A_21, %dma_start3A_84] : memref<10000x128xf32, #tpu.memory_space<vmem_shared>> -> memref<120x128xf32, #tpu.memory_space<vmem_shared>>
      %dma_start3A_86 = arith.constant 0 : i32
      %dma_start3A_87 = tpu.memref_slice %arg9[%add3A_21, %dma_start3A_86] : memref<10000x128xf32, #tpu.memory_space<vmem_shared>> -> memref<120x128xf32, #tpu.memory_space<vmem_shared>>
      %dma_start3A_88 = arith.constant 0 : i32
      %dma_start3A_89 = arith.constant 0 : i32
      %dma_start3A_90 = tpu.memref_slice %arg8[%run_scoped3A_22, %dma_start3A_88, %dma_start3A_89] : memref<2x125x128xf32, #tpu.memory_space<vmem>> -> memref<1x120x128xf32, #tpu.memory_space<vmem>>
      %dma_start3A_91 = tpu.memref_squeeze %dma_start3A_90 : memref<1x120x128xf32, #tpu.memory_space<vmem>> -> memref<120x128xf32, #tpu.memory_space<vmem>>
      tpu.enqueue_dma source(%dma_start3A_91 : memref<120x128xf32, #tpu.memory_space<vmem>>) target(%dma_start3A_87 : memref<120x128xf32, #tpu.memory_space<vmem_shared>>) target_semaphore(%run_scoped3A_79 : memref<!tpu.dma_semaphore, #tpu.memory_space<semaphore_mem>>)
      %dma_wait3A = arith.constant 0 : i32
      %dma_wait3A_92 = arith.constant 0 : i32
      %dma_wait3A_93 = tpu.memref_slice %arg8[%run_scoped3A_22, %dma_wait3A, %dma_wait3A_92] : memref<2x125x128xf32, #tpu.memory_space<vmem>> -> memref<1x120x128xf32, #tpu.memory_space<vmem>>
      %dma_wait3A_94 = tpu.memref_squeeze %dma_wait3A_93 : memref<1x120x128xf32, #tpu.memory_space<vmem>> -> memref<120x128xf32, #tpu.memory_space<vmem>>
      %dma_wait3A_95 = arith.constant 0 : i32
      %dma_wait3A_96 = tpu.memref_slice %arg9[%add3A_21, %dma_wait3A_95] : memref<10000x128xf32, #tpu.memory_space<vmem_shared>> -> memref<120x128xf32, #tpu.memory_space<vmem_shared>>
      %dma_wait3A_97 = arith.constant 0 : i32
      %dma_wait3A_98 = tpu.memref_slice %arg9[%add3A_21, %dma_wait3A_97] : memref<10000x128xf32, #tpu.memory_space<vmem_shared>> -> memref<120x128xf32, #tpu.memory_space<vmem_shared>>
      %dma_wait3A_99 = arith.constant 0 : i32
      %dma_wait3A_100 = arith.constant 0 : i32
      %dma_wait3A_101 = tpu.memref_slice %arg8[%run_scoped3A_22, %dma_wait3A_99, %dma_wait3A_100] : memref<2x125x128xf32, #tpu.memory_space<vmem>> -> memref<1x120x128xf32, #tpu.memory_space<vmem>>
      %dma_wait3A_102 = tpu.memref_squeeze %dma_wait3A_101 : memref<1x120x128xf32, #tpu.memory_space<vmem>> -> memref<120x128xf32, #tpu.memory_space<vmem>>
      tpu.wait_dma2 semaphore(%run_scoped3A_79 : memref<!tpu.dma_semaphore, #tpu.memory_space<semaphore_mem>>) src(%dma_wait3A_102 : memref<120x128xf32, #tpu.memory_space<vmem>>) dst(%dma_wait3A_98 : memref<120x128xf32, #tpu.memory_space<vmem_shared>>)
      tpu.yield
    }) : () -> ()
    %mul3A_23 = arith.constant 624 : i32
    %mul3A_24 = arith.muli %arg1, %mul3A_23 : i32
    %add3A_25 = arith.constant 360 : i32
    %add3A_26 = arith.addi %mul3A_24, %add3A_25 : i32
    %run_scoped3A_27 = arith.constant 0 : i32
    "tpu.region"() ({
      %run_scoped3A_79 = tpu.sem_alloc : memref<!tpu.dma_semaphore, #tpu.memory_space<semaphore_mem>>
      %dma_start3A_80 = arith.constant 0 : i32
      %dma_start3A_81 = arith.constant 0 : i32
      %dma_start3A_82 = tpu.memref_slice %arg8[%run_scoped3A_27, %dma_start3A_80, %dma_start3A_81] : memref<2x125x128xf32, #tpu.memory_space<vmem>> -> memref<1x120x128xf32, #tpu.memory_space<vmem>>
      %dma_start3A_83 = tpu.memref_squeeze %dma_start3A_82 : memref<1x120x128xf32, #tpu.memory_space<vmem>> -> memref<120x128xf32, #tpu.memory_space<vmem>>
      %dma_start3A_84 = arith.constant 0 : i32
      %dma_start3A_85 = tpu.memref_slice %arg9[%add3A_26, %dma_start3A_84] : memref<10000x128xf32, #tpu.memory_space<vmem_shared>> -> memref<120x128xf32, #tpu.memory_space<vmem_shared>>
      %dma_start3A_86 = arith.constant 0 : i32
      %dma_start3A_87 = tpu.memref_slice %arg9[%add3A_26, %dma_start3A_86] : memref<10000x128xf32, #tpu.memory_space<vmem_shared>> -> memref<120x128xf32, #tpu.memory_space<vmem_shared>>
      %dma_start3A_88 = arith.constant 0 : i32
      %dma_start3A_89 = arith.constant 0 : i32
      %dma_start3A_90 = tpu.memref_slice %arg8[%run_scoped3A_27, %dma_start3A_88, %dma_start3A_89] : memref<2x125x128xf32, #tpu.memory_space<vmem>> -> memref<1x120x128xf32, #tpu.memory_space<vmem>>
      %dma_start3A_91 = tpu.memref_squeeze %dma_start3A_90 : memref<1x120x128xf32, #tpu.memory_space<vmem>> -> memref<120x128xf32, #tpu.memory_space<vmem>>
      tpu.enqueue_dma source(%dma_start3A_91 : memref<120x128xf32, #tpu.memory_space<vmem>>) target(%dma_start3A_87 : memref<120x128xf32, #tpu.memory_space<vmem_shared>>) target_semaphore(%run_scoped3A_79 : memref<!tpu.dma_semaphore, #tpu.memory_space<semaphore_mem>>)
      %dma_wait3A = arith.constant 0 : i32
      %dma_wait3A_92 = arith.constant 0 : i32
      %dma_wait3A_93 = tpu.memref_slice %arg8[%run_scoped3A_27, %dma_wait3A, %dma_wait3A_92] : memref<2x125x128xf32, #tpu.memory_space<vmem>> -> memref<1x120x128xf32, #tpu.memory_space<vmem>>
      %dma_wait3A_94 = tpu.memref_squeeze %dma_wait3A_93 : memref<1x120x128xf32, #tpu.memory_space<vmem>> -> memref<120x128xf32, #tpu.memory_space<vmem>>
      %dma_wait3A_95 = arith.constant 0 : i32
      %dma_wait3A_96 = tpu.memref_slice %arg9[%add3A_26, %dma_wait3A_95] : memref<10000x128xf32, #tpu.memory_space<vmem_shared>> -> memref<120x128xf32, #tpu.memory_space<vmem_shared>>
      %dma_wait3A_97 = arith.constant 0 : i32
      %dma_wait3A_98 = tpu.memref_slice %arg9[%add3A_26, %dma_wait3A_97] : memref<10000x128xf32, #tpu.memory_space<vmem_shared>> -> memref<120x128xf32, #tpu.memory_space<vmem_shared>>
      %dma_wait3A_99 = arith.constant 0 : i32
      %dma_wait3A_100 = arith.constant 0 : i32
      %dma_wait3A_101 = tpu.memref_slice %arg8[%run_scoped3A_27, %dma_wait3A_99, %dma_wait3A_100] : memref<2x125x128xf32, #tpu.memory_space<vmem>> -> memref<1x120x128xf32, #tpu.memory_space<vmem>>
      %dma_wait3A_102 = tpu.memref_squeeze %dma_wait3A_101 : memref<1x120x128xf32, #tpu.memory_space<vmem>> -> memref<120x128xf32, #tpu.memory_space<vmem>>
      tpu.wait_dma2 semaphore(%run_scoped3A_79 : memref<!tpu.dma_semaphore, #tpu.memory_space<semaphore_mem>>) src(%dma_wait3A_102 : memref<120x128xf32, #tpu.memory_space<vmem>>) dst(%dma_wait3A_98 : memref<120x128xf32, #tpu.memory_space<vmem_shared>>)
      tpu.yield
    }) : () -> ()
    %mul3A_28 = arith.constant 624 : i32
    %mul3A_29 = arith.muli %arg1, %mul3A_28 : i32
    %add3A_30 = arith.constant 480 : i32
    %add3A_31 = arith.addi %mul3A_29, %add3A_30 : i32
    %run_scoped3A_32 = arith.constant 0 : i32
    "tpu.region"() ({
      %run_scoped3A_79 = tpu.sem_alloc : memref<!tpu.dma_semaphore, #tpu.memory_space<semaphore_mem>>
      %dma_start3A_80 = arith.constant 0 : i32
      %dma_start3A_81 = arith.constant 0 : i32
      %dma_start3A_82 = tpu.memref_slice %arg8[%run_scoped3A_32, %dma_start3A_80, %dma_start3A_81] : memref<2x125x128xf32, #tpu.memory_space<vmem>> -> memref<1x120x128xf32, #tpu.memory_space<vmem>>
      %dma_start3A_83 = tpu.memref_squeeze %dma_start3A_82 : memref<1x120x128xf32, #tpu.memory_space<vmem>> -> memref<120x128xf32, #tpu.memory_space<vmem>>
      %dma_start3A_84 = arith.constant 0 : i32
      %dma_start3A_85 = tpu.memref_slice %arg9[%add3A_31, %dma_start3A_84] : memref<10000x128xf32, #tpu.memory_space<vmem_shared>> -> memref<120x128xf32, #tpu.memory_space<vmem_shared>>
      %dma_start3A_86 = arith.constant 0 : i32
      %dma_start3A_87 = tpu.memref_slice %arg9[%add3A_31, %dma_start3A_86] : memref<10000x128xf32, #tpu.memory_space<vmem_shared>> -> memref<120x128xf32, #tpu.memory_space<vmem_shared>>
      %dma_start3A_88 = arith.constant 0 : i32
      %dma_start3A_89 = arith.constant 0 : i32
      %dma_start3A_90 = tpu.memref_slice %arg8[%run_scoped3A_32, %dma_start3A_88, %dma_start3A_89] : memref<2x125x128xf32, #tpu.memory_space<vmem>> -> memref<1x120x128xf32, #tpu.memory_space<vmem>>
      %dma_start3A_91 = tpu.memref_squeeze %dma_start3A_90 : memref<1x120x128xf32, #tpu.memory_space<vmem>> -> memref<120x128xf32, #tpu.memory_space<vmem>>
      tpu.enqueue_dma source(%dma_start3A_91 : memref<120x128xf32, #tpu.memory_space<vmem>>) target(%dma_start3A_87 : memref<120x128xf32, #tpu.memory_space<vmem_shared>>) target_semaphore(%run_scoped3A_79 : memref<!tpu.dma_semaphore, #tpu.memory_space<semaphore_mem>>)
      %dma_wait3A = arith.constant 0 : i32
      %dma_wait3A_92 = arith.constant 0 : i32
      %dma_wait3A_93 = tpu.memref_slice %arg8[%run_scoped3A_32, %dma_wait3A, %dma_wait3A_92] : memref<2x125x128xf32, #tpu.memory_space<vmem>> -> memref<1x120x128xf32, #tpu.memory_space<vmem>>
      %dma_wait3A_94 = tpu.memref_squeeze %dma_wait3A_93 : memref<1x120x128xf32, #tpu.memory_space<vmem>> -> memref<120x128xf32, #tpu.memory_space<vmem>>
      %dma_wait3A_95 = arith.constant 0 : i32
      %dma_wait3A_96 = tpu.memref_slice %arg9[%add3A_31, %dma_wait3A_95] : memref<10000x128xf32, #tpu.memory_space<vmem_shared>> -> memref<120x128xf32, #tpu.memory_space<vmem_shared>>
      %dma_wait3A_97 = arith.constant 0 : i32
      %dma_wait3A_98 = tpu.memref_slice %arg9[%add3A_31, %dma_wait3A_97] : memref<10000x128xf32, #tpu.memory_space<vmem_shared>> -> memref<120x128xf32, #tpu.memory_space<vmem_shared>>
      %dma_wait3A_99 = arith.constant 0 : i32
      %dma_wait3A_100 = arith.constant 0 : i32
      %dma_wait3A_101 = tpu.memref_slice %arg8[%run_scoped3A_32, %dma_wait3A_99, %dma_wait3A_100] : memref<2x125x128xf32, #tpu.memory_space<vmem>> -> memref<1x120x128xf32, #tpu.memory_space<vmem>>
      %dma_wait3A_102 = tpu.memref_squeeze %dma_wait3A_101 : memref<1x120x128xf32, #tpu.memory_space<vmem>> -> memref<120x128xf32, #tpu.memory_space<vmem>>
      tpu.wait_dma2 semaphore(%run_scoped3A_79 : memref<!tpu.dma_semaphore, #tpu.memory_space<semaphore_mem>>) src(%dma_wait3A_102 : memref<120x128xf32, #tpu.memory_space<vmem>>) dst(%dma_wait3A_98 : memref<120x128xf32, #tpu.memory_space<vmem_shared>>)
      tpu.yield
    }) : () -> ()
    %mul3A_33 = arith.constant 624 : i32
    %mul3A_34 = arith.muli %arg1, %mul3A_33 : i32
    %add3A_35 = arith.constant 600 : i32
    %add3A_36 = arith.addi %mul3A_34, %add3A_35 : i32
    %run_scoped3A_37 = arith.constant 0 : i32
    "tpu.region"() ({
      %run_scoped3A_79 = tpu.sem_alloc : memref<!tpu.dma_semaphore, #tpu.memory_space<semaphore_mem>>
      %dma_start3A_80 = arith.constant 0 : i32
      %dma_start3A_81 = arith.constant 0 : i32
      %dma_start3A_82 = tpu.memref_slice %arg8[%run_scoped3A_37, %dma_start3A_80, %dma_start3A_81] : memref<2x125x128xf32, #tpu.memory_space<vmem>> -> memref<1x24x128xf32, #tpu.memory_space<vmem>>
      %dma_start3A_83 = tpu.memref_squeeze %dma_start3A_82 : memref<1x24x128xf32, #tpu.memory_space<vmem>> -> memref<24x128xf32, #tpu.memory_space<vmem>>
      %dma_start3A_84 = arith.constant 0 : i32
      %dma_start3A_85 = tpu.memref_slice %arg9[%add3A_36, %dma_start3A_84] : memref<10000x128xf32, #tpu.memory_space<vmem_shared>> -> memref<24x128xf32, #tpu.memory_space<vmem_shared>>
      %dma_start3A_86 = arith.constant 0 : i32
      %dma_start3A_87 = tpu.memref_slice %arg9[%add3A_36, %dma_start3A_86] : memref<10000x128xf32, #tpu.memory_space<vmem_shared>> -> memref<24x128xf32, #tpu.memory_space<vmem_shared>>
      %dma_start3A_88 = arith.constant 0 : i32
      %dma_start3A_89 = arith.constant 0 : i32
      %dma_start3A_90 = tpu.memref_slice %arg8[%run_scoped3A_37, %dma_start3A_88, %dma_start3A_89] : memref<2x125x128xf32, #tpu.memory_space<vmem>> -> memref<1x24x128xf32, #tpu.memory_space<vmem>>
      %dma_start3A_91 = tpu.memref_squeeze %dma_start3A_90 : memref<1x24x128xf32, #tpu.memory_space<vmem>> -> memref<24x128xf32, #tpu.memory_space<vmem>>
      tpu.enqueue_dma source(%dma_start3A_91 : memref<24x128xf32, #tpu.memory_space<vmem>>) target(%dma_start3A_87 : memref<24x128xf32, #tpu.memory_space<vmem_shared>>) target_semaphore(%run_scoped3A_79 : memref<!tpu.dma_semaphore, #tpu.memory_space<semaphore_mem>>)
      %dma_wait3A = arith.constant 0 : i32
      %dma_wait3A_92 = arith.constant 0 : i32
      %dma_wait3A_93 = tpu.memref_slice %arg8[%run_scoped3A_37, %dma_wait3A, %dma_wait3A_92] : memref<2x125x128xf32, #tpu.memory_space<vmem>> -> memref<1x24x128xf32, #tpu.memory_space<vmem>>
      %dma_wait3A_94 = tpu.memref_squeeze %dma_wait3A_93 : memref<1x24x128xf32, #tpu.memory_space<vmem>> -> memref<24x128xf32, #tpu.memory_space<vmem>>
      %dma_wait3A_95 = arith.constant 0 : i32
      %dma_wait3A_96 = tpu.memref_slice %arg9[%add3A_36, %dma_wait3A_95] : memref<10000x128xf32, #tpu.memory_space<vmem_shared>> -> memref<24x128xf32, #tpu.memory_space<vmem_shared>>
      %dma_wait3A_97 = arith.constant 0 : i32
      %dma_wait3A_98 = tpu.memref_slice %arg9[%add3A_36, %dma_wait3A_97] : memref<10000x128xf32, #tpu.memory_space<vmem_shared>> -> memref<24x128xf32, #tpu.memory_space<vmem_shared>>
      %dma_wait3A_99 = arith.constant 0 : i32
      %dma_wait3A_100 = arith.constant 0 : i32
      %dma_wait3A_101 = tpu.memref_slice %arg8[%run_scoped3A_37, %dma_wait3A_99, %dma_wait3A_100] : memref<2x125x128xf32, #tpu.memory_space<vmem>> -> memref<1x24x128xf32, #tpu.memory_space<vmem>>
      %dma_wait3A_102 = tpu.memref_squeeze %dma_wait3A_101 : memref<1x24x128xf32, #tpu.memory_space<vmem>> -> memref<24x128xf32, #tpu.memory_space<vmem>>
      tpu.wait_dma2 semaphore(%run_scoped3A_79 : memref<!tpu.dma_semaphore, #tpu.memory_space<semaphore_mem>>) src(%dma_wait3A_102 : memref<24x128xf32, #tpu.memory_space<vmem>>) dst(%dma_wait3A_98 : memref<24x128xf32, #tpu.memory_space<vmem_shared>>)
      tpu.yield
    }) : () -> ()
    %eq3A = arith.constant 0 : i32
    %eq3A_38 = arith.cmpi eq, %arg1, %eq3A : i32
    %convert_element_type3A = arith.extui %eq3A_38 : i1 to i32
    %cond3A = arith.constant 0 : i32
    %cond3A_39 = arith.cmpi ne, %convert_element_type3A, %cond3A : i32
    scf.if %cond3A_39 {
      %run_scoped3A_79 = arith.constant 0 : i32
      "tpu.region"() ({
        %run_scoped3A_80 = tpu.sem_alloc : memref<!tpu.dma_semaphore, #tpu.memory_space<semaphore_mem>>
        %dma_start3A_81 = arith.constant 0 : i32
        %dma_start3A_82 = arith.constant 0 : i32
        %dma_start3A_83 = tpu.memref_slice %arg8[%run_scoped3A_79, %dma_start3A_81, %dma_start3A_82] : memref<2x125x128xf32, #tpu.memory_space<vmem>> -> memref<1x16x128xf32, #tpu.memory_space<vmem>>
        %dma_start3A_84 = tpu.memref_squeeze %dma_start3A_83 : memref<1x16x128xf32, #tpu.memory_space<vmem>> -> memref<16x128xf32, #tpu.memory_space<vmem>>
        %dma_start3A_85 = arith.constant 9984 : i32
        %dma_start3A_86 = arith.constant 0 : i32
        %dma_start3A_87 = tpu.memref_slice %arg9[%dma_start3A_85, %dma_start3A_86] : memref<10000x128xf32, #tpu.memory_space<vmem_shared>> -> memref<16x128xf32, #tpu.memory_space<vmem_shared>>
        %dma_start3A_88 = arith.constant 9984 : i32
        %dma_start3A_89 = arith.constant 0 : i32
        %dma_start3A_90 = tpu.memref_slice %arg9[%dma_start3A_88, %dma_start3A_89] : memref<10000x128xf32, #tpu.memory_space<vmem_shared>> -> memref<16x128xf32, #tpu.memory_space<vmem_shared>>
        %dma_start3A_91 = arith.constant 0 : i32
        %dma_start3A_92 = arith.constant 0 : i32
        %dma_start3A_93 = tpu.memref_slice %arg8[%run_scoped3A_79, %dma_start3A_91, %dma_start3A_92] : memref<2x125x128xf32, #tpu.memory_space<vmem>> -> memref<1x16x128xf32, #tpu.memory_space<vmem>>
        %dma_start3A_94 = tpu.memref_squeeze %dma_start3A_93 : memref<1x16x128xf32, #tpu.memory_space<vmem>> -> memref<16x128xf32, #tpu.memory_space<vmem>>
        tpu.enqueue_dma source(%dma_start3A_94 : memref<16x128xf32, #tpu.memory_space<vmem>>) target(%dma_start3A_90 : memref<16x128xf32, #tpu.memory_space<vmem_shared>>) target_semaphore(%run_scoped3A_80 : memref<!tpu.dma_semaphore, #tpu.memory_space<semaphore_mem>>)
        %dma_wait3A = arith.constant 0 : i32
        %dma_wait3A_95 = arith.constant 0 : i32
        %dma_wait3A_96 = tpu.memref_slice %arg8[%run_scoped3A_79, %dma_wait3A, %dma_wait3A_95] : memref<2x125x128xf32, #tpu.memory_space<vmem>> -> memref<1x16x128xf32, #tpu.memory_space<vmem>>
        %dma_wait3A_97 = tpu.memref_squeeze %dma_wait3A_96 : memref<1x16x128xf32, #tpu.memory_space<vmem>> -> memref<16x128xf32, #tpu.memory_space<vmem>>
        %dma_wait3A_98 = arith.constant 9984 : i32
        %dma_wait3A_99 = arith.constant 0 : i32
        %dma_wait3A_100 = tpu.memref_slice %arg9[%dma_wait3A_98, %dma_wait3A_99] : memref<10000x128xf32, #tpu.memory_space<vmem_shared>> -> memref<16x128xf32, #tpu.memory_space<vmem_shared>>
        %dma_wait3A_101 = arith.constant 9984 : i32
        %dma_wait3A_102 = arith.constant 0 : i32
        %dma_wait3A_103 = tpu.memref_slice %arg9[%dma_wait3A_101, %dma_wait3A_102] : memref<10000x128xf32, #tpu.memory_space<vmem_shared>> -> memref<16x128xf32, #tpu.memory_space<vmem_shared>>
        %dma_wait3A_104 = arith.constant 0 : i32
        %dma_wait3A_105 = arith.constant 0 : i32
        %dma_wait3A_106 = tpu.memref_slice %arg8[%run_scoped3A_79, %dma_wait3A_104, %dma_wait3A_105] : memref<2x125x128xf32, #tpu.memory_space<vmem>> -> memref<1x16x128xf32, #tpu.memory_space<vmem>>
        %dma_wait3A_107 = tpu.memref_squeeze %dma_wait3A_106 : memref<1x16x128xf32, #tpu.memory_space<vmem>> -> memref<16x128xf32, #tpu.memory_space<vmem>>
        tpu.wait_dma2 semaphore(%run_scoped3A_80 : memref<!tpu.dma_semaphore, #tpu.memory_space<semaphore_mem>>) src(%dma_wait3A_107 : memref<16x128xf32, #tpu.memory_space<vmem>>) dst(%dma_wait3A_103 : memref<16x128xf32, #tpu.memory_space<vmem_shared>>)
        tpu.yield
      }) : () -> ()
    } else {
    }
    %barrier3A = arith.constant 0 : index
    tpu.barrier barrier_id(%barrier3A)
    %dma_start3A = arith.constant 0 : i32
    %dma_start3A_40 = arith.constant 0 : i32
    %dma_start3A_41 = arith.constant 0 : i32
    %dma_start3A_42 = arith.constant 0 : i32
    %dma_start3A_43 = tpu.memref_slice %arg8[%dma_start3A_40, %dma_start3A_41, %dma_start3A_42] : memref<2x125x128xf32, #tpu.memory_space<vmem>> -> memref<1x125x128xf32, #tpu.memory_space<vmem>>
    %dma_start3A_44 = tpu.memref_squeeze %dma_start3A_43 : memref<1x125x128xf32, #tpu.memory_space<vmem>> -> memref<125x128xf32, #tpu.memory_space<vmem>>
    %dma_start3A_45 = arith.constant 0 : i32
    %dma_start3A_46 = tpu.memref_slice %arg6[%dma_start3A, %dma_start3A_45] : memref<80x125xi32, #tpu.memory_space<vmem>> -> memref<1x125xi32, #tpu.memory_space<vmem>>
    %dma_start3A_47 = tpu.memref_squeeze %dma_start3A_46 : memref<1x125xi32, #tpu.memory_space<vmem>> -> memref<125xi32, #tpu.memory_space<vmem>>
    %dma_start3A_48 = arith.constant 0 : i32
    %dma_start3A_49 = arith.constant 0 : i32
    %dma_start3A_50 = tpu.memref_slice %arg2[%dma_start3A_48, %dma_start3A_49] : memref<10000x128xf32, #tpu.memory_space<hbm>> -> memref<10000x128xf32, #tpu.memory_space<hbm>>
    tpu.enqueue_indirect_dma source(%dma_start3A_50 : memref<10000x128xf32, #tpu.memory_space<hbm>>) target(%dma_start3A_44 : memref<125x128xf32, #tpu.memory_space<vmem>>) offsets(%dma_start3A_47 : memref<125xi32, #tpu.memory_space<vmem>>) semaphore(%arg10 : memref<!tpu.dma_semaphore, #tpu.memory_space<semaphore_mem>>)
    %dma_start3A_51 = arith.constant 1 : i32
    %dma_start3A_52 = arith.constant 1 : i32
    %dma_start3A_53 = arith.constant 0 : i32
    %dma_start3A_54 = arith.constant 0 : i32
    %dma_start3A_55 = tpu.memref_slice %arg8[%dma_start3A_52, %dma_start3A_53, %dma_start3A_54] : memref<2x125x128xf32, #tpu.memory_space<vmem>> -> memref<1x125x128xf32, #tpu.memory_space<vmem>>
    %dma_start3A_56 = tpu.memref_squeeze %dma_start3A_55 : memref<1x125x128xf32, #tpu.memory_space<vmem>> -> memref<125x128xf32, #tpu.memory_space<vmem>>
    %dma_start3A_57 = arith.constant 0 : i32
    %dma_start3A_58 = tpu.memref_slice %arg6[%dma_start3A_51, %dma_start3A_57] : memref<80x125xi32, #tpu.memory_space<vmem>> -> memref<1x125xi32, #tpu.memory_space<vmem>>
    %dma_start3A_59 = tpu.memref_squeeze %dma_start3A_58 : memref<1x125xi32, #tpu.memory_space<vmem>> -> memref<125xi32, #tpu.memory_space<vmem>>
    %dma_start3A_60 = arith.constant 0 : i32
    %dma_start3A_61 = arith.constant 0 : i32
    %dma_start3A_62 = tpu.memref_slice %arg2[%dma_start3A_60, %dma_start3A_61] : memref<10000x128xf32, #tpu.memory_space<hbm>> -> memref<10000x128xf32, #tpu.memory_space<hbm>>
    tpu.enqueue_indirect_dma source(%dma_start3A_62 : memref<10000x128xf32, #tpu.memory_space<hbm>>) target(%dma_start3A_56 : memref<125x128xf32, #tpu.memory_space<vmem>>) offsets(%dma_start3A_59 : memref<125xi32, #tpu.memory_space<vmem>>) semaphore(%arg11 : memref<!tpu.dma_semaphore, #tpu.memory_space<semaphore_mem>>)
    %scan3A_63 = arith.constant 0 : i32
    %scan3A_64 = arith.constant 0 : i32
    %scan3A_65 = arith.constant 40 : i32
    %scan3A_66 = arith.addi %scan3A_64, %scan3A_65 : i32
    %scan3A_67 = arith.constant 1 : i32
    scf.for %scan3A_79 = %scan3A_64 to %scan3A_66 step %scan3A_67  : i32 {
      %mul3A_80 = arith.constant 2 : i32
      %mul3A_81 = arith.muli %mul3A_80, %scan3A_79 : i32
      %eq3A_82 = arith.constant 40 : i32
      %eq3A_83 = arith.cmpi eq, %mul3A_81, %eq3A_82 : i32
      %convert_element_type3A_84 = arith.extui %eq3A_83 : i1 to i32
      %cond3A_85 = arith.constant 0 : i32
      %cond3A_86 = arith.cmpi ne, %convert_element_type3A_84, %cond3A_85 : i32
      scf.if %cond3A_86 {
        %add3A_128 = arith.constant 40 : i32
        %add3A_129 = arith.addi %mul3A_2, %add3A_128 : i32
        "tpu.region"() ({
          %run_scoped3A_130 = tpu.sem_alloc : memref<!tpu.dma_semaphore, #tpu.memory_space<semaphore_mem>>
          %dma_start3A_131 = arith.constant 0 : i32
          %dma_start3A_132 = tpu.memref_slice %arg4[%add3A_129, %dma_start3A_131] : memref<2560x125xi32, #tpu.memory_space<hbm>> -> memref<40x125xi32, #tpu.memory_space<hbm>>
          %dma_start3A_133 = arith.constant 0 : i32
          %dma_start3A_134 = tpu.memref_slice %arg4[%add3A_129, %dma_start3A_133] : memref<2560x125xi32, #tpu.memory_space<hbm>> -> memref<40x125xi32, #tpu.memory_space<hbm>>
          tpu.enqueue_dma source(%dma_start3A_134 : memref<40x125xi32, #tpu.memory_space<hbm>>) target(%arg7 : memref<40x125xi32, #tpu.memory_space<vmem>>) target_semaphore(%run_scoped3A_130 : memref<!tpu.dma_semaphore, #tpu.memory_space<semaphore_mem>>)
          %dma_wait3A_135 = arith.constant 0 : i32
          %dma_wait3A_136 = tpu.memref_slice %arg4[%add3A_129, %dma_wait3A_135] : memref<2560x125xi32, #tpu.memory_space<hbm>> -> memref<40x125xi32, #tpu.memory_space<hbm>>
          %dma_wait3A_137 = arith.constant 0 : i32
          %dma_wait3A_138 = tpu.memref_slice %arg4[%add3A_129, %dma_wait3A_137] : memref<2560x125xi32, #tpu.memory_space<hbm>> -> memref<40x125xi32, #tpu.memory_space<hbm>>
          tpu.wait_dma2 semaphore(%run_scoped3A_130 : memref<!tpu.dma_semaphore, #tpu.memory_space<semaphore_mem>>) src(%dma_wait3A_138 : memref<40x125xi32, #tpu.memory_space<hbm>>) dst(%arg7 : memref<40x125xi32, #tpu.memory_space<vmem>>)
          tpu.yield
        }) : () -> ()
      } else {
      }
      %rem3A = arith.constant 40 : i32
      %rem3A_87 = arith.remsi %mul3A_81, %rem3A : i32
      %dma_wait3A = arith.constant 0 : i32
      %dma_wait3A_88 = arith.constant 0 : i32
      %dma_wait3A_89 = arith.constant 0 : i32
      %dma_wait3A_90 = tpu.memref_slice %arg8[%dma_wait3A, %dma_wait3A_88, %dma_wait3A_89] : memref<2x125x128xf32, #tpu.memory_space<vmem>> -> memref<1x125x128xf32, #tpu.memory_space<vmem>>
      %dma_wait3A_91 = tpu.memref_squeeze %dma_wait3A_90 : memref<1x125x128xf32, #tpu.memory_space<vmem>> -> memref<125x128xf32, #tpu.memory_space<vmem>>
      %dma_wait3A_92 = arith.constant 0 : i32
      %dma_wait3A_93 = tpu.memref_slice %arg6[%mul3A_81, %dma_wait3A_92] : memref<80x125xi32, #tpu.memory_space<vmem>> -> memref<1x125xi32, #tpu.memory_space<vmem>>
      %dma_wait3A_94 = tpu.memref_squeeze %dma_wait3A_93 : memref<1x125xi32, #tpu.memory_space<vmem>> -> memref<125xi32, #tpu.memory_space<vmem>>
      %dma_wait3A_95 = arith.constant 0 : i32
      %dma_wait3A_96 = arith.constant 0 : i32
      %dma_wait3A_97 = tpu.memref_slice %arg2[%dma_wait3A_95, %dma_wait3A_96] : memref<10000x128xf32, #tpu.memory_space<hbm>> -> memref<10000x128xf32, #tpu.memory_space<hbm>>
      tpu.wait_indirect_dma semaphore(%arg10 : memref<!tpu.dma_semaphore, #tpu.memory_space<semaphore_mem>>) src(%dma_wait3A_97 : memref<10000x128xf32, #tpu.memory_space<hbm>>) dst(%dma_wait3A_91 : memref<125x128xf32, #tpu.memory_space<vmem>>)
      %run_scoped3A_98 = arith.constant 0 : i32
      "tpu.region"() ({
        %run_scoped3A_128 = tpu.sem_alloc : memref<!tpu.dma_semaphore, #tpu.memory_space<semaphore_mem>>
        %dma_start3A_129 = arith.constant 0 : i32
        %dma_start3A_130 = arith.constant 0 : i32
        %dma_start3A_131 = tpu.memref_slice %arg8[%run_scoped3A_98, %dma_start3A_129, %dma_start3A_130] : memref<2x125x128xf32, #tpu.memory_space<vmem>> -> memref<1x125x128xf32, #tpu.memory_space<vmem>>
        %dma_start3A_132 = tpu.memref_squeeze %dma_start3A_131 : memref<1x125x128xf32, #tpu.memory_space<vmem>> -> memref<125x128xf32, #tpu.memory_space<vmem>>
        %dma_start3A_133 = arith.constant 0 : i32
        %dma_start3A_134 = tpu.memref_slice %arg7[%rem3A_87, %dma_start3A_133] : memref<40x125xi32, #tpu.memory_space<vmem>> -> memref<1x125xi32, #tpu.memory_space<vmem>>
        %dma_start3A_135 = tpu.memref_squeeze %dma_start3A_134 : memref<1x125xi32, #tpu.memory_space<vmem>> -> memref<125xi32, #tpu.memory_space<vmem>>
        %dma_start3A_136 = arith.constant 0 : i32
        %dma_start3A_137 = arith.constant 0 : i32
        %dma_start3A_138 = tpu.memref_slice %arg9[%dma_start3A_136, %dma_start3A_137] : memref<10000x128xf32, #tpu.memory_space<vmem_shared>> -> memref<10000x128xf32, #tpu.memory_space<vmem_shared>>
        tpu.enqueue_indirect_dma source(%dma_start3A_132 : memref<125x128xf32, #tpu.memory_space<vmem>>) target(%dma_start3A_138 : memref<10000x128xf32, #tpu.memory_space<vmem_shared>>) offsets(%dma_start3A_135 : memref<125xi32, #tpu.memory_space<vmem>>) semaphore(%run_scoped3A_128 : memref<!tpu.dma_semaphore, #tpu.memory_space<semaphore_mem>>) {add = true}
        %dma_wait3A_139 = arith.constant 0 : i32
        %dma_wait3A_140 = arith.constant 0 : i32
        %dma_wait3A_141 = tpu.memref_slice %arg8[%run_scoped3A_98, %dma_wait3A_139, %dma_wait3A_140] : memref<2x125x128xf32, #tpu.memory_space<vmem>> -> memref<1x125x128xf32, #tpu.memory_space<vmem>>
        %dma_wait3A_142 = tpu.memref_squeeze %dma_wait3A_141 : memref<1x125x128xf32, #tpu.memory_space<vmem>> -> memref<125x128xf32, #tpu.memory_space<vmem>>
        %dma_wait3A_143 = arith.constant 0 : i32
        %dma_wait3A_144 = tpu.memref_slice %arg7[%rem3A_87, %dma_wait3A_143] : memref<40x125xi32, #tpu.memory_space<vmem>> -> memref<1x125xi32, #tpu.memory_space<vmem>>
        %dma_wait3A_145 = tpu.memref_squeeze %dma_wait3A_144 : memref<1x125xi32, #tpu.memory_space<vmem>> -> memref<125xi32, #tpu.memory_space<vmem>>
        %dma_wait3A_146 = arith.constant 0 : i32
        %dma_wait3A_147 = arith.constant 0 : i32
        %dma_wait3A_148 = tpu.memref_slice %arg9[%dma_wait3A_146, %dma_wait3A_147] : memref<10000x128xf32, #tpu.memory_space<vmem_shared>> -> memref<10000x128xf32, #tpu.memory_space<vmem_shared>>
        tpu.wait_indirect_dma semaphore(%run_scoped3A_128 : memref<!tpu.dma_semaphore, #tpu.memory_space<semaphore_mem>>) src(%dma_wait3A_142 : memref<125x128xf32, #tpu.memory_space<vmem>>) dst(%dma_wait3A_148 : memref<10000x128xf32, #tpu.memory_space<vmem_shared>>)
        tpu.yield
      }) : () -> ()
      %add3A_99 = arith.constant 1 : i32
      %add3A_100 = arith.addi %scan3A_79, %add3A_99 : i32
      %lt3A = arith.constant 40 : i32
      %lt3A_101 = arith.cmpi slt, %add3A_100, %lt3A : i32
      %convert_element_type3A_102 = arith.extui %lt3A_101 : i1 to i32
      %cond3A_103 = arith.constant 0 : i32
      %cond3A_104 = arith.cmpi ne, %convert_element_type3A_102, %cond3A_103 : i32
      scf.if %cond3A_104 {
        %add3A_128 = arith.constant 2 : i32
        %add3A_129 = arith.addi %mul3A_81, %add3A_128 : i32
        %dma_start3A_130 = arith.constant 0 : i32
        %dma_start3A_131 = arith.constant 0 : i32
        %dma_start3A_132 = arith.constant 0 : i32
        %dma_start3A_133 = tpu.memref_slice %arg8[%dma_start3A_130, %dma_start3A_131, %dma_start3A_132] : memref<2x125x128xf32, #tpu.memory_space<vmem>> -> memref<1x125x128xf32, #tpu.memory_space<vmem>>
        %dma_start3A_134 = tpu.memref_squeeze %dma_start3A_133 : memref<1x125x128xf32, #tpu.memory_space<vmem>> -> memref<125x128xf32, #tpu.memory_space<vmem>>
        %dma_start3A_135 = arith.constant 0 : i32
        %dma_start3A_136 = tpu.memref_slice %arg6[%add3A_129, %dma_start3A_135] : memref<80x125xi32, #tpu.memory_space<vmem>> -> memref<1x125xi32, #tpu.memory_space<vmem>>
        %dma_start3A_137 = tpu.memref_squeeze %dma_start3A_136 : memref<1x125xi32, #tpu.memory_space<vmem>> -> memref<125xi32, #tpu.memory_space<vmem>>
        %dma_start3A_138 = arith.constant 0 : i32
        %dma_start3A_139 = arith.constant 0 : i32
        %dma_start3A_140 = tpu.memref_slice %arg2[%dma_start3A_138, %dma_start3A_139] : memref<10000x128xf32, #tpu.memory_space<hbm>> -> memref<10000x128xf32, #tpu.memory_space<hbm>>
        tpu.enqueue_indirect_dma source(%dma_start3A_140 : memref<10000x128xf32, #tpu.memory_space<hbm>>) target(%dma_start3A_134 : memref<125x128xf32, #tpu.memory_space<vmem>>) offsets(%dma_start3A_137 : memref<125xi32, #tpu.memory_space<vmem>>) semaphore(%arg10 : memref<!tpu.dma_semaphore, #tpu.memory_space<semaphore_mem>>)
      } else {
      }
      %add3A_105 = arith.constant 1 : i32
      %add3A_106 = arith.addi %mul3A_81, %add3A_105 : i32
      %dma_wait3A_107 = arith.constant 1 : i32
      %dma_wait3A_108 = arith.constant 0 : i32
      %dma_wait3A_109 = arith.constant 0 : i32
      %dma_wait3A_110 = tpu.memref_slice %arg8[%dma_wait3A_107, %dma_wait3A_108, %dma_wait3A_109] : memref<2x125x128xf32, #tpu.memory_space<vmem>> -> memref<1x125x128xf32, #tpu.memory_space<vmem>>
      %dma_wait3A_111 = tpu.memref_squeeze %dma_wait3A_110 : memref<1x125x128xf32, #tpu.memory_space<vmem>> -> memref<125x128xf32, #tpu.memory_space<vmem>>
      %dma_wait3A_112 = arith.constant 0 : i32
      %dma_wait3A_113 = tpu.memref_slice %arg6[%add3A_106, %dma_wait3A_112] : memref<80x125xi32, #tpu.memory_space<vmem>> -> memref<1x125xi32, #tpu.memory_space<vmem>>
      %dma_wait3A_114 = tpu.memref_squeeze %dma_wait3A_113 : memref<1x125xi32, #tpu.memory_space<vmem>> -> memref<125xi32, #tpu.memory_space<vmem>>
      %dma_wait3A_115 = arith.constant 0 : i32
      %dma_wait3A_116 = arith.constant 0 : i32
      %dma_wait3A_117 = tpu.memref_slice %arg2[%dma_wait3A_115, %dma_wait3A_116] : memref<10000x128xf32, #tpu.memory_space<hbm>> -> memref<10000x128xf32, #tpu.memory_space<hbm>>
      tpu.wait_indirect_dma semaphore(%arg11 : memref<!tpu.dma_semaphore, #tpu.memory_space<semaphore_mem>>) src(%dma_wait3A_117 : memref<10000x128xf32, #tpu.memory_space<hbm>>) dst(%dma_wait3A_111 : memref<125x128xf32, #tpu.memory_space<vmem>>)
      %add3A_118 = arith.constant 1 : i32
      %add3A_119 = arith.addi %rem3A_87, %add3A_118 : i32
      %run_scoped3A_120 = arith.constant 1 : i32
      "tpu.region"() ({
        %run_scoped3A_128 = tpu.sem_alloc : memref<!tpu.dma_semaphore, #tpu.memory_space<semaphore_mem>>
        %dma_start3A_129 = arith.constant 0 : i32
        %dma_start3A_130 = arith.constant 0 : i32
        %dma_start3A_131 = tpu.memref_slice %arg8[%run_scoped3A_120, %dma_start3A_129, %dma_start3A_130] : memref<2x125x128xf32, #tpu.memory_space<vmem>> -> memref<1x125x128xf32, #tpu.memory_space<vmem>>
        %dma_start3A_132 = tpu.memref_squeeze %dma_start3A_131 : memref<1x125x128xf32, #tpu.memory_space<vmem>> -> memref<125x128xf32, #tpu.memory_space<vmem>>
        %dma_start3A_133 = arith.constant 0 : i32
        %dma_start3A_134 = tpu.memref_slice %arg7[%add3A_119, %dma_start3A_133] : memref<40x125xi32, #tpu.memory_space<vmem>> -> memref<1x125xi32, #tpu.memory_space<vmem>>
        %dma_start3A_135 = tpu.memref_squeeze %dma_start3A_134 : memref<1x125xi32, #tpu.memory_space<vmem>> -> memref<125xi32, #tpu.memory_space<vmem>>
        %dma_start3A_136 = arith.constant 0 : i32
        %dma_start3A_137 = arith.constant 0 : i32
        %dma_start3A_138 = tpu.memref_slice %arg9[%dma_start3A_136, %dma_start3A_137] : memref<10000x128xf32, #tpu.memory_space<vmem_shared>> -> memref<10000x128xf32, #tpu.memory_space<vmem_shared>>
        tpu.enqueue_indirect_dma source(%dma_start3A_132 : memref<125x128xf32, #tpu.memory_space<vmem>>) target(%dma_start3A_138 : memref<10000x128xf32, #tpu.memory_space<vmem_shared>>) offsets(%dma_start3A_135 : memref<125xi32, #tpu.memory_space<vmem>>) semaphore(%run_scoped3A_128 : memref<!tpu.dma_semaphore, #tpu.memory_space<semaphore_mem>>) {add = true}
        %dma_wait3A_139 = arith.constant 0 : i32
        %dma_wait3A_140 = arith.constant 0 : i32
        %dma_wait3A_141 = tpu.memref_slice %arg8[%run_scoped3A_120, %dma_wait3A_139, %dma_wait3A_140] : memref<2x125x128xf32, #tpu.memory_space<vmem>> -> memref<1x125x128xf32, #tpu.memory_space<vmem>>
        %dma_wait3A_142 = tpu.memref_squeeze %dma_wait3A_141 : memref<1x125x128xf32, #tpu.memory_space<vmem>> -> memref<125x128xf32, #tpu.memory_space<vmem>>
        %dma_wait3A_143 = arith.constant 0 : i32
        %dma_wait3A_144 = tpu.memref_slice %arg7[%add3A_119, %dma_wait3A_143] : memref<40x125xi32, #tpu.memory_space<vmem>> -> memref<1x125xi32, #tpu.memory_space<vmem>>
        %dma_wait3A_145 = tpu.memref_squeeze %dma_wait3A_144 : memref<1x125xi32, #tpu.memory_space<vmem>> -> memref<125xi32, #tpu.memory_space<vmem>>
        %dma_wait3A_146 = arith.constant 0 : i32
        %dma_wait3A_147 = arith.constant 0 : i32
        %dma_wait3A_148 = tpu.memref_slice %arg9[%dma_wait3A_146, %dma_wait3A_147] : memref<10000x128xf32, #tpu.memory_space<vmem_shared>> -> memref<10000x128xf32, #tpu.memory_space<vmem_shared>>
        tpu.wait_indirect_dma semaphore(%run_scoped3A_128 : memref<!tpu.dma_semaphore, #tpu.memory_space<semaphore_mem>>) src(%dma_wait3A_142 : memref<125x128xf32, #tpu.memory_space<vmem>>) dst(%dma_wait3A_148 : memref<10000x128xf32, #tpu.memory_space<vmem_shared>>)
        tpu.yield
      }) : () -> ()
      %add3A_121 = arith.constant 1 : i32
      %add3A_122 = arith.addi %scan3A_79, %add3A_121 : i32
      %lt3A_123 = arith.constant 40 : i32
      %lt3A_124 = arith.cmpi slt, %add3A_122, %lt3A_123 : i32
      %convert_element_type3A_125 = arith.extui %lt3A_124 : i1 to i32
      %cond3A_126 = arith.constant 0 : i32
      %cond3A_127 = arith.cmpi ne, %convert_element_type3A_125, %cond3A_126 : i32
      scf.if %cond3A_127 {
        %add3A_128 = arith.constant 3 : i32
        %add3A_129 = arith.addi %mul3A_81, %add3A_128 : i32
        %dma_start3A_130 = arith.constant 1 : i32
        %dma_start3A_131 = arith.constant 0 : i32
        %dma_start3A_132 = arith.constant 0 : i32
        %dma_start3A_133 = tpu.memref_slice %arg8[%dma_start3A_130, %dma_start3A_131, %dma_start3A_132] : memref<2x125x128xf32, #tpu.memory_space<vmem>> -> memref<1x125x128xf32, #tpu.memory_space<vmem>>
        %dma_start3A_134 = tpu.memref_squeeze %dma_start3A_133 : memref<1x125x128xf32, #tpu.memory_space<vmem>> -> memref<125x128xf32, #tpu.memory_space<vmem>>
        %dma_start3A_135 = arith.constant 0 : i32
        %dma_start3A_136 = tpu.memref_slice %arg6[%add3A_129, %dma_start3A_135] : memref<80x125xi32, #tpu.memory_space<vmem>> -> memref<1x125xi32, #tpu.memory_space<vmem>>
        %dma_start3A_137 = tpu.memref_squeeze %dma_start3A_136 : memref<1x125xi32, #tpu.memory_space<vmem>> -> memref<125xi32, #tpu.memory_space<vmem>>
        %dma_start3A_138 = arith.constant 0 : i32
        %dma_start3A_139 = arith.constant 0 : i32
        %dma_start3A_140 = tpu.memref_slice %arg2[%dma_start3A_138, %dma_start3A_139] : memref<10000x128xf32, #tpu.memory_space<hbm>> -> memref<10000x128xf32, #tpu.memory_space<hbm>>
        tpu.enqueue_indirect_dma source(%dma_start3A_140 : memref<10000x128xf32, #tpu.memory_space<hbm>>) target(%dma_start3A_134 : memref<125x128xf32, #tpu.memory_space<vmem>>) offsets(%dma_start3A_137 : memref<125xi32, #tpu.memory_space<vmem>>) semaphore(%arg11 : memref<!tpu.dma_semaphore, #tpu.memory_space<semaphore_mem>>)
      } else {
      }
    }
    %scan3A_68 = arith.constant 40 : i32
    %barrier3A_69 = arith.constant 0 : index
    tpu.barrier barrier_id(%barrier3A_69)
    %mul3A_70 = arith.constant 624 : i32
    %mul3A_71 = arith.muli %arg1, %mul3A_70 : i32
    %mul3A_72 = arith.constant 624 : i32
    %mul3A_73 = arith.muli %arg1, %mul3A_72 : i32
    "tpu.region"() ({
      %run_scoped3A_79 = tpu.sem_alloc : memref<!tpu.dma_semaphore, #tpu.memory_space<semaphore_mem>>
      %dma_start3A_80 = arith.constant 0 : i32
      %dma_start3A_81 = tpu.memref_slice %arg5[%arg0, %mul3A_73, %dma_start3A_80] : memref<2x10000x128xf32, #tpu.memory_space<hbm>> -> memref<1x624x128xf32, #tpu.memory_space<hbm>>
      %dma_start3A_82 = tpu.memref_squeeze %dma_start3A_81 : memref<1x624x128xf32, #tpu.memory_space<hbm>> -> memref<624x128xf32, #tpu.memory_space<hbm>>
      %dma_start3A_83 = arith.constant 0 : i32
      %dma_start3A_84 = tpu.memref_slice %arg9[%mul3A_71, %dma_start3A_83] : memref<10000x128xf32, #tpu.memory_space<vmem_shared>> -> memref<624x128xf32, #tpu.memory_space<vmem_shared>>
      tpu.enqueue_dma source(%dma_start3A_84 : memref<624x128xf32, #tpu.memory_space<vmem_shared>>) target(%dma_start3A_82 : memref<624x128xf32, #tpu.memory_space<hbm>>) target_semaphore(%run_scoped3A_79 : memref<!tpu.dma_semaphore, #tpu.memory_space<semaphore_mem>>)
      %dma_wait3A = arith.constant 0 : i32
      %dma_wait3A_85 = tpu.memref_slice %arg5[%arg0, %mul3A_73, %dma_wait3A] : memref<2x10000x128xf32, #tpu.memory_space<hbm>> -> memref<1x624x128xf32, #tpu.memory_space<hbm>>
      %dma_wait3A_86 = tpu.memref_squeeze %dma_wait3A_85 : memref<1x624x128xf32, #tpu.memory_space<hbm>> -> memref<624x128xf32, #tpu.memory_space<hbm>>
      %dma_wait3A_87 = arith.constant 0 : i32
      %dma_wait3A_88 = tpu.memref_slice %arg9[%mul3A_71, %dma_wait3A_87] : memref<10000x128xf32, #tpu.memory_space<vmem_shared>> -> memref<624x128xf32, #tpu.memory_space<vmem_shared>>
      tpu.wait_dma2 semaphore(%run_scoped3A_79 : memref<!tpu.dma_semaphore, #tpu.memory_space<semaphore_mem>>) src(%dma_wait3A_88 : memref<624x128xf32, #tpu.memory_space<vmem_shared>>) dst(%dma_wait3A_86 : memref<624x128xf32, #tpu.memory_space<hbm>>)
      tpu.yield
    }) : () -> ()
    %eq3A_74 = arith.constant 0 : i32
    %eq3A_75 = arith.cmpi eq, %arg1, %eq3A_74 : i32
    %convert_element_type3A_76 = arith.extui %eq3A_75 : i1 to i32
    %cond3A_77 = arith.constant 0 : i32
    %cond3A_78 = arith.cmpi ne, %convert_element_type3A_76, %cond3A_77 : i32
    scf.if %cond3A_78 {
      "tpu.region"() ({
        %run_scoped3A_79 = tpu.sem_alloc : memref<!tpu.dma_semaphore, #tpu.memory_space<semaphore_mem>>
        %dma_start3A_80 = arith.constant 9984 : i32
        %dma_start3A_81 = arith.constant 0 : i32
        %dma_start3A_82 = tpu.memref_slice %arg5[%arg0, %dma_start3A_80, %dma_start3A_81] : memref<2x10000x128xf32, #tpu.memory_space<hbm>> -> memref<1x16x128xf32, #tpu.memory_space<hbm>>
        %dma_start3A_83 = tpu.memref_squeeze %dma_start3A_82 : memref<1x16x128xf32, #tpu.memory_space<hbm>> -> memref<16x128xf32, #tpu.memory_space<hbm>>
        %dma_start3A_84 = arith.constant 9984 : i32
        %dma_start3A_85 = arith.constant 0 : i32
        %dma_start3A_86 = tpu.memref_slice %arg9[%dma_start3A_84, %dma_start3A_85] : memref<10000x128xf32, #tpu.memory_space<vmem_shared>> -> memref<16x128xf32, #tpu.memory_space<vmem_shared>>
        tpu.enqueue_dma source(%dma_start3A_86 : memref<16x128xf32, #tpu.memory_space<vmem_shared>>) target(%dma_start3A_83 : memref<16x128xf32, #tpu.memory_space<hbm>>) target_semaphore(%run_scoped3A_79 : memref<!tpu.dma_semaphore, #tpu.memory_space<semaphore_mem>>)
        %dma_wait3A = arith.constant 9984 : i32
        %dma_wait3A_87 = arith.constant 0 : i32
        %dma_wait3A_88 = tpu.memref_slice %arg5[%arg0, %dma_wait3A, %dma_wait3A_87] : memref<2x10000x128xf32, #tpu.memory_space<hbm>> -> memref<1x16x128xf32, #tpu.memory_space<hbm>>
        %dma_wait3A_89 = tpu.memref_squeeze %dma_wait3A_88 : memref<1x16x128xf32, #tpu.memory_space<hbm>> -> memref<16x128xf32, #tpu.memory_space<hbm>>
        %dma_wait3A_90 = arith.constant 9984 : i32
        %dma_wait3A_91 = arith.constant 0 : i32
        %dma_wait3A_92 = tpu.memref_slice %arg9[%dma_wait3A_90, %dma_wait3A_91] : memref<10000x128xf32, #tpu.memory_space<vmem_shared>> -> memref<16x128xf32, #tpu.memory_space<vmem_shared>>
        tpu.wait_dma2 semaphore(%run_scoped3A_79 : memref<!tpu.dma_semaphore, #tpu.memory_space<semaphore_mem>>) src(%dma_wait3A_92 : memref<16x128xf32, #tpu.memory_space<vmem_shared>>) dst(%dma_wait3A_89 : memref<16x128xf32, #tpu.memory_space<hbm>>)
        tpu.yield
      }) : () -> ()
    } else {
    }
    return
  }
}

#map = affine_map<(d0, d1) -> (0, 0)>
#map1 = affine_map<(d0, d1) -> (0, 0, 0)>
module attributes {stable_mosaic.version = 14 : i64} {
  func.func @_sc_gather_scatter(%arg0: i32, %arg1: i32, %arg2: memref<10000x128xf32, #tpu.memory_space<hbm>>, %arg3: memref<2560x125xi32, #tpu.memory_space<hbm>>, %arg4: memref<2560x125xi32, #tpu.memory_space<hbm>>, %arg5: memref<2x10000x128xf32, #tpu.memory_space<hbm>>, %arg6: memref<80x125xi32, #tpu.memory_space<vmem>>, %arg7: memref<40x125xi32, #tpu.memory_space<vmem>>, %arg8: memref<2x125x128xf32, #tpu.memory_space<vmem>>, %arg9: memref<10000x128xf32, #tpu.memory_space<vmem_shared>>, %arg10: memref<!tpu.dma_semaphore, #tpu.memory_space<semaphore_mem>>, %arg11: memref<!tpu.dma_semaphore, #tpu.memory_space<semaphore_mem>>, %arg12: memref<!tpu.dma_semaphore, #tpu.memory_space<semaphore_mem>>, %arg13: memref<!tpu.dma_semaphore, #tpu.memory_space<semaphore_mem>>) attributes {dimension_semantics = [#tpu.dimension_semantics<core_parallel>, #tpu.dimension_semantics<subcore_parallel>], iteration_bounds = array<i64: 2, 16>, scalar_prefetch = 0 : i64, scratch_operands = 8 : i64, tpu.core_type = #tpu.core_type<sc_vector_subcore>, window_params = [{transform_indices = #map}, {transform_indices = #map}, {transform_indices = #map}, {transform_indices = #map1}]} {
    %mul3A = arith.constant 16 : i32
    %mul3A_0 = arith.muli %arg0, %mul3A : i32
    %add3A = arith.addi %mul3A_0, %arg1 : i32
    %mul3A_1 = arith.constant 80 : i32
    %mul3A_2 = arith.muli %add3A, %mul3A_1 : i32
    "tpu.region"() ({
      %run_scoped3A_79 = tpu.sem_alloc : memref<!tpu.dma_semaphore, #tpu.memory_space<semaphore_mem>>
      %dma_start3A_80 = arith.constant 0 : i32
      %dma_start3A_81 = tpu.memref_slice %arg3[%mul3A_2, %dma_start3A_80] : memref<2560x125xi32, #tpu.memory_space<hbm>> -> memref<80x125xi32, #tpu.memory_space<hbm>>
      %dma_start3A_82 = arith.constant 0 : i32
      %dma_start3A_83 = tpu.memref_slice %arg3[%mul3A_2, %dma_start3A_82] : memref<2560x125xi32, #tpu.memory_space<hbm>> -> memref<80x125xi32, #tpu.memory_space<hbm>>
      tpu.enqueue_dma source(%dma_start3A_83 : memref<80x125xi32, #tpu.memory_space<hbm>>) target(%arg6 : memref<80x125xi32, #tpu.memory_space<vmem>>) target_semaphore(%run_scoped3A_79 : memref<!tpu.dma_semaphore, #tpu.memory_space<semaphore_mem>>)
      %dma_wait3A = arith.constant 0 : i32
      %dma_wait3A_84 = tpu.memref_slice %arg3[%mul3A_2, %dma_wait3A] : memref<2560x125xi32, #tpu.memory_space<hbm>> -> memref<80x125xi32, #tpu.memory_space<hbm>>
      %dma_wait3A_85 = arith.constant 0 : i32
      %dma_wait3A_86 = tpu.memref_slice %arg3[%mul3A_2, %dma_wait3A_85] : memref<2560x125xi32, #tpu.memory_space<hbm>> -> memref<80x125xi32, #tpu.memory_space<hbm>>
      tpu.wait_dma2 semaphore(%run_scoped3A_79 : memref<!tpu.dma_semaphore, #tpu.memory_space<semaphore_mem>>) src(%dma_wait3A_86 : memref<80x125xi32, #tpu.memory_space<hbm>>) dst(%arg6 : memref<80x125xi32, #tpu.memory_space<vmem>>)
      tpu.yield
    }) : () -> ()
    "tpu.region"() ({
      %run_scoped3A_79 = tpu.sem_alloc : memref<!tpu.dma_semaphore, #tpu.memory_space<semaphore_mem>>
      %dma_start3A_80 = arith.constant 0 : i32
      %dma_start3A_81 = tpu.memref_slice %arg4[%mul3A_2, %dma_start3A_80] : memref<2560x125xi32, #tpu.memory_space<hbm>> -> memref<40x125xi32, #tpu.memory_space<hbm>>
      %dma_start3A_82 = arith.constant 0 : i32
      %dma_start3A_83 = tpu.memref_slice %arg4[%mul3A_2, %dma_start3A_82] : memref<2560x125xi32, #tpu.memory_space<hbm>> -> memref<40x125xi32, #tpu.memory_space<hbm>>
      tpu.enqueue_dma source(%dma_start3A_83 : memref<40x125xi32, #tpu.memory_space<hbm>>) target(%arg7 : memref<40x125xi32, #tpu.memory_space<vmem>>) target_semaphore(%run_scoped3A_79 : memref<!tpu.dma_semaphore, #tpu.memory_space<semaphore_mem>>)
      %dma_wait3A = arith.constant 0 : i32
      %dma_wait3A_84 = tpu.memref_slice %arg4[%mul3A_2, %dma_wait3A] : memref<2560x125xi32, #tpu.memory_space<hbm>> -> memref<40x125xi32, #tpu.memory_space<hbm>>
      %dma_wait3A_85 = arith.constant 0 : i32
      %dma_wait3A_86 = tpu.memref_slice %arg4[%mul3A_2, %dma_wait3A_85] : memref<2560x125xi32, #tpu.memory_space<hbm>> -> memref<40x125xi32, #tpu.memory_space<hbm>>
      tpu.wait_dma2 semaphore(%run_scoped3A_79 : memref<!tpu.dma_semaphore, #tpu.memory_space<semaphore_mem>>) src(%dma_wait3A_86 : memref<40x125xi32, #tpu.memory_space<hbm>>) dst(%arg7 : memref<40x125xi32, #tpu.memory_space<vmem>>)
      tpu.yield
    }) : () -> ()
    %broadcast_in_dim3A = arith.constant 0.000000e+00 : f32
    %broadcast_in_dim3A_3 = vector.broadcast %broadcast_in_dim3A : f32 to vector<16xf32>
    %scan3A = arith.constant 0 : i32
    %scan3A_4 = arith.constant 0 : i32
    %scan3A_5 = arith.constant 125 : i32
    %scan3A_6 = arith.addi %scan3A_4, %scan3A_5 : i32
    %scan3A_7 = arith.constant 1 : i32
    scf.for %scan3A_79 = %scan3A_4 to %scan3A_6 step %scan3A_7  : i32 {
      %swap3A = arith.constant 0 : i32
      %swap3A_80 = arith.index_cast %swap3A : i32 to index
      %swap3A_81 = arith.index_cast %scan3A_79 : i32 to index
      %swap3A_82 = arith.constant 0 : index
      %swap3A_83 = tpu.vector_load %arg8[%swap3A_80, %swap3A_81, %swap3A_82] {strides = array<i32>} : memref<2x125x128xf32, #tpu.memory_space<vmem>>, vector<1x1x16xf32>,
      %swap3A_84 = vector.shape_cast %swap3A_83 : vector<1x1x16xf32> to vector<16xf32>
      %swap3A_85 = vector.shape_cast %broadcast_in_dim3A_3 : vector<16xf32> to vector<1x1x16xf32>
      tpu.vector_store %arg8[%swap3A_80, %swap3A_81, %swap3A_82], %swap3A_85 {strides = array<i32>} : memref<2x125x128xf32, #tpu.memory_space<vmem>>, vector<1x1x16xf32>,
      %swap3A_86 = arith.constant 0 : i32
      %swap3A_87 = arith.index_cast %swap3A_86 : i32 to index
      %swap3A_88 = arith.index_cast %scan3A_79 : i32 to index
      %swap3A_89 = arith.constant 16 : index
      %swap3A_90 = tpu.vector_load %arg8[%swap3A_87, %swap3A_88, %swap3A_89] {strides = array<i32>} : memref<2x125x128xf32, #tpu.memory_space<vmem>>, vector<1x1x16xf32>,
      %swap3A_91 = vector.shape_cast %swap3A_90 : vector<1x1x16xf32> to vector<16xf32>
      %swap3A_92 = vector.shape_cast %broadcast_in_dim3A_3 : vector<16xf32> to vector<1x1x16xf32>
      tpu.vector_store %arg8[%swap3A_87, %swap3A_88, %swap3A_89], %swap3A_92 {strides = array<i32>} : memref<2x125x128xf32, #tpu.memory_space<vmem>>, vector<1x1x16xf32>,
      %swap3A_93 = arith.constant 0 : i32
      %swap3A_94 = arith.index_cast %swap3A_93 : i32 to index
      %swap3A_95 = arith.index_cast %scan3A_79 : i32 to index
      %swap3A_96 = arith.constant 32 : index
      %swap3A_97 = tpu.vector_load %arg8[%swap3A_94, %swap3A_95, %swap3A_96] {strides = array<i32>} : memref<2x125x128xf32, #tpu.memory_space<vmem>>, vector<1x1x16xf32>,
      %swap3A_98 = vector.shape_cast %swap3A_97 : vector<1x1x16xf32> to vector<16xf32>
      %swap3A_99 = vector.shape_cast %broadcast_in_dim3A_3 : vector<16xf32> to vector<1x1x16xf32>
      tpu.vector_store %arg8[%swap3A_94, %swap3A_95, %swap3A_96], %swap3A_99 {strides = array<i32>} : memref<2x125x128xf32, #tpu.memory_space<vmem>>, vector<1x1x16xf32>,
      %swap3A_100 = arith.constant 0 : i32
      %swap3A_101 = arith.index_cast %swap3A_100 : i32 to index
      %swap3A_102 = arith.index_cast %scan3A_79 : i32 to index
      %swap3A_103 = arith.constant 48 : index
      %swap3A_104 = tpu.vector_load %arg8[%swap3A_101, %swap3A_102, %swap3A_103] {strides = array<i32>} : memref<2x125x128xf32, #tpu.memory_space<vmem>>, vector<1x1x16xf32>,
      %swap3A_105 = vector.shape_cast %swap3A_104 : vector<1x1x16xf32> to vector<16xf32>
      %swap3A_106 = vector.shape_cast %broadcast_in_dim3A_3 : vector<16xf32> to vector<1x1x16xf32>
      tpu.vector_store %arg8[%swap3A_101, %swap3A_102, %swap3A_103], %swap3A_106 {strides = array<i32>} : memref<2x125x128xf32, #tpu.memory_space<vmem>>, vector<1x1x16xf32>,
      %swap3A_107 = arith.constant 0 : i32
      %swap3A_108 = arith.index_cast %swap3A_107 : i32 to index
      %swap3A_109 = arith.index_cast %scan3A_79 : i32 to index
      %swap3A_110 = arith.constant 64 : index
      %swap3A_111 = tpu.vector_load %arg8[%swap3A_108, %swap3A_109, %swap3A_110] {strides = array<i32>} : memref<2x125x128xf32, #tpu.memory_space<vmem>>, vector<1x1x16xf32>,
      %swap3A_112 = vector.shape_cast %swap3A_111 : vector<1x1x16xf32> to vector<16xf32>
      %swap3A_113 = vector.shape_cast %broadcast_in_dim3A_3 : vector<16xf32> to vector<1x1x16xf32>
      tpu.vector_store %arg8[%swap3A_108, %swap3A_109, %swap3A_110], %swap3A_113 {strides = array<i32>} : memref<2x125x128xf32, #tpu.memory_space<vmem>>, vector<1x1x16xf32>,
      %swap3A_114 = arith.constant 0 : i32
      %swap3A_115 = arith.index_cast %swap3A_114 : i32 to index
      %swap3A_116 = arith.index_cast %scan3A_79 : i32 to index
      %swap3A_117 = arith.constant 80 : index
      %swap3A_118 = tpu.vector_load %arg8[%swap3A_115, %swap3A_116, %swap3A_117] {strides = array<i32>} : memref<2x125x128xf32, #tpu.memory_space<vmem>>, vector<1x1x16xf32>,
      %swap3A_119 = vector.shape_cast %swap3A_118 : vector<1x1x16xf32> to vector<16xf32>
      %swap3A_120 = vector.shape_cast %broadcast_in_dim3A_3 : vector<16xf32> to vector<1x1x16xf32>
      tpu.vector_store %arg8[%swap3A_115, %swap3A_116, %swap3A_117], %swap3A_120 {strides = array<i32>} : memref<2x125x128xf32, #tpu.memory_space<vmem>>, vector<1x1x16xf32>,
      %swap3A_121 = arith.constant 0 : i32
      %swap3A_122 = arith.index_cast %swap3A_121 : i32 to index
      %swap3A_123 = arith.index_cast %scan3A_79 : i32 to index
      %swap3A_124 = arith.constant 96 : index
      %swap3A_125 = tpu.vector_load %arg8[%swap3A_122, %swap3A_123, %swap3A_124] {strides = array<i32>} : memref<2x125x128xf32, #tpu.memory_space<vmem>>, vector<1x1x16xf32>,
      %swap3A_126 = vector.shape_cast %swap3A_125 : vector<1x1x16xf32> to vector<16xf32>
      %swap3A_127 = vector.shape_cast %broadcast_in_dim3A_3 : vector<16xf32> to vector<1x1x16xf32>
      tpu.vector_store %arg8[%swap3A_122, %swap3A_123, %swap3A_124], %swap3A_127 {strides = array<i32>} : memref<2x125x128xf32, #tpu.memory_space<vmem>>, vector<1x1x16xf32>,
      %swap3A_128 = arith.constant 0 : i32
      %swap3A_129 = arith.index_cast %swap3A_128 : i32 to index
      %swap3A_130 = arith.index_cast %scan3A_79 : i32 to index
      %swap3A_131 = arith.constant 112 : index
      %swap3A_132 = tpu.vector_load %arg8[%swap3A_129, %swap3A_130, %swap3A_131] {strides = array<i32>} : memref<2x125x128xf32, #tpu.memory_space<vmem>>, vector<1x1x16xf32>,
      %swap3A_133 = vector.shape_cast %swap3A_132 : vector<1x1x16xf32> to vector<16xf32>
      %swap3A_134 = vector.shape_cast %broadcast_in_dim3A_3 : vector<16xf32> to vector<1x1x16xf32>
      tpu.vector_store %arg8[%swap3A_129, %swap3A_130, %swap3A_131], %swap3A_134 {strides = array<i32>} : memref<2x125x128xf32, #tpu.memory_space<vmem>>, vector<1x1x16xf32>,
    }
    %scan3A_8 = arith.constant 125 : i32
    %mul3A_9 = arith.constant 624 : i32
    %mul3A_10 = arith.muli %arg1, %mul3A_9 : i32
    %add3A_11 = arith.constant 0 : i32
    %add3A_12 = arith.addi %mul3A_10, %add3A_11 : i32
    %run_scoped3A = arith.constant 0 : i32
    "tpu.region"() ({
      %run_scoped3A_79 = tpu.sem_alloc : memref<!tpu.dma_semaphore, #tpu.memory_space<semaphore_mem>>
      %dma_start3A_80 = arith.constant 0 : i32
      %dma_start3A_81 = arith.constant 0 : i32
      %dma_start3A_82 = tpu.memref_slice %arg8[%run_scoped3A, %dma_start3A_80, %dma_start3A_81] : memref<2x125x128xf32, #tpu.memory_space<vmem>> -> memref<1x120x128xf32, #tpu.memory_space<vmem>>
      %dma_start3A_83 = tpu.memref_squeeze %dma_start3A_82 : memref<1x120x128xf32, #tpu.memory_space<vmem>> -> memref<120x128xf32, #tpu.memory_space<vmem>>
      %dma_start3A_84 = arith.constant 0 : i32
      %dma_start3A_85 = tpu.memref_slice %arg9[%add3A_12, %dma_start3A_84] : memref<10000x128xf32, #tpu.memory_space<vmem_shared>> -> memref<120x128xf32, #tpu.memory_space<vmem_shared>>
      %dma_start3A_86 = arith.constant 0 : i32
      %dma_start3A_87 = tpu.memref_slice %arg9[%add3A_12, %dma_start3A_86] : memref<10000x128xf32, #tpu.memory_space<vmem_shared>> -> memref<120x128xf32, #tpu.memory_space<vmem_shared>>
      %dma_start3A_88 = arith.constant 0 : i32
      %dma_start3A_89 = arith.constant 0 : i32
      %dma_start3A_90 = tpu.memref_slice %arg8[%run_scoped3A, %dma_start3A_88, %dma_start3A_89] : memref<2x125x128xf32, #tpu.memory_space<vmem>> -> memref<1x120x128xf32, #tpu.memory_space<vmem>>
      %dma_start3A_91 = tpu.memref_squeeze %dma_start3A_90 : memref<1x120x128xf32, #tpu.memory_space<vmem>> -> memref<120x128xf32, #tpu.memory_space<vmem>>
      tpu.enqueue_dma source(%dma_start3A_91 : memref<120x128xf32, #tpu.memory_space<vmem>>) target(%dma_start3A_87 : memref<120x128xf32, #tpu.memory_space<vmem_shared>>) target_semaphore(%run_scoped3A_79 : memref<!tpu.dma_semaphore, #tpu.memory_space<semaphore_mem>>)
      %dma_wait3A = arith.constant 0 : i32
      %dma_wait3A_92 = arith.constant 0 : i32
      %dma_wait3A_93 = tpu.memref_slice %arg8[%run_scoped3A, %dma_wait3A, %dma_wait3A_92] : memref<2x125x128xf32, #tpu.memory_space<vmem>> -> memref<1x120x128xf32, #tpu.memory_space<vmem>>
      %dma_wait3A_94 = tpu.memref_squeeze %dma_wait3A_93 : memref<1x120x128xf32, #tpu.memory_space<vmem>> -> memref<120x128xf32, #tpu.memory_space<vmem>>
      %dma_wait3A_95 = arith.constant 0 : i32
      %dma_wait3A_96 = tpu.memref_slice %arg9[%add3A_12, %dma_wait3A_95] : memref<10000x128xf32, #tpu.memory_space<vmem_shared>> -> memref<120x128xf32, #tpu.memory_space<vmem_shared>>
      %dma_wait3A_97 = arith.constant 0 : i32
      %dma_wait3A_98 = tpu.memref_slice %arg9[%add3A_12, %dma_wait3A_97] : memref<10000x128xf32, #tpu.memory_space<vmem_shared>> -> memref<120x128xf32, #tpu.memory_space<vmem_shared>>
      %dma_wait3A_99 = arith.constant 0 : i32
      %dma_wait3A_100 = arith.constant 0 : i32
      %dma_wait3A_101 = tpu.memref_slice %arg8[%run_scoped3A, %dma_wait3A_99, %dma_wait3A_100] : memref<2x125x128xf32, #tpu.memory_space<vmem>> -> memref<1x120x128xf32, #tpu.memory_space<vmem>>
      %dma_wait3A_102 = tpu.memref_squeeze %dma_wait3A_101 : memref<1x120x128xf32, #tpu.memory_space<vmem>> -> memref<120x128xf32, #tpu.memory_space<vmem>>
      tpu.wait_dma2 semaphore(%run_scoped3A_79 : memref<!tpu.dma_semaphore, #tpu.memory_space<semaphore_mem>>) src(%dma_wait3A_102 : memref<120x128xf32, #tpu.memory_space<vmem>>) dst(%dma_wait3A_98 : memref<120x128xf32, #tpu.memory_space<vmem_shared>>)
      tpu.yield
    }) : () -> ()
    %mul3A_13 = arith.constant 624 : i32
    %mul3A_14 = arith.muli %arg1, %mul3A_13 : i32
    %add3A_15 = arith.constant 120 : i32
    %add3A_16 = arith.addi %mul3A_14, %add3A_15 : i32
    %run_scoped3A_17 = arith.constant 0 : i32
    "tpu.region"() ({
      %run_scoped3A_79 = tpu.sem_alloc : memref<!tpu.dma_semaphore, #tpu.memory_space<semaphore_mem>>
      %dma_start3A_80 = arith.constant 0 : i32
      %dma_start3A_81 = arith.constant 0 : i32
      %dma_start3A_82 = tpu.memref_slice %arg8[%run_scoped3A_17, %dma_start3A_80, %dma_start3A_81] : memref<2x125x128xf32, #tpu.memory_space<vmem>> -> memref<1x120x128xf32, #tpu.memory_space<vmem>>
      %dma_start3A_83 = tpu.memref_squeeze %dma_start3A_82 : memref<1x120x128xf32, #tpu.memory_space<vmem>> -> memref<120x128xf32, #tpu.memory_space<vmem>>
      %dma_start3A_84 = arith.constant 0 : i32
      %dma_start3A_85 = tpu.memref_slice %arg9[%add3A_16, %dma_start3A_84] : memref<10000x128xf32, #tpu.memory_space<vmem_shared>> -> memref<120x128xf32, #tpu.memory_space<vmem_shared>>
      %dma_start3A_86 = arith.constant 0 : i32
      %dma_start3A_87 = tpu.memref_slice %arg9[%add3A_16, %dma_start3A_86] : memref<10000x128xf32, #tpu.memory_space<vmem_shared>> -> memref<120x128xf32, #tpu.memory_space<vmem_shared>>
      %dma_start3A_88 = arith.constant 0 : i32
      %dma_start3A_89 = arith.constant 0 : i32
      %dma_start3A_90 = tpu.memref_slice %arg8[%run_scoped3A_17, %dma_start3A_88, %dma_start3A_89] : memref<2x125x128xf32, #tpu.memory_space<vmem>> -> memref<1x120x128xf32, #tpu.memory_space<vmem>>
      %dma_start3A_91 = tpu.memref_squeeze %dma_start3A_90 : memref<1x120x128xf32, #tpu.memory_space<vmem>> -> memref<120x128xf32, #tpu.memory_space<vmem>>
      tpu.enqueue_dma source(%dma_start3A_91 : memref<120x128xf32, #tpu.memory_space<vmem>>) target(%dma_start3A_87 : memref<120x128xf32, #tpu.memory_space<vmem_shared>>) target_semaphore(%run_scoped3A_79 : memref<!tpu.dma_semaphore, #tpu.memory_space<semaphore_mem>>)
      %dma_wait3A = arith.constant 0 : i32
      %dma_wait3A_92 = arith.constant 0 : i32
      %dma_wait3A_93 = tpu.memref_slice %arg8[%run_scoped3A_17, %dma_wait3A, %dma_wait3A_92] : memref<2x125x128xf32, #tpu.memory_space<vmem>> -> memref<1x120x128xf32, #tpu.memory_space<vmem>>
      %dma_wait3A_94 = tpu.memref_squeeze %dma_wait3A_93 : memref<1x120x128xf32, #tpu.memory_space<vmem>> -> memref<120x128xf32, #tpu.memory_space<vmem>>
      %dma_wait3A_95 = arith.constant 0 : i32
      %dma_wait3A_96 = tpu.memref_slice %arg9[%add3A_16, %dma_wait3A_95] : memref<10000x128xf32, #tpu.memory_space<vmem_shared>> -> memref<120x128xf32, #tpu.memory_space<vmem_shared>>
      %dma_wait3A_97 = arith.constant 0 : i32
      %dma_wait3A_98 = tpu.memref_slice %arg9[%add3A_16, %dma_wait3A_97] : memref<10000x128xf32, #tpu.memory_space<vmem_shared>> -> memref<120x128xf32, #tpu.memory_space<vmem_shared>>
      %dma_wait3A_99 = arith.constant 0 : i32
      %dma_wait3A_100 = arith.constant 0 : i32
      %dma_wait3A_101 = tpu.memref_slice %arg8[%run_scoped3A_17, %dma_wait3A_99, %dma_wait3A_100] : memref<2x125x128xf32, #tpu.memory_space<vmem>> -> memref<1x120x128xf32, #tpu.memory_space<vmem>>
      %dma_wait3A_102 = tpu.memref_squeeze %dma_wait3A_101 : memref<1x120x128xf32, #tpu.memory_space<vmem>> -> memref<120x128xf32, #tpu.memory_space<vmem>>
      tpu.wait_dma2 semaphore(%run_scoped3A_79 : memref<!tpu.dma_semaphore, #tpu.memory_space<semaphore_mem>>) src(%dma_wait3A_102 : memref<120x128xf32, #tpu.memory_space<vmem>>) dst(%dma_wait3A_98 : memref<120x128xf32, #tpu.memory_space<vmem_shared>>)
      tpu.yield
    }) : () -> ()
    %mul3A_18 = arith.constant 624 : i32
    %mul3A_19 = arith.muli %arg1, %mul3A_18 : i32
    %add3A_20 = arith.constant 240 : i32
    %add3A_21 = arith.addi %mul3A_19, %add3A_20 : i32
    %run_scoped3A_22 = arith.constant 0 : i32
    "tpu.region"() ({
      %run_scoped3A_79 = tpu.sem_alloc : memref<!tpu.dma_semaphore, #tpu.memory_space<semaphore_mem>>
      %dma_start3A_80 = arith.constant 0 : i32
      %dma_start3A_81 = arith.constant 0 : i32
      %dma_start3A_82 = tpu.memref_slice %arg8[%run_scoped3A_22, %dma_start3A_80, %dma_start3A_81] : memref<2x125x128xf32, #tpu.memory_space<vmem>> -> memref<1x120x128xf32, #tpu.memory_space<vmem>>
      %dma_start3A_83 = tpu.memref_squeeze %dma_start3A_82 : memref<1x120x128xf32, #tpu.memory_space<vmem>> -> memref<120x128xf32, #tpu.memory_space<vmem>>
      %dma_start3A_84 = arith.constant 0 : i32
      %dma_start3A_85 = tpu.memref_slice %arg9[%add3A_21, %dma_start3A_84] : memref<10000x128xf32, #tpu.memory_space<vmem_shared>> -> memref<120x128xf32, #tpu.memory_space<vmem_shared>>
      %dma_start3A_86 = arith.constant 0 : i32
      %dma_start3A_87 = tpu.memref_slice %arg9[%add3A_21, %dma_start3A_86] : memref<10000x128xf32, #tpu.memory_space<vmem_shared>> -> memref<120x128xf32, #tpu.memory_space<vmem_shared>>
      %dma_start3A_88 = arith.constant 0 : i32
      %dma_start3A_89 = arith.constant 0 : i32
      %dma_start3A_90 = tpu.memref_slice %arg8[%run_scoped3A_22, %dma_start3A_88, %dma_start3A_89] : memref<2x125x128xf32, #tpu.memory_space<vmem>> -> memref<1x120x128xf32, #tpu.memory_space<vmem>>
      %dma_start3A_91 = tpu.memref_squeeze %dma_start3A_90 : memref<1x120x128xf32, #tpu.memory_space<vmem>> -> memref<120x128xf32, #tpu.memory_space<vmem>>
      tpu.enqueue_dma source(%dma_start3A_91 : memref<120x128xf32, #tpu.memory_space<vmem>>) target(%dma_start3A_87 : memref<120x128xf32, #tpu.memory_space<vmem_shared>>) target_semaphore(%run_scoped3A_79 : memref<!tpu.dma_semaphore, #tpu.memory_space<semaphore_mem>>)
      %dma_wait3A = arith.constant 0 : i32
      %dma_wait3A_92 = arith.constant 0 : i32
      %dma_wait3A_93 = tpu.memref_slice %arg8[%run_scoped3A_22, %dma_wait3A, %dma_wait3A_92] : memref<2x125x128xf32, #tpu.memory_space<vmem>> -> memref<1x120x128xf32, #tpu.memory_space<vmem>>
      %dma_wait3A_94 = tpu.memref_squeeze %dma_wait3A_93 : memref<1x120x128xf32, #tpu.memory_space<vmem>> -> memref<120x128xf32, #tpu.memory_space<vmem>>
      %dma_wait3A_95 = arith.constant 0 : i32
      %dma_wait3A_96 = tpu.memref_slice %arg9[%add3A_21, %dma_wait3A_95] : memref<10000x128xf32, #tpu.memory_space<vmem_shared>> -> memref<120x128xf32, #tpu.memory_space<vmem_shared>>
      %dma_wait3A_97 = arith.constant 0 : i32
      %dma_wait3A_98 = tpu.memref_slice %arg9[%add3A_21, %dma_wait3A_97] : memref<10000x128xf32, #tpu.memory_space<vmem_shared>> -> memref<120x128xf32, #tpu.memory_space<vmem_shared>>
      %dma_wait3A_99 = arith.constant 0 : i32
      %dma_wait3A_100 = arith.constant 0 : i32
      %dma_wait3A_101 = tpu.memref_slice %arg8[%run_scoped3A_22, %dma_wait3A_99, %dma_wait3A_100] : memref<2x125x128xf32, #tpu.memory_space<vmem>> -> memref<1x120x128xf32, #tpu.memory_space<vmem>>
      %dma_wait3A_102 = tpu.memref_squeeze %dma_wait3A_101 : memref<1x120x128xf32, #tpu.memory_space<vmem>> -> memref<120x128xf32, #tpu.memory_space<vmem>>
      tpu.wait_dma2 semaphore(%run_scoped3A_79 : memref<!tpu.dma_semaphore, #tpu.memory_space<semaphore_mem>>) src(%dma_wait3A_102 : memref<120x128xf32, #tpu.memory_space<vmem>>) dst(%dma_wait3A_98 : memref<120x128xf32, #tpu.memory_space<vmem_shared>>)
      tpu.yield
    }) : () -> ()
    %mul3A_23 = arith.constant 624 : i32
    %mul3A_24 = arith.muli %arg1, %mul3A_23 : i32
    %add3A_25 = arith.constant 360 : i32
    %add3A_26 = arith.addi %mul3A_24, %add3A_25 : i32
    %run_scoped3A_27 = arith.constant 0 : i32
    "tpu.region"() ({
      %run_scoped3A_79 = tpu.sem_alloc : memref<!tpu.dma_semaphore, #tpu.memory_space<semaphore_mem>>
      %dma_start3A_80 = arith.constant 0 : i32
      %dma_start3A_81 = arith.constant 0 : i32
      %dma_start3A_82 = tpu.memref_slice %arg8[%run_scoped3A_27, %dma_start3A_80, %dma_start3A_81] : memref<2x125x128xf32, #tpu.memory_space<vmem>> -> memref<1x120x128xf32, #tpu.memory_space<vmem>>
      %dma_start3A_83 = tpu.memref_squeeze %dma_start3A_82 : memref<1x120x128xf32, #tpu.memory_space<vmem>> -> memref<120x128xf32, #tpu.memory_space<vmem>>
      %dma_start3A_84 = arith.constant 0 : i32
      %dma_start3A_85 = tpu.memref_slice %arg9[%add3A_26, %dma_start3A_84] : memref<10000x128xf32, #tpu.memory_space<vmem_shared>> -> memref<120x128xf32, #tpu.memory_space<vmem_shared>>
      %dma_start3A_86 = arith.constant 0 : i32
      %dma_start3A_87 = tpu.memref_slice %arg9[%add3A_26, %dma_start3A_86] : memref<10000x128xf32, #tpu.memory_space<vmem_shared>> -> memref<120x128xf32, #tpu.memory_space<vmem_shared>>
      %dma_start3A_88 = arith.constant 0 : i32
      %dma_start3A_89 = arith.constant 0 : i32
      %dma_start3A_90 = tpu.memref_slice %arg8[%run_scoped3A_27, %dma_start3A_88, %dma_start3A_89] : memref<2x125x128xf32, #tpu.memory_space<vmem>> -> memref<1x120x128xf32, #tpu.memory_space<vmem>>
      %dma_start3A_91 = tpu.memref_squeeze %dma_start3A_90 : memref<1x120x128xf32, #tpu.memory_space<vmem>> -> memref<120x128xf32, #tpu.memory_space<vmem>>
      tpu.enqueue_dma source(%dma_start3A_91 : memref<120x128xf32, #tpu.memory_space<vmem>>) target(%dma_start3A_87 : memref<120x128xf32, #tpu.memory_space<vmem_shared>>) target_semaphore(%run_scoped3A_79 : memref<!tpu.dma_semaphore, #tpu.memory_space<semaphore_mem>>)
      %dma_wait3A = arith.constant 0 : i32
      %dma_wait3A_92 = arith.constant 0 : i32
      %dma_wait3A_93 = tpu.memref_slice %arg8[%run_scoped3A_27, %dma_wait3A, %dma_wait3A_92] : memref<2x125x128xf32, #tpu.memory_space<vmem>> -> memref<1x120x128xf32, #tpu.memory_space<vmem>>
      %dma_wait3A_94 = tpu.memref_squeeze %dma_wait3A_93 : memref<1x120x128xf32, #tpu.memory_space<vmem>> -> memref<120x128xf32, #tpu.memory_space<vmem>>
      %dma_wait3A_95 = arith.constant 0 : i32
      %dma_wait3A_96 = tpu.memref_slice %arg9[%add3A_26, %dma_wait3A_95] : memref<10000x128xf32, #tpu.memory_space<vmem_shared>> -> memref<120x128xf32, #tpu.memory_space<vmem_shared>>
      %dma_wait3A_97 = arith.constant 0 : i32
      %dma_wait3A_98 = tpu.memref_slice %arg9[%add3A_26, %dma_wait3A_97] : memref<10000x128xf32, #tpu.memory_space<vmem_shared>> -> memref<120x128xf32, #tpu.memory_space<vmem_shared>>
      %dma_wait3A_99 = arith.constant 0 : i32
      %dma_wait3A_100 = arith.constant 0 : i32
      %dma_wait3A_101 = tpu.memref_slice %arg8[%run_scoped3A_27, %dma_wait3A_99, %dma_wait3A_100] : memref<2x125x128xf32, #tpu.memory_space<vmem>> -> memref<1x120x128xf32, #tpu.memory_space<vmem>>
      %dma_wait3A_102 = tpu.memref_squeeze %dma_wait3A_101 : memref<1x120x128xf32, #tpu.memory_space<vmem>> -> memref<120x128xf32, #tpu.memory_space<vmem>>
      tpu.wait_dma2 semaphore(%run_scoped3A_79 : memref<!tpu.dma_semaphore, #tpu.memory_space<semaphore_mem>>) src(%dma_wait3A_102 : memref<120x128xf32, #tpu.memory_space<vmem>>) dst(%dma_wait3A_98 : memref<120x128xf32, #tpu.memory_space<vmem_shared>>)
      tpu.yield
    }) : () -> ()
    %mul3A_28 = arith.constant 624 : i32
    %mul3A_29 = arith.muli %arg1, %mul3A_28 : i32
    %add3A_30 = arith.constant 480 : i32
    %add3A_31 = arith.addi %mul3A_29, %add3A_30 : i32
    %run_scoped3A_32 = arith.constant 0 : i32
    "tpu.region"() ({
      %run_scoped3A_79 = tpu.sem_alloc : memref<!tpu.dma_semaphore, #tpu.memory_space<semaphore_mem>>
      %dma_start3A_80 = arith.constant 0 : i32
      %dma_start3A_81 = arith.constant 0 : i32
      %dma_start3A_82 = tpu.memref_slice %arg8[%run_scoped3A_32, %dma_start3A_80, %dma_start3A_81] : memref<2x125x128xf32, #tpu.memory_space<vmem>> -> memref<1x120x128xf32, #tpu.memory_space<vmem>>
      %dma_start3A_83 = tpu.memref_squeeze %dma_start3A_82 : memref<1x120x128xf32, #tpu.memory_space<vmem>> -> memref<120x128xf32, #tpu.memory_space<vmem>>
      %dma_start3A_84 = arith.constant 0 : i32
      %dma_start3A_85 = tpu.memref_slice %arg9[%add3A_31, %dma_start3A_84] : memref<10000x128xf32, #tpu.memory_space<vmem_shared>> -> memref<120x128xf32, #tpu.memory_space<vmem_shared>>
      %dma_start3A_86 = arith.constant 0 : i32
      %dma_start3A_87 = tpu.memref_slice %arg9[%add3A_31, %dma_start3A_86] : memref<10000x128xf32, #tpu.memory_space<vmem_shared>> -> memref<120x128xf32, #tpu.memory_space<vmem_shared>>
      %dma_start3A_88 = arith.constant 0 : i32
      %dma_start3A_89 = arith.constant 0 : i32
      %dma_start3A_90 = tpu.memref_slice %arg8[%run_scoped3A_32, %dma_start3A_88, %dma_start3A_89] : memref<2x125x128xf32, #tpu.memory_space<vmem>> -> memref<1x120x128xf32, #tpu.memory_space<vmem>>
      %dma_start3A_91 = tpu.memref_squeeze %dma_start3A_90 : memref<1x120x128xf32, #tpu.memory_space<vmem>> -> memref<120x128xf32, #tpu.memory_space<vmem>>
      tpu.enqueue_dma source(%dma_start3A_91 : memref<120x128xf32, #tpu.memory_space<vmem>>) target(%dma_start3A_87 : memref<120x128xf32, #tpu.memory_space<vmem_shared>>) target_semaphore(%run_scoped3A_79 : memref<!tpu.dma_semaphore, #tpu.memory_space<semaphore_mem>>)
      %dma_wait3A = arith.constant 0 : i32
      %dma_wait3A_92 = arith.constant 0 : i32
      %dma_wait3A_93 = tpu.memref_slice %arg8[%run_scoped3A_32, %dma_wait3A, %dma_wait3A_92] : memref<2x125x128xf32, #tpu.memory_space<vmem>> -> memref<1x120x128xf32, #tpu.memory_space<vmem>>
      %dma_wait3A_94 = tpu.memref_squeeze %dma_wait3A_93 : memref<1x120x128xf32, #tpu.memory_space<vmem>> -> memref<120x128xf32, #tpu.memory_space<vmem>>
      %dma_wait3A_95 = arith.constant 0 : i32
      %dma_wait3A_96 = tpu.memref_slice %arg9[%add3A_31, %dma_wait3A_95] : memref<10000x128xf32, #tpu.memory_space<vmem_shared>> -> memref<120x128xf32, #tpu.memory_space<vmem_shared>>
      %dma_wait3A_97 = arith.constant 0 : i32
      %dma_wait3A_98 = tpu.memref_slice %arg9[%add3A_31, %dma_wait3A_97] : memref<10000x128xf32, #tpu.memory_space<vmem_shared>> -> memref<120x128xf32, #tpu.memory_space<vmem_shared>>
      %dma_wait3A_99 = arith.constant 0 : i32
      %dma_wait3A_100 = arith.constant 0 : i32
      %dma_wait3A_101 = tpu.memref_slice %arg8[%run_scoped3A_32, %dma_wait3A_99, %dma_wait3A_100] : memref<2x125x128xf32, #tpu.memory_space<vmem>> -> memref<1x120x128xf32, #tpu.memory_space<vmem>>
      %dma_wait3A_102 = tpu.memref_squeeze %dma_wait3A_101 : memref<1x120x128xf32, #tpu.memory_space<vmem>> -> memref<120x128xf32, #tpu.memory_space<vmem>>
      tpu.wait_dma2 semaphore(%run_scoped3A_79 : memref<!tpu.dma_semaphore, #tpu.memory_space<semaphore_mem>>) src(%dma_wait3A_102 : memref<120x128xf32, #tpu.memory_space<vmem>>) dst(%dma_wait3A_98 : memref<120x128xf32, #tpu.memory_space<vmem_shared>>)
      tpu.yield
    }) : () -> ()
    %mul3A_33 = arith.constant 624 : i32
    %mul3A_34 = arith.muli %arg1, %mul3A_33 : i32
    %add3A_35 = arith.constant 600 : i32
    %add3A_36 = arith.addi %mul3A_34, %add3A_35 : i32
    %run_scoped3A_37 = arith.constant 0 : i32
    "tpu.region"() ({
      %run_scoped3A_79 = tpu.sem_alloc : memref<!tpu.dma_semaphore, #tpu.memory_space<semaphore_mem>>
      %dma_start3A_80 = arith.constant 0 : i32
      %dma_start3A_81 = arith.constant 0 : i32
      %dma_start3A_82 = tpu.memref_slice %arg8[%run_scoped3A_37, %dma_start3A_80, %dma_start3A_81] : memref<2x125x128xf32, #tpu.memory_space<vmem>> -> memref<1x24x128xf32, #tpu.memory_space<vmem>>
      %dma_start3A_83 = tpu.memref_squeeze %dma_start3A_82 : memref<1x24x128xf32, #tpu.memory_space<vmem>> -> memref<24x128xf32, #tpu.memory_space<vmem>>
      %dma_start3A_84 = arith.constant 0 : i32
      %dma_start3A_85 = tpu.memref_slice %arg9[%add3A_36, %dma_start3A_84] : memref<10000x128xf32, #tpu.memory_space<vmem_shared>> -> memref<24x128xf32, #tpu.memory_space<vmem_shared>>
      %dma_start3A_86 = arith.constant 0 : i32
      %dma_start3A_87 = tpu.memref_slice %arg9[%add3A_36, %dma_start3A_86] : memref<10000x128xf32, #tpu.memory_space<vmem_shared>> -> memref<24x128xf32, #tpu.memory_space<vmem_shared>>
      %dma_start3A_88 = arith.constant 0 : i32
      %dma_start3A_89 = arith.constant 0 : i32
      %dma_start3A_90 = tpu.memref_slice %arg8[%run_scoped3A_37, %dma_start3A_88, %dma_start3A_89] : memref<2x125x128xf32, #tpu.memory_space<vmem>> -> memref<1x24x128xf32, #tpu.memory_space<vmem>>
      %dma_start3A_91 = tpu.memref_squeeze %dma_start3A_90 : memref<1x24x128xf32, #tpu.memory_space<vmem>> -> memref<24x128xf32, #tpu.memory_space<vmem>>
      tpu.enqueue_dma source(%dma_start3A_91 : memref<24x128xf32, #tpu.memory_space<vmem>>) target(%dma_start3A_87 : memref<24x128xf32, #tpu.memory_space<vmem_shared>>) target_semaphore(%run_scoped3A_79 : memref<!tpu.dma_semaphore, #tpu.memory_space<semaphore_mem>>)
      %dma_wait3A = arith.constant 0 : i32
      %dma_wait3A_92 = arith.constant 0 : i32
      %dma_wait3A_93 = tpu.memref_slice %arg8[%run_scoped3A_37, %dma_wait3A, %dma_wait3A_92] : memref<2x125x128xf32, #tpu.memory_space<vmem>> -> memref<1x24x128xf32, #tpu.memory_space<vmem>>
      %dma_wait3A_94 = tpu.memref_squeeze %dma_wait3A_93 : memref<1x24x128xf32, #tpu.memory_space<vmem>> -> memref<24x128xf32, #tpu.memory_space<vmem>>
      %dma_wait3A_95 = arith.constant 0 : i32
      %dma_wait3A_96 = tpu.memref_slice %arg9[%add3A_36, %dma_wait3A_95] : memref<10000x128xf32, #tpu.memory_space<vmem_shared>> -> memref<24x128xf32, #tpu.memory_space<vmem_shared>>
      %dma_wait3A_97 = arith.constant 0 : i32
      %dma_wait3A_98 = tpu.memref_slice %arg9[%add3A_36, %dma_wait3A_97] : memref<10000x128xf32, #tpu.memory_space<vmem_shared>> -> memref<24x128xf32, #tpu.memory_space<vmem_shared>>
      %dma_wait3A_99 = arith.constant 0 : i32
      %dma_wait3A_100 = arith.constant 0 : i32
      %dma_wait3A_101 = tpu.memref_slice %arg8[%run_scoped3A_37, %dma_wait3A_99, %dma_wait3A_100] : memref<2x125x128xf32, #tpu.memory_space<vmem>> -> memref<1x24x128xf32, #tpu.memory_space<vmem>>
      %dma_wait3A_102 = tpu.memref_squeeze %dma_wait3A_101 : memref<1x24x128xf32, #tpu.memory_space<vmem>> -> memref<24x128xf32, #tpu.memory_space<vmem>>
      tpu.wait_dma2 semaphore(%run_scoped3A_79 : memref<!tpu.dma_semaphore, #tpu.memory_space<semaphore_mem>>) src(%dma_wait3A_102 : memref<24x128xf32, #tpu.memory_space<vmem>>) dst(%dma_wait3A_98 : memref<24x128xf32, #tpu.memory_space<vmem_shared>>)
      tpu.yield
    }) : () -> ()
    %eq3A = arith.constant 0 : i32
    %eq3A_38 = arith.cmpi eq, %arg1, %eq3A : i32
    %convert_element_type3A = arith.extui %eq3A_38 : i1 to i32
    %cond3A = arith.constant 0 : i32
    %cond3A_39 = arith.cmpi ne, %convert_element_type3A, %cond3A : i32
    scf.if %cond3A_39 {
      %run_scoped3A_79 = arith.constant 0 : i32
      "tpu.region"() ({
        %run_scoped3A_80 = tpu.sem_alloc : memref<!tpu.dma_semaphore, #tpu.memory_space<semaphore_mem>>
        %dma_start3A_81 = arith.constant 0 : i32
        %dma_start3A_82 = arith.constant 0 : i32
        %dma_start3A_83 = tpu.memref_slice %arg8[%run_scoped3A_79, %dma_start3A_81, %dma_start3A_82] : memref<2x125x128xf32, #tpu.memory_space<vmem>> -> memref<1x16x128xf32, #tpu.memory_space<vmem>>
        %dma_start3A_84 = tpu.memref_squeeze %dma_start3A_83 : memref<1x16x128xf32, #tpu.memory_space<vmem>> -> memref<16x128xf32, #tpu.memory_space<vmem>>
        %dma_start3A_85 = arith.constant 9984 : i32
        %dma_start3A_86 = arith.constant 0 : i32
        %dma_start3A_87 = tpu.memref_slice %arg9[%dma_start3A_85, %dma_start3A_86] : memref<10000x128xf32, #tpu.memory_space<vmem_shared>> -> memref<16x128xf32, #tpu.memory_space<vmem_shared>>
        %dma_start3A_88 = arith.constant 9984 : i32
        %dma_start3A_89 = arith.constant 0 : i32
        %dma_start3A_90 = tpu.memref_slice %arg9[%dma_start3A_88, %dma_start3A_89] : memref<10000x128xf32, #tpu.memory_space<vmem_shared>> -> memref<16x128xf32, #tpu.memory_space<vmem_shared>>
        %dma_start3A_91 = arith.constant 0 : i32
        %dma_start3A_92 = arith.constant 0 : i32
        %dma_start3A_93 = tpu.memref_slice %arg8[%run_scoped3A_79, %dma_start3A_91, %dma_start3A_92] : memref<2x125x128xf32, #tpu.memory_space<vmem>> -> memref<1x16x128xf32, #tpu.memory_space<vmem>>
        %dma_start3A_94 = tpu.memref_squeeze %dma_start3A_93 : memref<1x16x128xf32, #tpu.memory_space<vmem>> -> memref<16x128xf32, #tpu.memory_space<vmem>>
        tpu.enqueue_dma source(%dma_start3A_94 : memref<16x128xf32, #tpu.memory_space<vmem>>) target(%dma_start3A_90 : memref<16x128xf32, #tpu.memory_space<vmem_shared>>) target_semaphore(%run_scoped3A_80 : memref<!tpu.dma_semaphore, #tpu.memory_space<semaphore_mem>>)
        %dma_wait3A = arith.constant 0 : i32
        %dma_wait3A_95 = arith.constant 0 : i32
        %dma_wait3A_96 = tpu.memref_slice %arg8[%run_scoped3A_79, %dma_wait3A, %dma_wait3A_95] : memref<2x125x128xf32, #tpu.memory_space<vmem>> -> memref<1x16x128xf32, #tpu.memory_space<vmem>>
        %dma_wait3A_97 = tpu.memref_squeeze %dma_wait3A_96 : memref<1x16x128xf32, #tpu.memory_space<vmem>> -> memref<16x128xf32, #tpu.memory_space<vmem>>
        %dma_wait3A_98 = arith.constant 9984 : i32
        %dma_wait3A_99 = arith.constant 0 : i32
        %dma_wait3A_100 = tpu.memref_slice %arg9[%dma_wait3A_98, %dma_wait3A_99] : memref<10000x128xf32, #tpu.memory_space<vmem_shared>> -> memref<16x128xf32, #tpu.memory_space<vmem_shared>>
        %dma_wait3A_101 = arith.constant 9984 : i32
        %dma_wait3A_102 = arith.constant 0 : i32
        %dma_wait3A_103 = tpu.memref_slice %arg9[%dma_wait3A_101, %dma_wait3A_102] : memref<10000x128xf32, #tpu.memory_space<vmem_shared>> -> memref<16x128xf32, #tpu.memory_space<vmem_shared>>
        %dma_wait3A_104 = arith.constant 0 : i32
        %dma_wait3A_105 = arith.constant 0 : i32
        %dma_wait3A_106 = tpu.memref_slice %arg8[%run_scoped3A_79, %dma_wait3A_104, %dma_wait3A_105] : memref<2x125x128xf32, #tpu.memory_space<vmem>> -> memref<1x16x128xf32, #tpu.memory_space<vmem>>
        %dma_wait3A_107 = tpu.memref_squeeze %dma_wait3A_106 : memref<1x16x128xf32, #tpu.memory_space<vmem>> -> memref<16x128xf32, #tpu.memory_space<vmem>>
        tpu.wait_dma2 semaphore(%run_scoped3A_80 : memref<!tpu.dma_semaphore, #tpu.memory_space<semaphore_mem>>) src(%dma_wait3A_107 : memref<16x128xf32, #tpu.memory_space<vmem>>) dst(%dma_wait3A_103 : memref<16x128xf32, #tpu.memory_space<vmem_shared>>)
        tpu.yield
      }) : () -> ()
    } else {
    }
    %barrier3A = arith.constant 0 : index
    tpu.barrier barrier_id(%barrier3A)
    %dma_start3A = arith.constant 0 : i32
    %dma_start3A_40 = arith.constant 0 : i32
    %dma_start3A_41 = arith.constant 0 : i32
    %dma_start3A_42 = arith.constant 0 : i32
    %dma_start3A_43 = tpu.memref_slice %arg8[%dma_start3A_40, %dma_start3A_41, %dma_start3A_42] : memref<2x125x128xf32, #tpu.memory_space<vmem>> -> memref<1x125x128xf32, #tpu.memory_space<vmem>>
    %dma_start3A_44 = tpu.memref_squeeze %dma_start3A_43 : memref<1x125x128xf32, #tpu.memory_space<vmem>> -> memref<125x128xf32, #tpu.memory_space<vmem>>
    %dma_start3A_45 = arith.constant 0 : i32
    %dma_start3A_46 = tpu.memref_slice %arg6[%dma_start3A, %dma_start3A_45] : memref<80x125xi32, #tpu.memory_space<vmem>> -> memref<1x125xi32, #tpu.memory_space<vmem>>
    %dma_start3A_47 = tpu.memref_squeeze %dma_start3A_46 : memref<1x125xi32, #tpu.memory_space<vmem>> -> memref<125xi32, #tpu.memory_space<vmem>>
    %dma_start3A_48 = arith.constant 0 : i32
    %dma_start3A_49 = arith.constant 0 : i32
    %dma_start3A_50 = tpu.memref_slice %arg2[%dma_start3A_48, %dma_start3A_49] : memref<10000x128xf32, #tpu.memory_space<hbm>> -> memref<10000x128xf32, #tpu.memory_space<hbm>>
    tpu.enqueue_indirect_dma source(%dma_start3A_50 : memref<10000x128xf32, #tpu.memory_space<hbm>>) target(%dma_start3A_44 : memref<125x128xf32, #tpu.memory_space<vmem>>) offsets(%dma_start3A_47 : memref<125xi32, #tpu.memory_space<vmem>>) semaphore(%arg10 : memref<!tpu.dma_semaphore, #tpu.memory_space<semaphore_mem>>)
    %dma_start3A_51 = arith.constant 1 : i32
    %dma_start3A_52 = arith.constant 1 : i32
    %dma_start3A_53 = arith.constant 0 : i32
    %dma_start3A_54 = arith.constant 0 : i32
    %dma_start3A_55 = tpu.memref_slice %arg8[%dma_start3A_52, %dma_start3A_53, %dma_start3A_54] : memref<2x125x128xf32, #tpu.memory_space<vmem>> -> memref<1x125x128xf32, #tpu.memory_space<vmem>>
    %dma_start3A_56 = tpu.memref_squeeze %dma_start3A_55 : memref<1x125x128xf32, #tpu.memory_space<vmem>> -> memref<125x128xf32, #tpu.memory_space<vmem>>
    %dma_start3A_57 = arith.constant 0 : i32
    %dma_start3A_58 = tpu.memref_slice %arg6[%dma_start3A_51, %dma_start3A_57] : memref<80x125xi32, #tpu.memory_space<vmem>> -> memref<1x125xi32, #tpu.memory_space<vmem>>
    %dma_start3A_59 = tpu.memref_squeeze %dma_start3A_58 : memref<1x125xi32, #tpu.memory_space<vmem>> -> memref<125xi32, #tpu.memory_space<vmem>>
    %dma_start3A_60 = arith.constant 0 : i32
    %dma_start3A_61 = arith.constant 0 : i32
    %dma_start3A_62 = tpu.memref_slice %arg2[%dma_start3A_60, %dma_start3A_61] : memref<10000x128xf32, #tpu.memory_space<hbm>> -> memref<10000x128xf32, #tpu.memory_space<hbm>>
    tpu.enqueue_indirect_dma source(%dma_start3A_62 : memref<10000x128xf32, #tpu.memory_space<hbm>>) target(%dma_start3A_56 : memref<125x128xf32, #tpu.memory_space<vmem>>) offsets(%dma_start3A_59 : memref<125xi32, #tpu.memory_space<vmem>>) semaphore(%arg11 : memref<!tpu.dma_semaphore, #tpu.memory_space<semaphore_mem>>)
    %scan3A_63 = arith.constant 0 : i32
    %scan3A_64 = arith.constant 0 : i32
    %scan3A_65 = arith.constant 40 : i32
    %scan3A_66 = arith.addi %scan3A_64, %scan3A_65 : i32
    %scan3A_67 = arith.constant 1 : i32
    scf.for %scan3A_79 = %scan3A_64 to %scan3A_66 step %scan3A_67  : i32 {
      %mul3A_80 = arith.constant 2 : i32
      %mul3A_81 = arith.muli %mul3A_80, %scan3A_79 : i32
      %eq3A_82 = arith.constant 40 : i32
      %eq3A_83 = arith.cmpi eq, %mul3A_81, %eq3A_82 : i32
      %convert_element_type3A_84 = arith.extui %eq3A_83 : i1 to i32
      %cond3A_85 = arith.constant 0 : i32
      %cond3A_86 = arith.cmpi ne, %convert_element_type3A_84, %cond3A_85 : i32
      scf.if %cond3A_86 {
        %add3A_128 = arith.constant 40 : i32
        %add3A_129 = arith.addi %mul3A_2, %add3A_128 : i32
        "tpu.region"() ({
          %run_scoped3A_130 = tpu.sem_alloc : memref<!tpu.dma_semaphore, #tpu.memory_space<semaphore_mem>>
          %dma_start3A_131 = arith.constant 0 : i32
          %dma_start3A_132 = tpu.memref_slice %arg4[%add3A_129, %dma_start3A_131] : memref<2560x125xi32, #tpu.memory_space<hbm>> -> memref<40x125xi32, #tpu.memory_space<hbm>>
          %dma_start3A_133 = arith.constant 0 : i32
          %dma_start3A_134 = tpu.memref_slice %arg4[%add3A_129, %dma_start3A_133] : memref<2560x125xi32, #tpu.memory_space<hbm>> -> memref<40x125xi32, #tpu.memory_space<hbm>>
          tpu.enqueue_dma source(%dma_start3A_134 : memref<40x125xi32, #tpu.memory_space<hbm>>) target(%arg7 : memref<40x125xi32, #tpu.memory_space<vmem>>) target_semaphore(%run_scoped3A_130 : memref<!tpu.dma_semaphore, #tpu.memory_space<semaphore_mem>>)
          %dma_wait3A_135 = arith.constant 0 : i32
          %dma_wait3A_136 = tpu.memref_slice %arg4[%add3A_129, %dma_wait3A_135] : memref<2560x125xi32, #tpu.memory_space<hbm>> -> memref<40x125xi32, #tpu.memory_space<hbm>>
          %dma_wait3A_137 = arith.constant 0 : i32
          %dma_wait3A_138 = tpu.memref_slice %arg4[%add3A_129, %dma_wait3A_137] : memref<2560x125xi32, #tpu.memory_space<hbm>> -> memref<40x125xi32, #tpu.memory_space<hbm>>
          tpu.wait_dma2 semaphore(%run_scoped3A_130 : memref<!tpu.dma_semaphore, #tpu.memory_space<semaphore_mem>>) src(%dma_wait3A_138 : memref<40x125xi32, #tpu.memory_space<hbm>>) dst(%arg7 : memref<40x125xi32, #tpu.memory_space<vmem>>)
          tpu.yield
        }) : () -> ()
      } else {
      }
      %rem3A = arith.constant 40 : i32
      %rem3A_87 = arith.remsi %mul3A_81, %rem3A : i32
      %dma_wait3A = arith.constant 0 : i32
      %dma_wait3A_88 = arith.constant 0 : i32
      %dma_wait3A_89 = arith.constant 0 : i32
      %dma_wait3A_90 = tpu.memref_slice %arg8[%dma_wait3A, %dma_wait3A_88, %dma_wait3A_89] : memref<2x125x128xf32, #tpu.memory_space<vmem>> -> memref<1x125x128xf32, #tpu.memory_space<vmem>>
      %dma_wait3A_91 = tpu.memref_squeeze %dma_wait3A_90 : memref<1x125x128xf32, #tpu.memory_space<vmem>> -> memref<125x128xf32, #tpu.memory_space<vmem>>
      %dma_wait3A_92 = arith.constant 0 : i32
      %dma_wait3A_93 = tpu.memref_slice %arg6[%mul3A_81, %dma_wait3A_92] : memref<80x125xi32, #tpu.memory_space<vmem>> -> memref<1x125xi32, #tpu.memory_space<vmem>>
      %dma_wait3A_94 = tpu.memref_squeeze %dma_wait3A_93 : memref<1x125xi32, #tpu.memory_space<vmem>> -> memref<125xi32, #tpu.memory_space<vmem>>
      %dma_wait3A_95 = arith.constant 0 : i32
      %dma_wait3A_96 = arith.constant 0 : i32
      %dma_wait3A_97 = tpu.memref_slice %arg2[%dma_wait3A_95, %dma_wait3A_96] : memref<10000x128xf32, #tpu.memory_space<hbm>> -> memref<10000x128xf32, #tpu.memory_space<hbm>>
      tpu.wait_indirect_dma semaphore(%arg10 : memref<!tpu.dma_semaphore, #tpu.memory_space<semaphore_mem>>) src(%dma_wait3A_97 : memref<10000x128xf32, #tpu.memory_space<hbm>>) dst(%dma_wait3A_91 : memref<125x128xf32, #tpu.memory_space<vmem>>)
      %run_scoped3A_98 = arith.constant 0 : i32
      "tpu.region"() ({
        %run_scoped3A_128 = tpu.sem_alloc : memref<!tpu.dma_semaphore, #tpu.memory_space<semaphore_mem>>
        %dma_start3A_129 = arith.constant 0 : i32
        %dma_start3A_130 = arith.constant 0 : i32
        %dma_start3A_131 = tpu.memref_slice %arg8[%run_scoped3A_98, %dma_start3A_129, %dma_start3A_130] : memref<2x125x128xf32, #tpu.memory_space<vmem>> -> memref<1x125x128xf32, #tpu.memory_space<vmem>>
        %dma_start3A_132 = tpu.memref_squeeze %dma_start3A_131 : memref<1x125x128xf32, #tpu.memory_space<vmem>> -> memref<125x128xf32, #tpu.memory_space<vmem>>
        %dma_start3A_133 = arith.constant 0 : i32
        %dma_start3A_134 = tpu.memref_slice %arg7[%rem3A_87, %dma_start3A_133] : memref<40x125xi32, #tpu.memory_space<vmem>> -> memref<1x125xi32, #tpu.memory_space<vmem>>
        %dma_start3A_135 = tpu.memref_squeeze %dma_start3A_134 : memref<1x125xi32, #tpu.memory_space<vmem>> -> memref<125xi32, #tpu.memory_space<vmem>>
        %dma_start3A_136 = arith.constant 0 : i32
        %dma_start3A_137 = arith.constant 0 : i32
        %dma_start3A_138 = tpu.memref_slice %arg9[%dma_start3A_136, %dma_start3A_137] : memref<10000x128xf32, #tpu.memory_space<vmem_shared>> -> memref<10000x128xf32, #tpu.memory_space<vmem_shared>>
        tpu.enqueue_indirect_dma source(%dma_start3A_132 : memref<125x128xf32, #tpu.memory_space<vmem>>) target(%dma_start3A_138 : memref<10000x128xf32, #tpu.memory_space<vmem_shared>>) offsets(%dma_start3A_135 : memref<125xi32, #tpu.memory_space<vmem>>) semaphore(%run_scoped3A_128 : memref<!tpu.dma_semaphore, #tpu.memory_space<semaphore_mem>>) {add = true}
        %dma_wait3A_139 = arith.constant 0 : i32
        %dma_wait3A_140 = arith.constant 0 : i32
        %dma_wait3A_141 = tpu.memref_slice %arg8[%run_scoped3A_98, %dma_wait3A_139, %dma_wait3A_140] : memref<2x125x128xf32, #tpu.memory_space<vmem>> -> memref<1x125x128xf32, #tpu.memory_space<vmem>>
        %dma_wait3A_142 = tpu.memref_squeeze %dma_wait3A_141 : memref<1x125x128xf32, #tpu.memory_space<vmem>> -> memref<125x128xf32, #tpu.memory_space<vmem>>
        %dma_wait3A_143 = arith.constant 0 : i32
        %dma_wait3A_144 = tpu.memref_slice %arg7[%rem3A_87, %dma_wait3A_143] : memref<40x125xi32, #tpu.memory_space<vmem>> -> memref<1x125xi32, #tpu.memory_space<vmem>>
        %dma_wait3A_145 = tpu.memref_squeeze %dma_wait3A_144 : memref<1x125xi32, #tpu.memory_space<vmem>> -> memref<125xi32, #tpu.memory_space<vmem>>
        %dma_wait3A_146 = arith.constant 0 : i32
        %dma_wait3A_147 = arith.constant 0 : i32
        %dma_wait3A_148 = tpu.memref_slice %arg9[%dma_wait3A_146, %dma_wait3A_147] : memref<10000x128xf32, #tpu.memory_space<vmem_shared>> -> memref<10000x128xf32, #tpu.memory_space<vmem_shared>>
        tpu.wait_indirect_dma semaphore(%run_scoped3A_128 : memref<!tpu.dma_semaphore, #tpu.memory_space<semaphore_mem>>) src(%dma_wait3A_142 : memref<125x128xf32, #tpu.memory_space<vmem>>) dst(%dma_wait3A_148 : memref<10000x128xf32, #tpu.memory_space<vmem_shared>>)
        tpu.yield
      }) : () -> ()
      %add3A_99 = arith.constant 1 : i32
      %add3A_100 = arith.addi %scan3A_79, %add3A_99 : i32
      %lt3A = arith.constant 40 : i32
      %lt3A_101 = arith.cmpi slt, %add3A_100, %lt3A : i32
      %convert_element_type3A_102 = arith.extui %lt3A_101 : i1 to i32
      %cond3A_103 = arith.constant 0 : i32
      %cond3A_104 = arith.cmpi ne, %convert_element_type3A_102, %cond3A_103 : i32
      scf.if %cond3A_104 {
        %add3A_128 = arith.constant 2 : i32
        %add3A_129 = arith.addi %mul3A_81, %add3A_128 : i32
        %dma_start3A_130 = arith.constant 0 : i32
        %dma_start3A_131 = arith.constant 0 : i32
        %dma_start3A_132 = arith.constant 0 : i32
        %dma_start3A_133 = tpu.memref_slice %arg8[%dma_start3A_130, %dma_start3A_131, %dma_start3A_132] : memref<2x125x128xf32, #tpu.memory_space<vmem>> -> memref<1x125x128xf32, #tpu.memory_space<vmem>>
        %dma_start3A_134 = tpu.memref_squeeze %dma_start3A_133 : memref<1x125x128xf32, #tpu.memory_space<vmem>> -> memref<125x128xf32, #tpu.memory_space<vmem>>
        %dma_start3A_135 = arith.constant 0 : i32
        %dma_start3A_136 = tpu.memref_slice %arg6[%add3A_129, %dma_start3A_135] : memref<80x125xi32, #tpu.memory_space<vmem>> -> memref<1x125xi32, #tpu.memory_space<vmem>>
        %dma_start3A_137 = tpu.memref_squeeze %dma_start3A_136 : memref<1x125xi32, #tpu.memory_space<vmem>> -> memref<125xi32, #tpu.memory_space<vmem>>
        %dma_start3A_138 = arith.constant 0 : i32
        %dma_start3A_139 = arith.constant 0 : i32
        %dma_start3A_140 = tpu.memref_slice %arg2[%dma_start3A_138, %dma_start3A_139] : memref<10000x128xf32, #tpu.memory_space<hbm>> -> memref<10000x128xf32, #tpu.memory_space<hbm>>
        tpu.enqueue_indirect_dma source(%dma_start3A_140 : memref<10000x128xf32, #tpu.memory_space<hbm>>) target(%dma_start3A_134 : memref<125x128xf32, #tpu.memory_space<vmem>>) offsets(%dma_start3A_137 : memref<125xi32, #tpu.memory_space<vmem>>) semaphore(%arg10 : memref<!tpu.dma_semaphore, #tpu.memory_space<semaphore_mem>>)
      } else {
      }
      %add3A_105 = arith.constant 1 : i32
      %add3A_106 = arith.addi %mul3A_81, %add3A_105 : i32
      %dma_wait3A_107 = arith.constant 1 : i32
      %dma_wait3A_108 = arith.constant 0 : i32
      %dma_wait3A_109 = arith.constant 0 : i32
      %dma_wait3A_110 = tpu.memref_slice %arg8[%dma_wait3A_107, %dma_wait3A_108, %dma_wait3A_109] : memref<2x125x128xf32, #tpu.memory_space<vmem>> -> memref<1x125x128xf32, #tpu.memory_space<vmem>>
      %dma_wait3A_111 = tpu.memref_squeeze %dma_wait3A_110 : memref<1x125x128xf32, #tpu.memory_space<vmem>> -> memref<125x128xf32, #tpu.memory_space<vmem>>
      %dma_wait3A_112 = arith.constant 0 : i32
      %dma_wait3A_113 = tpu.memref_slice %arg6[%add3A_106, %dma_wait3A_112] : memref<80x125xi32, #tpu.memory_space<vmem>> -> memref<1x125xi32, #tpu.memory_space<vmem>>
      %dma_wait3A_114 = tpu.memref_squeeze %dma_wait3A_113 : memref<1x125xi32, #tpu.memory_space<vmem>> -> memref<125xi32, #tpu.memory_space<vmem>>
      %dma_wait3A_115 = arith.constant 0 : i32
      %dma_wait3A_116 = arith.constant 0 : i32
      %dma_wait3A_117 = tpu.memref_slice %arg2[%dma_wait3A_115, %dma_wait3A_116] : memref<10000x128xf32, #tpu.memory_space<hbm>> -> memref<10000x128xf32, #tpu.memory_space<hbm>>
      tpu.wait_indirect_dma semaphore(%arg11 : memref<!tpu.dma_semaphore, #tpu.memory_space<semaphore_mem>>) src(%dma_wait3A_117 : memref<10000x128xf32, #tpu.memory_space<hbm>>) dst(%dma_wait3A_111 : memref<125x128xf32, #tpu.memory_space<vmem>>)
      %add3A_118 = arith.constant 1 : i32
      %add3A_119 = arith.addi %rem3A_87, %add3A_118 : i32
      %run_scoped3A_120 = arith.constant 1 : i32
      "tpu.region"() ({
        %run_scoped3A_128 = tpu.sem_alloc : memref<!tpu.dma_semaphore, #tpu.memory_space<semaphore_mem>>
        %dma_start3A_129 = arith.constant 0 : i32
        %dma_start3A_130 = arith.constant 0 : i32
        %dma_start3A_131 = tpu.memref_slice %arg8[%run_scoped3A_120, %dma_start3A_129, %dma_start3A_130] : memref<2x125x128xf32, #tpu.memory_space<vmem>> -> memref<1x125x128xf32, #tpu.memory_space<vmem>>
        %dma_start3A_132 = tpu.memref_squeeze %dma_start3A_131 : memref<1x125x128xf32, #tpu.memory_space<vmem>> -> memref<125x128xf32, #tpu.memory_space<vmem>>
        %dma_start3A_133 = arith.constant 0 : i32
        %dma_start3A_134 = tpu.memref_slice %arg7[%add3A_119, %dma_start3A_133] : memref<40x125xi32, #tpu.memory_space<vmem>> -> memref<1x125xi32, #tpu.memory_space<vmem>>
        %dma_start3A_135 = tpu.memref_squeeze %dma_start3A_134 : memref<1x125xi32, #tpu.memory_space<vmem>> -> memref<125xi32, #tpu.memory_space<vmem>>
        %dma_start3A_136 = arith.constant 0 : i32
        %dma_start3A_137 = arith.constant 0 : i32
        %dma_start3A_138 = tpu.memref_slice %arg9[%dma_start3A_136, %dma_start3A_137] : memref<10000x128xf32, #tpu.memory_space<vmem_shared>> -> memref<10000x128xf32, #tpu.memory_space<vmem_shared>>
        tpu.enqueue_indirect_dma source(%dma_start3A_132 : memref<125x128xf32, #tpu.memory_space<vmem>>) target(%dma_start3A_138 : memref<10000x128xf32, #tpu.memory_space<vmem_shared>>) offsets(%dma_start3A_135 : memref<125xi32, #tpu.memory_space<vmem>>) semaphore(%run_scoped3A_128 : memref<!tpu.dma_semaphore, #tpu.memory_space<semaphore_mem>>) {add = true}
        %dma_wait3A_139 = arith.constant 0 : i32
        %dma_wait3A_140 = arith.constant 0 : i32
        %dma_wait3A_141 = tpu.memref_slice %arg8[%run_scoped3A_120, %dma_wait3A_139, %dma_wait3A_140] : memref<2x125x128xf32, #tpu.memory_space<vmem>> -> memref<1x125x128xf32, #tpu.memory_space<vmem>>
        %dma_wait3A_142 = tpu.memref_squeeze %dma_wait3A_141 : memref<1x125x128xf32, #tpu.memory_space<vmem>> -> memref<125x128xf32, #tpu.memory_space<vmem>>
        %dma_wait3A_143 = arith.constant 0 : i32
        %dma_wait3A_144 = tpu.memref_slice %arg7[%add3A_119, %dma_wait3A_143] : memref<40x125xi32, #tpu.memory_space<vmem>> -> memref<1x125xi32, #tpu.memory_space<vmem>>
        %dma_wait3A_145 = tpu.memref_squeeze %dma_wait3A_144 : memref<1x125xi32, #tpu.memory_space<vmem>> -> memref<125xi32, #tpu.memory_space<vmem>>
        %dma_wait3A_146 = arith.constant 0 : i32
        %dma_wait3A_147 = arith.constant 0 : i32
        %dma_wait3A_148 = tpu.memref_slice %arg9[%dma_wait3A_146, %dma_wait3A_147] : memref<10000x128xf32, #tpu.memory_space<vmem_shared>> -> memref<10000x128xf32, #tpu.memory_space<vmem_shared>>
        tpu.wait_indirect_dma semaphore(%run_scoped3A_128 : memref<!tpu.dma_semaphore, #tpu.memory_space<semaphore_mem>>) src(%dma_wait3A_142 : memref<125x128xf32, #tpu.memory_space<vmem>>) dst(%dma_wait3A_148 : memref<10000x128xf32, #tpu.memory_space<vmem_shared>>)
        tpu.yield
      }) : () -> ()
      %add3A_121 = arith.constant 1 : i32
      %add3A_122 = arith.addi %scan3A_79, %add3A_121 : i32
      %lt3A_123 = arith.constant 40 : i32
      %lt3A_124 = arith.cmpi slt, %add3A_122, %lt3A_123 : i32
      %convert_element_type3A_125 = arith.extui %lt3A_124 : i1 to i32
      %cond3A_126 = arith.constant 0 : i32
      %cond3A_127 = arith.cmpi ne, %convert_element_type3A_125, %cond3A_126 : i32
      scf.if %cond3A_127 {
        %add3A_128 = arith.constant 3 : i32
        %add3A_129 = arith.addi %mul3A_81, %add3A_128 : i32
        %dma_start3A_130 = arith.constant 1 : i32
        %dma_start3A_131 = arith.constant 0 : i32
        %dma_start3A_132 = arith.constant 0 : i32
        %dma_start3A_133 = tpu.memref_slice %arg8[%dma_start3A_130, %dma_start3A_131, %dma_start3A_132] : memref<2x125x128xf32, #tpu.memory_space<vmem>> -> memref<1x125x128xf32, #tpu.memory_space<vmem>>
        %dma_start3A_134 = tpu.memref_squeeze %dma_start3A_133 : memref<1x125x128xf32, #tpu.memory_space<vmem>> -> memref<125x128xf32, #tpu.memory_space<vmem>>
        %dma_start3A_135 = arith.constant 0 : i32
        %dma_start3A_136 = tpu.memref_slice %arg6[%add3A_129, %dma_start3A_135] : memref<80x125xi32, #tpu.memory_space<vmem>> -> memref<1x125xi32, #tpu.memory_space<vmem>>
        %dma_start3A_137 = tpu.memref_squeeze %dma_start3A_136 : memref<1x125xi32, #tpu.memory_space<vmem>> -> memref<125xi32, #tpu.memory_space<vmem>>
        %dma_start3A_138 = arith.constant 0 : i32
        %dma_start3A_139 = arith.constant 0 : i32
        %dma_start3A_140 = tpu.memref_slice %arg2[%dma_start3A_138, %dma_start3A_139] : memref<10000x128xf32, #tpu.memory_space<hbm>> -> memref<10000x128xf32, #tpu.memory_space<hbm>>
        tpu.enqueue_indirect_dma source(%dma_start3A_140 : memref<10000x128xf32, #tpu.memory_space<hbm>>) target(%dma_start3A_134 : memref<125x128xf32, #tpu.memory_space<vmem>>) offsets(%dma_start3A_137 : memref<125xi32, #tpu.memory_space<vmem>>) semaphore(%arg11 : memref<!tpu.dma_semaphore, #tpu.memory_space<semaphore_mem>>)
      } else {
      }
    }
    %scan3A_68 = arith.constant 40 : i32
    %barrier3A_69 = arith.constant 0 : index
    tpu.barrier barrier_id(%barrier3A_69)
    %mul3A_70 = arith.constant 624 : i32
    %mul3A_71 = arith.muli %arg1, %mul3A_70 : i32
    %mul3A_72 = arith.constant 624 : i32
    %mul3A_73 = arith.muli %arg1, %mul3A_72 : i32
    "tpu.region"() ({
      %run_scoped3A_79 = tpu.sem_alloc : memref<!tpu.dma_semaphore, #tpu.memory_space<semaphore_mem>>
      %dma_start3A_80 = arith.constant 0 : i32
      %dma_start3A_81 = tpu.memref_slice %arg5[%arg0, %mul3A_73, %dma_start3A_80] : memref<2x10000x128xf32, #tpu.memory_space<hbm>> -> memref<1x624x128xf32, #tpu.memory_space<hbm>>
      %dma_start3A_82 = tpu.memref_squeeze %dma_start3A_81 : memref<1x624x128xf32, #tpu.memory_space<hbm>> -> memref<624x128xf32, #tpu.memory_space<hbm>>
      %dma_start3A_83 = arith.constant 0 : i32
      %dma_start3A_84 = tpu.memref_slice %arg9[%mul3A_71, %dma_start3A_83] : memref<10000x128xf32, #tpu.memory_space<vmem_shared>> -> memref<624x128xf32, #tpu.memory_space<vmem_shared>>
      tpu.enqueue_dma source(%dma_start3A_84 : memref<624x128xf32, #tpu.memory_space<vmem_shared>>) target(%dma_start3A_82 : memref<624x128xf32, #tpu.memory_space<hbm>>) target_semaphore(%run_scoped3A_79 : memref<!tpu.dma_semaphore, #tpu.memory_space<semaphore_mem>>)
      %dma_wait3A = arith.constant 0 : i32
      %dma_wait3A_85 = tpu.memref_slice %arg5[%arg0, %mul3A_73, %dma_wait3A] : memref<2x10000x128xf32, #tpu.memory_space<hbm>> -> memref<1x624x128xf32, #tpu.memory_space<hbm>>
      %dma_wait3A_86 = tpu.memref_squeeze %dma_wait3A_85 : memref<1x624x128xf32, #tpu.memory_space<hbm>> -> memref<624x128xf32, #tpu.memory_space<hbm>>
      %dma_wait3A_87 = arith.constant 0 : i32
      %dma_wait3A_88 = tpu.memref_slice %arg9[%mul3A_71, %dma_wait3A_87] : memref<10000x128xf32, #tpu.memory_space<vmem_shared>> -> memref<624x128xf32, #tpu.memory_space<vmem_shared>>
      tpu.wait_dma2 semaphore(%run_scoped3A_79 : memref<!tpu.dma_semaphore, #tpu.memory_space<semaphore_mem>>) src(%dma_wait3A_88 : memref<624x128xf32, #tpu.memory_space<vmem_shared>>) dst(%dma_wait3A_86 : memref<624x128xf32, #tpu.memory_space<hbm>>)
      tpu.yield
    }) : () -> ()
    %eq3A_74 = arith.constant 0 : i32
    %eq3A_75 = arith.cmpi eq, %arg1, %eq3A_74 : i32
    %convert_element_type3A_76 = arith.extui %eq3A_75 : i1 to i32
    %cond3A_77 = arith.constant 0 : i32
    %cond3A_78 = arith.cmpi ne, %convert_element_type3A_76, %cond3A_77 : i32
    scf.if %cond3A_78 {
      "tpu.region"() ({
        %run_scoped3A_79 = tpu.sem_alloc : memref<!tpu.dma_semaphore, #tpu.memory_space<semaphore_mem>>
        %dma_start3A_80 = arith.constant 9984 : i32
        %dma_start3A_81 = arith.constant 0 : i32
        %dma_start3A_82 = tpu.memref_slice %arg5[%arg0, %dma_start3A_80, %dma_start3A_81] : memref<2x10000x128xf32, #tpu.memory_space<hbm>> -> memref<1x16x128xf32, #tpu.memory_space<hbm>>
        %dma_start3A_83 = tpu.memref_squeeze %dma_start3A_82 : memref<1x16x128xf32, #tpu.memory_space<hbm>> -> memref<16x128xf32, #tpu.memory_space<hbm>>
        %dma_start3A_84 = arith.constant 9984 : i32
        %dma_start3A_85 = arith.constant 0 : i32
        %dma_start3A_86 = tpu.memref_slice %arg9[%dma_start3A_84, %dma_start3A_85] : memref<10000x128xf32, #tpu.memory_space<vmem_shared>> -> memref<16x128xf32, #tpu.memory_space<vmem_shared>>
        tpu.enqueue_dma source(%dma_start3A_86 : memref<16x128xf32, #tpu.memory_space<vmem_shared>>) target(%dma_start3A_83 : memref<16x128xf32, #tpu.memory_space<hbm>>) target_semaphore(%run_scoped3A_79 : memref<!tpu.dma_semaphore, #tpu.memory_space<semaphore_mem>>)
        %dma_wait3A = arith.constant 9984 : i32
        %dma_wait3A_87 = arith.constant 0 : i32
        %dma_wait3A_88 = tpu.memref_slice %arg5[%arg0, %dma_wait3A, %dma_wait3A_87] : memref<2x10000x128xf32, #tpu.memory_space<hbm>> -> memref<1x16x128xf32, #tpu.memory_space<hbm>>
        %dma_wait3A_89 = tpu.memref_squeeze %dma_wait3A_88 : memref<1x16x128xf32, #tpu.memory_space<hbm>> -> memref<16x128xf32, #tpu.memory_space<hbm>>
        %dma_wait3A_90 = arith.constant 9984 : i32
        %dma_wait3A_91 = arith.constant 0 : i32
        %dma_wait3A_92 = tpu.memref_slice %arg9[%dma_wait3A_90, %dma_wait3A_91] : memref<10000x128xf32, #tpu.memory_space<vmem_shared>> -> memref<16x128xf32, #tpu.memory_space<vmem_shared>>
        tpu.wait_dma2 semaphore(%run_scoped3A_79 : memref<!tpu.dma_semaphore, #tpu.memory_space<semaphore_mem>>) src(%dma_wait3A_92 : memref<16x128xf32, #tpu.memory_space<vmem_shared>>) dst(%dma_wait3A_89 : memref<16x128xf32, #tpu.memory_space<hbm>>)
        tpu.yield
      }) : () -> ()
    } else {
    }
    return
  }
}

#map = affine_map<(d0, d1) -> (0, 0)>
#map1 = affine_map<(d0, d1) -> (0, 0, 0)>
module attributes {stable_mosaic.version = 14 : i64} {
  func.func @_sc_gather_scatter(%arg0: i32, %arg1: i32, %arg2: memref<10000x128xf32, #tpu.memory_space<hbm>>, %arg3: memref<2560x125xi32, #tpu.memory_space<hbm>>, %arg4: memref<2560x125xi32, #tpu.memory_space<hbm>>, %arg5: memref<2x10000x128xf32, #tpu.memory_space<hbm>>, %arg6: memref<80x125xi32, #tpu.memory_space<vmem>>, %arg7: memref<40x125xi32, #tpu.memory_space<vmem>>, %arg8: memref<2x125x128xf32, #tpu.memory_space<vmem>>, %arg9: memref<10000x128xf32, #tpu.memory_space<vmem_shared>>, %arg10: memref<!tpu.dma_semaphore, #tpu.memory_space<semaphore_mem>>, %arg11: memref<!tpu.dma_semaphore, #tpu.memory_space<semaphore_mem>>, %arg12: memref<!tpu.dma_semaphore, #tpu.memory_space<semaphore_mem>>, %arg13: memref<!tpu.dma_semaphore, #tpu.memory_space<semaphore_mem>>) attributes {dimension_semantics = [#tpu.dimension_semantics<core_parallel>, #tpu.dimension_semantics<subcore_parallel>], iteration_bounds = array<i64: 2, 16>, scalar_prefetch = 0 : i64, scratch_operands = 8 : i64, tpu.core_type = #tpu.core_type<sc_vector_subcore>, window_params = [{transform_indices = #map}, {transform_indices = #map}, {transform_indices = #map}, {transform_indices = #map1}]} {
    %mul3A = arith.constant 16 : i32
    %mul3A_0 = arith.muli %arg0, %mul3A : i32
    %add3A = arith.addi %mul3A_0, %arg1 : i32
    %mul3A_1 = arith.constant 80 : i32
    %mul3A_2 = arith.muli %add3A, %mul3A_1 : i32
    "tpu.region"() ({
      %run_scoped3A_79 = tpu.sem_alloc : memref<!tpu.dma_semaphore, #tpu.memory_space<semaphore_mem>>
      %dma_start3A_80 = arith.constant 0 : i32
      %dma_start3A_81 = tpu.memref_slice %arg3[%mul3A_2, %dma_start3A_80] : memref<2560x125xi32, #tpu.memory_space<hbm>> -> memref<80x125xi32, #tpu.memory_space<hbm>>
      %dma_start3A_82 = arith.constant 0 : i32
      %dma_start3A_83 = tpu.memref_slice %arg3[%mul3A_2, %dma_start3A_82] : memref<2560x125xi32, #tpu.memory_space<hbm>> -> memref<80x125xi32, #tpu.memory_space<hbm>>
      tpu.enqueue_dma source(%dma_start3A_83 : memref<80x125xi32, #tpu.memory_space<hbm>>) target(%arg6 : memref<80x125xi32, #tpu.memory_space<vmem>>) target_semaphore(%run_scoped3A_79 : memref<!tpu.dma_semaphore, #tpu.memory_space<semaphore_mem>>)
      %dma_wait3A = arith.constant 0 : i32
      %dma_wait3A_84 = tpu.memref_slice %arg3[%mul3A_2, %dma_wait3A] : memref<2560x125xi32, #tpu.memory_space<hbm>> -> memref<80x125xi32, #tpu.memory_space<hbm>>
      %dma_wait3A_85 = arith.constant 0 : i32
      %dma_wait3A_86 = tpu.memref_slice %arg3[%mul3A_2, %dma_wait3A_85] : memref<2560x125xi32, #tpu.memory_space<hbm>> -> memref<80x125xi32, #tpu.memory_space<hbm>>
      tpu.wait_dma2 semaphore(%run_scoped3A_79 : memref<!tpu.dma_semaphore, #tpu.memory_space<semaphore_mem>>) src(%dma_wait3A_86 : memref<80x125xi32, #tpu.memory_space<hbm>>) dst(%arg6 : memref<80x125xi32, #tpu.memory_space<vmem>>)
      tpu.yield
    }) : () -> ()
    "tpu.region"() ({
      %run_scoped3A_79 = tpu.sem_alloc : memref<!tpu.dma_semaphore, #tpu.memory_space<semaphore_mem>>
      %dma_start3A_80 = arith.constant 0 : i32
      %dma_start3A_81 = tpu.memref_slice %arg4[%mul3A_2, %dma_start3A_80] : memref<2560x125xi32, #tpu.memory_space<hbm>> -> memref<40x125xi32, #tpu.memory_space<hbm>>
      %dma_start3A_82 = arith.constant 0 : i32
      %dma_start3A_83 = tpu.memref_slice %arg4[%mul3A_2, %dma_start3A_82] : memref<2560x125xi32, #tpu.memory_space<hbm>> -> memref<40x125xi32, #tpu.memory_space<hbm>>
      tpu.enqueue_dma source(%dma_start3A_83 : memref<40x125xi32, #tpu.memory_space<hbm>>) target(%arg7 : memref<40x125xi32, #tpu.memory_space<vmem>>) target_semaphore(%run_scoped3A_79 : memref<!tpu.dma_semaphore, #tpu.memory_space<semaphore_mem>>)
      %dma_wait3A = arith.constant 0 : i32
      %dma_wait3A_84 = tpu.memref_slice %arg4[%mul3A_2, %dma_wait3A] : memref<2560x125xi32, #tpu.memory_space<hbm>> -> memref<40x125xi32, #tpu.memory_space<hbm>>
      %dma_wait3A_85 = arith.constant 0 : i32
      %dma_wait3A_86 = tpu.memref_slice %arg4[%mul3A_2, %dma_wait3A_85] : memref<2560x125xi32, #tpu.memory_space<hbm>> -> memref<40x125xi32, #tpu.memory_space<hbm>>
      tpu.wait_dma2 semaphore(%run_scoped3A_79 : memref<!tpu.dma_semaphore, #tpu.memory_space<semaphore_mem>>) src(%dma_wait3A_86 : memref<40x125xi32, #tpu.memory_space<hbm>>) dst(%arg7 : memref<40x125xi32, #tpu.memory_space<vmem>>)
      tpu.yield
    }) : () -> ()
    %broadcast_in_dim3A = arith.constant 0.000000e+00 : f32
    %broadcast_in_dim3A_3 = vector.broadcast %broadcast_in_dim3A : f32 to vector<16xf32>
    %scan3A = arith.constant 0 : i32
    %scan3A_4 = arith.constant 0 : i32
    %scan3A_5 = arith.constant 125 : i32
    %scan3A_6 = arith.addi %scan3A_4, %scan3A_5 : i32
    %scan3A_7 = arith.constant 1 : i32
    scf.for %scan3A_79 = %scan3A_4 to %scan3A_6 step %scan3A_7  : i32 {
      %swap3A = arith.constant 0 : i32
      %swap3A_80 = arith.index_cast %swap3A : i32 to index
      %swap3A_81 = arith.index_cast %scan3A_79 : i32 to index
      %swap3A_82 = arith.constant 0 : index
      %swap3A_83 = tpu.vector_load %arg8[%swap3A_80, %swap3A_81, %swap3A_82] {strides = array<i32>} : memref<2x125x128xf32, #tpu.memory_space<vmem>>, vector<1x1x16xf32>,
      %swap3A_84 = vector.shape_cast %swap3A_83 : vector<1x1x16xf32> to vector<16xf32>
      %swap3A_85 = vector.shape_cast %broadcast_in_dim3A_3 : vector<16xf32> to vector<1x1x16xf32>
      tpu.vector_store %arg8[%swap3A_80, %swap3A_81, %swap3A_82], %swap3A_85 {strides = array<i32>} : memref<2x125x128xf32, #tpu.memory_space<vmem>>, vector<1x1x16xf32>,
      %swap3A_86 = arith.constant 0 : i32
      %swap3A_87 = arith.index_cast %swap3A_86 : i32 to index
      %swap3A_88 = arith.index_cast %scan3A_79 : i32 to index
      %swap3A_89 = arith.constant 16 : index
      %swap3A_90 = tpu.vector_load %arg8[%swap3A_87, %swap3A_88, %swap3A_89] {strides = array<i32>} : memref<2x125x128xf32, #tpu.memory_space<vmem>>, vector<1x1x16xf32>,
      %swap3A_91 = vector.shape_cast %swap3A_90 : vector<1x1x16xf32> to vector<16xf32>
      %swap3A_92 = vector.shape_cast %broadcast_in_dim3A_3 : vector<16xf32> to vector<1x1x16xf32>
      tpu.vector_store %arg8[%swap3A_87, %swap3A_88, %swap3A_89], %swap3A_92 {strides = array<i32>} : memref<2x125x128xf32, #tpu.memory_space<vmem>>, vector<1x1x16xf32>,
      %swap3A_93 = arith.constant 0 : i32
      %swap3A_94 = arith.index_cast %swap3A_93 : i32 to index
      %swap3A_95 = arith.index_cast %scan3A_79 : i32 to index
      %swap3A_96 = arith.constant 32 : index
      %swap3A_97 = tpu.vector_load %arg8[%swap3A_94, %swap3A_95, %swap3A_96] {strides = array<i32>} : memref<2x125x128xf32, #tpu.memory_space<vmem>>, vector<1x1x16xf32>,
      %swap3A_98 = vector.shape_cast %swap3A_97 : vector<1x1x16xf32> to vector<16xf32>
      %swap3A_99 = vector.shape_cast %broadcast_in_dim3A_3 : vector<16xf32> to vector<1x1x16xf32>
      tpu.vector_store %arg8[%swap3A_94, %swap3A_95, %swap3A_96], %swap3A_99 {strides = array<i32>} : memref<2x125x128xf32, #tpu.memory_space<vmem>>, vector<1x1x16xf32>,
      %swap3A_100 = arith.constant 0 : i32
      %swap3A_101 = arith.index_cast %swap3A_100 : i32 to index
      %swap3A_102 = arith.index_cast %scan3A_79 : i32 to index
      %swap3A_103 = arith.constant 48 : index
      %swap3A_104 = tpu.vector_load %arg8[%swap3A_101, %swap3A_102, %swap3A_103] {strides = array<i32>} : memref<2x125x128xf32, #tpu.memory_space<vmem>>, vector<1x1x16xf32>,
      %swap3A_105 = vector.shape_cast %swap3A_104 : vector<1x1x16xf32> to vector<16xf32>
      %swap3A_106 = vector.shape_cast %broadcast_in_dim3A_3 : vector<16xf32> to vector<1x1x16xf32>
      tpu.vector_store %arg8[%swap3A_101, %swap3A_102, %swap3A_103], %swap3A_106 {strides = array<i32>} : memref<2x125x128xf32, #tpu.memory_space<vmem>>, vector<1x1x16xf32>,
      %swap3A_107 = arith.constant 0 : i32
      %swap3A_108 = arith.index_cast %swap3A_107 : i32 to index
      %swap3A_109 = arith.index_cast %scan3A_79 : i32 to index
      %swap3A_110 = arith.constant 64 : index
      %swap3A_111 = tpu.vector_load %arg8[%swap3A_108, %swap3A_109, %swap3A_110] {strides = array<i32>} : memref<2x125x128xf32, #tpu.memory_space<vmem>>, vector<1x1x16xf32>,
      %swap3A_112 = vector.shape_cast %swap3A_111 : vector<1x1x16xf32> to vector<16xf32>
      %swap3A_113 = vector.shape_cast %broadcast_in_dim3A_3 : vector<16xf32> to vector<1x1x16xf32>
      tpu.vector_store %arg8[%swap3A_108, %swap3A_109, %swap3A_110], %swap3A_113 {strides = array<i32>} : memref<2x125x128xf32, #tpu.memory_space<vmem>>, vector<1x1x16xf32>,
      %swap3A_114 = arith.constant 0 : i32
      %swap3A_115 = arith.index_cast %swap3A_114 : i32 to index
      %swap3A_116 = arith.index_cast %scan3A_79 : i32 to index
      %swap3A_117 = arith.constant 80 : index
      %swap3A_118 = tpu.vector_load %arg8[%swap3A_115, %swap3A_116, %swap3A_117] {strides = array<i32>} : memref<2x125x128xf32, #tpu.memory_space<vmem>>, vector<1x1x16xf32>,
      %swap3A_119 = vector.shape_cast %swap3A_118 : vector<1x1x16xf32> to vector<16xf32>
      %swap3A_120 = vector.shape_cast %broadcast_in_dim3A_3 : vector<16xf32> to vector<1x1x16xf32>
      tpu.vector_store %arg8[%swap3A_115, %swap3A_116, %swap3A_117], %swap3A_120 {strides = array<i32>} : memref<2x125x128xf32, #tpu.memory_space<vmem>>, vector<1x1x16xf32>,
      %swap3A_121 = arith.constant 0 : i32
      %swap3A_122 = arith.index_cast %swap3A_121 : i32 to index
      %swap3A_123 = arith.index_cast %scan3A_79 : i32 to index
      %swap3A_124 = arith.constant 96 : index
      %swap3A_125 = tpu.vector_load %arg8[%swap3A_122, %swap3A_123, %swap3A_124] {strides = array<i32>} : memref<2x125x128xf32, #tpu.memory_space<vmem>>, vector<1x1x16xf32>,
      %swap3A_126 = vector.shape_cast %swap3A_125 : vector<1x1x16xf32> to vector<16xf32>
      %swap3A_127 = vector.shape_cast %broadcast_in_dim3A_3 : vector<16xf32> to vector<1x1x16xf32>
      tpu.vector_store %arg8[%swap3A_122, %swap3A_123, %swap3A_124], %swap3A_127 {strides = array<i32>} : memref<2x125x128xf32, #tpu.memory_space<vmem>>, vector<1x1x16xf32>,
      %swap3A_128 = arith.constant 0 : i32
      %swap3A_129 = arith.index_cast %swap3A_128 : i32 to index
      %swap3A_130 = arith.index_cast %scan3A_79 : i32 to index
      %swap3A_131 = arith.constant 112 : index
      %swap3A_132 = tpu.vector_load %arg8[%swap3A_129, %swap3A_130, %swap3A_131] {strides = array<i32>} : memref<2x125x128xf32, #tpu.memory_space<vmem>>, vector<1x1x16xf32>,
      %swap3A_133 = vector.shape_cast %swap3A_132 : vector<1x1x16xf32> to vector<16xf32>
      %swap3A_134 = vector.shape_cast %broadcast_in_dim3A_3 : vector<16xf32> to vector<1x1x16xf32>
      tpu.vector_store %arg8[%swap3A_129, %swap3A_130, %swap3A_131], %swap3A_134 {strides = array<i32>} : memref<2x125x128xf32, #tpu.memory_space<vmem>>, vector<1x1x16xf32>,
    }
    %scan3A_8 = arith.constant 125 : i32
    %mul3A_9 = arith.constant 624 : i32
    %mul3A_10 = arith.muli %arg1, %mul3A_9 : i32
    %add3A_11 = arith.constant 0 : i32
    %add3A_12 = arith.addi %mul3A_10, %add3A_11 : i32
    %run_scoped3A = arith.constant 0 : i32
    "tpu.region"() ({
      %run_scoped3A_79 = tpu.sem_alloc : memref<!tpu.dma_semaphore, #tpu.memory_space<semaphore_mem>>
      %dma_start3A_80 = arith.constant 0 : i32
      %dma_start3A_81 = arith.constant 0 : i32
      %dma_start3A_82 = tpu.memref_slice %arg8[%run_scoped3A, %dma_start3A_80, %dma_start3A_81] : memref<2x125x128xf32, #tpu.memory_space<vmem>> -> memref<1x120x128xf32, #tpu.memory_space<vmem>>
      %dma_start3A_83 = tpu.memref_squeeze %dma_start3A_82 : memref<1x120x128xf32, #tpu.memory_space<vmem>> -> memref<120x128xf32, #tpu.memory_space<vmem>>
      %dma_start3A_84 = arith.constant 0 : i32
      %dma_start3A_85 = tpu.memref_slice %arg9[%add3A_12, %dma_start3A_84] : memref<10000x128xf32, #tpu.memory_space<vmem_shared>> -> memref<120x128xf32, #tpu.memory_space<vmem_shared>>
      %dma_start3A_86 = arith.constant 0 : i32
      %dma_start3A_87 = tpu.memref_slice %arg9[%add3A_12, %dma_start3A_86] : memref<10000x128xf32, #tpu.memory_space<vmem_shared>> -> memref<120x128xf32, #tpu.memory_space<vmem_shared>>
      %dma_start3A_88 = arith.constant 0 : i32
      %dma_start3A_89 = arith.constant 0 : i32
      %dma_start3A_90 = tpu.memref_slice %arg8[%run_scoped3A, %dma_start3A_88, %dma_start3A_89] : memref<2x125x128xf32, #tpu.memory_space<vmem>> -> memref<1x120x128xf32, #tpu.memory_space<vmem>>
      %dma_start3A_91 = tpu.memref_squeeze %dma_start3A_90 : memref<1x120x128xf32, #tpu.memory_space<vmem>> -> memref<120x128xf32, #tpu.memory_space<vmem>>
      tpu.enqueue_dma source(%dma_start3A_91 : memref<120x128xf32, #tpu.memory_space<vmem>>) target(%dma_start3A_87 : memref<120x128xf32, #tpu.memory_space<vmem_shared>>) target_semaphore(%run_scoped3A_79 : memref<!tpu.dma_semaphore, #tpu.memory_space<semaphore_mem>>)
      %dma_wait3A = arith.constant 0 : i32
      %dma_wait3A_92 = arith.constant 0 : i32
      %dma_wait3A_93 = tpu.memref_slice %arg8[%run_scoped3A, %dma_wait3A, %dma_wait3A_92] : memref<2x125x128xf32, #tpu.memory_space<vmem>> -> memref<1x120x128xf32, #tpu.memory_space<vmem>>
      %dma_wait3A_94 = tpu.memref_squeeze %dma_wait3A_93 : memref<1x120x128xf32, #tpu.memory_space<vmem>> -> memref<120x128xf32, #tpu.memory_space<vmem>>
      %dma_wait3A_95 = arith.constant 0 : i32
      %dma_wait3A_96 = tpu.memref_slice %arg9[%add3A_12, %dma_wait3A_95] : memref<10000x128xf32, #tpu.memory_space<vmem_shared>> -> memref<120x128xf32, #tpu.memory_space<vmem_shared>>
      %dma_wait3A_97 = arith.constant 0 : i32
      %dma_wait3A_98 = tpu.memref_slice %arg9[%add3A_12, %dma_wait3A_97] : memref<10000x128xf32, #tpu.memory_space<vmem_shared>> -> memref<120x128xf32, #tpu.memory_space<vmem_shared>>
      %dma_wait3A_99 = arith.constant 0 : i32
      %dma_wait3A_100 = arith.constant 0 : i32
      %dma_wait3A_101 = tpu.memref_slice %arg8[%run_scoped3A, %dma_wait3A_99, %dma_wait3A_100] : memref<2x125x128xf32, #tpu.memory_space<vmem>> -> memref<1x120x128xf32, #tpu.memory_space<vmem>>
      %dma_wait3A_102 = tpu.memref_squeeze %dma_wait3A_101 : memref<1x120x128xf32, #tpu.memory_space<vmem>> -> memref<120x128xf32, #tpu.memory_space<vmem>>
      tpu.wait_dma2 semaphore(%run_scoped3A_79 : memref<!tpu.dma_semaphore, #tpu.memory_space<semaphore_mem>>) src(%dma_wait3A_102 : memref<120x128xf32, #tpu.memory_space<vmem>>) dst(%dma_wait3A_98 : memref<120x128xf32, #tpu.memory_space<vmem_shared>>)
      tpu.yield
    }) : () -> ()
    %mul3A_13 = arith.constant 624 : i32
    %mul3A_14 = arith.muli %arg1, %mul3A_13 : i32
    %add3A_15 = arith.constant 120 : i32
    %add3A_16 = arith.addi %mul3A_14, %add3A_15 : i32
    %run_scoped3A_17 = arith.constant 0 : i32
    "tpu.region"() ({
      %run_scoped3A_79 = tpu.sem_alloc : memref<!tpu.dma_semaphore, #tpu.memory_space<semaphore_mem>>
      %dma_start3A_80 = arith.constant 0 : i32
      %dma_start3A_81 = arith.constant 0 : i32
      %dma_start3A_82 = tpu.memref_slice %arg8[%run_scoped3A_17, %dma_start3A_80, %dma_start3A_81] : memref<2x125x128xf32, #tpu.memory_space<vmem>> -> memref<1x120x128xf32, #tpu.memory_space<vmem>>
      %dma_start3A_83 = tpu.memref_squeeze %dma_start3A_82 : memref<1x120x128xf32, #tpu.memory_space<vmem>> -> memref<120x128xf32, #tpu.memory_space<vmem>>
      %dma_start3A_84 = arith.constant 0 : i32
      %dma_start3A_85 = tpu.memref_slice %arg9[%add3A_16, %dma_start3A_84] : memref<10000x128xf32, #tpu.memory_space<vmem_shared>> -> memref<120x128xf32, #tpu.memory_space<vmem_shared>>
      %dma_start3A_86 = arith.constant 0 : i32
      %dma_start3A_87 = tpu.memref_slice %arg9[%add3A_16, %dma_start3A_86] : memref<10000x128xf32, #tpu.memory_space<vmem_shared>> -> memref<120x128xf32, #tpu.memory_space<vmem_shared>>
      %dma_start3A_88 = arith.constant 0 : i32
      %dma_start3A_89 = arith.constant 0 : i32
      %dma_start3A_90 = tpu.memref_slice %arg8[%run_scoped3A_17, %dma_start3A_88, %dma_start3A_89] : memref<2x125x128xf32, #tpu.memory_space<vmem>> -> memref<1x120x128xf32, #tpu.memory_space<vmem>>
      %dma_start3A_91 = tpu.memref_squeeze %dma_start3A_90 : memref<1x120x128xf32, #tpu.memory_space<vmem>> -> memref<120x128xf32, #tpu.memory_space<vmem>>
      tpu.enqueue_dma source(%dma_start3A_91 : memref<120x128xf32, #tpu.memory_space<vmem>>) target(%dma_start3A_87 : memref<120x128xf32, #tpu.memory_space<vmem_shared>>) target_semaphore(%run_scoped3A_79 : memref<!tpu.dma_semaphore, #tpu.memory_space<semaphore_mem>>)
      %dma_wait3A = arith.constant 0 : i32
      %dma_wait3A_92 = arith.constant 0 : i32
      %dma_wait3A_93 = tpu.memref_slice %arg8[%run_scoped3A_17, %dma_wait3A, %dma_wait3A_92] : memref<2x125x128xf32, #tpu.memory_space<vmem>> -> memref<1x120x128xf32, #tpu.memory_space<vmem>>
      %dma_wait3A_94 = tpu.memref_squeeze %dma_wait3A_93 : memref<1x120x128xf32, #tpu.memory_space<vmem>> -> memref<120x128xf32, #tpu.memory_space<vmem>>
      %dma_wait3A_95 = arith.constant 0 : i32
      %dma_wait3A_96 = tpu.memref_slice %arg9[%add3A_16, %dma_wait3A_95] : memref<10000x128xf32, #tpu.memory_space<vmem_shared>> -> memref<120x128xf32, #tpu.memory_space<vmem_shared>>
      %dma_wait3A_97 = arith.constant 0 : i32
      %dma_wait3A_98 = tpu.memref_slice %arg9[%add3A_16, %dma_wait3A_97] : memref<10000x128xf32, #tpu.memory_space<vmem_shared>> -> memref<120x128xf32, #tpu.memory_space<vmem_shared>>
      %dma_wait3A_99 = arith.constant 0 : i32
      %dma_wait3A_100 = arith.constant 0 : i32
      %dma_wait3A_101 = tpu.memref_slice %arg8[%run_scoped3A_17, %dma_wait3A_99, %dma_wait3A_100] : memref<2x125x128xf32, #tpu.memory_space<vmem>> -> memref<1x120x128xf32, #tpu.memory_space<vmem>>
      %dma_wait3A_102 = tpu.memref_squeeze %dma_wait3A_101 : memref<1x120x128xf32, #tpu.memory_space<vmem>> -> memref<120x128xf32, #tpu.memory_space<vmem>>
      tpu.wait_dma2 semaphore(%run_scoped3A_79 : memref<!tpu.dma_semaphore, #tpu.memory_space<semaphore_mem>>) src(%dma_wait3A_102 : memref<120x128xf32, #tpu.memory_space<vmem>>) dst(%dma_wait3A_98 : memref<120x128xf32, #tpu.memory_space<vmem_shared>>)
      tpu.yield
    }) : () -> ()
    %mul3A_18 = arith.constant 624 : i32
    %mul3A_19 = arith.muli %arg1, %mul3A_18 : i32
    %add3A_20 = arith.constant 240 : i32
    %add3A_21 = arith.addi %mul3A_19, %add3A_20 : i32
    %run_scoped3A_22 = arith.constant 0 : i32
    "tpu.region"() ({
      %run_scoped3A_79 = tpu.sem_alloc : memref<!tpu.dma_semaphore, #tpu.memory_space<semaphore_mem>>
      %dma_start3A_80 = arith.constant 0 : i32
      %dma_start3A_81 = arith.constant 0 : i32
      %dma_start3A_82 = tpu.memref_slice %arg8[%run_scoped3A_22, %dma_start3A_80, %dma_start3A_81] : memref<2x125x128xf32, #tpu.memory_space<vmem>> -> memref<1x120x128xf32, #tpu.memory_space<vmem>>
      %dma_start3A_83 = tpu.memref_squeeze %dma_start3A_82 : memref<1x120x128xf32, #tpu.memory_space<vmem>> -> memref<120x128xf32, #tpu.memory_space<vmem>>
      %dma_start3A_84 = arith.constant 0 : i32
      %dma_start3A_85 = tpu.memref_slice %arg9[%add3A_21, %dma_start3A_84] : memref<10000x128xf32, #tpu.memory_space<vmem_shared>> -> memref<120x128xf32, #tpu.memory_space<vmem_shared>>
      %dma_start3A_86 = arith.constant 0 : i32
      %dma_start3A_87 = tpu.memref_slice %arg9[%add3A_21, %dma_start3A_86] : memref<10000x128xf32, #tpu.memory_space<vmem_shared>> -> memref<120x128xf32, #tpu.memory_space<vmem_shared>>
      %dma_start3A_88 = arith.constant 0 : i32
      %dma_start3A_89 = arith.constant 0 : i32
      %dma_start3A_90 = tpu.memref_slice %arg8[%run_scoped3A_22, %dma_start3A_88, %dma_start3A_89] : memref<2x125x128xf32, #tpu.memory_space<vmem>> -> memref<1x120x128xf32, #tpu.memory_space<vmem>>
      %dma_start3A_91 = tpu.memref_squeeze %dma_start3A_90 : memref<1x120x128xf32, #tpu.memory_space<vmem>> -> memref<120x128xf32, #tpu.memory_space<vmem>>
      tpu.enqueue_dma source(%dma_start3A_91 : memref<120x128xf32, #tpu.memory_space<vmem>>) target(%dma_start3A_87 : memref<120x128xf32, #tpu.memory_space<vmem_shared>>) target_semaphore(%run_scoped3A_79 : memref<!tpu.dma_semaphore, #tpu.memory_space<semaphore_mem>>)
      %dma_wait3A = arith.constant 0 : i32
      %dma_wait3A_92 = arith.constant 0 : i32
      %dma_wait3A_93 = tpu.memref_slice %arg8[%run_scoped3A_22, %dma_wait3A, %dma_wait3A_92] : memref<2x125x128xf32, #tpu.memory_space<vmem>> -> memref<1x120x128xf32, #tpu.memory_space<vmem>>
      %dma_wait3A_94 = tpu.memref_squeeze %dma_wait3A_93 : memref<1x120x128xf32, #tpu.memory_space<vmem>> -> memref<120x128xf32, #tpu.memory_space<vmem>>
      %dma_wait3A_95 = arith.constant 0 : i32
      %dma_wait3A_96 = tpu.memref_slice %arg9[%add3A_21, %dma_wait3A_95] : memref<10000x128xf32, #tpu.memory_space<vmem_shared>> -> memref<120x128xf32, #tpu.memory_space<vmem_shared>>
      %dma_wait3A_97 = arith.constant 0 : i32
      %dma_wait3A_98 = tpu.memref_slice %arg9[%add3A_21, %dma_wait3A_97] : memref<10000x128xf32, #tpu.memory_space<vmem_shared>> -> memref<120x128xf32, #tpu.memory_space<vmem_shared>>
      %dma_wait3A_99 = arith.constant 0 : i32
      %dma_wait3A_100 = arith.constant 0 : i32
      %dma_wait3A_101 = tpu.memref_slice %arg8[%run_scoped3A_22, %dma_wait3A_99, %dma_wait3A_100] : memref<2x125x128xf32, #tpu.memory_space<vmem>> -> memref<1x120x128xf32, #tpu.memory_space<vmem>>
      %dma_wait3A_102 = tpu.memref_squeeze %dma_wait3A_101 : memref<1x120x128xf32, #tpu.memory_space<vmem>> -> memref<120x128xf32, #tpu.memory_space<vmem>>
      tpu.wait_dma2 semaphore(%run_scoped3A_79 : memref<!tpu.dma_semaphore, #tpu.memory_space<semaphore_mem>>) src(%dma_wait3A_102 : memref<120x128xf32, #tpu.memory_space<vmem>>) dst(%dma_wait3A_98 : memref<120x128xf32, #tpu.memory_space<vmem_shared>>)
      tpu.yield
    }) : () -> ()
    %mul3A_23 = arith.constant 624 : i32
    %mul3A_24 = arith.muli %arg1, %mul3A_23 : i32
    %add3A_25 = arith.constant 360 : i32
    %add3A_26 = arith.addi %mul3A_24, %add3A_25 : i32
    %run_scoped3A_27 = arith.constant 0 : i32
    "tpu.region"() ({
      %run_scoped3A_79 = tpu.sem_alloc : memref<!tpu.dma_semaphore, #tpu.memory_space<semaphore_mem>>
      %dma_start3A_80 = arith.constant 0 : i32
      %dma_start3A_81 = arith.constant 0 : i32
      %dma_start3A_82 = tpu.memref_slice %arg8[%run_scoped3A_27, %dma_start3A_80, %dma_start3A_81] : memref<2x125x128xf32, #tpu.memory_space<vmem>> -> memref<1x120x128xf32, #tpu.memory_space<vmem>>
      %dma_start3A_83 = tpu.memref_squeeze %dma_start3A_82 : memref<1x120x128xf32, #tpu.memory_space<vmem>> -> memref<120x128xf32, #tpu.memory_space<vmem>>
      %dma_start3A_84 = arith.constant 0 : i32
      %dma_start3A_85 = tpu.memref_slice %arg9[%add3A_26, %dma_start3A_84] : memref<10000x128xf32, #tpu.memory_space<vmem_shared>> -> memref<120x128xf32, #tpu.memory_space<vmem_shared>>
      %dma_start3A_86 = arith.constant 0 : i32
      %dma_start3A_87 = tpu.memref_slice %arg9[%add3A_26, %dma_start3A_86] : memref<10000x128xf32, #tpu.memory_space<vmem_shared>> -> memref<120x128xf32, #tpu.memory_space<vmem_shared>>
      %dma_start3A_88 = arith.constant 0 : i32
      %dma_start3A_89 = arith.constant 0 : i32
      %dma_start3A_90 = tpu.memref_slice %arg8[%run_scoped3A_27, %dma_start3A_88, %dma_start3A_89] : memref<2x125x128xf32, #tpu.memory_space<vmem>> -> memref<1x120x128xf32, #tpu.memory_space<vmem>>
      %dma_start3A_91 = tpu.memref_squeeze %dma_start3A_90 : memref<1x120x128xf32, #tpu.memory_space<vmem>> -> memref<120x128xf32, #tpu.memory_space<vmem>>
      tpu.enqueue_dma source(%dma_start3A_91 : memref<120x128xf32, #tpu.memory_space<vmem>>) target(%dma_start3A_87 : memref<120x128xf32, #tpu.memory_space<vmem_shared>>) target_semaphore(%run_scoped3A_79 : memref<!tpu.dma_semaphore, #tpu.memory_space<semaphore_mem>>)
      %dma_wait3A = arith.constant 0 : i32
      %dma_wait3A_92 = arith.constant 0 : i32
      %dma_wait3A_93 = tpu.memref_slice %arg8[%run_scoped3A_27, %dma_wait3A, %dma_wait3A_92] : memref<2x125x128xf32, #tpu.memory_space<vmem>> -> memref<1x120x128xf32, #tpu.memory_space<vmem>>
      %dma_wait3A_94 = tpu.memref_squeeze %dma_wait3A_93 : memref<1x120x128xf32, #tpu.memory_space<vmem>> -> memref<120x128xf32, #tpu.memory_space<vmem>>
      %dma_wait3A_95 = arith.constant 0 : i32
      %dma_wait3A_96 = tpu.memref_slice %arg9[%add3A_26, %dma_wait3A_95] : memref<10000x128xf32, #tpu.memory_space<vmem_shared>> -> memref<120x128xf32, #tpu.memory_space<vmem_shared>>
      %dma_wait3A_97 = arith.constant 0 : i32
      %dma_wait3A_98 = tpu.memref_slice %arg9[%add3A_26, %dma_wait3A_97] : memref<10000x128xf32, #tpu.memory_space<vmem_shared>> -> memref<120x128xf32, #tpu.memory_space<vmem_shared>>
      %dma_wait3A_99 = arith.constant 0 : i32
      %dma_wait3A_100 = arith.constant 0 : i32
      %dma_wait3A_101 = tpu.memref_slice %arg8[%run_scoped3A_27, %dma_wait3A_99, %dma_wait3A_100] : memref<2x125x128xf32, #tpu.memory_space<vmem>> -> memref<1x120x128xf32, #tpu.memory_space<vmem>>
      %dma_wait3A_102 = tpu.memref_squeeze %dma_wait3A_101 : memref<1x120x128xf32, #tpu.memory_space<vmem>> -> memref<120x128xf32, #tpu.memory_space<vmem>>
      tpu.wait_dma2 semaphore(%run_scoped3A_79 : memref<!tpu.dma_semaphore, #tpu.memory_space<semaphore_mem>>) src(%dma_wait3A_102 : memref<120x128xf32, #tpu.memory_space<vmem>>) dst(%dma_wait3A_98 : memref<120x128xf32, #tpu.memory_space<vmem_shared>>)
      tpu.yield
    }) : () -> ()
    %mul3A_28 = arith.constant 624 : i32
    %mul3A_29 = arith.muli %arg1, %mul3A_28 : i32
    %add3A_30 = arith.constant 480 : i32
    %add3A_31 = arith.addi %mul3A_29, %add3A_30 : i32
    %run_scoped3A_32 = arith.constant 0 : i32
    "tpu.region"() ({
      %run_scoped3A_79 = tpu.sem_alloc : memref<!tpu.dma_semaphore, #tpu.memory_space<semaphore_mem>>
      %dma_start3A_80 = arith.constant 0 : i32
      %dma_start3A_81 = arith.constant 0 : i32
      %dma_start3A_82 = tpu.memref_slice %arg8[%run_scoped3A_32, %dma_start3A_80, %dma_start3A_81] : memref<2x125x128xf32, #tpu.memory_space<vmem>> -> memref<1x120x128xf32, #tpu.memory_space<vmem>>
      %dma_start3A_83 = tpu.memref_squeeze %dma_start3A_82 : memref<1x120x128xf32, #tpu.memory_space<vmem>> -> memref<120x128xf32, #tpu.memory_space<vmem>>
      %dma_start3A_84 = arith.constant 0 : i32
      %dma_start3A_85 = tpu.memref_slice %arg9[%add3A_31, %dma_start3A_84] : memref<10000x128xf32, #tpu.memory_space<vmem_shared>> -> memref<120x128xf32, #tpu.memory_space<vmem_shared>>
      %dma_start3A_86 = arith.constant 0 : i32
      %dma_start3A_87 = tpu.memref_slice %arg9[%add3A_31, %dma_start3A_86] : memref<10000x128xf32, #tpu.memory_space<vmem_shared>> -> memref<120x128xf32, #tpu.memory_space<vmem_shared>>
      %dma_start3A_88 = arith.constant 0 : i32
      %dma_start3A_89 = arith.constant 0 : i32
      %dma_start3A_90 = tpu.memref_slice %arg8[%run_scoped3A_32, %dma_start3A_88, %dma_start3A_89] : memref<2x125x128xf32, #tpu.memory_space<vmem>> -> memref<1x120x128xf32, #tpu.memory_space<vmem>>
      %dma_start3A_91 = tpu.memref_squeeze %dma_start3A_90 : memref<1x120x128xf32, #tpu.memory_space<vmem>> -> memref<120x128xf32, #tpu.memory_space<vmem>>
      tpu.enqueue_dma source(%dma_start3A_91 : memref<120x128xf32, #tpu.memory_space<vmem>>) target(%dma_start3A_87 : memref<120x128xf32, #tpu.memory_space<vmem_shared>>) target_semaphore(%run_scoped3A_79 : memref<!tpu.dma_semaphore, #tpu.memory_space<semaphore_mem>>)
      %dma_wait3A = arith.constant 0 : i32
      %dma_wait3A_92 = arith.constant 0 : i32
      %dma_wait3A_93 = tpu.memref_slice %arg8[%run_scoped3A_32, %dma_wait3A, %dma_wait3A_92] : memref<2x125x128xf32, #tpu.memory_space<vmem>> -> memref<1x120x128xf32, #tpu.memory_space<vmem>>
      %dma_wait3A_94 = tpu.memref_squeeze %dma_wait3A_93 : memref<1x120x128xf32, #tpu.memory_space<vmem>> -> memref<120x128xf32, #tpu.memory_space<vmem>>
      %dma_wait3A_95 = arith.constant 0 : i32
      %dma_wait3A_96 = tpu.memref_slice %arg9[%add3A_31, %dma_wait3A_95] : memref<10000x128xf32, #tpu.memory_space<vmem_shared>> -> memref<120x128xf32, #tpu.memory_space<vmem_shared>>
      %dma_wait3A_97 = arith.constant 0 : i32
      %dma_wait3A_98 = tpu.memref_slice %arg9[%add3A_31, %dma_wait3A_97] : memref<10000x128xf32, #tpu.memory_space<vmem_shared>> -> memref<120x128xf32, #tpu.memory_space<vmem_shared>>
      %dma_wait3A_99 = arith.constant 0 : i32
      %dma_wait3A_100 = arith.constant 0 : i32
      %dma_wait3A_101 = tpu.memref_slice %arg8[%run_scoped3A_32, %dma_wait3A_99, %dma_wait3A_100] : memref<2x125x128xf32, #tpu.memory_space<vmem>> -> memref<1x120x128xf32, #tpu.memory_space<vmem>>
      %dma_wait3A_102 = tpu.memref_squeeze %dma_wait3A_101 : memref<1x120x128xf32, #tpu.memory_space<vmem>> -> memref<120x128xf32, #tpu.memory_space<vmem>>
      tpu.wait_dma2 semaphore(%run_scoped3A_79 : memref<!tpu.dma_semaphore, #tpu.memory_space<semaphore_mem>>) src(%dma_wait3A_102 : memref<120x128xf32, #tpu.memory_space<vmem>>) dst(%dma_wait3A_98 : memref<120x128xf32, #tpu.memory_space<vmem_shared>>)
      tpu.yield
    }) : () -> ()
    %mul3A_33 = arith.constant 624 : i32
    %mul3A_34 = arith.muli %arg1, %mul3A_33 : i32
    %add3A_35 = arith.constant 600 : i32
    %add3A_36 = arith.addi %mul3A_34, %add3A_35 : i32
    %run_scoped3A_37 = arith.constant 0 : i32
    "tpu.region"() ({
      %run_scoped3A_79 = tpu.sem_alloc : memref<!tpu.dma_semaphore, #tpu.memory_space<semaphore_mem>>
      %dma_start3A_80 = arith.constant 0 : i32
      %dma_start3A_81 = arith.constant 0 : i32
      %dma_start3A_82 = tpu.memref_slice %arg8[%run_scoped3A_37, %dma_start3A_80, %dma_start3A_81] : memref<2x125x128xf32, #tpu.memory_space<vmem>> -> memref<1x24x128xf32, #tpu.memory_space<vmem>>
      %dma_start3A_83 = tpu.memref_squeeze %dma_start3A_82 : memref<1x24x128xf32, #tpu.memory_space<vmem>> -> memref<24x128xf32, #tpu.memory_space<vmem>>
      %dma_start3A_84 = arith.constant 0 : i32
      %dma_start3A_85 = tpu.memref_slice %arg9[%add3A_36, %dma_start3A_84] : memref<10000x128xf32, #tpu.memory_space<vmem_shared>> -> memref<24x128xf32, #tpu.memory_space<vmem_shared>>
      %dma_start3A_86 = arith.constant 0 : i32
      %dma_start3A_87 = tpu.memref_slice %arg9[%add3A_36, %dma_start3A_86] : memref<10000x128xf32, #tpu.memory_space<vmem_shared>> -> memref<24x128xf32, #tpu.memory_space<vmem_shared>>
      %dma_start3A_88 = arith.constant 0 : i32
      %dma_start3A_89 = arith.constant 0 : i32
      %dma_start3A_90 = tpu.memref_slice %arg8[%run_scoped3A_37, %dma_start3A_88, %dma_start3A_89] : memref<2x125x128xf32, #tpu.memory_space<vmem>> -> memref<1x24x128xf32, #tpu.memory_space<vmem>>
      %dma_start3A_91 = tpu.memref_squeeze %dma_start3A_90 : memref<1x24x128xf32, #tpu.memory_space<vmem>> -> memref<24x128xf32, #tpu.memory_space<vmem>>
      tpu.enqueue_dma source(%dma_start3A_91 : memref<24x128xf32, #tpu.memory_space<vmem>>) target(%dma_start3A_87 : memref<24x128xf32, #tpu.memory_space<vmem_shared>>) target_semaphore(%run_scoped3A_79 : memref<!tpu.dma_semaphore, #tpu.memory_space<semaphore_mem>>)
      %dma_wait3A = arith.constant 0 : i32
      %dma_wait3A_92 = arith.constant 0 : i32
      %dma_wait3A_93 = tpu.memref_slice %arg8[%run_scoped3A_37, %dma_wait3A, %dma_wait3A_92] : memref<2x125x128xf32, #tpu.memory_space<vmem>> -> memref<1x24x128xf32, #tpu.memory_space<vmem>>
      %dma_wait3A_94 = tpu.memref_squeeze %dma_wait3A_93 : memref<1x24x128xf32, #tpu.memory_space<vmem>> -> memref<24x128xf32, #tpu.memory_space<vmem>>
      %dma_wait3A_95 = arith.constant 0 : i32
      %dma_wait3A_96 = tpu.memref_slice %arg9[%add3A_36, %dma_wait3A_95] : memref<10000x128xf32, #tpu.memory_space<vmem_shared>> -> memref<24x128xf32, #tpu.memory_space<vmem_shared>>
      %dma_wait3A_97 = arith.constant 0 : i32
      %dma_wait3A_98 = tpu.memref_slice %arg9[%add3A_36, %dma_wait3A_97] : memref<10000x128xf32, #tpu.memory_space<vmem_shared>> -> memref<24x128xf32, #tpu.memory_space<vmem_shared>>
      %dma_wait3A_99 = arith.constant 0 : i32
      %dma_wait3A_100 = arith.constant 0 : i32
      %dma_wait3A_101 = tpu.memref_slice %arg8[%run_scoped3A_37, %dma_wait3A_99, %dma_wait3A_100] : memref<2x125x128xf32, #tpu.memory_space<vmem>> -> memref<1x24x128xf32, #tpu.memory_space<vmem>>
      %dma_wait3A_102 = tpu.memref_squeeze %dma_wait3A_101 : memref<1x24x128xf32, #tpu.memory_space<vmem>> -> memref<24x128xf32, #tpu.memory_space<vmem>>
      tpu.wait_dma2 semaphore(%run_scoped3A_79 : memref<!tpu.dma_semaphore, #tpu.memory_space<semaphore_mem>>) src(%dma_wait3A_102 : memref<24x128xf32, #tpu.memory_space<vmem>>) dst(%dma_wait3A_98 : memref<24x128xf32, #tpu.memory_space<vmem_shared>>)
      tpu.yield
    }) : () -> ()
    %eq3A = arith.constant 0 : i32
    %eq3A_38 = arith.cmpi eq, %arg1, %eq3A : i32
    %convert_element_type3A = arith.extui %eq3A_38 : i1 to i32
    %cond3A = arith.constant 0 : i32
    %cond3A_39 = arith.cmpi ne, %convert_element_type3A, %cond3A : i32
    scf.if %cond3A_39 {
      %run_scoped3A_79 = arith.constant 0 : i32
      "tpu.region"() ({
        %run_scoped3A_80 = tpu.sem_alloc : memref<!tpu.dma_semaphore, #tpu.memory_space<semaphore_mem>>
        %dma_start3A_81 = arith.constant 0 : i32
        %dma_start3A_82 = arith.constant 0 : i32
        %dma_start3A_83 = tpu.memref_slice %arg8[%run_scoped3A_79, %dma_start3A_81, %dma_start3A_82] : memref<2x125x128xf32, #tpu.memory_space<vmem>> -> memref<1x16x128xf32, #tpu.memory_space<vmem>>
        %dma_start3A_84 = tpu.memref_squeeze %dma_start3A_83 : memref<1x16x128xf32, #tpu.memory_space<vmem>> -> memref<16x128xf32, #tpu.memory_space<vmem>>
        %dma_start3A_85 = arith.constant 9984 : i32
        %dma_start3A_86 = arith.constant 0 : i32
        %dma_start3A_87 = tpu.memref_slice %arg9[%dma_start3A_85, %dma_start3A_86] : memref<10000x128xf32, #tpu.memory_space<vmem_shared>> -> memref<16x128xf32, #tpu.memory_space<vmem_shared>>
        %dma_start3A_88 = arith.constant 9984 : i32
        %dma_start3A_89 = arith.constant 0 : i32
        %dma_start3A_90 = tpu.memref_slice %arg9[%dma_start3A_88, %dma_start3A_89] : memref<10000x128xf32, #tpu.memory_space<vmem_shared>> -> memref<16x128xf32, #tpu.memory_space<vmem_shared>>
        %dma_start3A_91 = arith.constant 0 : i32
        %dma_start3A_92 = arith.constant 0 : i32
        %dma_start3A_93 = tpu.memref_slice %arg8[%run_scoped3A_79, %dma_start3A_91, %dma_start3A_92] : memref<2x125x128xf32, #tpu.memory_space<vmem>> -> memref<1x16x128xf32, #tpu.memory_space<vmem>>
        %dma_start3A_94 = tpu.memref_squeeze %dma_start3A_93 : memref<1x16x128xf32, #tpu.memory_space<vmem>> -> memref<16x128xf32, #tpu.memory_space<vmem>>
        tpu.enqueue_dma source(%dma_start3A_94 : memref<16x128xf32, #tpu.memory_space<vmem>>) target(%dma_start3A_90 : memref<16x128xf32, #tpu.memory_space<vmem_shared>>) target_semaphore(%run_scoped3A_80 : memref<!tpu.dma_semaphore, #tpu.memory_space<semaphore_mem>>)
        %dma_wait3A = arith.constant 0 : i32
        %dma_wait3A_95 = arith.constant 0 : i32
        %dma_wait3A_96 = tpu.memref_slice %arg8[%run_scoped3A_79, %dma_wait3A, %dma_wait3A_95] : memref<2x125x128xf32, #tpu.memory_space<vmem>> -> memref<1x16x128xf32, #tpu.memory_space<vmem>>
        %dma_wait3A_97 = tpu.memref_squeeze %dma_wait3A_96 : memref<1x16x128xf32, #tpu.memory_space<vmem>> -> memref<16x128xf32, #tpu.memory_space<vmem>>
        %dma_wait3A_98 = arith.constant 9984 : i32
        %dma_wait3A_99 = arith.constant 0 : i32
        %dma_wait3A_100 = tpu.memref_slice %arg9[%dma_wait3A_98, %dma_wait3A_99] : memref<10000x128xf32, #tpu.memory_space<vmem_shared>> -> memref<16x128xf32, #tpu.memory_space<vmem_shared>>
        %dma_wait3A_101 = arith.constant 9984 : i32
        %dma_wait3A_102 = arith.constant 0 : i32
        %dma_wait3A_103 = tpu.memref_slice %arg9[%dma_wait3A_101, %dma_wait3A_102] : memref<10000x128xf32, #tpu.memory_space<vmem_shared>> -> memref<16x128xf32, #tpu.memory_space<vmem_shared>>
        %dma_wait3A_104 = arith.constant 0 : i32
        %dma_wait3A_105 = arith.constant 0 : i32
        %dma_wait3A_106 = tpu.memref_slice %arg8[%run_scoped3A_79, %dma_wait3A_104, %dma_wait3A_105] : memref<2x125x128xf32, #tpu.memory_space<vmem>> -> memref<1x16x128xf32, #tpu.memory_space<vmem>>
        %dma_wait3A_107 = tpu.memref_squeeze %dma_wait3A_106 : memref<1x16x128xf32, #tpu.memory_space<vmem>> -> memref<16x128xf32, #tpu.memory_space<vmem>>
        tpu.wait_dma2 semaphore(%run_scoped3A_80 : memref<!tpu.dma_semaphore, #tpu.memory_space<semaphore_mem>>) src(%dma_wait3A_107 : memref<16x128xf32, #tpu.memory_space<vmem>>) dst(%dma_wait3A_103 : memref<16x128xf32, #tpu.memory_space<vmem_shared>>)
        tpu.yield
      }) : () -> ()
    } else {
    }
    %barrier3A = arith.constant 0 : index
    tpu.barrier barrier_id(%barrier3A)
    %dma_start3A = arith.constant 0 : i32
    %dma_start3A_40 = arith.constant 0 : i32
    %dma_start3A_41 = arith.constant 0 : i32
    %dma_start3A_42 = arith.constant 0 : i32
    %dma_start3A_43 = tpu.memref_slice %arg8[%dma_start3A_40, %dma_start3A_41, %dma_start3A_42] : memref<2x125x128xf32, #tpu.memory_space<vmem>> -> memref<1x125x128xf32, #tpu.memory_space<vmem>>
    %dma_start3A_44 = tpu.memref_squeeze %dma_start3A_43 : memref<1x125x128xf32, #tpu.memory_space<vmem>> -> memref<125x128xf32, #tpu.memory_space<vmem>>
    %dma_start3A_45 = arith.constant 0 : i32
    %dma_start3A_46 = tpu.memref_slice %arg6[%dma_start3A, %dma_start3A_45] : memref<80x125xi32, #tpu.memory_space<vmem>> -> memref<1x125xi32, #tpu.memory_space<vmem>>
    %dma_start3A_47 = tpu.memref_squeeze %dma_start3A_46 : memref<1x125xi32, #tpu.memory_space<vmem>> -> memref<125xi32, #tpu.memory_space<vmem>>
    %dma_start3A_48 = arith.constant 0 : i32
    %dma_start3A_49 = arith.constant 0 : i32
    %dma_start3A_50 = tpu.memref_slice %arg2[%dma_start3A_48, %dma_start3A_49] : memref<10000x128xf32, #tpu.memory_space<hbm>> -> memref<10000x128xf32, #tpu.memory_space<hbm>>
    tpu.enqueue_indirect_dma source(%dma_start3A_50 : memref<10000x128xf32, #tpu.memory_space<hbm>>) target(%dma_start3A_44 : memref<125x128xf32, #tpu.memory_space<vmem>>) offsets(%dma_start3A_47 : memref<125xi32, #tpu.memory_space<vmem>>) semaphore(%arg10 : memref<!tpu.dma_semaphore, #tpu.memory_space<semaphore_mem>>)
    %dma_start3A_51 = arith.constant 1 : i32
    %dma_start3A_52 = arith.constant 1 : i32
    %dma_start3A_53 = arith.constant 0 : i32
    %dma_start3A_54 = arith.constant 0 : i32
    %dma_start3A_55 = tpu.memref_slice %arg8[%dma_start3A_52, %dma_start3A_53, %dma_start3A_54] : memref<2x125x128xf32, #tpu.memory_space<vmem>> -> memref<1x125x128xf32, #tpu.memory_space<vmem>>
    %dma_start3A_56 = tpu.memref_squeeze %dma_start3A_55 : memref<1x125x128xf32, #tpu.memory_space<vmem>> -> memref<125x128xf32, #tpu.memory_space<vmem>>
    %dma_start3A_57 = arith.constant 0 : i32
    %dma_start3A_58 = tpu.memref_slice %arg6[%dma_start3A_51, %dma_start3A_57] : memref<80x125xi32, #tpu.memory_space<vmem>> -> memref<1x125xi32, #tpu.memory_space<vmem>>
    %dma_start3A_59 = tpu.memref_squeeze %dma_start3A_58 : memref<1x125xi32, #tpu.memory_space<vmem>> -> memref<125xi32, #tpu.memory_space<vmem>>
    %dma_start3A_60 = arith.constant 0 : i32
    %dma_start3A_61 = arith.constant 0 : i32
    %dma_start3A_62 = tpu.memref_slice %arg2[%dma_start3A_60, %dma_start3A_61] : memref<10000x128xf32, #tpu.memory_space<hbm>> -> memref<10000x128xf32, #tpu.memory_space<hbm>>
    tpu.enqueue_indirect_dma source(%dma_start3A_62 : memref<10000x128xf32, #tpu.memory_space<hbm>>) target(%dma_start3A_56 : memref<125x128xf32, #tpu.memory_space<vmem>>) offsets(%dma_start3A_59 : memref<125xi32, #tpu.memory_space<vmem>>) semaphore(%arg11 : memref<!tpu.dma_semaphore, #tpu.memory_space<semaphore_mem>>)
    %scan3A_63 = arith.constant 0 : i32
    %scan3A_64 = arith.constant 0 : i32
    %scan3A_65 = arith.constant 40 : i32
    %scan3A_66 = arith.addi %scan3A_64, %scan3A_65 : i32
    %scan3A_67 = arith.constant 1 : i32
    scf.for %scan3A_79 = %scan3A_64 to %scan3A_66 step %scan3A_67  : i32 {
      %mul3A_80 = arith.constant 2 : i32
      %mul3A_81 = arith.muli %mul3A_80, %scan3A_79 : i32
      %eq3A_82 = arith.constant 40 : i32
      %eq3A_83 = arith.cmpi eq, %mul3A_81, %eq3A_82 : i32
      %convert_element_type3A_84 = arith.extui %eq3A_83 : i1 to i32
      %cond3A_85 = arith.constant 0 : i32
      %cond3A_86 = arith.cmpi ne, %convert_element_type3A_84, %cond3A_85 : i32
      scf.if %cond3A_86 {
        %add3A_128 = arith.constant 40 : i32
        %add3A_129 = arith.addi %mul3A_2, %add3A_128 : i32
        "tpu.region"() ({
          %run_scoped3A_130 = tpu.sem_alloc : memref<!tpu.dma_semaphore, #tpu.memory_space<semaphore_mem>>
          %dma_start3A_131 = arith.constant 0 : i32
          %dma_start3A_132 = tpu.memref_slice %arg4[%add3A_129, %dma_start3A_131] : memref<2560x125xi32, #tpu.memory_space<hbm>> -> memref<40x125xi32, #tpu.memory_space<hbm>>
          %dma_start3A_133 = arith.constant 0 : i32
          %dma_start3A_134 = tpu.memref_slice %arg4[%add3A_129, %dma_start3A_133] : memref<2560x125xi32, #tpu.memory_space<hbm>> -> memref<40x125xi32, #tpu.memory_space<hbm>>
          tpu.enqueue_dma source(%dma_start3A_134 : memref<40x125xi32, #tpu.memory_space<hbm>>) target(%arg7 : memref<40x125xi32, #tpu.memory_space<vmem>>) target_semaphore(%run_scoped3A_130 : memref<!tpu.dma_semaphore, #tpu.memory_space<semaphore_mem>>)
          %dma_wait3A_135 = arith.constant 0 : i32
          %dma_wait3A_136 = tpu.memref_slice %arg4[%add3A_129, %dma_wait3A_135] : memref<2560x125xi32, #tpu.memory_space<hbm>> -> memref<40x125xi32, #tpu.memory_space<hbm>>
          %dma_wait3A_137 = arith.constant 0 : i32
          %dma_wait3A_138 = tpu.memref_slice %arg4[%add3A_129, %dma_wait3A_137] : memref<2560x125xi32, #tpu.memory_space<hbm>> -> memref<40x125xi32, #tpu.memory_space<hbm>>
          tpu.wait_dma2 semaphore(%run_scoped3A_130 : memref<!tpu.dma_semaphore, #tpu.memory_space<semaphore_mem>>) src(%dma_wait3A_138 : memref<40x125xi32, #tpu.memory_space<hbm>>) dst(%arg7 : memref<40x125xi32, #tpu.memory_space<vmem>>)
          tpu.yield
        }) : () -> ()
      } else {
      }
      %rem3A = arith.constant 40 : i32
      %rem3A_87 = arith.remsi %mul3A_81, %rem3A : i32
      %dma_wait3A = arith.constant 0 : i32
      %dma_wait3A_88 = arith.constant 0 : i32
      %dma_wait3A_89 = arith.constant 0 : i32
      %dma_wait3A_90 = tpu.memref_slice %arg8[%dma_wait3A, %dma_wait3A_88, %dma_wait3A_89] : memref<2x125x128xf32, #tpu.memory_space<vmem>> -> memref<1x125x128xf32, #tpu.memory_space<vmem>>
      %dma_wait3A_91 = tpu.memref_squeeze %dma_wait3A_90 : memref<1x125x128xf32, #tpu.memory_space<vmem>> -> memref<125x128xf32, #tpu.memory_space<vmem>>
      %dma_wait3A_92 = arith.constant 0 : i32
      %dma_wait3A_93 = tpu.memref_slice %arg6[%mul3A_81, %dma_wait3A_92] : memref<80x125xi32, #tpu.memory_space<vmem>> -> memref<1x125xi32, #tpu.memory_space<vmem>>
      %dma_wait3A_94 = tpu.memref_squeeze %dma_wait3A_93 : memref<1x125xi32, #tpu.memory_space<vmem>> -> memref<125xi32, #tpu.memory_space<vmem>>
      %dma_wait3A_95 = arith.constant 0 : i32
      %dma_wait3A_96 = arith.constant 0 : i32
      %dma_wait3A_97 = tpu.memref_slice %arg2[%dma_wait3A_95, %dma_wait3A_96] : memref<10000x128xf32, #tpu.memory_space<hbm>> -> memref<10000x128xf32, #tpu.memory_space<hbm>>
      tpu.wait_indirect_dma semaphore(%arg10 : memref<!tpu.dma_semaphore, #tpu.memory_space<semaphore_mem>>) src(%dma_wait3A_97 : memref<10000x128xf32, #tpu.memory_space<hbm>>) dst(%dma_wait3A_91 : memref<125x128xf32, #tpu.memory_space<vmem>>)
      %run_scoped3A_98 = arith.constant 0 : i32
      "tpu.region"() ({
        %run_scoped3A_128 = tpu.sem_alloc : memref<!tpu.dma_semaphore, #tpu.memory_space<semaphore_mem>>
        %dma_start3A_129 = arith.constant 0 : i32
        %dma_start3A_130 = arith.constant 0 : i32
        %dma_start3A_131 = tpu.memref_slice %arg8[%run_scoped3A_98, %dma_start3A_129, %dma_start3A_130] : memref<2x125x128xf32, #tpu.memory_space<vmem>> -> memref<1x125x128xf32, #tpu.memory_space<vmem>>
        %dma_start3A_132 = tpu.memref_squeeze %dma_start3A_131 : memref<1x125x128xf32, #tpu.memory_space<vmem>> -> memref<125x128xf32, #tpu.memory_space<vmem>>
        %dma_start3A_133 = arith.constant 0 : i32
        %dma_start3A_134 = tpu.memref_slice %arg7[%rem3A_87, %dma_start3A_133] : memref<40x125xi32, #tpu.memory_space<vmem>> -> memref<1x125xi32, #tpu.memory_space<vmem>>
        %dma_start3A_135 = tpu.memref_squeeze %dma_start3A_134 : memref<1x125xi32, #tpu.memory_space<vmem>> -> memref<125xi32, #tpu.memory_space<vmem>>
        %dma_start3A_136 = arith.constant 0 : i32
        %dma_start3A_137 = arith.constant 0 : i32
        %dma_start3A_138 = tpu.memref_slice %arg9[%dma_start3A_136, %dma_start3A_137] : memref<10000x128xf32, #tpu.memory_space<vmem_shared>> -> memref<10000x128xf32, #tpu.memory_space<vmem_shared>>
        tpu.enqueue_indirect_dma source(%dma_start3A_132 : memref<125x128xf32, #tpu.memory_space<vmem>>) target(%dma_start3A_138 : memref<10000x128xf32, #tpu.memory_space<vmem_shared>>) offsets(%dma_start3A_135 : memref<125xi32, #tpu.memory_space<vmem>>) semaphore(%run_scoped3A_128 : memref<!tpu.dma_semaphore, #tpu.memory_space<semaphore_mem>>) {add = true}
        %dma_wait3A_139 = arith.constant 0 : i32
        %dma_wait3A_140 = arith.constant 0 : i32
        %dma_wait3A_141 = tpu.memref_slice %arg8[%run_scoped3A_98, %dma_wait3A_139, %dma_wait3A_140] : memref<2x125x128xf32, #tpu.memory_space<vmem>> -> memref<1x125x128xf32, #tpu.memory_space<vmem>>
        %dma_wait3A_142 = tpu.memref_squeeze %dma_wait3A_141 : memref<1x125x128xf32, #tpu.memory_space<vmem>> -> memref<125x128xf32, #tpu.memory_space<vmem>>
        %dma_wait3A_143 = arith.constant 0 : i32
        %dma_wait3A_144 = tpu.memref_slice %arg7[%rem3A_87, %dma_wait3A_143] : memref<40x125xi32, #tpu.memory_space<vmem>> -> memref<1x125xi32, #tpu.memory_space<vmem>>
        %dma_wait3A_145 = tpu.memref_squeeze %dma_wait3A_144 : memref<1x125xi32, #tpu.memory_space<vmem>> -> memref<125xi32, #tpu.memory_space<vmem>>
        %dma_wait3A_146 = arith.constant 0 : i32
        %dma_wait3A_147 = arith.constant 0 : i32
        %dma_wait3A_148 = tpu.memref_slice %arg9[%dma_wait3A_146, %dma_wait3A_147] : memref<10000x128xf32, #tpu.memory_space<vmem_shared>> -> memref<10000x128xf32, #tpu.memory_space<vmem_shared>>
        tpu.wait_indirect_dma semaphore(%run_scoped3A_128 : memref<!tpu.dma_semaphore, #tpu.memory_space<semaphore_mem>>) src(%dma_wait3A_142 : memref<125x128xf32, #tpu.memory_space<vmem>>) dst(%dma_wait3A_148 : memref<10000x128xf32, #tpu.memory_space<vmem_shared>>)
        tpu.yield
      }) : () -> ()
      %add3A_99 = arith.constant 1 : i32
      %add3A_100 = arith.addi %scan3A_79, %add3A_99 : i32
      %lt3A = arith.constant 40 : i32
      %lt3A_101 = arith.cmpi slt, %add3A_100, %lt3A : i32
      %convert_element_type3A_102 = arith.extui %lt3A_101 : i1 to i32
      %cond3A_103 = arith.constant 0 : i32
      %cond3A_104 = arith.cmpi ne, %convert_element_type3A_102, %cond3A_103 : i32
      scf.if %cond3A_104 {
        %add3A_128 = arith.constant 2 : i32
        %add3A_129 = arith.addi %mul3A_81, %add3A_128 : i32
        %dma_start3A_130 = arith.constant 0 : i32
        %dma_start3A_131 = arith.constant 0 : i32
        %dma_start3A_132 = arith.constant 0 : i32
        %dma_start3A_133 = tpu.memref_slice %arg8[%dma_start3A_130, %dma_start3A_131, %dma_start3A_132] : memref<2x125x128xf32, #tpu.memory_space<vmem>> -> memref<1x125x128xf32, #tpu.memory_space<vmem>>
        %dma_start3A_134 = tpu.memref_squeeze %dma_start3A_133 : memref<1x125x128xf32, #tpu.memory_space<vmem>> -> memref<125x128xf32, #tpu.memory_space<vmem>>
        %dma_start3A_135 = arith.constant 0 : i32
        %dma_start3A_136 = tpu.memref_slice %arg6[%add3A_129, %dma_start3A_135] : memref<80x125xi32, #tpu.memory_space<vmem>> -> memref<1x125xi32, #tpu.memory_space<vmem>>
        %dma_start3A_137 = tpu.memref_squeeze %dma_start3A_136 : memref<1x125xi32, #tpu.memory_space<vmem>> -> memref<125xi32, #tpu.memory_space<vmem>>
        %dma_start3A_138 = arith.constant 0 : i32
        %dma_start3A_139 = arith.constant 0 : i32
        %dma_start3A_140 = tpu.memref_slice %arg2[%dma_start3A_138, %dma_start3A_139] : memref<10000x128xf32, #tpu.memory_space<hbm>> -> memref<10000x128xf32, #tpu.memory_space<hbm>>
        tpu.enqueue_indirect_dma source(%dma_start3A_140 : memref<10000x128xf32, #tpu.memory_space<hbm>>) target(%dma_start3A_134 : memref<125x128xf32, #tpu.memory_space<vmem>>) offsets(%dma_start3A_137 : memref<125xi32, #tpu.memory_space<vmem>>) semaphore(%arg10 : memref<!tpu.dma_semaphore, #tpu.memory_space<semaphore_mem>>)
      } else {
      }
      %add3A_105 = arith.constant 1 : i32
      %add3A_106 = arith.addi %mul3A_81, %add3A_105 : i32
      %dma_wait3A_107 = arith.constant 1 : i32
      %dma_wait3A_108 = arith.constant 0 : i32
      %dma_wait3A_109 = arith.constant 0 : i32
      %dma_wait3A_110 = tpu.memref_slice %arg8[%dma_wait3A_107, %dma_wait3A_108, %dma_wait3A_109] : memref<2x125x128xf32, #tpu.memory_space<vmem>> -> memref<1x125x128xf32, #tpu.memory_space<vmem>>
      %dma_wait3A_111 = tpu.memref_squeeze %dma_wait3A_110 : memref<1x125x128xf32, #tpu.memory_space<vmem>> -> memref<125x128xf32, #tpu.memory_space<vmem>>
      %dma_wait3A_112 = arith.constant 0 : i32
      %dma_wait3A_113 = tpu.memref_slice %arg6[%add3A_106, %dma_wait3A_112] : memref<80x125xi32, #tpu.memory_space<vmem>> -> memref<1x125xi32, #tpu.memory_space<vmem>>
      %dma_wait3A_114 = tpu.memref_squeeze %dma_wait3A_113 : memref<1x125xi32, #tpu.memory_space<vmem>> -> memref<125xi32, #tpu.memory_space<vmem>>
      %dma_wait3A_115 = arith.constant 0 : i32
      %dma_wait3A_116 = arith.constant 0 : i32
      %dma_wait3A_117 = tpu.memref_slice %arg2[%dma_wait3A_115, %dma_wait3A_116] : memref<10000x128xf32, #tpu.memory_space<hbm>> -> memref<10000x128xf32, #tpu.memory_space<hbm>>
      tpu.wait_indirect_dma semaphore(%arg11 : memref<!tpu.dma_semaphore, #tpu.memory_space<semaphore_mem>>) src(%dma_wait3A_117 : memref<10000x128xf32, #tpu.memory_space<hbm>>) dst(%dma_wait3A_111 : memref<125x128xf32, #tpu.memory_space<vmem>>)
      %add3A_118 = arith.constant 1 : i32
      %add3A_119 = arith.addi %rem3A_87, %add3A_118 : i32
      %run_scoped3A_120 = arith.constant 1 : i32
      "tpu.region"() ({
        %run_scoped3A_128 = tpu.sem_alloc : memref<!tpu.dma_semaphore, #tpu.memory_space<semaphore_mem>>
        %dma_start3A_129 = arith.constant 0 : i32
        %dma_start3A_130 = arith.constant 0 : i32
        %dma_start3A_131 = tpu.memref_slice %arg8[%run_scoped3A_120, %dma_start3A_129, %dma_start3A_130] : memref<2x125x128xf32, #tpu.memory_space<vmem>> -> memref<1x125x128xf32, #tpu.memory_space<vmem>>
        %dma_start3A_132 = tpu.memref_squeeze %dma_start3A_131 : memref<1x125x128xf32, #tpu.memory_space<vmem>> -> memref<125x128xf32, #tpu.memory_space<vmem>>
        %dma_start3A_133 = arith.constant 0 : i32
        %dma_start3A_134 = tpu.memref_slice %arg7[%add3A_119, %dma_start3A_133] : memref<40x125xi32, #tpu.memory_space<vmem>> -> memref<1x125xi32, #tpu.memory_space<vmem>>
        %dma_start3A_135 = tpu.memref_squeeze %dma_start3A_134 : memref<1x125xi32, #tpu.memory_space<vmem>> -> memref<125xi32, #tpu.memory_space<vmem>>
        %dma_start3A_136 = arith.constant 0 : i32
        %dma_start3A_137 = arith.constant 0 : i32
        %dma_start3A_138 = tpu.memref_slice %arg9[%dma_start3A_136, %dma_start3A_137] : memref<10000x128xf32, #tpu.memory_space<vmem_shared>> -> memref<10000x128xf32, #tpu.memory_space<vmem_shared>>
        tpu.enqueue_indirect_dma source(%dma_start3A_132 : memref<125x128xf32, #tpu.memory_space<vmem>>) target(%dma_start3A_138 : memref<10000x128xf32, #tpu.memory_space<vmem_shared>>) offsets(%dma_start3A_135 : memref<125xi32, #tpu.memory_space<vmem>>) semaphore(%run_scoped3A_128 : memref<!tpu.dma_semaphore, #tpu.memory_space<semaphore_mem>>) {add = true}
        %dma_wait3A_139 = arith.constant 0 : i32
        %dma_wait3A_140 = arith.constant 0 : i32
        %dma_wait3A_141 = tpu.memref_slice %arg8[%run_scoped3A_120, %dma_wait3A_139, %dma_wait3A_140] : memref<2x125x128xf32, #tpu.memory_space<vmem>> -> memref<1x125x128xf32, #tpu.memory_space<vmem>>
        %dma_wait3A_142 = tpu.memref_squeeze %dma_wait3A_141 : memref<1x125x128xf32, #tpu.memory_space<vmem>> -> memref<125x128xf32, #tpu.memory_space<vmem>>
        %dma_wait3A_143 = arith.constant 0 : i32
        %dma_wait3A_144 = tpu.memref_slice %arg7[%add3A_119, %dma_wait3A_143] : memref<40x125xi32, #tpu.memory_space<vmem>> -> memref<1x125xi32, #tpu.memory_space<vmem>>
        %dma_wait3A_145 = tpu.memref_squeeze %dma_wait3A_144 : memref<1x125xi32, #tpu.memory_space<vmem>> -> memref<125xi32, #tpu.memory_space<vmem>>
        %dma_wait3A_146 = arith.constant 0 : i32
        %dma_wait3A_147 = arith.constant 0 : i32
        %dma_wait3A_148 = tpu.memref_slice %arg9[%dma_wait3A_146, %dma_wait3A_147] : memref<10000x128xf32, #tpu.memory_space<vmem_shared>> -> memref<10000x128xf32, #tpu.memory_space<vmem_shared>>
        tpu.wait_indirect_dma semaphore(%run_scoped3A_128 : memref<!tpu.dma_semaphore, #tpu.memory_space<semaphore_mem>>) src(%dma_wait3A_142 : memref<125x128xf32, #tpu.memory_space<vmem>>) dst(%dma_wait3A_148 : memref<10000x128xf32, #tpu.memory_space<vmem_shared>>)
        tpu.yield
      }) : () -> ()
      %add3A_121 = arith.constant 1 : i32
      %add3A_122 = arith.addi %scan3A_79, %add3A_121 : i32
      %lt3A_123 = arith.constant 40 : i32
      %lt3A_124 = arith.cmpi slt, %add3A_122, %lt3A_123 : i32
      %convert_element_type3A_125 = arith.extui %lt3A_124 : i1 to i32
      %cond3A_126 = arith.constant 0 : i32
      %cond3A_127 = arith.cmpi ne, %convert_element_type3A_125, %cond3A_126 : i32
      scf.if %cond3A_127 {
        %add3A_128 = arith.constant 3 : i32
        %add3A_129 = arith.addi %mul3A_81, %add3A_128 : i32
        %dma_start3A_130 = arith.constant 1 : i32
        %dma_start3A_131 = arith.constant 0 : i32
        %dma_start3A_132 = arith.constant 0 : i32
        %dma_start3A_133 = tpu.memref_slice %arg8[%dma_start3A_130, %dma_start3A_131, %dma_start3A_132] : memref<2x125x128xf32, #tpu.memory_space<vmem>> -> memref<1x125x128xf32, #tpu.memory_space<vmem>>
        %dma_start3A_134 = tpu.memref_squeeze %dma_start3A_133 : memref<1x125x128xf32, #tpu.memory_space<vmem>> -> memref<125x128xf32, #tpu.memory_space<vmem>>
        %dma_start3A_135 = arith.constant 0 : i32
        %dma_start3A_136 = tpu.memref_slice %arg6[%add3A_129, %dma_start3A_135] : memref<80x125xi32, #tpu.memory_space<vmem>> -> memref<1x125xi32, #tpu.memory_space<vmem>>
        %dma_start3A_137 = tpu.memref_squeeze %dma_start3A_136 : memref<1x125xi32, #tpu.memory_space<vmem>> -> memref<125xi32, #tpu.memory_space<vmem>>
        %dma_start3A_138 = arith.constant 0 : i32
        %dma_start3A_139 = arith.constant 0 : i32
        %dma_start3A_140 = tpu.memref_slice %arg2[%dma_start3A_138, %dma_start3A_139] : memref<10000x128xf32, #tpu.memory_space<hbm>> -> memref<10000x128xf32, #tpu.memory_space<hbm>>
        tpu.enqueue_indirect_dma source(%dma_start3A_140 : memref<10000x128xf32, #tpu.memory_space<hbm>>) target(%dma_start3A_134 : memref<125x128xf32, #tpu.memory_space<vmem>>) offsets(%dma_start3A_137 : memref<125xi32, #tpu.memory_space<vmem>>) semaphore(%arg11 : memref<!tpu.dma_semaphore, #tpu.memory_space<semaphore_mem>>)
      } else {
      }
    }
    %scan3A_68 = arith.constant 40 : i32
    %barrier3A_69 = arith.constant 0 : index
    tpu.barrier barrier_id(%barrier3A_69)
    %mul3A_70 = arith.constant 624 : i32
    %mul3A_71 = arith.muli %arg1, %mul3A_70 : i32
    %mul3A_72 = arith.constant 624 : i32
    %mul3A_73 = arith.muli %arg1, %mul3A_72 : i32
    "tpu.region"() ({
      %run_scoped3A_79 = tpu.sem_alloc : memref<!tpu.dma_semaphore, #tpu.memory_space<semaphore_mem>>
      %dma_start3A_80 = arith.constant 0 : i32
      %dma_start3A_81 = tpu.memref_slice %arg5[%arg0, %mul3A_73, %dma_start3A_80] : memref<2x10000x128xf32, #tpu.memory_space<hbm>> -> memref<1x624x128xf32, #tpu.memory_space<hbm>>
      %dma_start3A_82 = tpu.memref_squeeze %dma_start3A_81 : memref<1x624x128xf32, #tpu.memory_space<hbm>> -> memref<624x128xf32, #tpu.memory_space<hbm>>
      %dma_start3A_83 = arith.constant 0 : i32
      %dma_start3A_84 = tpu.memref_slice %arg9[%mul3A_71, %dma_start3A_83] : memref<10000x128xf32, #tpu.memory_space<vmem_shared>> -> memref<624x128xf32, #tpu.memory_space<vmem_shared>>
      tpu.enqueue_dma source(%dma_start3A_84 : memref<624x128xf32, #tpu.memory_space<vmem_shared>>) target(%dma_start3A_82 : memref<624x128xf32, #tpu.memory_space<hbm>>) target_semaphore(%run_scoped3A_79 : memref<!tpu.dma_semaphore, #tpu.memory_space<semaphore_mem>>)
      %dma_wait3A = arith.constant 0 : i32
      %dma_wait3A_85 = tpu.memref_slice %arg5[%arg0, %mul3A_73, %dma_wait3A] : memref<2x10000x128xf32, #tpu.memory_space<hbm>> -> memref<1x624x128xf32, #tpu.memory_space<hbm>>
      %dma_wait3A_86 = tpu.memref_squeeze %dma_wait3A_85 : memref<1x624x128xf32, #tpu.memory_space<hbm>> -> memref<624x128xf32, #tpu.memory_space<hbm>>
      %dma_wait3A_87 = arith.constant 0 : i32
      %dma_wait3A_88 = tpu.memref_slice %arg9[%mul3A_71, %dma_wait3A_87] : memref<10000x128xf32, #tpu.memory_space<vmem_shared>> -> memref<624x128xf32, #tpu.memory_space<vmem_shared>>
      tpu.wait_dma2 semaphore(%run_scoped3A_79 : memref<!tpu.dma_semaphore, #tpu.memory_space<semaphore_mem>>) src(%dma_wait3A_88 : memref<624x128xf32, #tpu.memory_space<vmem_shared>>) dst(%dma_wait3A_86 : memref<624x128xf32, #tpu.memory_space<hbm>>)
      tpu.yield
    }) : () -> ()
    %eq3A_74 = arith.constant 0 : i32
    %eq3A_75 = arith.cmpi eq, %arg1, %eq3A_74 : i32
    %convert_element_type3A_76 = arith.extui %eq3A_75 : i1 to i32
    %cond3A_77 = arith.constant 0 : i32
    %cond3A_78 = arith.cmpi ne, %convert_element_type3A_76, %cond3A_77 : i32
    scf.if %cond3A_78 {
      "tpu.region"() ({
        %run_scoped3A_79 = tpu.sem_alloc : memref<!tpu.dma_semaphore, #tpu.memory_space<semaphore_mem>>
        %dma_start3A_80 = arith.constant 9984 : i32
        %dma_start3A_81 = arith.constant 0 : i32
        %dma_start3A_82 = tpu.memref_slice %arg5[%arg0, %dma_start3A_80, %dma_start3A_81] : memref<2x10000x128xf32, #tpu.memory_space<hbm>> -> memref<1x16x128xf32, #tpu.memory_space<hbm>>
        %dma_start3A_83 = tpu.memref_squeeze %dma_start3A_82 : memref<1x16x128xf32, #tpu.memory_space<hbm>> -> memref<16x128xf32, #tpu.memory_space<hbm>>
        %dma_start3A_84 = arith.constant 9984 : i32
        %dma_start3A_85 = arith.constant 0 : i32
        %dma_start3A_86 = tpu.memref_slice %arg9[%dma_start3A_84, %dma_start3A_85] : memref<10000x128xf32, #tpu.memory_space<vmem_shared>> -> memref<16x128xf32, #tpu.memory_space<vmem_shared>>
        tpu.enqueue_dma source(%dma_start3A_86 : memref<16x128xf32, #tpu.memory_space<vmem_shared>>) target(%dma_start3A_83 : memref<16x128xf32, #tpu.memory_space<hbm>>) target_semaphore(%run_scoped3A_79 : memref<!tpu.dma_semaphore, #tpu.memory_space<semaphore_mem>>)
        %dma_wait3A = arith.constant 9984 : i32
        %dma_wait3A_87 = arith.constant 0 : i32
        %dma_wait3A_88 = tpu.memref_slice %arg5[%arg0, %dma_wait3A, %dma_wait3A_87] : memref<2x10000x128xf32, #tpu.memory_space<hbm>> -> memref<1x16x128xf32, #tpu.memory_space<hbm>>
        %dma_wait3A_89 = tpu.memref_squeeze %dma_wait3A_88 : memref<1x16x128xf32, #tpu.memory_space<hbm>> -> memref<16x128xf32, #tpu.memory_space<hbm>>
        %dma_wait3A_90 = arith.constant 9984 : i32
        %dma_wait3A_91 = arith.constant 0 : i32
        %dma_wait3A_92 = tpu.memref_slice %arg9[%dma_wait3A_90, %dma_wait3A_91] : memref<10000x128xf32, #tpu.memory_space<vmem_shared>> -> memref<16x128xf32, #tpu.memory_space<vmem_shared>>
        tpu.wait_dma2 semaphore(%run_scoped3A_79 : memref<!tpu.dma_semaphore, #tpu.memory_space<semaphore_mem>>) src(%dma_wait3A_92 : memref<16x128xf32, #tpu.memory_space<vmem_shared>>) dst(%dma_wait3A_89 : memref<16x128xf32, #tpu.memory_space<hbm>>)
        tpu.yield
      }) : () -> ()
    } else {
    }
    return
  }
}

#map = affine_map<(d0, d1) -> (0, 0)>
#map1 = affine_map<(d0, d1) -> (0, 0, 0)>
module attributes {stable_mosaic.version = 14 : i64} {
  func.func @_sc_gather_scatter(%arg0: i32, %arg1: i32, %arg2: memref<10000x128xf32, #tpu.memory_space<hbm>>, %arg3: memref<2560x125xi32, #tpu.memory_space<hbm>>, %arg4: memref<2560x125xi32, #tpu.memory_space<hbm>>, %arg5: memref<2x10000x128xf32, #tpu.memory_space<hbm>>, %arg6: memref<80x125xi32, #tpu.memory_space<vmem>>, %arg7: memref<40x125xi32, #tpu.memory_space<vmem>>, %arg8: memref<2x125x128xf32, #tpu.memory_space<vmem>>, %arg9: memref<10000x128xf32, #tpu.memory_space<vmem_shared>>, %arg10: memref<!tpu.dma_semaphore, #tpu.memory_space<semaphore_mem>>, %arg11: memref<!tpu.dma_semaphore, #tpu.memory_space<semaphore_mem>>, %arg12: memref<!tpu.dma_semaphore, #tpu.memory_space<semaphore_mem>>, %arg13: memref<!tpu.dma_semaphore, #tpu.memory_space<semaphore_mem>>) attributes {dimension_semantics = [#tpu.dimension_semantics<core_parallel>, #tpu.dimension_semantics<subcore_parallel>], iteration_bounds = array<i64: 2, 16>, scalar_prefetch = 0 : i64, scratch_operands = 8 : i64, tpu.core_type = #tpu.core_type<sc_vector_subcore>, window_params = [{transform_indices = #map}, {transform_indices = #map}, {transform_indices = #map}, {transform_indices = #map1}]} {
    %mul3A = arith.constant 16 : i32
    %mul3A_0 = arith.muli %arg0, %mul3A : i32
    %add3A = arith.addi %mul3A_0, %arg1 : i32
    %mul3A_1 = arith.constant 80 : i32
    %mul3A_2 = arith.muli %add3A, %mul3A_1 : i32
    "tpu.region"() ({
      %run_scoped3A_79 = tpu.sem_alloc : memref<!tpu.dma_semaphore, #tpu.memory_space<semaphore_mem>>
      %dma_start3A_80 = arith.constant 0 : i32
      %dma_start3A_81 = tpu.memref_slice %arg3[%mul3A_2, %dma_start3A_80] : memref<2560x125xi32, #tpu.memory_space<hbm>> -> memref<80x125xi32, #tpu.memory_space<hbm>>
      %dma_start3A_82 = arith.constant 0 : i32
      %dma_start3A_83 = tpu.memref_slice %arg3[%mul3A_2, %dma_start3A_82] : memref<2560x125xi32, #tpu.memory_space<hbm>> -> memref<80x125xi32, #tpu.memory_space<hbm>>
      tpu.enqueue_dma source(%dma_start3A_83 : memref<80x125xi32, #tpu.memory_space<hbm>>) target(%arg6 : memref<80x125xi32, #tpu.memory_space<vmem>>) target_semaphore(%run_scoped3A_79 : memref<!tpu.dma_semaphore, #tpu.memory_space<semaphore_mem>>)
      %dma_wait3A = arith.constant 0 : i32
      %dma_wait3A_84 = tpu.memref_slice %arg3[%mul3A_2, %dma_wait3A] : memref<2560x125xi32, #tpu.memory_space<hbm>> -> memref<80x125xi32, #tpu.memory_space<hbm>>
      %dma_wait3A_85 = arith.constant 0 : i32
      %dma_wait3A_86 = tpu.memref_slice %arg3[%mul3A_2, %dma_wait3A_85] : memref<2560x125xi32, #tpu.memory_space<hbm>> -> memref<80x125xi32, #tpu.memory_space<hbm>>
      tpu.wait_dma2 semaphore(%run_scoped3A_79 : memref<!tpu.dma_semaphore, #tpu.memory_space<semaphore_mem>>) src(%dma_wait3A_86 : memref<80x125xi32, #tpu.memory_space<hbm>>) dst(%arg6 : memref<80x125xi32, #tpu.memory_space<vmem>>)
      tpu.yield
    }) : () -> ()
    "tpu.region"() ({
      %run_scoped3A_79 = tpu.sem_alloc : memref<!tpu.dma_semaphore, #tpu.memory_space<semaphore_mem>>
      %dma_start3A_80 = arith.constant 0 : i32
      %dma_start3A_81 = tpu.memref_slice %arg4[%mul3A_2, %dma_start3A_80] : memref<2560x125xi32, #tpu.memory_space<hbm>> -> memref<40x125xi32, #tpu.memory_space<hbm>>
      %dma_start3A_82 = arith.constant 0 : i32
      %dma_start3A_83 = tpu.memref_slice %arg4[%mul3A_2, %dma_start3A_82] : memref<2560x125xi32, #tpu.memory_space<hbm>> -> memref<40x125xi32, #tpu.memory_space<hbm>>
      tpu.enqueue_dma source(%dma_start3A_83 : memref<40x125xi32, #tpu.memory_space<hbm>>) target(%arg7 : memref<40x125xi32, #tpu.memory_space<vmem>>) target_semaphore(%run_scoped3A_79 : memref<!tpu.dma_semaphore, #tpu.memory_space<semaphore_mem>>)
      %dma_wait3A = arith.constant 0 : i32
      %dma_wait3A_84 = tpu.memref_slice %arg4[%mul3A_2, %dma_wait3A] : memref<2560x125xi32, #tpu.memory_space<hbm>> -> memref<40x125xi32, #tpu.memory_space<hbm>>
      %dma_wait3A_85 = arith.constant 0 : i32
      %dma_wait3A_86 = tpu.memref_slice %arg4[%mul3A_2, %dma_wait3A_85] : memref<2560x125xi32, #tpu.memory_space<hbm>> -> memref<40x125xi32, #tpu.memory_space<hbm>>
      tpu.wait_dma2 semaphore(%run_scoped3A_79 : memref<!tpu.dma_semaphore, #tpu.memory_space<semaphore_mem>>) src(%dma_wait3A_86 : memref<40x125xi32, #tpu.memory_space<hbm>>) dst(%arg7 : memref<40x125xi32, #tpu.memory_space<vmem>>)
      tpu.yield
    }) : () -> ()
    %broadcast_in_dim3A = arith.constant 0.000000e+00 : f32
    %broadcast_in_dim3A_3 = vector.broadcast %broadcast_in_dim3A : f32 to vector<16xf32>
    %scan3A = arith.constant 0 : i32
    %scan3A_4 = arith.constant 0 : i32
    %scan3A_5 = arith.constant 125 : i32
    %scan3A_6 = arith.addi %scan3A_4, %scan3A_5 : i32
    %scan3A_7 = arith.constant 1 : i32
    scf.for %scan3A_79 = %scan3A_4 to %scan3A_6 step %scan3A_7  : i32 {
      %swap3A = arith.constant 0 : i32
      %swap3A_80 = arith.index_cast %swap3A : i32 to index
      %swap3A_81 = arith.index_cast %scan3A_79 : i32 to index
      %swap3A_82 = arith.constant 0 : index
      %swap3A_83 = tpu.vector_load %arg8[%swap3A_80, %swap3A_81, %swap3A_82] {strides = array<i32>} : memref<2x125x128xf32, #tpu.memory_space<vmem>>, vector<1x1x16xf32>,
      %swap3A_84 = vector.shape_cast %swap3A_83 : vector<1x1x16xf32> to vector<16xf32>
      %swap3A_85 = vector.shape_cast %broadcast_in_dim3A_3 : vector<16xf32> to vector<1x1x16xf32>
      tpu.vector_store %arg8[%swap3A_80, %swap3A_81, %swap3A_82], %swap3A_85 {strides = array<i32>} : memref<2x125x128xf32, #tpu.memory_space<vmem>>, vector<1x1x16xf32>,
      %swap3A_86 = arith.constant 0 : i32
      %swap3A_87 = arith.index_cast %swap3A_86 : i32 to index
      %swap3A_88 = arith.index_cast %scan3A_79 : i32 to index
      %swap3A_89 = arith.constant 16 : index
      %swap3A_90 = tpu.vector_load %arg8[%swap3A_87, %swap3A_88, %swap3A_89] {strides = array<i32>} : memref<2x125x128xf32, #tpu.memory_space<vmem>>, vector<1x1x16xf32>,
      %swap3A_91 = vector.shape_cast %swap3A_90 : vector<1x1x16xf32> to vector<16xf32>
      %swap3A_92 = vector.shape_cast %broadcast_in_dim3A_3 : vector<16xf32> to vector<1x1x16xf32>
      tpu.vector_store %arg8[%swap3A_87, %swap3A_88, %swap3A_89], %swap3A_92 {strides = array<i32>} : memref<2x125x128xf32, #tpu.memory_space<vmem>>, vector<1x1x16xf32>,
      %swap3A_93 = arith.constant 0 : i32
      %swap3A_94 = arith.index_cast %swap3A_93 : i32 to index
      %swap3A_95 = arith.index_cast %scan3A_79 : i32 to index
      %swap3A_96 = arith.constant 32 : index
      %swap3A_97 = tpu.vector_load %arg8[%swap3A_94, %swap3A_95, %swap3A_96] {strides = array<i32>} : memref<2x125x128xf32, #tpu.memory_space<vmem>>, vector<1x1x16xf32>,
      %swap3A_98 = vector.shape_cast %swap3A_97 : vector<1x1x16xf32> to vector<16xf32>
      %swap3A_99 = vector.shape_cast %broadcast_in_dim3A_3 : vector<16xf32> to vector<1x1x16xf32>
      tpu.vector_store %arg8[%swap3A_94, %swap3A_95, %swap3A_96], %swap3A_99 {strides = array<i32>} : memref<2x125x128xf32, #tpu.memory_space<vmem>>, vector<1x1x16xf32>,
      %swap3A_100 = arith.constant 0 : i32
      %swap3A_101 = arith.index_cast %swap3A_100 : i32 to index
      %swap3A_102 = arith.index_cast %scan3A_79 : i32 to index
      %swap3A_103 = arith.constant 48 : index
      %swap3A_104 = tpu.vector_load %arg8[%swap3A_101, %swap3A_102, %swap3A_103] {strides = array<i32>} : memref<2x125x128xf32, #tpu.memory_space<vmem>>, vector<1x1x16xf32>,
      %swap3A_105 = vector.shape_cast %swap3A_104 : vector<1x1x16xf32> to vector<16xf32>
      %swap3A_106 = vector.shape_cast %broadcast_in_dim3A_3 : vector<16xf32> to vector<1x1x16xf32>
      tpu.vector_store %arg8[%swap3A_101, %swap3A_102, %swap3A_103], %swap3A_106 {strides = array<i32>} : memref<2x125x128xf32, #tpu.memory_space<vmem>>, vector<1x1x16xf32>,
      %swap3A_107 = arith.constant 0 : i32
      %swap3A_108 = arith.index_cast %swap3A_107 : i32 to index
      %swap3A_109 = arith.index_cast %scan3A_79 : i32 to index
      %swap3A_110 = arith.constant 64 : index
      %swap3A_111 = tpu.vector_load %arg8[%swap3A_108, %swap3A_109, %swap3A_110] {strides = array<i32>} : memref<2x125x128xf32, #tpu.memory_space<vmem>>, vector<1x1x16xf32>,
      %swap3A_112 = vector.shape_cast %swap3A_111 : vector<1x1x16xf32> to vector<16xf32>
      %swap3A_113 = vector.shape_cast %broadcast_in_dim3A_3 : vector<16xf32> to vector<1x1x16xf32>
      tpu.vector_store %arg8[%swap3A_108, %swap3A_109, %swap3A_110], %swap3A_113 {strides = array<i32>} : memref<2x125x128xf32, #tpu.memory_space<vmem>>, vector<1x1x16xf32>,
      %swap3A_114 = arith.constant 0 : i32
      %swap3A_115 = arith.index_cast %swap3A_114 : i32 to index
      %swap3A_116 = arith.index_cast %scan3A_79 : i32 to index
      %swap3A_117 = arith.constant 80 : index
      %swap3A_118 = tpu.vector_load %arg8[%swap3A_115, %swap3A_116, %swap3A_117] {strides = array<i32>} : memref<2x125x128xf32, #tpu.memory_space<vmem>>, vector<1x1x16xf32>,
      %swap3A_119 = vector.shape_cast %swap3A_118 : vector<1x1x16xf32> to vector<16xf32>
      %swap3A_120 = vector.shape_cast %broadcast_in_dim3A_3 : vector<16xf32> to vector<1x1x16xf32>
      tpu.vector_store %arg8[%swap3A_115, %swap3A_116, %swap3A_117], %swap3A_120 {strides = array<i32>} : memref<2x125x128xf32, #tpu.memory_space<vmem>>, vector<1x1x16xf32>,
      %swap3A_121 = arith.constant 0 : i32
      %swap3A_122 = arith.index_cast %swap3A_121 : i32 to index
      %swap3A_123 = arith.index_cast %scan3A_79 : i32 to index
      %swap3A_124 = arith.constant 96 : index
      %swap3A_125 = tpu.vector_load %arg8[%swap3A_122, %swap3A_123, %swap3A_124] {strides = array<i32>} : memref<2x125x128xf32, #tpu.memory_space<vmem>>, vector<1x1x16xf32>,
      %swap3A_126 = vector.shape_cast %swap3A_125 : vector<1x1x16xf32> to vector<16xf32>
      %swap3A_127 = vector.shape_cast %broadcast_in_dim3A_3 : vector<16xf32> to vector<1x1x16xf32>
      tpu.vector_store %arg8[%swap3A_122, %swap3A_123, %swap3A_124], %swap3A_127 {strides = array<i32>} : memref<2x125x128xf32, #tpu.memory_space<vmem>>, vector<1x1x16xf32>,
      %swap3A_128 = arith.constant 0 : i32
      %swap3A_129 = arith.index_cast %swap3A_128 : i32 to index
      %swap3A_130 = arith.index_cast %scan3A_79 : i32 to index
      %swap3A_131 = arith.constant 112 : index
      %swap3A_132 = tpu.vector_load %arg8[%swap3A_129, %swap3A_130, %swap3A_131] {strides = array<i32>} : memref<2x125x128xf32, #tpu.memory_space<vmem>>, vector<1x1x16xf32>,
      %swap3A_133 = vector.shape_cast %swap3A_132 : vector<1x1x16xf32> to vector<16xf32>
      %swap3A_134 = vector.shape_cast %broadcast_in_dim3A_3 : vector<16xf32> to vector<1x1x16xf32>
      tpu.vector_store %arg8[%swap3A_129, %swap3A_130, %swap3A_131], %swap3A_134 {strides = array<i32>} : memref<2x125x128xf32, #tpu.memory_space<vmem>>, vector<1x1x16xf32>,
    }
    %scan3A_8 = arith.constant 125 : i32
    %mul3A_9 = arith.constant 624 : i32
    %mul3A_10 = arith.muli %arg1, %mul3A_9 : i32
    %add3A_11 = arith.constant 0 : i32
    %add3A_12 = arith.addi %mul3A_10, %add3A_11 : i32
    %run_scoped3A = arith.constant 0 : i32
    "tpu.region"() ({
      %run_scoped3A_79 = tpu.sem_alloc : memref<!tpu.dma_semaphore, #tpu.memory_space<semaphore_mem>>
      %dma_start3A_80 = arith.constant 0 : i32
      %dma_start3A_81 = arith.constant 0 : i32
      %dma_start3A_82 = tpu.memref_slice %arg8[%run_scoped3A, %dma_start3A_80, %dma_start3A_81] : memref<2x125x128xf32, #tpu.memory_space<vmem>> -> memref<1x120x128xf32, #tpu.memory_space<vmem>>
      %dma_start3A_83 = tpu.memref_squeeze %dma_start3A_82 : memref<1x120x128xf32, #tpu.memory_space<vmem>> -> memref<120x128xf32, #tpu.memory_space<vmem>>
      %dma_start3A_84 = arith.constant 0 : i32
      %dma_start3A_85 = tpu.memref_slice %arg9[%add3A_12, %dma_start3A_84] : memref<10000x128xf32, #tpu.memory_space<vmem_shared>> -> memref<120x128xf32, #tpu.memory_space<vmem_shared>>
      %dma_start3A_86 = arith.constant 0 : i32
      %dma_start3A_87 = tpu.memref_slice %arg9[%add3A_12, %dma_start3A_86] : memref<10000x128xf32, #tpu.memory_space<vmem_shared>> -> memref<120x128xf32, #tpu.memory_space<vmem_shared>>
      %dma_start3A_88 = arith.constant 0 : i32
      %dma_start3A_89 = arith.constant 0 : i32
      %dma_start3A_90 = tpu.memref_slice %arg8[%run_scoped3A, %dma_start3A_88, %dma_start3A_89] : memref<2x125x128xf32, #tpu.memory_space<vmem>> -> memref<1x120x128xf32, #tpu.memory_space<vmem>>
      %dma_start3A_91 = tpu.memref_squeeze %dma_start3A_90 : memref<1x120x128xf32, #tpu.memory_space<vmem>> -> memref<120x128xf32, #tpu.memory_space<vmem>>
      tpu.enqueue_dma source(%dma_start3A_91 : memref<120x128xf32, #tpu.memory_space<vmem>>) target(%dma_start3A_87 : memref<120x128xf32, #tpu.memory_space<vmem_shared>>) target_semaphore(%run_scoped3A_79 : memref<!tpu.dma_semaphore, #tpu.memory_space<semaphore_mem>>)
      %dma_wait3A = arith.constant 0 : i32
      %dma_wait3A_92 = arith.constant 0 : i32
      %dma_wait3A_93 = tpu.memref_slice %arg8[%run_scoped3A, %dma_wait3A, %dma_wait3A_92] : memref<2x125x128xf32, #tpu.memory_space<vmem>> -> memref<1x120x128xf32, #tpu.memory_space<vmem>>
      %dma_wait3A_94 = tpu.memref_squeeze %dma_wait3A_93 : memref<1x120x128xf32, #tpu.memory_space<vmem>> -> memref<120x128xf32, #tpu.memory_space<vmem>>
      %dma_wait3A_95 = arith.constant 0 : i32
      %dma_wait3A_96 = tpu.memref_slice %arg9[%add3A_12, %dma_wait3A_95] : memref<10000x128xf32, #tpu.memory_space<vmem_shared>> -> memref<120x128xf32, #tpu.memory_space<vmem_shared>>
      %dma_wait3A_97 = arith.constant 0 : i32
      %dma_wait3A_98 = tpu.memref_slice %arg9[%add3A_12, %dma_wait3A_97] : memref<10000x128xf32, #tpu.memory_space<vmem_shared>> -> memref<120x128xf32, #tpu.memory_space<vmem_shared>>
      %dma_wait3A_99 = arith.constant 0 : i32
      %dma_wait3A_100 = arith.constant 0 : i32
      %dma_wait3A_101 = tpu.memref_slice %arg8[%run_scoped3A, %dma_wait3A_99, %dma_wait3A_100] : memref<2x125x128xf32, #tpu.memory_space<vmem>> -> memref<1x120x128xf32, #tpu.memory_space<vmem>>
      %dma_wait3A_102 = tpu.memref_squeeze %dma_wait3A_101 : memref<1x120x128xf32, #tpu.memory_space<vmem>> -> memref<120x128xf32, #tpu.memory_space<vmem>>
      tpu.wait_dma2 semaphore(%run_scoped3A_79 : memref<!tpu.dma_semaphore, #tpu.memory_space<semaphore_mem>>) src(%dma_wait3A_102 : memref<120x128xf32, #tpu.memory_space<vmem>>) dst(%dma_wait3A_98 : memref<120x128xf32, #tpu.memory_space<vmem_shared>>)
      tpu.yield
    }) : () -> ()
    %mul3A_13 = arith.constant 624 : i32
    %mul3A_14 = arith.muli %arg1, %mul3A_13 : i32
    %add3A_15 = arith.constant 120 : i32
    %add3A_16 = arith.addi %mul3A_14, %add3A_15 : i32
    %run_scoped3A_17 = arith.constant 0 : i32
    "tpu.region"() ({
      %run_scoped3A_79 = tpu.sem_alloc : memref<!tpu.dma_semaphore, #tpu.memory_space<semaphore_mem>>
      %dma_start3A_80 = arith.constant 0 : i32
      %dma_start3A_81 = arith.constant 0 : i32
      %dma_start3A_82 = tpu.memref_slice %arg8[%run_scoped3A_17, %dma_start3A_80, %dma_start3A_81] : memref<2x125x128xf32, #tpu.memory_space<vmem>> -> memref<1x120x128xf32, #tpu.memory_space<vmem>>
      %dma_start3A_83 = tpu.memref_squeeze %dma_start3A_82 : memref<1x120x128xf32, #tpu.memory_space<vmem>> -> memref<120x128xf32, #tpu.memory_space<vmem>>
      %dma_start3A_84 = arith.constant 0 : i32
      %dma_start3A_85 = tpu.memref_slice %arg9[%add3A_16, %dma_start3A_84] : memref<10000x128xf32, #tpu.memory_space<vmem_shared>> -> memref<120x128xf32, #tpu.memory_space<vmem_shared>>
      %dma_start3A_86 = arith.constant 0 : i32
      %dma_start3A_87 = tpu.memref_slice %arg9[%add3A_16, %dma_start3A_86] : memref<10000x128xf32, #tpu.memory_space<vmem_shared>> -> memref<120x128xf32, #tpu.memory_space<vmem_shared>>
      %dma_start3A_88 = arith.constant 0 : i32
      %dma_start3A_89 = arith.constant 0 : i32
      %dma_start3A_90 = tpu.memref_slice %arg8[%run_scoped3A_17, %dma_start3A_88, %dma_start3A_89] : memref<2x125x128xf32, #tpu.memory_space<vmem>> -> memref<1x120x128xf32, #tpu.memory_space<vmem>>
      %dma_start3A_91 = tpu.memref_squeeze %dma_start3A_90 : memref<1x120x128xf32, #tpu.memory_space<vmem>> -> memref<120x128xf32, #tpu.memory_space<vmem>>
      tpu.enqueue_dma source(%dma_start3A_91 : memref<120x128xf32, #tpu.memory_space<vmem>>) target(%dma_start3A_87 : memref<120x128xf32, #tpu.memory_space<vmem_shared>>) target_semaphore(%run_scoped3A_79 : memref<!tpu.dma_semaphore, #tpu.memory_space<semaphore_mem>>)
      %dma_wait3A = arith.constant 0 : i32
      %dma_wait3A_92 = arith.constant 0 : i32
      %dma_wait3A_93 = tpu.memref_slice %arg8[%run_scoped3A_17, %dma_wait3A, %dma_wait3A_92] : memref<2x125x128xf32, #tpu.memory_space<vmem>> -> memref<1x120x128xf32, #tpu.memory_space<vmem>>
      %dma_wait3A_94 = tpu.memref_squeeze %dma_wait3A_93 : memref<1x120x128xf32, #tpu.memory_space<vmem>> -> memref<120x128xf32, #tpu.memory_space<vmem>>
      %dma_wait3A_95 = arith.constant 0 : i32
      %dma_wait3A_96 = tpu.memref_slice %arg9[%add3A_16, %dma_wait3A_95] : memref<10000x128xf32, #tpu.memory_space<vmem_shared>> -> memref<120x128xf32, #tpu.memory_space<vmem_shared>>
      %dma_wait3A_97 = arith.constant 0 : i32
      %dma_wait3A_98 = tpu.memref_slice %arg9[%add3A_16, %dma_wait3A_97] : memref<10000x128xf32, #tpu.memory_space<vmem_shared>> -> memref<120x128xf32, #tpu.memory_space<vmem_shared>>
      %dma_wait3A_99 = arith.constant 0 : i32
      %dma_wait3A_100 = arith.constant 0 : i32
      %dma_wait3A_101 = tpu.memref_slice %arg8[%run_scoped3A_17, %dma_wait3A_99, %dma_wait3A_100] : memref<2x125x128xf32, #tpu.memory_space<vmem>> -> memref<1x120x128xf32, #tpu.memory_space<vmem>>
      %dma_wait3A_102 = tpu.memref_squeeze %dma_wait3A_101 : memref<1x120x128xf32, #tpu.memory_space<vmem>> -> memref<120x128xf32, #tpu.memory_space<vmem>>
      tpu.wait_dma2 semaphore(%run_scoped3A_79 : memref<!tpu.dma_semaphore, #tpu.memory_space<semaphore_mem>>) src(%dma_wait3A_102 : memref<120x128xf32, #tpu.memory_space<vmem>>) dst(%dma_wait3A_98 : memref<120x128xf32, #tpu.memory_space<vmem_shared>>)
      tpu.yield
    }) : () -> ()
    %mul3A_18 = arith.constant 624 : i32
    %mul3A_19 = arith.muli %arg1, %mul3A_18 : i32
    %add3A_20 = arith.constant 240 : i32
    %add3A_21 = arith.addi %mul3A_19, %add3A_20 : i32
    %run_scoped3A_22 = arith.constant 0 : i32
    "tpu.region"() ({
      %run_scoped3A_79 = tpu.sem_alloc : memref<!tpu.dma_semaphore, #tpu.memory_space<semaphore_mem>>
      %dma_start3A_80 = arith.constant 0 : i32
      %dma_start3A_81 = arith.constant 0 : i32
      %dma_start3A_82 = tpu.memref_slice %arg8[%run_scoped3A_22, %dma_start3A_80, %dma_start3A_81] : memref<2x125x128xf32, #tpu.memory_space<vmem>> -> memref<1x120x128xf32, #tpu.memory_space<vmem>>
      %dma_start3A_83 = tpu.memref_squeeze %dma_start3A_82 : memref<1x120x128xf32, #tpu.memory_space<vmem>> -> memref<120x128xf32, #tpu.memory_space<vmem>>
      %dma_start3A_84 = arith.constant 0 : i32
      %dma_start3A_85 = tpu.memref_slice %arg9[%add3A_21, %dma_start3A_84] : memref<10000x128xf32, #tpu.memory_space<vmem_shared>> -> memref<120x128xf32, #tpu.memory_space<vmem_shared>>
      %dma_start3A_86 = arith.constant 0 : i32
      %dma_start3A_87 = tpu.memref_slice %arg9[%add3A_21, %dma_start3A_86] : memref<10000x128xf32, #tpu.memory_space<vmem_shared>> -> memref<120x128xf32, #tpu.memory_space<vmem_shared>>
      %dma_start3A_88 = arith.constant 0 : i32
      %dma_start3A_89 = arith.constant 0 : i32
      %dma_start3A_90 = tpu.memref_slice %arg8[%run_scoped3A_22, %dma_start3A_88, %dma_start3A_89] : memref<2x125x128xf32, #tpu.memory_space<vmem>> -> memref<1x120x128xf32, #tpu.memory_space<vmem>>
      %dma_start3A_91 = tpu.memref_squeeze %dma_start3A_90 : memref<1x120x128xf32, #tpu.memory_space<vmem>> -> memref<120x128xf32, #tpu.memory_space<vmem>>
      tpu.enqueue_dma source(%dma_start3A_91 : memref<120x128xf32, #tpu.memory_space<vmem>>) target(%dma_start3A_87 : memref<120x128xf32, #tpu.memory_space<vmem_shared>>) target_semaphore(%run_scoped3A_79 : memref<!tpu.dma_semaphore, #tpu.memory_space<semaphore_mem>>)
      %dma_wait3A = arith.constant 0 : i32
      %dma_wait3A_92 = arith.constant 0 : i32
      %dma_wait3A_93 = tpu.memref_slice %arg8[%run_scoped3A_22, %dma_wait3A, %dma_wait3A_92] : memref<2x125x128xf32, #tpu.memory_space<vmem>> -> memref<1x120x128xf32, #tpu.memory_space<vmem>>
      %dma_wait3A_94 = tpu.memref_squeeze %dma_wait3A_93 : memref<1x120x128xf32, #tpu.memory_space<vmem>> -> memref<120x128xf32, #tpu.memory_space<vmem>>
      %dma_wait3A_95 = arith.constant 0 : i32
      %dma_wait3A_96 = tpu.memref_slice %arg9[%add3A_21, %dma_wait3A_95] : memref<10000x128xf32, #tpu.memory_space<vmem_shared>> -> memref<120x128xf32, #tpu.memory_space<vmem_shared>>
      %dma_wait3A_97 = arith.constant 0 : i32
      %dma_wait3A_98 = tpu.memref_slice %arg9[%add3A_21, %dma_wait3A_97] : memref<10000x128xf32, #tpu.memory_space<vmem_shared>> -> memref<120x128xf32, #tpu.memory_space<vmem_shared>>
      %dma_wait3A_99 = arith.constant 0 : i32
      %dma_wait3A_100 = arith.constant 0 : i32
      %dma_wait3A_101 = tpu.memref_slice %arg8[%run_scoped3A_22, %dma_wait3A_99, %dma_wait3A_100] : memref<2x125x128xf32, #tpu.memory_space<vmem>> -> memref<1x120x128xf32, #tpu.memory_space<vmem>>
      %dma_wait3A_102 = tpu.memref_squeeze %dma_wait3A_101 : memref<1x120x128xf32, #tpu.memory_space<vmem>> -> memref<120x128xf32, #tpu.memory_space<vmem>>
      tpu.wait_dma2 semaphore(%run_scoped3A_79 : memref<!tpu.dma_semaphore, #tpu.memory_space<semaphore_mem>>) src(%dma_wait3A_102 : memref<120x128xf32, #tpu.memory_space<vmem>>) dst(%dma_wait3A_98 : memref<120x128xf32, #tpu.memory_space<vmem_shared>>)
      tpu.yield
    }) : () -> ()
    %mul3A_23 = arith.constant 624 : i32
    %mul3A_24 = arith.muli %arg1, %mul3A_23 : i32
    %add3A_25 = arith.constant 360 : i32
    %add3A_26 = arith.addi %mul3A_24, %add3A_25 : i32
    %run_scoped3A_27 = arith.constant 0 : i32
    "tpu.region"() ({
      %run_scoped3A_79 = tpu.sem_alloc : memref<!tpu.dma_semaphore, #tpu.memory_space<semaphore_mem>>
      %dma_start3A_80 = arith.constant 0 : i32
      %dma_start3A_81 = arith.constant 0 : i32
      %dma_start3A_82 = tpu.memref_slice %arg8[%run_scoped3A_27, %dma_start3A_80, %dma_start3A_81] : memref<2x125x128xf32, #tpu.memory_space<vmem>> -> memref<1x120x128xf32, #tpu.memory_space<vmem>>
      %dma_start3A_83 = tpu.memref_squeeze %dma_start3A_82 : memref<1x120x128xf32, #tpu.memory_space<vmem>> -> memref<120x128xf32, #tpu.memory_space<vmem>>
      %dma_start3A_84 = arith.constant 0 : i32
      %dma_start3A_85 = tpu.memref_slice %arg9[%add3A_26, %dma_start3A_84] : memref<10000x128xf32, #tpu.memory_space<vmem_shared>> -> memref<120x128xf32, #tpu.memory_space<vmem_shared>>
      %dma_start3A_86 = arith.constant 0 : i32
      %dma_start3A_87 = tpu.memref_slice %arg9[%add3A_26, %dma_start3A_86] : memref<10000x128xf32, #tpu.memory_space<vmem_shared>> -> memref<120x128xf32, #tpu.memory_space<vmem_shared>>
      %dma_start3A_88 = arith.constant 0 : i32
      %dma_start3A_89 = arith.constant 0 : i32
      %dma_start3A_90 = tpu.memref_slice %arg8[%run_scoped3A_27, %dma_start3A_88, %dma_start3A_89] : memref<2x125x128xf32, #tpu.memory_space<vmem>> -> memref<1x120x128xf32, #tpu.memory_space<vmem>>
      %dma_start3A_91 = tpu.memref_squeeze %dma_start3A_90 : memref<1x120x128xf32, #tpu.memory_space<vmem>> -> memref<120x128xf32, #tpu.memory_space<vmem>>
      tpu.enqueue_dma source(%dma_start3A_91 : memref<120x128xf32, #tpu.memory_space<vmem>>) target(%dma_start3A_87 : memref<120x128xf32, #tpu.memory_space<vmem_shared>>) target_semaphore(%run_scoped3A_79 : memref<!tpu.dma_semaphore, #tpu.memory_space<semaphore_mem>>)
      %dma_wait3A = arith.constant 0 : i32
      %dma_wait3A_92 = arith.constant 0 : i32
      %dma_wait3A_93 = tpu.memref_slice %arg8[%run_scoped3A_27, %dma_wait3A, %dma_wait3A_92] : memref<2x125x128xf32, #tpu.memory_space<vmem>> -> memref<1x120x128xf32, #tpu.memory_space<vmem>>
      %dma_wait3A_94 = tpu.memref_squeeze %dma_wait3A_93 : memref<1x120x128xf32, #tpu.memory_space<vmem>> -> memref<120x128xf32, #tpu.memory_space<vmem>>
      %dma_wait3A_95 = arith.constant 0 : i32
      %dma_wait3A_96 = tpu.memref_slice %arg9[%add3A_26, %dma_wait3A_95] : memref<10000x128xf32, #tpu.memory_space<vmem_shared>> -> memref<120x128xf32, #tpu.memory_space<vmem_shared>>
      %dma_wait3A_97 = arith.constant 0 : i32
      %dma_wait3A_98 = tpu.memref_slice %arg9[%add3A_26, %dma_wait3A_97] : memref<10000x128xf32, #tpu.memory_space<vmem_shared>> -> memref<120x128xf32, #tpu.memory_space<vmem_shared>>
      %dma_wait3A_99 = arith.constant 0 : i32
      %dma_wait3A_100 = arith.constant 0 : i32
      %dma_wait3A_101 = tpu.memref_slice %arg8[%run_scoped3A_27, %dma_wait3A_99, %dma_wait3A_100] : memref<2x125x128xf32, #tpu.memory_space<vmem>> -> memref<1x120x128xf32, #tpu.memory_space<vmem>>
      %dma_wait3A_102 = tpu.memref_squeeze %dma_wait3A_101 : memref<1x120x128xf32, #tpu.memory_space<vmem>> -> memref<120x128xf32, #tpu.memory_space<vmem>>
      tpu.wait_dma2 semaphore(%run_scoped3A_79 : memref<!tpu.dma_semaphore, #tpu.memory_space<semaphore_mem>>) src(%dma_wait3A_102 : memref<120x128xf32, #tpu.memory_space<vmem>>) dst(%dma_wait3A_98 : memref<120x128xf32, #tpu.memory_space<vmem_shared>>)
      tpu.yield
    }) : () -> ()
    %mul3A_28 = arith.constant 624 : i32
    %mul3A_29 = arith.muli %arg1, %mul3A_28 : i32
    %add3A_30 = arith.constant 480 : i32
    %add3A_31 = arith.addi %mul3A_29, %add3A_30 : i32
    %run_scoped3A_32 = arith.constant 0 : i32
    "tpu.region"() ({
      %run_scoped3A_79 = tpu.sem_alloc : memref<!tpu.dma_semaphore, #tpu.memory_space<semaphore_mem>>
      %dma_start3A_80 = arith.constant 0 : i32
      %dma_start3A_81 = arith.constant 0 : i32
      %dma_start3A_82 = tpu.memref_slice %arg8[%run_scoped3A_32, %dma_start3A_80, %dma_start3A_81] : memref<2x125x128xf32, #tpu.memory_space<vmem>> -> memref<1x120x128xf32, #tpu.memory_space<vmem>>
      %dma_start3A_83 = tpu.memref_squeeze %dma_start3A_82 : memref<1x120x128xf32, #tpu.memory_space<vmem>> -> memref<120x128xf32, #tpu.memory_space<vmem>>
      %dma_start3A_84 = arith.constant 0 : i32
      %dma_start3A_85 = tpu.memref_slice %arg9[%add3A_31, %dma_start3A_84] : memref<10000x128xf32, #tpu.memory_space<vmem_shared>> -> memref<120x128xf32, #tpu.memory_space<vmem_shared>>
      %dma_start3A_86 = arith.constant 0 : i32
      %dma_start3A_87 = tpu.memref_slice %arg9[%add3A_31, %dma_start3A_86] : memref<10000x128xf32, #tpu.memory_space<vmem_shared>> -> memref<120x128xf32, #tpu.memory_space<vmem_shared>>
      %dma_start3A_88 = arith.constant 0 : i32
      %dma_start3A_89 = arith.constant 0 : i32
      %dma_start3A_90 = tpu.memref_slice %arg8[%run_scoped3A_32, %dma_start3A_88, %dma_start3A_89] : memref<2x125x128xf32, #tpu.memory_space<vmem>> -> memref<1x120x128xf32, #tpu.memory_space<vmem>>
      %dma_start3A_91 = tpu.memref_squeeze %dma_start3A_90 : memref<1x120x128xf32, #tpu.memory_space<vmem>> -> memref<120x128xf32, #tpu.memory_space<vmem>>
      tpu.enqueue_dma source(%dma_start3A_91 : memref<120x128xf32, #tpu.memory_space<vmem>>) target(%dma_start3A_87 : memref<120x128xf32, #tpu.memory_space<vmem_shared>>) target_semaphore(%run_scoped3A_79 : memref<!tpu.dma_semaphore, #tpu.memory_space<semaphore_mem>>)
      %dma_wait3A = arith.constant 0 : i32
      %dma_wait3A_92 = arith.constant 0 : i32
      %dma_wait3A_93 = tpu.memref_slice %arg8[%run_scoped3A_32, %dma_wait3A, %dma_wait3A_92] : memref<2x125x128xf32, #tpu.memory_space<vmem>> -> memref<1x120x128xf32, #tpu.memory_space<vmem>>
      %dma_wait3A_94 = tpu.memref_squeeze %dma_wait3A_93 : memref<1x120x128xf32, #tpu.memory_space<vmem>> -> memref<120x128xf32, #tpu.memory_space<vmem>>
      %dma_wait3A_95 = arith.constant 0 : i32
      %dma_wait3A_96 = tpu.memref_slice %arg9[%add3A_31, %dma_wait3A_95] : memref<10000x128xf32, #tpu.memory_space<vmem_shared>> -> memref<120x128xf32, #tpu.memory_space<vmem_shared>>
      %dma_wait3A_97 = arith.constant 0 : i32
      %dma_wait3A_98 = tpu.memref_slice %arg9[%add3A_31, %dma_wait3A_97] : memref<10000x128xf32, #tpu.memory_space<vmem_shared>> -> memref<120x128xf32, #tpu.memory_space<vmem_shared>>
      %dma_wait3A_99 = arith.constant 0 : i32
      %dma_wait3A_100 = arith.constant 0 : i32
      %dma_wait3A_101 = tpu.memref_slice %arg8[%run_scoped3A_32, %dma_wait3A_99, %dma_wait3A_100] : memref<2x125x128xf32, #tpu.memory_space<vmem>> -> memref<1x120x128xf32, #tpu.memory_space<vmem>>
      %dma_wait3A_102 = tpu.memref_squeeze %dma_wait3A_101 : memref<1x120x128xf32, #tpu.memory_space<vmem>> -> memref<120x128xf32, #tpu.memory_space<vmem>>
      tpu.wait_dma2 semaphore(%run_scoped3A_79 : memref<!tpu.dma_semaphore, #tpu.memory_space<semaphore_mem>>) src(%dma_wait3A_102 : memref<120x128xf32, #tpu.memory_space<vmem>>) dst(%dma_wait3A_98 : memref<120x128xf32, #tpu.memory_space<vmem_shared>>)
      tpu.yield
    }) : () -> ()
    %mul3A_33 = arith.constant 624 : i32
    %mul3A_34 = arith.muli %arg1, %mul3A_33 : i32
    %add3A_35 = arith.constant 600 : i32
    %add3A_36 = arith.addi %mul3A_34, %add3A_35 : i32
    %run_scoped3A_37 = arith.constant 0 : i32
    "tpu.region"() ({
      %run_scoped3A_79 = tpu.sem_alloc : memref<!tpu.dma_semaphore, #tpu.memory_space<semaphore_mem>>
      %dma_start3A_80 = arith.constant 0 : i32
      %dma_start3A_81 = arith.constant 0 : i32
      %dma_start3A_82 = tpu.memref_slice %arg8[%run_scoped3A_37, %dma_start3A_80, %dma_start3A_81] : memref<2x125x128xf32, #tpu.memory_space<vmem>> -> memref<1x24x128xf32, #tpu.memory_space<vmem>>
      %dma_start3A_83 = tpu.memref_squeeze %dma_start3A_82 : memref<1x24x128xf32, #tpu.memory_space<vmem>> -> memref<24x128xf32, #tpu.memory_space<vmem>>
      %dma_start3A_84 = arith.constant 0 : i32
      %dma_start3A_85 = tpu.memref_slice %arg9[%add3A_36, %dma_start3A_84] : memref<10000x128xf32, #tpu.memory_space<vmem_shared>> -> memref<24x128xf32, #tpu.memory_space<vmem_shared>>
      %dma_start3A_86 = arith.constant 0 : i32
      %dma_start3A_87 = tpu.memref_slice %arg9[%add3A_36, %dma_start3A_86] : memref<10000x128xf32, #tpu.memory_space<vmem_shared>> -> memref<24x128xf32, #tpu.memory_space<vmem_shared>>
      %dma_start3A_88 = arith.constant 0 : i32
      %dma_start3A_89 = arith.constant 0 : i32
      %dma_start3A_90 = tpu.memref_slice %arg8[%run_scoped3A_37, %dma_start3A_88, %dma_start3A_89] : memref<2x125x128xf32, #tpu.memory_space<vmem>> -> memref<1x24x128xf32, #tpu.memory_space<vmem>>
      %dma_start3A_91 = tpu.memref_squeeze %dma_start3A_90 : memref<1x24x128xf32, #tpu.memory_space<vmem>> -> memref<24x128xf32, #tpu.memory_space<vmem>>
      tpu.enqueue_dma source(%dma_start3A_91 : memref<24x128xf32, #tpu.memory_space<vmem>>) target(%dma_start3A_87 : memref<24x128xf32, #tpu.memory_space<vmem_shared>>) target_semaphore(%run_scoped3A_79 : memref<!tpu.dma_semaphore, #tpu.memory_space<semaphore_mem>>)
      %dma_wait3A = arith.constant 0 : i32
      %dma_wait3A_92 = arith.constant 0 : i32
      %dma_wait3A_93 = tpu.memref_slice %arg8[%run_scoped3A_37, %dma_wait3A, %dma_wait3A_92] : memref<2x125x128xf32, #tpu.memory_space<vmem>> -> memref<1x24x128xf32, #tpu.memory_space<vmem>>
      %dma_wait3A_94 = tpu.memref_squeeze %dma_wait3A_93 : memref<1x24x128xf32, #tpu.memory_space<vmem>> -> memref<24x128xf32, #tpu.memory_space<vmem>>
      %dma_wait3A_95 = arith.constant 0 : i32
      %dma_wait3A_96 = tpu.memref_slice %arg9[%add3A_36, %dma_wait3A_95] : memref<10000x128xf32, #tpu.memory_space<vmem_shared>> -> memref<24x128xf32, #tpu.memory_space<vmem_shared>>
      %dma_wait3A_97 = arith.constant 0 : i32
      %dma_wait3A_98 = tpu.memref_slice %arg9[%add3A_36, %dma_wait3A_97] : memref<10000x128xf32, #tpu.memory_space<vmem_shared>> -> memref<24x128xf32, #tpu.memory_space<vmem_shared>>
      %dma_wait3A_99 = arith.constant 0 : i32
      %dma_wait3A_100 = arith.constant 0 : i32
      %dma_wait3A_101 = tpu.memref_slice %arg8[%run_scoped3A_37, %dma_wait3A_99, %dma_wait3A_100] : memref<2x125x128xf32, #tpu.memory_space<vmem>> -> memref<1x24x128xf32, #tpu.memory_space<vmem>>
      %dma_wait3A_102 = tpu.memref_squeeze %dma_wait3A_101 : memref<1x24x128xf32, #tpu.memory_space<vmem>> -> memref<24x128xf32, #tpu.memory_space<vmem>>
      tpu.wait_dma2 semaphore(%run_scoped3A_79 : memref<!tpu.dma_semaphore, #tpu.memory_space<semaphore_mem>>) src(%dma_wait3A_102 : memref<24x128xf32, #tpu.memory_space<vmem>>) dst(%dma_wait3A_98 : memref<24x128xf32, #tpu.memory_space<vmem_shared>>)
      tpu.yield
    }) : () -> ()
    %eq3A = arith.constant 0 : i32
    %eq3A_38 = arith.cmpi eq, %arg1, %eq3A : i32
    %convert_element_type3A = arith.extui %eq3A_38 : i1 to i32
    %cond3A = arith.constant 0 : i32
    %cond3A_39 = arith.cmpi ne, %convert_element_type3A, %cond3A : i32
    scf.if %cond3A_39 {
      %run_scoped3A_79 = arith.constant 0 : i32
      "tpu.region"() ({
        %run_scoped3A_80 = tpu.sem_alloc : memref<!tpu.dma_semaphore, #tpu.memory_space<semaphore_mem>>
        %dma_start3A_81 = arith.constant 0 : i32
        %dma_start3A_82 = arith.constant 0 : i32
        %dma_start3A_83 = tpu.memref_slice %arg8[%run_scoped3A_79, %dma_start3A_81, %dma_start3A_82] : memref<2x125x128xf32, #tpu.memory_space<vmem>> -> memref<1x16x128xf32, #tpu.memory_space<vmem>>
        %dma_start3A_84 = tpu.memref_squeeze %dma_start3A_83 : memref<1x16x128xf32, #tpu.memory_space<vmem>> -> memref<16x128xf32, #tpu.memory_space<vmem>>
        %dma_start3A_85 = arith.constant 9984 : i32
        %dma_start3A_86 = arith.constant 0 : i32
        %dma_start3A_87 = tpu.memref_slice %arg9[%dma_start3A_85, %dma_start3A_86] : memref<10000x128xf32, #tpu.memory_space<vmem_shared>> -> memref<16x128xf32, #tpu.memory_space<vmem_shared>>
        %dma_start3A_88 = arith.constant 9984 : i32
        %dma_start3A_89 = arith.constant 0 : i32
        %dma_start3A_90 = tpu.memref_slice %arg9[%dma_start3A_88, %dma_start3A_89] : memref<10000x128xf32, #tpu.memory_space<vmem_shared>> -> memref<16x128xf32, #tpu.memory_space<vmem_shared>>
        %dma_start3A_91 = arith.constant 0 : i32
        %dma_start3A_92 = arith.constant 0 : i32
        %dma_start3A_93 = tpu.memref_slice %arg8[%run_scoped3A_79, %dma_start3A_91, %dma_start3A_92] : memref<2x125x128xf32, #tpu.memory_space<vmem>> -> memref<1x16x128xf32, #tpu.memory_space<vmem>>
        %dma_start3A_94 = tpu.memref_squeeze %dma_start3A_93 : memref<1x16x128xf32, #tpu.memory_space<vmem>> -> memref<16x128xf32, #tpu.memory_space<vmem>>
        tpu.enqueue_dma source(%dma_start3A_94 : memref<16x128xf32, #tpu.memory_space<vmem>>) target(%dma_start3A_90 : memref<16x128xf32, #tpu.memory_space<vmem_shared>>) target_semaphore(%run_scoped3A_80 : memref<!tpu.dma_semaphore, #tpu.memory_space<semaphore_mem>>)
        %dma_wait3A = arith.constant 0 : i32
        %dma_wait3A_95 = arith.constant 0 : i32
        %dma_wait3A_96 = tpu.memref_slice %arg8[%run_scoped3A_79, %dma_wait3A, %dma_wait3A_95] : memref<2x125x128xf32, #tpu.memory_space<vmem>> -> memref<1x16x128xf32, #tpu.memory_space<vmem>>
        %dma_wait3A_97 = tpu.memref_squeeze %dma_wait3A_96 : memref<1x16x128xf32, #tpu.memory_space<vmem>> -> memref<16x128xf32, #tpu.memory_space<vmem>>
        %dma_wait3A_98 = arith.constant 9984 : i32
        %dma_wait3A_99 = arith.constant 0 : i32
        %dma_wait3A_100 = tpu.memref_slice %arg9[%dma_wait3A_98, %dma_wait3A_99] : memref<10000x128xf32, #tpu.memory_space<vmem_shared>> -> memref<16x128xf32, #tpu.memory_space<vmem_shared>>
        %dma_wait3A_101 = arith.constant 9984 : i32
        %dma_wait3A_102 = arith.constant 0 : i32
        %dma_wait3A_103 = tpu.memref_slice %arg9[%dma_wait3A_101, %dma_wait3A_102] : memref<10000x128xf32, #tpu.memory_space<vmem_shared>> -> memref<16x128xf32, #tpu.memory_space<vmem_shared>>
        %dma_wait3A_104 = arith.constant 0 : i32
        %dma_wait3A_105 = arith.constant 0 : i32
        %dma_wait3A_106 = tpu.memref_slice %arg8[%run_scoped3A_79, %dma_wait3A_104, %dma_wait3A_105] : memref<2x125x128xf32, #tpu.memory_space<vmem>> -> memref<1x16x128xf32, #tpu.memory_space<vmem>>
        %dma_wait3A_107 = tpu.memref_squeeze %dma_wait3A_106 : memref<1x16x128xf32, #tpu.memory_space<vmem>> -> memref<16x128xf32, #tpu.memory_space<vmem>>
        tpu.wait_dma2 semaphore(%run_scoped3A_80 : memref<!tpu.dma_semaphore, #tpu.memory_space<semaphore_mem>>) src(%dma_wait3A_107 : memref<16x128xf32, #tpu.memory_space<vmem>>) dst(%dma_wait3A_103 : memref<16x128xf32, #tpu.memory_space<vmem_shared>>)
        tpu.yield
      }) : () -> ()
    } else {
    }
    %barrier3A = arith.constant 0 : index
    tpu.barrier barrier_id(%barrier3A)
    %dma_start3A = arith.constant 0 : i32
    %dma_start3A_40 = arith.constant 0 : i32
    %dma_start3A_41 = arith.constant 0 : i32
    %dma_start3A_42 = arith.constant 0 : i32
    %dma_start3A_43 = tpu.memref_slice %arg8[%dma_start3A_40, %dma_start3A_41, %dma_start3A_42] : memref<2x125x128xf32, #tpu.memory_space<vmem>> -> memref<1x125x128xf32, #tpu.memory_space<vmem>>
    %dma_start3A_44 = tpu.memref_squeeze %dma_start3A_43 : memref<1x125x128xf32, #tpu.memory_space<vmem>> -> memref<125x128xf32, #tpu.memory_space<vmem>>
    %dma_start3A_45 = arith.constant 0 : i32
    %dma_start3A_46 = tpu.memref_slice %arg6[%dma_start3A, %dma_start3A_45] : memref<80x125xi32, #tpu.memory_space<vmem>> -> memref<1x125xi32, #tpu.memory_space<vmem>>
    %dma_start3A_47 = tpu.memref_squeeze %dma_start3A_46 : memref<1x125xi32, #tpu.memory_space<vmem>> -> memref<125xi32, #tpu.memory_space<vmem>>
    %dma_start3A_48 = arith.constant 0 : i32
    %dma_start3A_49 = arith.constant 0 : i32
    %dma_start3A_50 = tpu.memref_slice %arg2[%dma_start3A_48, %dma_start3A_49] : memref<10000x128xf32, #tpu.memory_space<hbm>> -> memref<10000x128xf32, #tpu.memory_space<hbm>>
    tpu.enqueue_indirect_dma source(%dma_start3A_50 : memref<10000x128xf32, #tpu.memory_space<hbm>>) target(%dma_start3A_44 : memref<125x128xf32, #tpu.memory_space<vmem>>) offsets(%dma_start3A_47 : memref<125xi32, #tpu.memory_space<vmem>>) semaphore(%arg10 : memref<!tpu.dma_semaphore, #tpu.memory_space<semaphore_mem>>)
    %dma_start3A_51 = arith.constant 1 : i32
    %dma_start3A_52 = arith.constant 1 : i32
    %dma_start3A_53 = arith.constant 0 : i32
    %dma_start3A_54 = arith.constant 0 : i32
    %dma_start3A_55 = tpu.memref_slice %arg8[%dma_start3A_52, %dma_start3A_53, %dma_start3A_54] : memref<2x125x128xf32, #tpu.memory_space<vmem>> -> memref<1x125x128xf32, #tpu.memory_space<vmem>>
    %dma_start3A_56 = tpu.memref_squeeze %dma_start3A_55 : memref<1x125x128xf32, #tpu.memory_space<vmem>> -> memref<125x128xf32, #tpu.memory_space<vmem>>
    %dma_start3A_57 = arith.constant 0 : i32
    %dma_start3A_58 = tpu.memref_slice %arg6[%dma_start3A_51, %dma_start3A_57] : memref<80x125xi32, #tpu.memory_space<vmem>> -> memref<1x125xi32, #tpu.memory_space<vmem>>
    %dma_start3A_59 = tpu.memref_squeeze %dma_start3A_58 : memref<1x125xi32, #tpu.memory_space<vmem>> -> memref<125xi32, #tpu.memory_space<vmem>>
    %dma_start3A_60 = arith.constant 0 : i32
    %dma_start3A_61 = arith.constant 0 : i32
    %dma_start3A_62 = tpu.memref_slice %arg2[%dma_start3A_60, %dma_start3A_61] : memref<10000x128xf32, #tpu.memory_space<hbm>> -> memref<10000x128xf32, #tpu.memory_space<hbm>>
    tpu.enqueue_indirect_dma source(%dma_start3A_62 : memref<10000x128xf32, #tpu.memory_space<hbm>>) target(%dma_start3A_56 : memref<125x128xf32, #tpu.memory_space<vmem>>) offsets(%dma_start3A_59 : memref<125xi32, #tpu.memory_space<vmem>>) semaphore(%arg11 : memref<!tpu.dma_semaphore, #tpu.memory_space<semaphore_mem>>)
    %scan3A_63 = arith.constant 0 : i32
    %scan3A_64 = arith.constant 0 : i32
    %scan3A_65 = arith.constant 40 : i32
    %scan3A_66 = arith.addi %scan3A_64, %scan3A_65 : i32
    %scan3A_67 = arith.constant 1 : i32
    scf.for %scan3A_79 = %scan3A_64 to %scan3A_66 step %scan3A_67  : i32 {
      %mul3A_80 = arith.constant 2 : i32
      %mul3A_81 = arith.muli %mul3A_80, %scan3A_79 : i32
      %eq3A_82 = arith.constant 40 : i32
      %eq3A_83 = arith.cmpi eq, %mul3A_81, %eq3A_82 : i32
      %convert_element_type3A_84 = arith.extui %eq3A_83 : i1 to i32
      %cond3A_85 = arith.constant 0 : i32
      %cond3A_86 = arith.cmpi ne, %convert_element_type3A_84, %cond3A_85 : i32
      scf.if %cond3A_86 {
        %add3A_128 = arith.constant 40 : i32
        %add3A_129 = arith.addi %mul3A_2, %add3A_128 : i32
        "tpu.region"() ({
          %run_scoped3A_130 = tpu.sem_alloc : memref<!tpu.dma_semaphore, #tpu.memory_space<semaphore_mem>>
          %dma_start3A_131 = arith.constant 0 : i32
          %dma_start3A_132 = tpu.memref_slice %arg4[%add3A_129, %dma_start3A_131] : memref<2560x125xi32, #tpu.memory_space<hbm>> -> memref<40x125xi32, #tpu.memory_space<hbm>>
          %dma_start3A_133 = arith.constant 0 : i32
          %dma_start3A_134 = tpu.memref_slice %arg4[%add3A_129, %dma_start3A_133] : memref<2560x125xi32, #tpu.memory_space<hbm>> -> memref<40x125xi32, #tpu.memory_space<hbm>>
          tpu.enqueue_dma source(%dma_start3A_134 : memref<40x125xi32, #tpu.memory_space<hbm>>) target(%arg7 : memref<40x125xi32, #tpu.memory_space<vmem>>) target_semaphore(%run_scoped3A_130 : memref<!tpu.dma_semaphore, #tpu.memory_space<semaphore_mem>>)
          %dma_wait3A_135 = arith.constant 0 : i32
          %dma_wait3A_136 = tpu.memref_slice %arg4[%add3A_129, %dma_wait3A_135] : memref<2560x125xi32, #tpu.memory_space<hbm>> -> memref<40x125xi32, #tpu.memory_space<hbm>>
          %dma_wait3A_137 = arith.constant 0 : i32
          %dma_wait3A_138 = tpu.memref_slice %arg4[%add3A_129, %dma_wait3A_137] : memref<2560x125xi32, #tpu.memory_space<hbm>> -> memref<40x125xi32, #tpu.memory_space<hbm>>
          tpu.wait_dma2 semaphore(%run_scoped3A_130 : memref<!tpu.dma_semaphore, #tpu.memory_space<semaphore_mem>>) src(%dma_wait3A_138 : memref<40x125xi32, #tpu.memory_space<hbm>>) dst(%arg7 : memref<40x125xi32, #tpu.memory_space<vmem>>)
          tpu.yield
        }) : () -> ()
      } else {
      }
      %rem3A = arith.constant 40 : i32
      %rem3A_87 = arith.remsi %mul3A_81, %rem3A : i32
      %dma_wait3A = arith.constant 0 : i32
      %dma_wait3A_88 = arith.constant 0 : i32
      %dma_wait3A_89 = arith.constant 0 : i32
      %dma_wait3A_90 = tpu.memref_slice %arg8[%dma_wait3A, %dma_wait3A_88, %dma_wait3A_89] : memref<2x125x128xf32, #tpu.memory_space<vmem>> -> memref<1x125x128xf32, #tpu.memory_space<vmem>>
      %dma_wait3A_91 = tpu.memref_squeeze %dma_wait3A_90 : memref<1x125x128xf32, #tpu.memory_space<vmem>> -> memref<125x128xf32, #tpu.memory_space<vmem>>
      %dma_wait3A_92 = arith.constant 0 : i32
      %dma_wait3A_93 = tpu.memref_slice %arg6[%mul3A_81, %dma_wait3A_92] : memref<80x125xi32, #tpu.memory_space<vmem>> -> memref<1x125xi32, #tpu.memory_space<vmem>>
      %dma_wait3A_94 = tpu.memref_squeeze %dma_wait3A_93 : memref<1x125xi32, #tpu.memory_space<vmem>> -> memref<125xi32, #tpu.memory_space<vmem>>
      %dma_wait3A_95 = arith.constant 0 : i32
      %dma_wait3A_96 = arith.constant 0 : i32
      %dma_wait3A_97 = tpu.memref_slice %arg2[%dma_wait3A_95, %dma_wait3A_96] : memref<10000x128xf32, #tpu.memory_space<hbm>> -> memref<10000x128xf32, #tpu.memory_space<hbm>>
      tpu.wait_indirect_dma semaphore(%arg10 : memref<!tpu.dma_semaphore, #tpu.memory_space<semaphore_mem>>) src(%dma_wait3A_97 : memref<10000x128xf32, #tpu.memory_space<hbm>>) dst(%dma_wait3A_91 : memref<125x128xf32, #tpu.memory_space<vmem>>)
      %run_scoped3A_98 = arith.constant 0 : i32
      "tpu.region"() ({
        %run_scoped3A_128 = tpu.sem_alloc : memref<!tpu.dma_semaphore, #tpu.memory_space<semaphore_mem>>
        %dma_start3A_129 = arith.constant 0 : i32
        %dma_start3A_130 = arith.constant 0 : i32
        %dma_start3A_131 = tpu.memref_slice %arg8[%run_scoped3A_98, %dma_start3A_129, %dma_start3A_130] : memref<2x125x128xf32, #tpu.memory_space<vmem>> -> memref<1x125x128xf32, #tpu.memory_space<vmem>>
        %dma_start3A_132 = tpu.memref_squeeze %dma_start3A_131 : memref<1x125x128xf32, #tpu.memory_space<vmem>> -> memref<125x128xf32, #tpu.memory_space<vmem>>
        %dma_start3A_133 = arith.constant 0 : i32
        %dma_start3A_134 = tpu.memref_slice %arg7[%rem3A_87, %dma_start3A_133] : memref<40x125xi32, #tpu.memory_space<vmem>> -> memref<1x125xi32, #tpu.memory_space<vmem>>
        %dma_start3A_135 = tpu.memref_squeeze %dma_start3A_134 : memref<1x125xi32, #tpu.memory_space<vmem>> -> memref<125xi32, #tpu.memory_space<vmem>>
        %dma_start3A_136 = arith.constant 0 : i32
        %dma_start3A_137 = arith.constant 0 : i32
        %dma_start3A_138 = tpu.memref_slice %arg9[%dma_start3A_136, %dma_start3A_137] : memref<10000x128xf32, #tpu.memory_space<vmem_shared>> -> memref<10000x128xf32, #tpu.memory_space<vmem_shared>>
        tpu.enqueue_indirect_dma source(%dma_start3A_132 : memref<125x128xf32, #tpu.memory_space<vmem>>) target(%dma_start3A_138 : memref<10000x128xf32, #tpu.memory_space<vmem_shared>>) offsets(%dma_start3A_135 : memref<125xi32, #tpu.memory_space<vmem>>) semaphore(%run_scoped3A_128 : memref<!tpu.dma_semaphore, #tpu.memory_space<semaphore_mem>>) {add = true}
        %dma_wait3A_139 = arith.constant 0 : i32
        %dma_wait3A_140 = arith.constant 0 : i32
        %dma_wait3A_141 = tpu.memref_slice %arg8[%run_scoped3A_98, %dma_wait3A_139, %dma_wait3A_140] : memref<2x125x128xf32, #tpu.memory_space<vmem>> -> memref<1x125x128xf32, #tpu.memory_space<vmem>>
        %dma_wait3A_142 = tpu.memref_squeeze %dma_wait3A_141 : memref<1x125x128xf32, #tpu.memory_space<vmem>> -> memref<125x128xf32, #tpu.memory_space<vmem>>
        %dma_wait3A_143 = arith.constant 0 : i32
        %dma_wait3A_144 = tpu.memref_slice %arg7[%rem3A_87, %dma_wait3A_143] : memref<40x125xi32, #tpu.memory_space<vmem>> -> memref<1x125xi32, #tpu.memory_space<vmem>>
        %dma_wait3A_145 = tpu.memref_squeeze %dma_wait3A_144 : memref<1x125xi32, #tpu.memory_space<vmem>> -> memref<125xi32, #tpu.memory_space<vmem>>
        %dma_wait3A_146 = arith.constant 0 : i32
        %dma_wait3A_147 = arith.constant 0 : i32
        %dma_wait3A_148 = tpu.memref_slice %arg9[%dma_wait3A_146, %dma_wait3A_147] : memref<10000x128xf32, #tpu.memory_space<vmem_shared>> -> memref<10000x128xf32, #tpu.memory_space<vmem_shared>>
        tpu.wait_indirect_dma semaphore(%run_scoped3A_128 : memref<!tpu.dma_semaphore, #tpu.memory_space<semaphore_mem>>) src(%dma_wait3A_142 : memref<125x128xf32, #tpu.memory_space<vmem>>) dst(%dma_wait3A_148 : memref<10000x128xf32, #tpu.memory_space<vmem_shared>>)
        tpu.yield
      }) : () -> ()
      %add3A_99 = arith.constant 1 : i32
      %add3A_100 = arith.addi %scan3A_79, %add3A_99 : i32
      %lt3A = arith.constant 40 : i32
      %lt3A_101 = arith.cmpi slt, %add3A_100, %lt3A : i32
      %convert_element_type3A_102 = arith.extui %lt3A_101 : i1 to i32
      %cond3A_103 = arith.constant 0 : i32
      %cond3A_104 = arith.cmpi ne, %convert_element_type3A_102, %cond3A_103 : i32
      scf.if %cond3A_104 {
        %add3A_128 = arith.constant 2 : i32
        %add3A_129 = arith.addi %mul3A_81, %add3A_128 : i32
        %dma_start3A_130 = arith.constant 0 : i32
        %dma_start3A_131 = arith.constant 0 : i32
        %dma_start3A_132 = arith.constant 0 : i32
        %dma_start3A_133 = tpu.memref_slice %arg8[%dma_start3A_130, %dma_start3A_131, %dma_start3A_132] : memref<2x125x128xf32, #tpu.memory_space<vmem>> -> memref<1x125x128xf32, #tpu.memory_space<vmem>>
        %dma_start3A_134 = tpu.memref_squeeze %dma_start3A_133 : memref<1x125x128xf32, #tpu.memory_space<vmem>> -> memref<125x128xf32, #tpu.memory_space<vmem>>
        %dma_start3A_135 = arith.constant 0 : i32
        %dma_start3A_136 = tpu.memref_slice %arg6[%add3A_129, %dma_start3A_135] : memref<80x125xi32, #tpu.memory_space<vmem>> -> memref<1x125xi32, #tpu.memory_space<vmem>>
        %dma_start3A_137 = tpu.memref_squeeze %dma_start3A_136 : memref<1x125xi32, #tpu.memory_space<vmem>> -> memref<125xi32, #tpu.memory_space<vmem>>
        %dma_start3A_138 = arith.constant 0 : i32
        %dma_start3A_139 = arith.constant 0 : i32
        %dma_start3A_140 = tpu.memref_slice %arg2[%dma_start3A_138, %dma_start3A_139] : memref<10000x128xf32, #tpu.memory_space<hbm>> -> memref<10000x128xf32, #tpu.memory_space<hbm>>
        tpu.enqueue_indirect_dma source(%dma_start3A_140 : memref<10000x128xf32, #tpu.memory_space<hbm>>) target(%dma_start3A_134 : memref<125x128xf32, #tpu.memory_space<vmem>>) offsets(%dma_start3A_137 : memref<125xi32, #tpu.memory_space<vmem>>) semaphore(%arg10 : memref<!tpu.dma_semaphore, #tpu.memory_space<semaphore_mem>>)
      } else {
      }
      %add3A_105 = arith.constant 1 : i32
      %add3A_106 = arith.addi %mul3A_81, %add3A_105 : i32
      %dma_wait3A_107 = arith.constant 1 : i32
      %dma_wait3A_108 = arith.constant 0 : i32
      %dma_wait3A_109 = arith.constant 0 : i32
      %dma_wait3A_110 = tpu.memref_slice %arg8[%dma_wait3A_107, %dma_wait3A_108, %dma_wait3A_109] : memref<2x125x128xf32, #tpu.memory_space<vmem>> -> memref<1x125x128xf32, #tpu.memory_space<vmem>>
      %dma_wait3A_111 = tpu.memref_squeeze %dma_wait3A_110 : memref<1x125x128xf32, #tpu.memory_space<vmem>> -> memref<125x128xf32, #tpu.memory_space<vmem>>
      %dma_wait3A_112 = arith.constant 0 : i32
      %dma_wait3A_113 = tpu.memref_slice %arg6[%add3A_106, %dma_wait3A_112] : memref<80x125xi32, #tpu.memory_space<vmem>> -> memref<1x125xi32, #tpu.memory_space<vmem>>
      %dma_wait3A_114 = tpu.memref_squeeze %dma_wait3A_113 : memref<1x125xi32, #tpu.memory_space<vmem>> -> memref<125xi32, #tpu.memory_space<vmem>>
      %dma_wait3A_115 = arith.constant 0 : i32
      %dma_wait3A_116 = arith.constant 0 : i32
      %dma_wait3A_117 = tpu.memref_slice %arg2[%dma_wait3A_115, %dma_wait3A_116] : memref<10000x128xf32, #tpu.memory_space<hbm>> -> memref<10000x128xf32, #tpu.memory_space<hbm>>
      tpu.wait_indirect_dma semaphore(%arg11 : memref<!tpu.dma_semaphore, #tpu.memory_space<semaphore_mem>>) src(%dma_wait3A_117 : memref<10000x128xf32, #tpu.memory_space<hbm>>) dst(%dma_wait3A_111 : memref<125x128xf32, #tpu.memory_space<vmem>>)
      %add3A_118 = arith.constant 1 : i32
      %add3A_119 = arith.addi %rem3A_87, %add3A_118 : i32
      %run_scoped3A_120 = arith.constant 1 : i32
      "tpu.region"() ({
        %run_scoped3A_128 = tpu.sem_alloc : memref<!tpu.dma_semaphore, #tpu.memory_space<semaphore_mem>>
        %dma_start3A_129 = arith.constant 0 : i32
        %dma_start3A_130 = arith.constant 0 : i32
        %dma_start3A_131 = tpu.memref_slice %arg8[%run_scoped3A_120, %dma_start3A_129, %dma_start3A_130] : memref<2x125x128xf32, #tpu.memory_space<vmem>> -> memref<1x125x128xf32, #tpu.memory_space<vmem>>
        %dma_start3A_132 = tpu.memref_squeeze %dma_start3A_131 : memref<1x125x128xf32, #tpu.memory_space<vmem>> -> memref<125x128xf32, #tpu.memory_space<vmem>>
        %dma_start3A_133 = arith.constant 0 : i32
        %dma_start3A_134 = tpu.memref_slice %arg7[%add3A_119, %dma_start3A_133] : memref<40x125xi32, #tpu.memory_space<vmem>> -> memref<1x125xi32, #tpu.memory_space<vmem>>
        %dma_start3A_135 = tpu.memref_squeeze %dma_start3A_134 : memref<1x125xi32, #tpu.memory_space<vmem>> -> memref<125xi32, #tpu.memory_space<vmem>>
        %dma_start3A_136 = arith.constant 0 : i32
        %dma_start3A_137 = arith.constant 0 : i32
        %dma_start3A_138 = tpu.memref_slice %arg9[%dma_start3A_136, %dma_start3A_137] : memref<10000x128xf32, #tpu.memory_space<vmem_shared>> -> memref<10000x128xf32, #tpu.memory_space<vmem_shared>>
        tpu.enqueue_indirect_dma source(%dma_start3A_132 : memref<125x128xf32, #tpu.memory_space<vmem>>) target(%dma_start3A_138 : memref<10000x128xf32, #tpu.memory_space<vmem_shared>>) offsets(%dma_start3A_135 : memref<125xi32, #tpu.memory_space<vmem>>) semaphore(%run_scoped3A_128 : memref<!tpu.dma_semaphore, #tpu.memory_space<semaphore_mem>>) {add = true}
        %dma_wait3A_139 = arith.constant 0 : i32
        %dma_wait3A_140 = arith.constant 0 : i32
        %dma_wait3A_141 = tpu.memref_slice %arg8[%run_scoped3A_120, %dma_wait3A_139, %dma_wait3A_140] : memref<2x125x128xf32, #tpu.memory_space<vmem>> -> memref<1x125x128xf32, #tpu.memory_space<vmem>>
        %dma_wait3A_142 = tpu.memref_squeeze %dma_wait3A_141 : memref<1x125x128xf32, #tpu.memory_space<vmem>> -> memref<125x128xf32, #tpu.memory_space<vmem>>
        %dma_wait3A_143 = arith.constant 0 : i32
        %dma_wait3A_144 = tpu.memref_slice %arg7[%add3A_119, %dma_wait3A_143] : memref<40x125xi32, #tpu.memory_space<vmem>> -> memref<1x125xi32, #tpu.memory_space<vmem>>
        %dma_wait3A_145 = tpu.memref_squeeze %dma_wait3A_144 : memref<1x125xi32, #tpu.memory_space<vmem>> -> memref<125xi32, #tpu.memory_space<vmem>>
        %dma_wait3A_146 = arith.constant 0 : i32
        %dma_wait3A_147 = arith.constant 0 : i32
        %dma_wait3A_148 = tpu.memref_slice %arg9[%dma_wait3A_146, %dma_wait3A_147] : memref<10000x128xf32, #tpu.memory_space<vmem_shared>> -> memref<10000x128xf32, #tpu.memory_space<vmem_shared>>
        tpu.wait_indirect_dma semaphore(%run_scoped3A_128 : memref<!tpu.dma_semaphore, #tpu.memory_space<semaphore_mem>>) src(%dma_wait3A_142 : memref<125x128xf32, #tpu.memory_space<vmem>>) dst(%dma_wait3A_148 : memref<10000x128xf32, #tpu.memory_space<vmem_shared>>)
        tpu.yield
      }) : () -> ()
      %add3A_121 = arith.constant 1 : i32
      %add3A_122 = arith.addi %scan3A_79, %add3A_121 : i32
      %lt3A_123 = arith.constant 40 : i32
      %lt3A_124 = arith.cmpi slt, %add3A_122, %lt3A_123 : i32
      %convert_element_type3A_125 = arith.extui %lt3A_124 : i1 to i32
      %cond3A_126 = arith.constant 0 : i32
      %cond3A_127 = arith.cmpi ne, %convert_element_type3A_125, %cond3A_126 : i32
      scf.if %cond3A_127 {
        %add3A_128 = arith.constant 3 : i32
        %add3A_129 = arith.addi %mul3A_81, %add3A_128 : i32
        %dma_start3A_130 = arith.constant 1 : i32
        %dma_start3A_131 = arith.constant 0 : i32
        %dma_start3A_132 = arith.constant 0 : i32
        %dma_start3A_133 = tpu.memref_slice %arg8[%dma_start3A_130, %dma_start3A_131, %dma_start3A_132] : memref<2x125x128xf32, #tpu.memory_space<vmem>> -> memref<1x125x128xf32, #tpu.memory_space<vmem>>
        %dma_start3A_134 = tpu.memref_squeeze %dma_start3A_133 : memref<1x125x128xf32, #tpu.memory_space<vmem>> -> memref<125x128xf32, #tpu.memory_space<vmem>>
        %dma_start3A_135 = arith.constant 0 : i32
        %dma_start3A_136 = tpu.memref_slice %arg6[%add3A_129, %dma_start3A_135] : memref<80x125xi32, #tpu.memory_space<vmem>> -> memref<1x125xi32, #tpu.memory_space<vmem>>
        %dma_start3A_137 = tpu.memref_squeeze %dma_start3A_136 : memref<1x125xi32, #tpu.memory_space<vmem>> -> memref<125xi32, #tpu.memory_space<vmem>>
        %dma_start3A_138 = arith.constant 0 : i32
        %dma_start3A_139 = arith.constant 0 : i32
        %dma_start3A_140 = tpu.memref_slice %arg2[%dma_start3A_138, %dma_start3A_139] : memref<10000x128xf32, #tpu.memory_space<hbm>> -> memref<10000x128xf32, #tpu.memory_space<hbm>>
        tpu.enqueue_indirect_dma source(%dma_start3A_140 : memref<10000x128xf32, #tpu.memory_space<hbm>>) target(%dma_start3A_134 : memref<125x128xf32, #tpu.memory_space<vmem>>) offsets(%dma_start3A_137 : memref<125xi32, #tpu.memory_space<vmem>>) semaphore(%arg11 : memref<!tpu.dma_semaphore, #tpu.memory_space<semaphore_mem>>)
      } else {
      }
    }
    %scan3A_68 = arith.constant 40 : i32
    %barrier3A_69 = arith.constant 0 : index
    tpu.barrier barrier_id(%barrier3A_69)
    %mul3A_70 = arith.constant 624 : i32
    %mul3A_71 = arith.muli %arg1, %mul3A_70 : i32
    %mul3A_72 = arith.constant 624 : i32
    %mul3A_73 = arith.muli %arg1, %mul3A_72 : i32
    "tpu.region"() ({
      %run_scoped3A_79 = tpu.sem_alloc : memref<!tpu.dma_semaphore, #tpu.memory_space<semaphore_mem>>
      %dma_start3A_80 = arith.constant 0 : i32
      %dma_start3A_81 = tpu.memref_slice %arg5[%arg0, %mul3A_73, %dma_start3A_80] : memref<2x10000x128xf32, #tpu.memory_space<hbm>> -> memref<1x624x128xf32, #tpu.memory_space<hbm>>
      %dma_start3A_82 = tpu.memref_squeeze %dma_start3A_81 : memref<1x624x128xf32, #tpu.memory_space<hbm>> -> memref<624x128xf32, #tpu.memory_space<hbm>>
      %dma_start3A_83 = arith.constant 0 : i32
      %dma_start3A_84 = tpu.memref_slice %arg9[%mul3A_71, %dma_start3A_83] : memref<10000x128xf32, #tpu.memory_space<vmem_shared>> -> memref<624x128xf32, #tpu.memory_space<vmem_shared>>
      tpu.enqueue_dma source(%dma_start3A_84 : memref<624x128xf32, #tpu.memory_space<vmem_shared>>) target(%dma_start3A_82 : memref<624x128xf32, #tpu.memory_space<hbm>>) target_semaphore(%run_scoped3A_79 : memref<!tpu.dma_semaphore, #tpu.memory_space<semaphore_mem>>)
      %dma_wait3A = arith.constant 0 : i32
      %dma_wait3A_85 = tpu.memref_slice %arg5[%arg0, %mul3A_73, %dma_wait3A] : memref<2x10000x128xf32, #tpu.memory_space<hbm>> -> memref<1x624x128xf32, #tpu.memory_space<hbm>>
      %dma_wait3A_86 = tpu.memref_squeeze %dma_wait3A_85 : memref<1x624x128xf32, #tpu.memory_space<hbm>> -> memref<624x128xf32, #tpu.memory_space<hbm>>
      %dma_wait3A_87 = arith.constant 0 : i32
      %dma_wait3A_88 = tpu.memref_slice %arg9[%mul3A_71, %dma_wait3A_87] : memref<10000x128xf32, #tpu.memory_space<vmem_shared>> -> memref<624x128xf32, #tpu.memory_space<vmem_shared>>
      tpu.wait_dma2 semaphore(%run_scoped3A_79 : memref<!tpu.dma_semaphore, #tpu.memory_space<semaphore_mem>>) src(%dma_wait3A_88 : memref<624x128xf32, #tpu.memory_space<vmem_shared>>) dst(%dma_wait3A_86 : memref<624x128xf32, #tpu.memory_space<hbm>>)
      tpu.yield
    }) : () -> ()
    %eq3A_74 = arith.constant 0 : i32
    %eq3A_75 = arith.cmpi eq, %arg1, %eq3A_74 : i32
    %convert_element_type3A_76 = arith.extui %eq3A_75 : i1 to i32
    %cond3A_77 = arith.constant 0 : i32
    %cond3A_78 = arith.cmpi ne, %convert_element_type3A_76, %cond3A_77 : i32
    scf.if %cond3A_78 {
      "tpu.region"() ({
        %run_scoped3A_79 = tpu.sem_alloc : memref<!tpu.dma_semaphore, #tpu.memory_space<semaphore_mem>>
        %dma_start3A_80 = arith.constant 9984 : i32
        %dma_start3A_81 = arith.constant 0 : i32
        %dma_start3A_82 = tpu.memref_slice %arg5[%arg0, %dma_start3A_80, %dma_start3A_81] : memref<2x10000x128xf32, #tpu.memory_space<hbm>> -> memref<1x16x128xf32, #tpu.memory_space<hbm>>
        %dma_start3A_83 = tpu.memref_squeeze %dma_start3A_82 : memref<1x16x128xf32, #tpu.memory_space<hbm>> -> memref<16x128xf32, #tpu.memory_space<hbm>>
        %dma_start3A_84 = arith.constant 9984 : i32
        %dma_start3A_85 = arith.constant 0 : i32
        %dma_start3A_86 = tpu.memref_slice %arg9[%dma_start3A_84, %dma_start3A_85] : memref<10000x128xf32, #tpu.memory_space<vmem_shared>> -> memref<16x128xf32, #tpu.memory_space<vmem_shared>>
        tpu.enqueue_dma source(%dma_start3A_86 : memref<16x128xf32, #tpu.memory_space<vmem_shared>>) target(%dma_start3A_83 : memref<16x128xf32, #tpu.memory_space<hbm>>) target_semaphore(%run_scoped3A_79 : memref<!tpu.dma_semaphore, #tpu.memory_space<semaphore_mem>>)
        %dma_wait3A = arith.constant 9984 : i32
        %dma_wait3A_87 = arith.constant 0 : i32
        %dma_wait3A_88 = tpu.memref_slice %arg5[%arg0, %dma_wait3A, %dma_wait3A_87] : memref<2x10000x128xf32, #tpu.memory_space<hbm>> -> memref<1x16x128xf32, #tpu.memory_space<hbm>>
        %dma_wait3A_89 = tpu.memref_squeeze %dma_wait3A_88 : memref<1x16x128xf32, #tpu.memory_space<hbm>> -> memref<16x128xf32, #tpu.memory_space<hbm>>
        %dma_wait3A_90 = arith.constant 9984 : i32
        %dma_wait3A_91 = arith.constant 0 : i32
        %dma_wait3A_92 = tpu.memref_slice %arg9[%dma_wait3A_90, %dma_wait3A_91] : memref<10000x128xf32, #tpu.memory_space<vmem_shared>> -> memref<16x128xf32, #tpu.memory_space<vmem_shared>>
        tpu.wait_dma2 semaphore(%run_scoped3A_79 : memref<!tpu.dma_semaphore, #tpu.memory_space<semaphore_mem>>) src(%dma_wait3A_92 : memref<16x128xf32, #tpu.memory_space<vmem_shared>>) dst(%dma_wait3A_89 : memref<16x128xf32, #tpu.memory_space<hbm>>)
        tpu.yield
      }) : () -> ()
    } else {
    }
    return
  }
}

module attributes {stable_mosaic.version = 14 : i64} {
  func.func @_mlp_in_body(%arg0: memref<10000x128xf32, #tpu.memory_space<vmem>>, %arg1: memref<128x128xf32, #tpu.memory_space<vmem>>, %arg2: memref<1x128xf32, #tpu.memory_space<vmem>>, %arg3: memref<10000x128xf32, #tpu.memory_space<vmem>>) attributes {dimension_semantics = [], scalar_prefetch = 0 : i64, scratch_operands = 0 : i64, tpu.core_type = #tpu.core_type<tc>} {
    %get3A = arith.constant 0 : index
    %get3A_0 = arith.constant 0 : index
    %get3A_1 = vector.load %arg0[%get3A, %get3A_0] : memref<10000x128xf32, #tpu.memory_space<vmem>>, vector<10000x128xf32>
    %get3A_2 = arith.constant 0 : index
    %get3A_3 = arith.constant 0 : index
    %get3A_4 = vector.load %arg1[%get3A_2, %get3A_3] : memref<128x128xf32, #tpu.memory_space<vmem>>, vector<128x128xf32>
    %dot_general3A = arith.constant dense<0.000000e+00> : vector<10000x128xf32>
    %dot_general3A_5 = tpu.matmul %get3A_1, %get3A_4, %dot_general3A {dimension_numbers = #tpu.dot_dimension_numbers<[1], [0], [0], [1], [0, 0, 1, 1], [], []>, transpose_lhs_hint = false} : vector<10000x128xf32>, vector<128x128xf32>, vector<10000x128xf32> -> vector<10000x128xf32>
    %get3A_6 = arith.constant 0 : index
    %get3A_7 = arith.constant 0 : index
    %get3A_8 = vector.load %arg2[%get3A_6, %get3A_7] : memref<1x128xf32, #tpu.memory_space<vmem>>, vector<1x128xf32>
    %add3A = vector.broadcast %get3A_8 : vector<1x128xf32> to vector<10000x128xf32>
    %add3A_9 = arith.addf %dot_general3A_5, %add3A : vector<10000x128xf32>
    %max3A = arith.constant 0.000000e+00 : f32
    %max3A_10 = vector.broadcast %max3A : f32 to vector<10000x128xf32>
    %max3A_11 = arith.maximumf %add3A_9, %max3A_10 : vector<10000x128xf32>
    %swap3A = arith.constant 0 : index
    %swap3A_12 = arith.constant 0 : index
    %swap3A_13 = vector.load %arg3[%swap3A, %swap3A_12] : memref<10000x128xf32, #tpu.memory_space<vmem>>, vector<10000x128xf32>
    tpu.vector_store %arg3[%swap3A, %swap3A_12], %max3A_11 {strides = array<i32>} : memref<10000x128xf32, #tpu.memory_space<vmem>>, vector<10000x128xf32>,
    return
  }
}

module attributes {stable_mosaic.version = 14 : i64} {
  func.func @_mlp_layer_body(%arg0: memref<1x128xf32, #tpu.memory_space<vmem>>, %arg1: memref<10000x128xf32, #tpu.memory_space<vmem>>, %arg2: memref<10000x128xf32, #tpu.memory_space<vmem>>, %arg3: memref<10000x128xf32, #tpu.memory_space<vmem>>, %arg4: memref<128x128xf32, #tpu.memory_space<vmem>>, %arg5: memref<1x128xf32, #tpu.memory_space<vmem>>, %arg6: memref<1x128xf32, #tpu.memory_space<vmem>>, %arg7: memref<1x128xf32, #tpu.memory_space<vmem>>, %arg8: memref<128x128xf32, #tpu.memory_space<vmem>>, %arg9: memref<1x128xf32, #tpu.memory_space<vmem>>, %arg10: memref<1x128xf32, #tpu.memory_space<vmem>>, %arg11: memref<1x128xf32, #tpu.memory_space<vmem>>, %arg12: memref<10000x128xf32, #tpu.memory_space<vmem>>) attributes {dimension_semantics = [], scalar_prefetch = 0 : i64, scratch_operands = 0 : i64, tpu.core_type = #tpu.core_type<tc>} {
    %get3A = arith.constant 0 : index
    %get3A_0 = arith.constant 0 : index
    %get3A_1 = vector.load %arg0[%get3A, %get3A_0] : memref<1x128xf32, #tpu.memory_space<vmem>>, vector<1x128xf32>
    %add3A = arith.constant 1.000000e+00 : f32
    %add3A_2 = vector.broadcast %add3A : f32 to vector<1x128xf32>
    %add3A_3 = arith.addf %add3A_2, %get3A_1 : vector<1x128xf32>
    %get3A_4 = arith.constant 0 : index
    %get3A_5 = arith.constant 0 : index
    %get3A_6 = vector.load %arg1[%get3A_4, %get3A_5] : memref<10000x128xf32, #tpu.memory_space<vmem>>, vector<10000x128xf32>
    %mul3A = vector.broadcast %add3A_3 : vector<1x128xf32> to vector<10000x128xf32>
    %mul3A_7 = arith.mulf %mul3A, %get3A_6 : vector<10000x128xf32>
    %get3A_8 = arith.constant 0 : index
    %get3A_9 = arith.constant 0 : index
    %get3A_10 = vector.load %arg2[%get3A_8, %get3A_9] : memref<10000x128xf32, #tpu.memory_space<vmem>>, vector<10000x128xf32>
    %get3A_11 = arith.constant 0 : index
    %get3A_12 = arith.constant 0 : index
    %get3A_13 = vector.load %arg3[%get3A_11, %get3A_12] : memref<10000x128xf32, #tpu.memory_space<vmem>>, vector<10000x128xf32>
    %add3A_14 = arith.addf %get3A_10, %get3A_13 : vector<10000x128xf32>
    %add3A_15 = arith.addf %mul3A_7, %add3A_14 : vector<10000x128xf32>
    %get3A_16 = arith.constant 0 : index
    %get3A_17 = arith.constant 0 : index
    %get3A_18 = vector.load %arg4[%get3A_16, %get3A_17] : memref<128x128xf32, #tpu.memory_space<vmem>>, vector<128x128xf32>
    %dot_general3A = arith.constant dense<0.000000e+00> : vector<10000x128xf32>
    %dot_general3A_19 = tpu.matmul %add3A_15, %get3A_18, %dot_general3A {dimension_numbers = #tpu.dot_dimension_numbers<[1], [0], [0], [1], [0, 0, 1, 1], [], []>, transpose_lhs_hint = false} : vector<10000x128xf32>, vector<128x128xf32>, vector<10000x128xf32> -> vector<10000x128xf32>
    %get3A_20 = arith.constant 0 : index
    %get3A_21 = arith.constant 0 : index
    %get3A_22 = vector.load %arg5[%get3A_20, %get3A_21] : memref<1x128xf32, #tpu.memory_space<vmem>>, vector<1x128xf32>
    %add3A_23 = vector.broadcast %get3A_22 : vector<1x128xf32> to vector<10000x128xf32>
    %add3A_24 = arith.addf %dot_general3A_19, %add3A_23 : vector<10000x128xf32>
    %get3A_25 = arith.constant 0 : index
    %get3A_26 = arith.constant 0 : index
    %get3A_27 = vector.load %arg6[%get3A_25, %get3A_26] : memref<1x128xf32, #tpu.memory_space<vmem>>, vector<1x128xf32>
    %get3A_28 = arith.constant 0 : index
    %get3A_29 = arith.constant 0 : index
    %get3A_30 = vector.load %arg7[%get3A_28, %get3A_29] : memref<1x128xf32, #tpu.memory_space<vmem>>, vector<1x128xf32>
    %reduce_sum3A = arith.constant dense<0.000000e+00> : vector<128xf32>
    %reduce_sum3A_31 = vector.multi_reduction <add>, %add3A_24, %reduce_sum3A [0] : vector<10000x128xf32> to vector<128xf32>
    %broadcast_in_dim3A = vector.shape_cast %reduce_sum3A_31 : vector<128xf32> to vector<1x128xf32>
    %div3A = arith.constant 1.000000e+04 : f32
    %div3A_32 = vector.broadcast %div3A : f32 to vector<1x128xf32>
    %div3A_33 = arith.divf %broadcast_in_dim3A, %div3A_32 : vector<1x128xf32>
    %sub3A = vector.broadcast %div3A_33 : vector<1x128xf32> to vector<10000x128xf32>
    %sub3A_34 = arith.subf %add3A_24, %sub3A : vector<10000x128xf32>
    %integer_pow3A = arith.mulf %sub3A_34, %sub3A_34 : vector<10000x128xf32>
    %reduce_sum3A_35 = arith.constant dense<0.000000e+00> : vector<128xf32>
    %reduce_sum3A_36 = vector.multi_reduction <add>, %integer_pow3A, %reduce_sum3A_35 [0] : vector<10000x128xf32> to vector<128xf32>
    %broadcast_in_dim3A_37 = vector.shape_cast %reduce_sum3A_36 : vector<128xf32> to vector<1x128xf32>
    %div3A_38 = arith.constant 1.000000e+04 : f32
    %div3A_39 = vector.broadcast %div3A_38 : f32 to vector<1x128xf32>
    %div3A_40 = arith.divf %broadcast_in_dim3A_37, %div3A_39 : vector<1x128xf32>
    %sub3A_41 = vector.broadcast %div3A_33 : vector<1x128xf32> to vector<10000x128xf32>
    %sub3A_42 = arith.subf %add3A_24, %sub3A_41 : vector<10000x128xf32>
    %mul3A_43 = vector.broadcast %get3A_27 : vector<1x128xf32> to vector<10000x128xf32>
    %mul3A_44 = arith.mulf %mul3A_43, %sub3A_42 : vector<10000x128xf32>
    %add3A_45 = arith.constant 9.99999974E-6 : f32
    %add3A_46 = vector.broadcast %add3A_45 : f32 to vector<1x128xf32>
    %add3A_47 = arith.addf %div3A_40, %add3A_46 : vector<1x128xf32>
    %sqrt3A = math.sqrt %add3A_47 : vector<1x128xf32>
    %div3A_48 = vector.broadcast %sqrt3A : vector<1x128xf32> to vector<10000x128xf32>
    %div3A_49 = arith.divf %mul3A_44, %div3A_48 : vector<10000x128xf32>
    %add3A_50 = vector.broadcast %get3A_30 : vector<1x128xf32> to vector<10000x128xf32>
    %add3A_51 = arith.addf %div3A_49, %add3A_50 : vector<10000x128xf32>
    %max3A = arith.constant 0.000000e+00 : f32
    %max3A_52 = vector.broadcast %max3A : f32 to vector<10000x128xf32>
    %max3A_53 = arith.maximumf %add3A_51, %max3A_52 : vector<10000x128xf32>
    %get3A_54 = arith.constant 0 : index
    %get3A_55 = arith.constant 0 : index
    %get3A_56 = vector.load %arg8[%get3A_54, %get3A_55] : memref<128x128xf32, #tpu.memory_space<vmem>>, vector<128x128xf32>
    %dot_general3A_57 = arith.constant dense<0.000000e+00> : vector<10000x128xf32>
    %dot_general3A_58 = tpu.matmul %max3A_53, %get3A_56, %dot_general3A_57 {dimension_numbers = #tpu.dot_dimension_numbers<[1], [0], [0], [1], [0, 0, 1, 1], [], []>, transpose_lhs_hint = false} : vector<10000x128xf32>, vector<128x128xf32>, vector<10000x128xf32> -> vector<10000x128xf32>
    %get3A_59 = arith.constant 0 : index
    %get3A_60 = arith.constant 0 : index
    %get3A_61 = vector.load %arg9[%get3A_59, %get3A_60] : memref<1x128xf32, #tpu.memory_space<vmem>>, vector<1x128xf32>
    %add3A_62 = vector.broadcast %get3A_61 : vector<1x128xf32> to vector<10000x128xf32>
    %add3A_63 = arith.addf %dot_general3A_58, %add3A_62 : vector<10000x128xf32>
    %get3A_64 = arith.constant 0 : index
    %get3A_65 = arith.constant 0 : index
    %get3A_66 = vector.load %arg10[%get3A_64, %get3A_65] : memref<1x128xf32, #tpu.memory_space<vmem>>, vector<1x128xf32>
    %get3A_67 = arith.constant 0 : index
    %get3A_68 = arith.constant 0 : index
    %get3A_69 = vector.load %arg11[%get3A_67, %get3A_68] : memref<1x128xf32, #tpu.memory_space<vmem>>, vector<1x128xf32>
    %reduce_sum3A_70 = arith.constant dense<0.000000e+00> : vector<128xf32>
    %reduce_sum3A_71 = vector.multi_reduction <add>, %add3A_63, %reduce_sum3A_70 [0] : vector<10000x128xf32> to vector<128xf32>
    %broadcast_in_dim3A_72 = vector.shape_cast %reduce_sum3A_71 : vector<128xf32> to vector<1x128xf32>
    %div3A_73 = arith.constant 1.000000e+04 : f32
    %div3A_74 = vector.broadcast %div3A_73 : f32 to vector<1x128xf32>
    %div3A_75 = arith.divf %broadcast_in_dim3A_72, %div3A_74 : vector<1x128xf32>
    %sub3A_76 = vector.broadcast %div3A_75 : vector<1x128xf32> to vector<10000x128xf32>
    %sub3A_77 = arith.subf %add3A_63, %sub3A_76 : vector<10000x128xf32>
    %integer_pow3A_78 = arith.mulf %sub3A_77, %sub3A_77 : vector<10000x128xf32>
    %reduce_sum3A_79 = arith.constant dense<0.000000e+00> : vector<128xf32>
    %reduce_sum3A_80 = vector.multi_reduction <add>, %integer_pow3A_78, %reduce_sum3A_79 [0] : vector<10000x128xf32> to vector<128xf32>
    %broadcast_in_dim3A_81 = vector.shape_cast %reduce_sum3A_80 : vector<128xf32> to vector<1x128xf32>
    %div3A_82 = arith.constant 1.000000e+04 : f32
    %div3A_83 = vector.broadcast %div3A_82 : f32 to vector<1x128xf32>
    %div3A_84 = arith.divf %broadcast_in_dim3A_81, %div3A_83 : vector<1x128xf32>
    %sub3A_85 = vector.broadcast %div3A_75 : vector<1x128xf32> to vector<10000x128xf32>
    %sub3A_86 = arith.subf %add3A_63, %sub3A_85 : vector<10000x128xf32>
    %mul3A_87 = vector.broadcast %get3A_66 : vector<1x128xf32> to vector<10000x128xf32>
    %mul3A_88 = arith.mulf %mul3A_87, %sub3A_86 : vector<10000x128xf32>
    %add3A_89 = arith.constant 9.99999974E-6 : f32
    %add3A_90 = vector.broadcast %add3A_89 : f32 to vector<1x128xf32>
    %add3A_91 = arith.addf %div3A_84, %add3A_90 : vector<1x128xf32>
    %sqrt3A_92 = math.sqrt %add3A_91 : vector<1x128xf32>
    %div3A_93 = vector.broadcast %sqrt3A_92 : vector<1x128xf32> to vector<10000x128xf32>
    %div3A_94 = arith.divf %mul3A_88, %div3A_93 : vector<10000x128xf32>
    %add3A_95 = vector.broadcast %get3A_69 : vector<1x128xf32> to vector<10000x128xf32>
    %add3A_96 = arith.addf %div3A_94, %add3A_95 : vector<10000x128xf32>
    %max3A_97 = arith.constant 0.000000e+00 : f32
    %max3A_98 = vector.broadcast %max3A_97 : f32 to vector<10000x128xf32>
    %max3A_99 = arith.maximumf %add3A_96, %max3A_98 : vector<10000x128xf32>
    %swap3A = arith.constant 0 : index
    %swap3A_100 = arith.constant 0 : index
    %swap3A_101 = vector.load %arg12[%swap3A, %swap3A_100] : memref<10000x128xf32, #tpu.memory_space<vmem>>, vector<10000x128xf32>
    tpu.vector_store %arg12[%swap3A, %swap3A_100], %max3A_99 {strides = array<i32>} : memref<10000x128xf32, #tpu.memory_space<vmem>>, vector<10000x128xf32>,
    return
  }
}

module attributes {stable_mosaic.version = 14 : i64} {
  func.func @_pool_head_body(%arg0: memref<1x10000xi32, #tpu.memory_space<vmem>>, %arg1: memref<10000x128xf32, #tpu.memory_space<vmem>>, %arg2: memref<128x64xf32, #tpu.memory_space<vmem>>, %arg3: memref<1x64xf32, #tpu.memory_space<vmem>>, %arg4: memref<64x1xf32, #tpu.memory_space<vmem>>, %arg5: memref<1x1xf32, #tpu.memory_space<vmem>>, %arg6: memref<256x1xf32, #tpu.memory_space<vmem>>) attributes {dimension_semantics = [], scalar_prefetch = 0 : i64, scratch_operands = 0 : i64, tpu.core_type = #tpu.core_type<tc>} {
    %iota3A = tpu.iota {dimensions = array<i32: 0>} : vector<256x10000xi32>
    %get3A = arith.constant 0 : index
    %get3A_0 = arith.constant 0 : index
    %get3A_1 = vector.load %arg0[%get3A, %get3A_0] : memref<1x10000xi32, #tpu.memory_space<vmem>>, vector<1x10000xi32>
    %eq3A = vector.broadcast %get3A_1 : vector<1x10000xi32> to vector<256x10000xi32>
    %eq3A_2 = arith.cmpi eq, %eq3A, %iota3A : vector<256x10000xi32>
    %convert_element_type3A = arith.extui %eq3A_2 : vector<256x10000xi1> to vector<256x10000xi32>
    %convert_element_type3A_3 = arith.sitofp %convert_element_type3A : vector<256x10000xi32> to vector<256x10000xf32>
    %get3A_4 = arith.constant 0 : index
    %get3A_5 = arith.constant 0 : index
    %get3A_6 = vector.load %arg1[%get3A_4, %get3A_5] : memref<10000x128xf32, #tpu.memory_space<vmem>>, vector<10000x128xf32>
    %dot_general3A = arith.constant dense<0.000000e+00> : vector<256x128xf32>
    %dot_general3A_7 = tpu.matmul %convert_element_type3A_3, %get3A_6, %dot_general3A {dimension_numbers = #tpu.dot_dimension_numbers<[1], [0], [0], [1], [0, 0, 1, 1], [], []>, precision = #tpu.contract_precision<fp32>, transpose_lhs_hint = false} : vector<256x10000xf32>, vector<10000x128xf32>, vector<256x128xf32> -> vector<256x128xf32>
    %reduce_sum3A = arith.constant dense<0.000000e+00> : vector<256xf32>
    %reduce_sum3A_8 = vector.multi_reduction <add>, %convert_element_type3A_3, %reduce_sum3A [1] : vector<256x10000xf32> to vector<256xf32>
    %broadcast_in_dim3A = vector.shape_cast %reduce_sum3A_8 : vector<256xf32> to vector<256x1xf32>
    %max3A = arith.constant 1.000000e+00 : f32
    %max3A_9 = vector.broadcast %max3A : f32 to vector<256x1xf32>
    %max3A_10 = arith.maximumf %broadcast_in_dim3A, %max3A_9 : vector<256x1xf32>
    %div3A = vector.broadcast %max3A_10 : vector<256x1xf32> to vector<256x128xf32>
    %div3A_11 = arith.divf %dot_general3A_7, %div3A : vector<256x128xf32>
    %get3A_12 = arith.constant 0 : index
    %get3A_13 = arith.constant 0 : index
    %get3A_14 = vector.load %arg2[%get3A_12, %get3A_13] : memref<128x64xf32, #tpu.memory_space<vmem>>, vector<128x64xf32>
    %dot_general3A_15 = arith.constant dense<0.000000e+00> : vector<256x64xf32>
    %dot_general3A_16 = tpu.matmul %div3A_11, %get3A_14, %dot_general3A_15 {dimension_numbers = #tpu.dot_dimension_numbers<[1], [0], [0], [1], [0, 0, 1, 1], [], []>, transpose_lhs_hint = false} : vector<256x128xf32>, vector<128x64xf32>, vector<256x64xf32> -> vector<256x64xf32>
    %get3A_17 = arith.constant 0 : index
    %get3A_18 = arith.constant 0 : index
    %get3A_19 = vector.load %arg3[%get3A_17, %get3A_18] : memref<1x64xf32, #tpu.memory_space<vmem>>, vector<1x64xf32>
    %add3A = vector.broadcast %get3A_19 : vector<1x64xf32> to vector<256x64xf32>
    %add3A_20 = arith.addf %dot_general3A_16, %add3A : vector<256x64xf32>
    %max3A_21 = arith.constant 0.000000e+00 : f32
    %max3A_22 = vector.broadcast %max3A_21 : f32 to vector<256x64xf32>
    %max3A_23 = arith.maximumf %add3A_20, %max3A_22 : vector<256x64xf32>
    %get3A_24 = arith.constant 0 : index
    %get3A_25 = arith.constant 0 : index
    %get3A_26 = vector.load %arg4[%get3A_24, %get3A_25] : memref<64x1xf32, #tpu.memory_space<vmem>>, vector<64x1xf32>
    %dot_general3A_27 = arith.constant dense<0.000000e+00> : vector<256x1xf32>
    %dot_general3A_28 = tpu.matmul %max3A_23, %get3A_26, %dot_general3A_27 {dimension_numbers = #tpu.dot_dimension_numbers<[1], [0], [0], [1], [0, 0, 1, 1], [], []>, transpose_lhs_hint = false} : vector<256x64xf32>, vector<64x1xf32>, vector<256x1xf32> -> vector<256x1xf32>
    %get3A_29 = arith.constant 0 : index
    %get3A_30 = arith.constant 0 : index
    %get3A_31 = vector.load %arg5[%get3A_29, %get3A_30] : memref<1x1xf32, #tpu.memory_space<vmem>>, vector<1x1xf32>
    %add3A_32 = vector.broadcast %get3A_31 : vector<1x1xf32> to vector<256x1xf32>
    %add3A_33 = arith.addf %dot_general3A_28, %add3A_32 : vector<256x1xf32>
    %swap3A = arith.constant 0 : index
    %swap3A_34 = arith.constant 0 : index
    %swap3A_35 = vector.load %arg6[%swap3A, %swap3A_34] : memref<256x1xf32, #tpu.memory_space<vmem>>, vector<256x1xf32>
    tpu.vector_store %arg6[%swap3A, %swap3A_34], %add3A_33 {strides = array<i32>} : memref<256x1xf32, #tpu.memory_space<vmem>>, vector<256x1xf32>,
    return
  }
}

</mosaic_0001>

<sc_bundles>
// kernel: kernel.14.cloned.1.call-start
scs
__scs_entry_jumppad:
0x0: {  	(pc) =	sbr.rel $0x88, $3  }
0x1: {  	(tag) =	ssettag $0x0;
	lr =	simm.s32 $0x1  }
0x2: {  	[smem:$0x3F8F] =	sst lr;
	_ =	strace $0xD0000000  }
0x3: {  	_ = 	snop  }
0x4: {  	_ = 	snop  }
0x5: {  	_ = 	snop  }
0x6: {  	_ = 	snop  }
0x7: {  	_ = 	snop  }
__scs_overlays_trampoline_lowered:
0x8: {  	[smem:$0x3F9E] =	sst s0  }
0x9: {  	[smem:$0x3F9F] =	sst s1  }
0xa: {  	[smem:$0x3FA0] =	sst s2  }
0xb: {  	[smem:$0x3FA1] =	sst s3  }
0xc: {  	[smem:$0x3FA2] =	sst s4  }
0xd: {  	[smem:$0x3FA3] =	sst s5  }
0xe: {  	[smem:$0x3FA4] =	sst s6  }
0xf: {  	[smem:$0x3FA5] =	sst s7  }
0x10: {  	[smem:$0x3FA6] =	sst s8  }
0x11: {  	[smem:$0x3FA7] =	sst s9;
	s0 =	simm.s32 @!p0 $0x0  }
0x12: {  	s1 =	sld [smem:$0x3F8D];
	s0 =	simm.s32 @p0 $0x1  }
0x13: {  	[smem:$0x3FA8] =	sst s0;
	s0 =	simm.s32 @!p1 $0x0  }
0x14: {  	s2 =	sld [smem:$0x3F8C];
	s0 =	simm.s32 @p1 $0x1  }
0x15: {  	[smem:$0x3FA9] =	sst s0;
	s0 =	simm.s32 @!p2 $0x0  }
0x16: {  	s3 =	sld [smem:$0x3FDB];
	s0 =	simm.s32 @p2 $0x1  }
0x17: {  	s4 =	simm.s32 $0x1BF5;
	[smem:$0x3FAB] =	sst s0  }
0x18: {  	s0 =	sld [smem:$0x3F8E];
	_ =	swait.ge [sflag:s4], $0x0  }
0x19: {  	s7 =	sld [smem:$0x3F8F]  }
0x1a: {  	s8 =	sadd.s32 $0xFFFFE003, lr  }
0x1b: {  	s9 =	sadd.s32 $0xFFFFFEF7, lr;
	s5 =	simm.s32 $0xFFFFFFFF;
	p2 =	slt.u32 s8, $0xFFFFF086  }
0x1c: {  	p1 =	slt.u32 s9, $0xF7A;
	s5 =	simm.s32 @!p2 $0x0  }
0x1d: {  	s5 =	simm.s32 @p1 $0x1;
	p0 =	seq.s32 s7, s2  }
0x1e: {  	s7 =	smul.u32 @!p0 $0xF7A, s2;
	p2 =	seq.s32 @!p0 s5, $0x0  }
0x1f: {  	s9 =	smul.u32 $0xF7A, s1;
	s8 =	simm.s32 @!p0 $0x1BF5;
	p2 =	por !p2, p0  }
0x20: {  	[sflag:s8] =	ssyncset.s32 @!p0 $0xFFFFF086;
	s6 =	sadd.s32 @!p0 s3, s7;
	s7 =	simm.s32 @!p0 $0x108  }
0x21: {  	s3 =	sadd.s32 s3, s9;
	s6 =	sadd.s32 @!p0 $0x88, s6;
	s7 =	simm.s32 @p2 $0x1082  }
0x22: {  	[simem:s7], [sflag:s8] =	dma.local @!p0 [hbm:s6], $0xF7A  }
0x23: {  	s9 =	sor.u32 $0xD0000000, s2;
	s6 =	simm.s32 $0x108;
	_ =	swait.ge @!p0 [sflag:s8], $0x0  }
0x24: {  	s3 =	sadd.s32 $0x88, s3;
	s6 =	simm.s32 @!p1 $0x1082;
	[sflag:s4] =	ssyncset.s32 $0xFFFFF086  }
0x25: {  	[simem:s6], [sflag:s4] =	dma.local [hbm:s3], $0xF7A  }
0x26: {  	[smem:$0x3F8F] =	sst s1;
	(tag) =	ssettag s2;
	_ =	strace s9  }
0x27: {  	s1 =	sld [smem:$0x3F9F]  }
0x28: {  	s2 =	sld [smem:$0x3FA0]  }
0x29: {  	s4 =	sld [smem:$0x3FA2]  }
0x2a: {  	p0 =	seq.s32 s5, $0x0;
	s5 =	sld [smem:$0x3FA3]  }
0x2b: {  	s6 =	sld [smem:$0x3FA4]  }
0x2c: {  	s7 =	sld [smem:$0x3FA5]  }
0x2d: {  	s3 =	simm.s32 $0x108;
	s8 =	sld [smem:$0x3FA6]  }
0x2e: {  	s3 =	simm.s32 @!p0 $0x1082;
	s9 =	sld [smem:$0x3FA7]  }
0x2f: {  	lr =	sadd.s32 s0, s3;
	s0 =	sld [smem:$0x3F9E]  }
0x30: {  	s3 =	sld [smem:$0x3FA1]  }
0x31: {  	[smem:$0x3FAA] =	sst s10  }
0x32: {  	s10 =	sld [smem:$0x3FA8];
	_ =	sdelay $0x3  }
0x33: {  	p0 =	seq.s32 s10, $0x1;
	s10 =	sld [smem:$0x3FAA];
	_ =	sdelay $0x3  }
0x34: {  	[smem:$0x3FAA] =	sst s10  }
0x35: {  	s10 =	sld [smem:$0x3FA9];
	_ =	sdelay $0x3  }
0x36: {  	p1 =	seq.s32 s10, $0x1;
	s10 =	sld [smem:$0x3FAA];
	_ =	sdelay $0x3  }
0x37: {  	[smem:$0x3FAA] =	sst s10  }
0x38: {  	s10 =	sld [smem:$0x3FAB]  }
0x39: {  	_ = 	snop;
	(pc) =	sbr.ind lr, $3  }
0x3a: {  	_ = 	snop  }
0x3b: {  	_ = 	snop  }
0x3c: {  	p2 =	seq.s32 s10, $0x1;
	s10 =	sld [smem:$0x3FAA]  }
0x3d: {  	_ =	shalt  }
0x3e: {  	_ =	shalt  }
0x3f: {  	_ =	shalt  }
0x40: {  	_ =	shalt  }
0x41: {  	_ =	shalt  }
0x42: {  	_ =	shalt  }
0x43: {  	_ =	shalt  }
0x44: {  	_ =	shalt  }
0x45: {  	_ =	shalt  }
0x46: {  	_ =	shalt  }
0x47: {  	_ =	shalt  }
0x48: {  	_ =	shalt  }
0x49: {  	_ =	shalt  }
0x4a: {  	_ =	shalt  }
0x4b: {  	_ =	shalt  }
0x4c: {  	_ =	shalt  }
0x4d: {  	_ =	shalt  }
0x4e: {  	_ =	shalt  }
0x4f: {  	_ =	shalt  }
0x50: {  	_ =	shalt  }
0x51: {  	_ =	shalt  }
0x52: {  	_ =	shalt  }
0x53: {  	_ =	shalt  }
0x54: {  	_ =	shalt  }
0x55: {  	_ =	shalt  }
0x56: {  	_ =	shalt  }
0x57: {  	_ =	shalt  }
0x58: {  	_ =	shalt  }
0x59: {  	_ =	shalt  }
0x5a: {  	_ =	shalt  }
0x5b: {  	_ =	shalt  }
0x5c: {  	_ =	shalt  }
0x5d: {  	_ =	shalt  }
0x5e: {  	_ =	shalt  }
0x5f: {  	_ =	shalt  }
0x60: {  	_ =	shalt  }
0x61: {  	_ =	shalt  }
0x62: {  	_ =	shalt  }
0x63: {  	_ =	shalt  }
0x64: {  	_ =	shalt  }
0x65: {  	_ =	shalt  }
0x66: {  	_ =	shalt  }
0x67: {  	_ =	shalt  }
0x68: {  	_ =	shalt  }
0x69: {  	_ =	shalt  }
0x6a: {  	_ =	shalt  }
0x6b: {  	_ =	shalt  }
0x6c: {  	_ =	shalt  }
0x6d: {  	_ =	shalt  }
0x6e: {  	_ =	shalt  }
0x6f: {  	_ =	shalt  }
0x70: {  	_ =	shalt  }
0x71: {  	_ =	shalt  }
0x72: {  	_ =	shalt  }
0x73: {  	_ =	shalt  }
0x74: {  	_ =	shalt  }
0x75: {  	_ =	shalt  }
0x76: {  	_ =	shalt  }
0x77: {  	_ =	shalt  }
0x78: {  	_ =	shalt  }
0x79: {  	_ =	shalt  }
0x7a: {  	_ =	shalt  }
0x7b: {  	_ =	shalt  }
0x7c: {  	_ =	shalt  }
0x7d: {  	_ =	shalt  }
0x7e: {  	_ =	shalt  }
0x7f: {  	_ =	shalt  }
0x80: {  	_ =	shalt  }
0x81: {  	_ =	shalt  }
0x82: {  	_ =	shalt  }
0x83: {  	_ =	shalt  }
0x84: {  	_ =	shalt  }
0x85: {  	_ =	shalt  }
0x86: {  	_ =	shalt  }
0x87: {  	_ =	shalt  }
.Lfunc_end0:
.L_simem_size_0:
called_computation_lowered:
.L_overlay_start_0:
0x88: {  	s2 =	sld [smem:$0x3FD9]  }
0x89: {  	s3 =	sld [smem:$0x3FFE];
	_ =	sdelay $0x1  }
0x8a: {  	s1 =	srdreg.scid  }
0x8b: {  	s0 =	sand.u32 $0x1, s1  }
0x8c: {  	s16 =	sshll.u32 s0, $0xA;
	s2 =	sadd.s32 s3, s2  }
0x8d: {  	s2 =	sadd.s32 s2, s16  }
0x8e: {  	[smem:$0x3FB6] =	sst s2  }
0x8f: {  	_ = 	snop  }
0x90: {  	(tm) =	ssettm $0x1  }
0x91: {  	s17 =	sld [smem:$0x3FFB];
	_ =	sdelay $0x3  }
0x92: {  	_ =	strace s17  }
0x93: {  	s2 =	sld [smem:$0x3FFC];
	_ =	sdelay $0x3  }
0x94: {  	_ =	strace s2  }
0x95: {  	s2 =	sld [smem:$0x3FFD];
	_ =	sdelay $0x3  }
0x96: {  	_ =	strace s2  }
0x97: {  	_ =	strace $0x8FFFFFFF  }
0x98: {  	s18 =	sld [smem:$0x3FDB];
	_ =	sdelay $0x1  }
0x99: {  	s19 =	simm.s32 $_scs_section_size  }
0x9a: {  	s4 =	simm.s32 $_size__tile_overlayer_lowered;
	s5 =	simm.s32 $_tile_overlayer_lowered  }
0x9b: {  	s22 =	simm.s32 $0x1BFF;
	s21 =	sshll.u32 s5, $0x1;
	s2 =	sadd.s32 s19, s18  }
0x9c: {  	s6 =	simm.s32 $0x0;
	s20 =	sshll.u32 s4, $0x1;
	s4 =	sadd.s32 s21, s2  }
0x9d: {  	[timem:s6], [sflag:s22] =	dma.local [hbm:s4], s20  }
0x9e: {  	_ =	swait.ge [sflag:s22], s20  }
0x9f: {  	s3 =	ssub.s32 $0x0, s20;
	[sflag:s22] =	ssyncset.done $0x0  }
0xa0: {  	[sflag:s22] =	ssyncadd.s32 s3;
	_ =	sdelay $0x1  }
0xa1: {  	s23 =	simm.s32 $0x1B8B  }
0xa2: {  	_ =	swait.ge [sflag:s23], $0x1  }
0xa3: {  	[sflag:s23] =	ssyncset.done $0x0  }
0xa4: {  	s25 =	simm.s32 $0x1B8E;
	s24 =	sld [smem:$0x3FFE];
	[sflag:s23] =	ssyncadd.s32 $0xFFFFFFFF  }
0xa5: {  	s26 =	simm.s32 $execute0_lowered;
	[smem:$0x3FD2] =	sst s25  }
0xa6: {  	s4 =	sshll.u32 s26, $0x1;
	_ =	strace $0x80000046;
	[dreg:$0x1] =	wrdreg $0xFFFFFFFF  }
0xa7: {  	s28 =	simm.s32 $_size_execute0_lowered;
	s2 =	sadd.s32 s2, s4;
	[dreg:$0x0] =	wrdreg $0x0  }
0xa8: {  	s4 =	sshll.u32 s28, $0x1;
	[dreg:$0x2] =	wrdreg s2  }
0xa9: {  	[dreg:$0x3] =	wrdreg s4  }
0xaa: {  	[dreg:$0x4] =	wrdreg $0xC0  }
0xab: {  	_ =	task [dreg:s6], $0x5FFFF  }
0xac: {  	[dreg:$0x1] =	wrdreg $0xFFFFFFFF  }
0xad: {  	[dreg:$0x0] =	wrdreg $0x60  }
0xae: {  	[dreg:$0x2] =	wrdreg s24  }
0xaf: {  	[dreg:$0x3] =	wrdreg $0xBC000  }
0xb0: {  	[dreg:$0x4] =	wrdreg $0x9  }
0xb1: {  	_ =	task.clear_ibuf [dreg:s6], $0x5FFFF;
	_ =	strace $0x90000046  }
0xb2: {  	s29 =	simm.s32 $0x9;
	_ =	strace $0x80000048  }
0xb3: {  	_ =	swait.ge [sflag:s29], $0x1  }
0xb4: {  	[sflag:s29] =	ssyncadd.s32 $0xFFFFFFFF  }
0xb5: {  	_ =	strace $0x90000048  }
0xb6: {  	_ =	sfence  }
0xb7: {  	s30 =	sld [smem:$0x0];
	_ =	sdelay $0x2  }
0xb8: {  	s31 =	sshll.u32 s1, $0xD;
	s1 =	sshrl.u32 s1, $0x2  }
0xb9: {  	s3 =	sand.u32 $0x4000, s31;
	s1 =	sadd.s32 s1, s30  }
0xba: {  	s0 =	sor.u32 s3, s0;
	s1 =	sshll.u32 s1, $0x11  }
0xbb: {  	s0 =	sor.u32 s1, s0  }
0xbc: {  	s0 =	sadd.s32 $0x8F2B, s0  }
0xbd: {  	[sflag:s0] =	ssyncadd.remote.s32 $0x1  }
0xbe: {  	_ =	sfence.sel $0xFFFF  }
0xbf: {  	[dreg:$0x0] =	wrdreg $0xFFFFFFFF;
	(pc) =	sbr.abs _section_cstart, $3  }
0xc0: {  	[dreg:$0x1] =	wrdreg $0xFFFFFFFF  }
0xc1: {  	_ =	task.clear_ibuf [dreg:s6], $0x2FFFF;
	_ =	strace $0x9FFFFFFF  }
0xc2: {  	(tm) =	ssettm $0x7FFFFFFF  }
0xc3: {  	_ =	shalt  }
tec
execute0_lowered:
.L_overlay_start_1:
0x0: {  	(tag) =	ssettag $0x1  }
0x1: {  	s2 =	rddreg [dreg:$0x0]  }
0x2: {  	s0 =	srdreg.scid;
	s1 =	rddreg [dreg:$0x1]  }
0x3: {  	s19 =	stileid.u32;
	s3 =	simm.s32 $0x0;
	s18 =	simm.s32 $0x3  }
0x4: {  	s20 =	simm.s32 $0x3C00;
	s21 =	simm.s32 $0x7D;
	s23 =	simm.s32 $0x7C00  }
0x5: {  	s24 =	simm.s32 $0x1;
	s25 =	simm.s32 $0x2;
	s28 =	simm.s32 $0x3B80  }
0x6: {  	s29 =	simm.s32 $0x0;
	s0 =	sand.u32 $0x1, s0;
	s9 =	smul.u32 $0x4E000, s19  }
0x7: {  	[smem:$0x7FF] =	sst s3;
	s14 =	sadd.s32 $0x11200, s2;
	s16 =	smul.u32 $0x13800, s19  }
0x8: {  	s13 =	sadd.s32 $0x138000, s1;
	p0 =	sne.s32 s19, $0x0;
	s4 =	sshll.u32 s0, $0x4  }
0x9: {  	_ =	strace $0x80000047;
	s7 =	ssub.s32 $0x2, s0;
	s0 =	smul.u32 $0x138800, s0  }
0xa: {  	s8 =	sor.u32 s19, s4;
	s4 =	sadd.s32 $0x1B200, s2;
	s10 =	sshrl.u32 s7, $0x1  }
0xb: {  	s30 =	sshrl.u32 s9, $0x2;
	s6 =	smul.u32 $0x500, s8;
	s17 =	ssub.s32 s7, s10  }
0xc: {  	s7 =	sadd.s32 s30, s1;
	s15 =	smul.u32 $0x2800, s8;
	s31 =	sadd.s32 s16, s0  }
0xd: {  	s0 =	sshrl.u32 s0, $0x3;
	s8 =	sadd.s32 $0x3C00, s7;
	s9 =	sadd.s32 $0x7800, s7  }
0xe: {  	s10 =	sadd.s32 $0xB400, s7;
	s11 =	sadd.s32 $0xF000, s7;
	s12 =	sadd.s32 $0x12C00, s7  }
0xf: {  	s17 =	smax.u32 s17, $0x1;
	s5 =	sadd.s32 s6, s2;
	s2 =	sadd.s32 $0x42400, s2  }
0x10: {  	s6 =	sadd.s32 s14, s6;
	s15 =	sshrl.u32 s15, $0x3;
	s5 =	sadd.s32 $0x7200, s5  }
0x11: {  	s14 =	sadd.s32 s14, s15;
	s15 =	sshrl.u32 s31, $0x3;
	s0 =	sadd.s32 s2, s0  }
0x12: {  	v0 =	vimm.f32 $0.0e+00;
	s14 =	sadd.s32 $0x280, s14;
	s15 =	sadd.s32 s2, s15;
	s16 =	sadd.s32 $0x27000, s0  }
.LBB2_1:
0x13: {  	[tilespmem:s3], [sflag:$0x3] =	stream.linear.gather [hbm4b:s5+s3], $0x2800, $0x38;
	[tilespmem:$0x1F480] =	vst v63  }
0x14: {  	_ =	swait.ge [sflag:s18], $0x2800  }
0x15: {  	[sflag:s18] =	ssyncset.done $0x0  }
0x16: {  	s0 =	simm.s32 $0x2800;
	[sflag:s18] =	ssyncadd.s32 $0xFFFFD800  }
0x17: {  	[tilespmem:s0], [sflag:$0x3] =	stream.linear.gather [hbm4b:s6+s3], $0x1400, $0x38;
	[tilespmem:$0x1F480] =	vst v63  }
0x18: {  	_ =	swait.ge [sflag:s18], $0x1400  }
0x19: {  	[sflag:s18] =	ssyncset.done $0x0  }
0x1a: {  	s30 =	simm.s32 $0x200;
	s0 =	simm.s32 $0x0;
	[sflag:s18] =	ssyncadd.s32 $0xFFFFEC00  }
.LBB2_2:
0x1b: {  	p1 =	sne.s32 s30, $0xF800;
	[tilespmem:s0+$0x3C70] =	vst v0  }
0x1c: {  	[tilespmem:s0+$0x3C00] =	vst v0  }
0x1d: {  	[tilespmem:s0+$0x3C10] =	vst v0  }
.Ltmp0:
0x1e: {  	[tilespmem:s0+$0x3C20] =	vst v0;
	(pc) =	sbr.rel @p1 .LBB2_2-.Ltmp0, $4  }
0x1f: {  	[tilespmem:s0+$0x3C30] =	vst v0  }
0x20: {  	[tilespmem:s0+$0x3C40] =	vst v0  }
0x21: {  	[tilespmem:s0+$0x3C50] =	vst v0  }
0x22: {  	[tilespmem:s0+$0x3C60] =	vst v0;
	s0 =	sshra.s32 s30, $0x2;
	s30 =	sadd.s32 $0x200, s30  }
0x23: {  	[tilespmem:s0+$0x3C70] =	vst v0  }
0x24: {  	[tilespmem:s0+$0x3C00] =	vst v0  }
0x25: {  	[tilespmem:s0+$0x3C10] =	vst v0  }
0x26: {  	[tilespmem:s0+$0x3C20] =	vst v0  }
0x27: {  	[tilespmem:s0+$0x3C30] =	vst v0  }
0x28: {  	[tilespmem:s0+$0x3C40] =	vst v0  }
0x29: {  	[tilespmem:s0+$0x3C50] =	vst v0  }
0x2a: {  	[tilespmem:s0+$0x3C60] =	vst v0  }
0x2b: {  	[spmem:s7] =	stream.linear.scatter [tilespmem:s20], [sflag:$0x3], $0x3C00, $0x38;
	[tilespmem:$0x1F480] =	vst v63  }
0x2c: {  	_ =	swait.ge [sflag:s18], $0x3C00  }
0x2d: {  	[sflag:s18] =	ssyncset.done $0x0  }
0x2e: {  	[sflag:s18] =	ssyncadd.s32 $0xFFFFC400  }
0x2f: {  	[spmem:s8] =	stream.linear.scatter [tilespmem:s20], [sflag:$0x3], $0x3C00, $0x38;
	[tilespmem:$0x1F480] =	vst v63  }
0x30: {  	_ =	swait.ge [sflag:s18], $0x3C00  }
0x31: {  	[sflag:s18] =	ssyncset.done $0x0  }
0x32: {  	[sflag:s18] =	ssyncadd.s32 $0xFFFFC400  }
0x33: {  	[spmem:s9] =	stream.linear.scatter [tilespmem:s20], [sflag:$0x3], $0x3C00, $0x38;
	[tilespmem:$0x1F480] =	vst v63  }
0x34: {  	_ =	swait.ge [sflag:s18], $0x3C00  }
0x35: {  	[sflag:s18] =	ssyncset.done $0x0  }
0x36: {  	[sflag:s18] =	ssyncadd.s32 $0xFFFFC400  }
0x37: {  	[spmem:s10] =	stream.linear.scatter [tilespmem:s20], [sflag:$0x3], $0x3C00, $0x38;
	[tilespmem:$0x1F480] =	vst v63  }
0x38: {  	_ =	swait.ge [sflag:s18], $0x3C00  }
0x39: {  	[sflag:s18] =	ssyncset.done $0x0  }
0x3a: {  	[sflag:s18] =	ssyncadd.s32 $0xFFFFC400  }
0x3b: {  	[spmem:s11] =	stream.linear.scatter [tilespmem:s20], [sflag:$0x3], $0x3C00, $0x38;
	[tilespmem:$0x1F480] =	vst v63  }
0x3c: {  	_ =	swait.ge [sflag:s18], $0x3C00  }
0x3d: {  	[sflag:s18] =	ssyncset.done $0x0  }
0x3e: {  	[sflag:s18] =	ssyncadd.s32 $0xFFFFC400  }
0x3f: {  	[spmem:s12] =	stream.linear.scatter [tilespmem:s20], [sflag:$0x3], $0xC00, $0x38;
	[tilespmem:$0x1F480] =	vst v63  }
0x40: {  	_ =	swait.ge [sflag:s18], $0xC00  }
0x41: {  	[sflag:s18] =	ssyncset.done $0x0  }
0x42: {  	s0 =	simm.s32 @!p0 $0x3C00;
	[sflag:s18] =	ssyncadd.s32 $0xFFFFF400  }
0x43: {  	[spmem:s13] =	stream.linear.scatter @!p0 [tilespmem:s0], [sflag:$0x3], $0x800, $0x38;
	[tilespmem:$0x1F480] =	vst v63  }
0x44: {  	s0 =	simm.s32 @!p0 $0x3  }
0x45: {  	_ =	swait.ge @!p0 [sflag:s0], $0x800  }
0x46: {  	[sflag:s0] =	ssyncset.done @!p0 $0x0  }
0x47: {  	[sflag:s0] =	ssyncadd.s32 @!p0 $0xFFFFF800  }
0x48: {  	p1 =	por $0x1, $0x1;
	s0 =	simm.s32 $0x0;
	[bflag:$0x0] =	sbarrier.arrive $0xFFFF  }
0x49: {  	[tilespmem:s20], [sflag:$0x1] =	stream.indirect.gather [hbm4b:s4+s21], $0x80, s0, s21, $0xb8;
	[tilespmem:$0x1F480] =	vst v63  }
0x4a: {  	s2 =	simm.s32 $0x80;
	p1 =	por p1, p1  }
0x4b: {  	[tilespmem:s23], [sflag:$0x2] =	stream.indirect.gather [hbm4b:s4+s21], $0x80, s2, s21, $0xb8;
	[tilespmem:$0x1F480] =	vst v63  }
0x4c: {  	s30 =	simm.s32 @!p1 $0x2800;
	s31 =	simm.s32 @!p1 $0x3;
	s2 =	simm.s32 @!p1 $0x0  }
0x4d: {  	[tilespmem:s30], [sflag:$0x3] =	stream.linear.gather @!p1 [hbm4b:s14+s2], $0x1400, $0x38;
	[tilespmem:$0x1F480] =	vst v63  }
0x4e: {  	_ =	swait.ge @!p1 [sflag:s31], $0x1400  }
0x4f: {  	[sflag:s31] =	ssyncset.done @!p1 $0x0  }
0x50: {  	s2 =	simm.s32 $0xFFFFB000;
	[sflag:s31] =	ssyncadd.s32 @!p1 $0xFFFFEC00;
	p1 =	por $0x1, $0x1  }
0x51: {  	_ =	swait.ge [sflag:s24], $0x3E80;
	s2 =	smov.u32 @p1 s0  }
0x52: {  	[sflag:s24] =	ssyncset.done $0x0;
	s0 =	sshra.s32 s2, $0x2  }
0x53: {  	[sflag:s24] =	ssyncadd.s32 $0xFFFFC180;
	s2 =	sadd.s32 $0x2800, s0  }
0x54: {  	[spmem:s1] =	stream.indirect.scatter.add.f32 [tilespmem:s20], [sflag:$0x3], $0x80, s2, s21, $0xb8;
	[tilespmem:$0x1F480] =	vst v63  }
0x55: {  	_ =	swait.ge [sflag:s18], $0x3E80  }
0x56: {  	[sflag:s18] =	ssyncset.done $0x0  }
0x57: {  	s26 =	simm.s32 $0x100;
	[sflag:s18] =	ssyncadd.s32 $0xFFFFC180  }
0x58: {  	[tilespmem:s20], [sflag:$0x1] =	stream.indirect.gather [hbm4b:s4+s21], $0x80, s26, s21, $0xb8;
	[tilespmem:$0x1F480] =	vst v63  }
0x59: {  	_ =	swait.ge [sflag:s25], $0x3E80  }
0x5a: {  	[sflag:s25] =	ssyncset.done $0x0  }
0x5b: {  	s0 =	sadd.s32 $0x2880, s0;
	[sflag:s25] =	ssyncadd.s32 $0xFFFFC180  }
0x5c: {  	[spmem:s1] =	stream.indirect.scatter.add.f32 [tilespmem:s23], [sflag:$0x3], $0x80, s0, s21, $0xb8;
	[tilespmem:$0x1F480] =	vst v63  }
0x5d: {  	p6 =	por $0x1, $0x1;
	s30 =	simm.s32 $0x400;
	_ =	swait.ge [sflag:s18], $0x3E80  }
0x5e: {  	s31 =	simm.s32 $0x1;
	p1 =	por p6, p6;
	[sflag:s18] =	ssyncset.done $0x0  }
0x5f: {  	s2 =	simm.s32 $0x180;
	s0 =	simm.s32 $0x800;
	[sflag:s18] =	ssyncadd.s32 $0xFFFFC180  }
.LBB2_4:
0x60: {  	[tilespmem:s23], [sflag:$0x2] =	stream.indirect.gather [hbm4b:s4+s21], $0x80, s2, s21, $0xb8;
	[tilespmem:$0x1F480] =	vst v63  }
0x61: {  	s2 =	smov.u32 s0  }
0x62: {  	s19 =	simm.s32 @!p1 $0x0;
	s22 =	simm.s32 @!p1 $0x2800;
	s26 =	simm.s32 @!p1 $0x3  }
0x63: {  	[tilespmem:s22], [sflag:$0x3] =	stream.linear.gather @!p1 [hbm4b:s14+s19], $0x1400, $0x38;
	[tilespmem:$0x1F480] =	vst v63  }
0x64: {  	s0 =	sadd.s32 $0x400, s0;
	p3 =	sne.s32 s2, $0x5000;
	_ =	swait.ge @!p1 [sflag:s26], $0x1400  }
0x65: {  	p2 =	sne.s32 s0, $0x9C00;
	[sflag:s26] =	ssyncset.done @!p1 $0x0  }
0x66: {  	s19 =	sadd.s32 $0xFFFFB000, s30;
	[sflag:s26] =	ssyncadd.s32 @!p1 $0xFFFFEC00;
	p1 =	slt.u32 s31, $0x14  }
0x67: {  	_ =	swait.ge [sflag:s24], $0x3E80;
	s19 =	smov.u32 @p1 s30;
	p1 =	por p3, p3  }
0x68: {  	[sflag:s24] =	ssyncset.done $0x0;
	s19 =	sshra.s32 s19, $0x2  }
0x69: {  	[sflag:s24] =	ssyncadd.s32 $0xFFFFC180;
	s22 =	sadd.s32 $0x2800, s19  }
0x6a: {  	[spmem:s1] =	stream.indirect.scatter.add.f32 [tilespmem:s20], [sflag:$0x3], $0x80, s22, s21, $0xb8;
	[tilespmem:$0x1F480] =	vst v63  }
0x6b: {  	_ =	swait.ge [sflag:s18], $0x3E80  }
0x6c: {  	s22 =	sshra.s32 s30, $0x2;
	s30 =	smov.u32 s2;
	[sflag:s18] =	ssyncset.done $0x0  }
0x6d: {  	s2 =	sadd.s32 $0x100, s22;
	[sflag:s18] =	ssyncadd.s32 $0xFFFFC180  }
0x6e: {  	[tilespmem:s20], [sflag:$0x1] =	stream.indirect.gather [hbm4b:s4+s21], $0x80, s2, s21, $0xb8;
	[tilespmem:$0x1F480] =	vst v63  }
0x6f: {  	_ =	swait.ge [sflag:s25], $0x3E80  }
0x70: {  	[sflag:s25] =	ssyncset.done $0x0  }
.Ltmp1:
0x71: {  	s2 =	sadd.s32 $0x2880, s19;
	[sflag:s25] =	ssyncadd.s32 $0xFFFFC180;
	(pc) =	sbr.rel @p2 .LBB2_4-.Ltmp1, $4  }
0x72: {  	[spmem:s1] =	stream.indirect.scatter.add.f32 [tilespmem:s23], [sflag:$0x3], $0x80, s2, s21, $0xb8;
	[tilespmem:$0x1F480] =	vst v63  }
0x73: {  	_ =	swait.ge [sflag:s18], $0x3E80  }
0x74: {  	[sflag:s18] =	ssyncset.done $0x0  }
0x75: {  	s31 =	sadd.s32 $0x1, s31;
	s2 =	sadd.s32 $0x180, s22;
	[sflag:s18] =	ssyncadd.s32 $0xFFFFC180  }
0x76: {  	[tilespmem:s23], [sflag:$0x2] =	stream.indirect.gather [hbm4b:s4+s21], $0x80, s2, s21, $0xb8;
	[tilespmem:$0x1F480] =	vst v63  }
0x77: {  	s0 =	simm.s32 @!p1 $0x0;
	s2 =	simm.s32 @!p1 $0x2800;
	s19 =	simm.s32 @!p1 $0x3  }
0x78: {  	[tilespmem:s2], [sflag:$0x3] =	stream.linear.gather @!p1 [hbm4b:s14+s0], $0x1400, $0x38;
	[tilespmem:$0x1F480] =	vst v63  }
0x79: {  	_ =	swait.ge @!p1 [sflag:s19], $0x1400  }
0x7a: {  	[sflag:s19] =	ssyncset.done @!p1 $0x0  }
0x7b: {  	s0 =	sadd.s32 $0xFFFFB000, s30;
	[sflag:s19] =	ssyncadd.s32 @!p1 $0xFFFFEC00;
	p1 =	slt.u32 s31, $0x14  }
0x7c: {  	_ =	swait.ge [sflag:s24], $0x3E80;
	s0 =	smov.u32 @p1 s30  }
0x7d: {  	[sflag:s24] =	ssyncset.done $0x0;
	s0 =	sshra.s32 s0, $0x2  }
0x7e: {  	[sflag:s24] =	ssyncadd.s32 $0xFFFFC180;
	s26 =	sadd.s32 $0x2800, s0  }
0x7f: {  	[spmem:s1] =	stream.indirect.scatter.add.f32 [tilespmem:s20], [sflag:$0x3], $0x80, s26, s21, $0xb8;
	[tilespmem:$0x1F480] =	vst v63  }
0x80: {  	_ =	swait.ge [sflag:s18], $0x3E80  }
0x81: {  	s30 =	sshra.s32 s30, $0x2;
	[sflag:s18] =	ssyncset.done $0x0  }
0x82: {  	s31 =	sadd.s32 $0x100, s30;
	[sflag:s18] =	ssyncadd.s32 $0xFFFFC180  }
0x83: {  	[tilespmem:s20], [sflag:$0x1] =	stream.indirect.gather [hbm4b:s4+s21], $0x80, s31, s21, $0xb8;
	[tilespmem:$0x1F480] =	vst v63  }
0x84: {  	_ =	swait.ge [sflag:s25], $0x3E80  }
0x85: {  	[sflag:s25] =	ssyncset.done $0x0  }
0x86: {  	s0 =	sadd.s32 $0x2880, s0;
	[sflag:s25] =	ssyncadd.s32 $0xFFFFC180  }
0x87: {  	[spmem:s1] =	stream.indirect.scatter.add.f32 [tilespmem:s23], [sflag:$0x3], $0x80, s0, s21, $0xb8;
	[tilespmem:$0x1F480] =	vst v63  }
0x88: {  	_ =	swait.ge [sflag:s18], $0x3E80  }
0x89: {  	[sflag:s18] =	ssyncset.done $0x0  }
0x8a: {  	s22 =	sadd.s32 $0x180, s30;
	[sflag:s18] =	ssyncadd.s32 $0xFFFFC180  }
0x8b: {  	[tilespmem:s23], [sflag:$0x2] =	stream.indirect.gather [hbm4b:s4+s21], $0x80, s22, s21, $0xb8;
	[tilespmem:$0x1F480] =	vst v63  }
0x8c: {  	_ =	swait.ge [sflag:s24], $0x3E80  }
0x8d: {  	[sflag:s24] =	ssyncset.done $0x0  }
0x8e: {  	s26 =	simm.s32 $0x3B00;
	[sflag:s24] =	ssyncadd.s32 $0xFFFFC180  }
0x8f: {  	[spmem:s1] =	stream.indirect.scatter.add.f32 [tilespmem:s20], [sflag:$0x3], $0x80, s26, s21, $0xb8;
	[tilespmem:$0x1F480] =	vst v63  }
0x90: {  	_ =	swait.ge [sflag:s18], $0x3E80  }
0x91: {  	[sflag:s18] =	ssyncset.done $0x0  }
0x92: {  	[sflag:s18] =	ssyncadd.s32 $0xFFFFC180  }
0x93: {  	_ =	swait.ge [sflag:s25], $0x3E80  }
0x94: {  	[sflag:s25] =	ssyncset.done $0x0  }
0x95: {  	[sflag:s25] =	ssyncadd.s32 $0xFFFFC180  }
0x96: {  	[spmem:s1] =	stream.indirect.scatter.add.f32 [tilespmem:s23], [sflag:$0x3], $0x80, s28, s21, $0xb8;
	[tilespmem:$0x1F480] =	vst v63  }
0x97: {  	_ =	swait.ge [sflag:s18], $0x3E80  }
0x98: {  	s30 =	stileid.u32;
	[sflag:s18] =	ssyncset.done $0x0  }
0x99: {  	s0 =	sshll.u32 s30, $0x6;
	[sflag:s18] =	ssyncadd.s32 $0xFFFFC180  }
0x9a: {  	s31 =	sshrl.u32 s7, $0x3;
	s0 =	sor.u32 $0x1C03, s0;
	[bflag:$0x0] =	sbarrier.arrive $0xFFFF  }
0x9b: {  	[hbm:s15], [sflag:s0] =	dma.local [spmem:s31], $0x2700  }
0x9c: {  	_ =	swait.ge [sflag:s18], $0x2700  }
0x9d: {  	s29 =	sadd.s32 $0x1, s29;
	[sflag:s18] =	ssyncset.done $0x0  }
0x9e: {  	s2 =	sshrl.u32 @!p0 s13, $0x3;
	p1 =	sne.s32 s29, s17;
	[sflag:s18] =	ssyncadd.s32 $0xFFFFD900  }
0x9f: {  	[hbm:s16], [sflag:s0] =	dma.local @!p0 [spmem:s2], $0x100  }
.Ltmp2:
0xa0: {  	_ = 	snop;
	(pc) =	sbr.rel @p1 .LBB2_1-.Ltmp2, $4  }
0xa1: {  	s0 =	simm.s32 @!p0 $0x3  }
0xa2: {  	_ =	swait.ge @!p0 [sflag:s0], $0x100  }
0xa3: {  	[sflag:s0] =	ssyncset.done @!p0 $0x0  }
0xa4: {  	[sflag:s0] =	ssyncadd.s32 @!p0 $0xFFFFFF00  }
0xa5: {  	_ =	sfence.sel $0x180000  }
0xa6: {  	[bflag:$0x0] =	sbarrier.arrive $0xFFFF  }
0xa7: {  	_ =	strace $0x90000047  }
0xa8: {  	[bflag:$0x2] =	sbarrier.arrive $0xFFFF  }
0xa9: {  	s0 =	rddreg [dreg:$0x2]  }
0xaa: {  	s0 =	sadd.s32 @!p0 $0x100000, s0  }
0xab: {  	[sflag:s0] =	ssyncadd.tile.s32 @!p0 $0x1;
	_ =	shalt  }
.Lfunc_end2:
_tile_overlayer_lowered:
.L_overlay_start_2:
0xac: {  	(tag) =	ssettag $0x2  }
0xad: {  	s0 =	rddreg [dreg:$0x0];
	s2 =	stileid.u32  }
0xae: {  	s1 =	rddreg [dreg:$0x1];
	p0 =	sne.s32 s2, $0x0  }
0xaf: {  	s3 =	rddreg [dreg:$0x2];
	[bflag:$0x3] =	sbarrier.arrive $0xFFFF;
	s2 =	simm.s32 @!p0 $0x1C03  }
0xb0: {  	[timem:s3], [sflag:s2] =	dma.local @!p0 [hbm:s0], s1  }
0xb1: {  	s0 =	simm.s32 @!p0 $0x3  }
0xb2: {  	_ =	swait.ge @!p0 [sflag:s0], s1  }
0xb3: {  	s1 =	ssub.s32 @!p0 $0x0, s1;
	[sflag:s0] =	ssyncset.done @!p0 $0x0  }
0xb4: {  	[sflag:s0] =	ssyncadd.s32 @!p0 s1  }
0xb5: {  	[bflag:$0x3] =	sbarrier.arrive $0xFFFF  }
0xb6: {  	_ =	shalt  }

// kernel: kernel.17.cloned.1.call-start
scs
__scs_entry_jumppad:
0x0: {  	(pc) =	sbr.rel $0x88, $3  }
0x1: {  	(tag) =	ssettag $0x0;
	lr =	simm.s32 $0x1  }
0x2: {  	[smem:$0x3F8F] =	sst lr;
	_ =	strace $0xD0000000  }
0x3: {  	_ = 	snop  }
0x4: {  	_ = 	snop  }
0x5: {  	_ = 	snop  }
0x6: {  	_ = 	snop  }
0x7: {  	_ = 	snop  }
__scs_overlays_trampoline_lowered:
0x8: {  	[smem:$0x3F9E] =	sst s0  }
0x9: {  	[smem:$0x3F9F] =	sst s1  }
0xa: {  	[smem:$0x3FA0] =	sst s2  }
0xb: {  	[smem:$0x3FA1] =	sst s3  }
0xc: {  	[smem:$0x3FA2] =	sst s4  }
0xd: {  	[smem:$0x3FA3] =	sst s5  }
0xe: {  	[smem:$0x3FA4] =	sst s6  }
0xf: {  	[smem:$0x3FA5] =	sst s7  }
0x10: {  	[smem:$0x3FA6] =	sst s8  }
0x11: {  	[smem:$0x3FA7] =	sst s9;
	s0 =	simm.s32 @!p0 $0x0  }
0x12: {  	s1 =	sld [smem:$0x3F8D];
	s0 =	simm.s32 @p0 $0x1  }
0x13: {  	[smem:$0x3FA8] =	sst s0;
	s0 =	simm.s32 @!p1 $0x0  }
0x14: {  	s2 =	sld [smem:$0x3F8C];
	s0 =	simm.s32 @p1 $0x1  }
0x15: {  	[smem:$0x3FA9] =	sst s0;
	s0 =	simm.s32 @!p2 $0x0  }
0x16: {  	s3 =	sld [smem:$0x3FDB];
	s0 =	simm.s32 @p2 $0x1  }
0x17: {  	s4 =	simm.s32 $0x1BF5;
	[smem:$0x3FAB] =	sst s0  }
0x18: {  	s0 =	sld [smem:$0x3F8E];
	_ =	swait.ge [sflag:s4], $0x0  }
0x19: {  	s7 =	sld [smem:$0x3F8F]  }
0x1a: {  	s8 =	sadd.s32 $0xFFFFE003, lr  }
0x1b: {  	s9 =	sadd.s32 $0xFFFFFEF7, lr;
	s5 =	simm.s32 $0xFFFFFFFF;
	p2 =	slt.u32 s8, $0xFFFFF086  }
0x1c: {  	p1 =	slt.u32 s9, $0xF7A;
	s5 =	simm.s32 @!p2 $0x0  }
0x1d: {  	s5 =	simm.s32 @p1 $0x1;
	p0 =	seq.s32 s7, s2  }
0x1e: {  	s7 =	smul.u32 @!p0 $0xF7A, s2;
	p2 =	seq.s32 @!p0 s5, $0x0  }
0x1f: {  	s9 =	smul.u32 $0xF7A, s1;
	s8 =	simm.s32 @!p0 $0x1BF5;
	p2 =	por !p2, p0  }
0x20: {  	[sflag:s8] =	ssyncset.s32 @!p0 $0xFFFFF086;
	s6 =	sadd.s32 @!p0 s3, s7;
	s7 =	simm.s32 @!p0 $0x108  }
0x21: {  	s3 =	sadd.s32 s3, s9;
	s6 =	sadd.s32 @!p0 $0x88, s6;
	s7 =	simm.s32 @p2 $0x1082  }
0x22: {  	[simem:s7], [sflag:s8] =	dma.local @!p0 [hbm:s6], $0xF7A  }
0x23: {  	s9 =	sor.u32 $0xD0000000, s2;
	s6 =	simm.s32 $0x108;
	_ =	swait.ge @!p0 [sflag:s8], $0x0  }
0x24: {  	s3 =	sadd.s32 $0x88, s3;
	s6 =	simm.s32 @!p1 $0x1082;
	[sflag:s4] =	ssyncset.s32 $0xFFFFF086  }
0x25: {  	[simem:s6], [sflag:s4] =	dma.local [hbm:s3], $0xF7A  }
0x26: {  	[smem:$0x3F8F] =	sst s1;
	(tag) =	ssettag s2;
	_ =	strace s9  }
0x27: {  	s1 =	sld [smem:$0x3F9F]  }
0x28: {  	s2 =	sld [smem:$0x3FA0]  }
0x29: {  	s4 =	sld [smem:$0x3FA2]  }
0x2a: {  	p0 =	seq.s32 s5, $0x0;
	s5 =	sld [smem:$0x3FA3]  }
0x2b: {  	s6 =	sld [smem:$0x3FA4]  }
0x2c: {  	s7 =	sld [smem:$0x3FA5]  }
0x2d: {  	s3 =	simm.s32 $0x108;
	s8 =	sld [smem:$0x3FA6]  }
0x2e: {  	s3 =	simm.s32 @!p0 $0x1082;
	s9 =	sld [smem:$0x3FA7]  }
0x2f: {  	lr =	sadd.s32 s0, s3;
	s0 =	sld [smem:$0x3F9E]  }
0x30: {  	s3 =	sld [smem:$0x3FA1]  }
0x31: {  	[smem:$0x3FAA] =	sst s10  }
0x32: {  	s10 =	sld [smem:$0x3FA8];
	_ =	sdelay $0x3  }
0x33: {  	p0 =	seq.s32 s10, $0x1;
	s10 =	sld [smem:$0x3FAA];
	_ =	sdelay $0x3  }
0x34: {  	[smem:$0x3FAA] =	sst s10  }
0x35: {  	s10 =	sld [smem:$0x3FA9];
	_ =	sdelay $0x3  }
0x36: {  	p1 =	seq.s32 s10, $0x1;
	s10 =	sld [smem:$0x3FAA];
	_ =	sdelay $0x3  }
0x37: {  	[smem:$0x3FAA] =	sst s10  }
0x38: {  	s10 =	sld [smem:$0x3FAB]  }
0x39: {  	_ = 	snop;
	(pc) =	sbr.ind lr, $3  }
0x3a: {  	_ = 	snop  }
0x3b: {  	_ = 	snop  }
0x3c: {  	p2 =	seq.s32 s10, $0x1;
	s10 =	sld [smem:$0x3FAA]  }
0x3d: {  	_ =	shalt  }
0x3e: {  	_ =	shalt  }
0x3f: {  	_ =	shalt  }
0x40: {  	_ =	shalt  }
0x41: {  	_ =	shalt  }
0x42: {  	_ =	shalt  }
0x43: {  	_ =	shalt  }
0x44: {  	_ =	shalt  }
0x45: {  	_ =	shalt  }
0x46: {  	_ =	shalt  }
0x47: {  	_ =	shalt  }
0x48: {  	_ =	shalt  }
0x49: {  	_ =	shalt  }
0x4a: {  	_ =	shalt  }
0x4b: {  	_ =	shalt  }
0x4c: {  	_ =	shalt  }
0x4d: {  	_ =	shalt  }
0x4e: {  	_ =	shalt  }
0x4f: {  	_ =	shalt  }
0x50: {  	_ =	shalt  }
0x51: {  	_ =	shalt  }
0x52: {  	_ =	shalt  }
0x53: {  	_ =	shalt  }
0x54: {  	_ =	shalt  }
0x55: {  	_ =	shalt  }
0x56: {  	_ =	shalt  }
0x57: {  	_ =	shalt  }
0x58: {  	_ =	shalt  }
0x59: {  	_ =	shalt  }
0x5a: {  	_ =	shalt  }
0x5b: {  	_ =	shalt  }
0x5c: {  	_ =	shalt  }
0x5d: {  	_ =	shalt  }
0x5e: {  	_ =	shalt  }
0x5f: {  	_ =	shalt  }
0x60: {  	_ =	shalt  }
0x61: {  	_ =	shalt  }
0x62: {  	_ =	shalt  }
0x63: {  	_ =	shalt  }
0x64: {  	_ =	shalt  }
0x65: {  	_ =	shalt  }
0x66: {  	_ =	shalt  }
0x67: {  	_ =	shalt  }
0x68: {  	_ =	shalt  }
0x69: {  	_ =	shalt  }
0x6a: {  	_ =	shalt  }
0x6b: {  	_ =	shalt  }
0x6c: {  	_ =	shalt  }
0x6d: {  	_ =	shalt  }
0x6e: {  	_ =	shalt  }
0x6f: {  	_ =	shalt  }
0x70: {  	_ =	shalt  }
0x71: {  	_ =	shalt  }
0x72: {  	_ =	shalt  }
0x73: {  	_ =	shalt  }
0x74: {  	_ =	shalt  }
0x75: {  	_ =	shalt  }
0x76: {  	_ =	shalt  }
0x77: {  	_ =	shalt  }
0x78: {  	_ =	shalt  }
0x79: {  	_ =	shalt  }
0x7a: {  	_ =	shalt  }
0x7b: {  	_ =	shalt  }
0x7c: {  	_ =	shalt  }
0x7d: {  	_ =	shalt  }
0x7e: {  	_ =	shalt  }
0x7f: {  	_ =	shalt  }
0x80: {  	_ =	shalt  }
0x81: {  	_ =	shalt  }
0x82: {  	_ =	shalt  }
0x83: {  	_ =	shalt  }
0x84: {  	_ =	shalt  }
0x85: {  	_ =	shalt  }
0x86: {  	_ =	shalt  }
0x87: {  	_ =	shalt  }
.Lfunc_end0:
.L_simem_size_0:
called_computation.1_lowered:
.L_overlay_start_0:
0x88: {  	s2 =	sld [smem:$0x3FD9]  }
0x89: {  	s3 =	sld [smem:$0x3FFE];
	_ =	sdelay $0x1  }
0x8a: {  	s1 =	srdreg.scid  }
0x8b: {  	s0 =	sand.u32 $0x1, s1  }
0x8c: {  	s16 =	sshll.u32 s0, $0xA;
	s2 =	sadd.s32 s3, s2  }
0x8d: {  	s2 =	sadd.s32 s2, s16  }
0x8e: {  	[smem:$0x3FB6] =	sst s2  }
0x8f: {  	_ = 	snop  }
0x90: {  	(tm) =	ssettm $0x1  }
0x91: {  	s17 =	sld [smem:$0x3FFB];
	_ =	sdelay $0x3  }
0x92: {  	_ =	strace s17  }
0x93: {  	s2 =	sld [smem:$0x3FFC];
	_ =	sdelay $0x3  }
0x94: {  	_ =	strace s2  }
0x95: {  	s2 =	sld [smem:$0x3FFD];
	_ =	sdelay $0x3  }
0x96: {  	_ =	strace s2  }
0x97: {  	_ =	strace $0x8FFFFFFF  }
0x98: {  	s18 =	sld [smem:$0x3FDB];
	_ =	sdelay $0x1  }
0x99: {  	s19 =	simm.s32 $_scs_section_size  }
0x9a: {  	s4 =	simm.s32 $_size__tile_overlayer_lowered;
	s5 =	simm.s32 $_tile_overlayer_lowered  }
0x9b: {  	s22 =	simm.s32 $0x1BFF;
	s21 =	sshll.u32 s5, $0x1;
	s2 =	sadd.s32 s19, s18  }
0x9c: {  	s6 =	simm.s32 $0x0;
	s20 =	sshll.u32 s4, $0x1;
	s4 =	sadd.s32 s21, s2  }
0x9d: {  	[timem:s6], [sflag:s22] =	dma.local [hbm:s4], s20  }
0x9e: {  	_ =	swait.ge [sflag:s22], s20  }
0x9f: {  	s3 =	ssub.s32 $0x0, s20;
	[sflag:s22] =	ssyncset.done $0x0  }
0xa0: {  	[sflag:s22] =	ssyncadd.s32 s3;
	_ =	sdelay $0x1  }
0xa1: {  	s23 =	simm.s32 $0x1B8B  }
0xa2: {  	_ =	swait.ge [sflag:s23], $0x1  }
0xa3: {  	[sflag:s23] =	ssyncset.done $0x0  }
0xa4: {  	s25 =	simm.s32 $0x1B8E;
	s24 =	sld [smem:$0x3FFE];
	[sflag:s23] =	ssyncadd.s32 $0xFFFFFFFF  }
0xa5: {  	s26 =	simm.s32 $execute0_lowered;
	[smem:$0x3FD2] =	sst s25  }
0xa6: {  	s4 =	sshll.u32 s26, $0x1;
	_ =	strace $0x80000049;
	[dreg:$0x1] =	wrdreg $0xFFFFFFFF  }
0xa7: {  	s28 =	simm.s32 $_size_execute0_lowered;
	s2 =	sadd.s32 s2, s4;
	[dreg:$0x0] =	wrdreg $0x0  }
0xa8: {  	s4 =	sshll.u32 s28, $0x1;
	[dreg:$0x2] =	wrdreg s2  }
0xa9: {  	[dreg:$0x3] =	wrdreg s4  }
0xaa: {  	[dreg:$0x4] =	wrdreg $0xC0  }
0xab: {  	_ =	task [dreg:s6], $0x5FFFF  }
0xac: {  	[dreg:$0x1] =	wrdreg $0xFFFFFFFF  }
0xad: {  	[dreg:$0x0] =	wrdreg $0x60  }
0xae: {  	[dreg:$0x2] =	wrdreg s24  }
0xaf: {  	[dreg:$0x3] =	wrdreg $0xBC000  }
0xb0: {  	[dreg:$0x4] =	wrdreg $0x9  }
0xb1: {  	_ =	task.clear_ibuf [dreg:s6], $0x5FFFF;
	_ =	strace $0x90000049  }
0xb2: {  	s29 =	simm.s32 $0x9;
	_ =	strace $0x8000004B  }
0xb3: {  	_ =	swait.ge [sflag:s29], $0x1  }
0xb4: {  	[sflag:s29] =	ssyncadd.s32 $0xFFFFFFFF  }
0xb5: {  	_ =	strace $0x9000004B  }
0xb6: {  	_ =	sfence  }
0xb7: {  	s30 =	sld [smem:$0x0];
	_ =	sdelay $0x2  }
0xb8: {  	s31 =	sshll.u32 s1, $0xD;
	s1 =	sshrl.u32 s1, $0x2  }
0xb9: {  	s3 =	sand.u32 $0x4000, s31;
	s1 =	sadd.s32 s1, s30  }
0xba: {  	s0 =	sor.u32 s3, s0;
	s1 =	sshll.u32 s1, $0x11  }
0xbb: {  	s0 =	sor.u32 s1, s0  }
0xbc: {  	s0 =	sadd.s32 $0x8F2B, s0  }
0xbd: {  	[sflag:s0] =	ssyncadd.remote.s32 $0x1  }
0xbe: {  	_ =	sfence.sel $0xFFFF  }
0xbf: {  	[dreg:$0x0] =	wrdreg $0xFFFFFFFF;
	(pc) =	sbr.abs _section_cstart, $3  }
0xc0: {  	[dreg:$0x1] =	wrdreg $0xFFFFFFFF  }
0xc1: {  	_ =	task.clear_ibuf [dreg:s6], $0x2FFFF;
	_ =	strace $0x9FFFFFFF  }
0xc2: {  	(tm) =	ssettm $0x7FFFFFFF  }
0xc3: {  	_ =	shalt  }
tec
execute0_lowered:
.L_overlay_start_1:
0x0: {  	(tag) =	ssettag $0x1  }
0x1: {  	s2 =	rddreg [dreg:$0x0]  }
0x2: {  	s0 =	srdreg.scid;
	s1 =	rddreg [dreg:$0x1]  }
0x3: {  	s19 =	stileid.u32;
	s3 =	simm.s32 $0x0;
	s18 =	simm.s32 $0x3  }
0x4: {  	s20 =	simm.s32 $0x3C00;
	s21 =	simm.s32 $0x7D;
	s23 =	simm.s32 $0x7C00  }
0x5: {  	s24 =	simm.s32 $0x1;
	s25 =	simm.s32 $0x2;
	s28 =	simm.s32 $0x3B80  }
0x6: {  	s29 =	simm.s32 $0x0;
	s0 =	sand.u32 $0x1, s0;
	s9 =	smul.u32 $0x4E000, s19  }
0x7: {  	[smem:$0x7FF] =	sst s3;
	s14 =	sadd.s32 $0x11200, s2;
	s16 =	smul.u32 $0x13800, s19  }
0x8: {  	s13 =	sadd.s32 $0x138000, s1;
	p0 =	sne.s32 s19, $0x0;
	s4 =	sshll.u32 s0, $0x4  }
0x9: {  	_ =	strace $0x8000004A;
	s7 =	ssub.s32 $0x2, s0;
	s0 =	smul.u32 $0x138800, s0  }
0xa: {  	s8 =	sor.u32 s19, s4;
	s4 =	sadd.s32 $0x1B200, s2;
	s10 =	sshrl.u32 s7, $0x1  }
0xb: {  	s30 =	sshrl.u32 s9, $0x2;
	s6 =	smul.u32 $0x500, s8;
	s17 =	ssub.s32 s7, s10  }
0xc: {  	s7 =	sadd.s32 s30, s1;
	s15 =	smul.u32 $0x2800, s8;
	s31 =	sadd.s32 s16, s0  }
0xd: {  	s0 =	sshrl.u32 s0, $0x3;
	s8 =	sadd.s32 $0x3C00, s7;
	s9 =	sadd.s32 $0x7800, s7  }
0xe: {  	s10 =	sadd.s32 $0xB400, s7;
	s11 =	sadd.s32 $0xF000, s7;
	s12 =	sadd.s32 $0x12C00, s7  }
0xf: {  	s17 =	smax.u32 s17, $0x1;
	s5 =	sadd.s32 s6, s2;
	s2 =	sadd.s32 $0x42400, s2  }
0x10: {  	s6 =	sadd.s32 s14, s6;
	s15 =	sshrl.u32 s15, $0x3;
	s5 =	sadd.s32 $0x7200, s5  }
0x11: {  	s14 =	sadd.s32 s14, s15;
	s15 =	sshrl.u32 s31, $0x3;
	s0 =	sadd.s32 s2, s0  }
0x12: {  	v0 =	vimm.f32 $0.0e+00;
	s14 =	sadd.s32 $0x280, s14;
	s15 =	sadd.s32 s2, s15;
	s16 =	sadd.s32 $0x27000, s0  }
.LBB2_1:
0x13: {  	[tilespmem:s3], [sflag:$0x3] =	stream.linear.gather [hbm4b:s5+s3], $0x2800, $0x38;
	[tilespmem:$0x1F480] =	vst v63  }
0x14: {  	_ =	swait.ge [sflag:s18], $0x2800  }
0x15: {  	[sflag:s18] =	ssyncset.done $0x0  }
0x16: {  	s0 =	simm.s32 $0x2800;
	[sflag:s18] =	ssyncadd.s32 $0xFFFFD800  }
0x17: {  	[tilespmem:s0], [sflag:$0x3] =	stream.linear.gather [hbm4b:s6+s3], $0x1400, $0x38;
	[tilespmem:$0x1F480] =	vst v63  }
0x18: {  	_ =	swait.ge [sflag:s18], $0x1400  }
0x19: {  	[sflag:s18] =	ssyncset.done $0x0  }
0x1a: {  	s30 =	simm.s32 $0x200;
	s0 =	simm.s32 $0x0;
	[sflag:s18] =	ssyncadd.s32 $0xFFFFEC00  }
.LBB2_2:
0x1b: {  	p1 =	sne.s32 s30, $0xF800;
	[tilespmem:s0+$0x3C70] =	vst v0  }
0x1c: {  	[tilespmem:s0+$0x3C00] =	vst v0  }
0x1d: {  	[tilespmem:s0+$0x3C10] =	vst v0  }
.Ltmp0:
0x1e: {  	[tilespmem:s0+$0x3C20] =	vst v0;
	(pc) =	sbr.rel @p1 .LBB2_2-.Ltmp0, $4  }
0x1f: {  	[tilespmem:s0+$0x3C30] =	vst v0  }
0x20: {  	[tilespmem:s0+$0x3C40] =	vst v0  }
0x21: {  	[tilespmem:s0+$0x3C50] =	vst v0  }
0x22: {  	[tilespmem:s0+$0x3C60] =	vst v0;
	s0 =	sshra.s32 s30, $0x2;
	s30 =	sadd.s32 $0x200, s30  }
0x23: {  	[tilespmem:s0+$0x3C70] =	vst v0  }
0x24: {  	[tilespmem:s0+$0x3C00] =	vst v0  }
0x25: {  	[tilespmem:s0+$0x3C10] =	vst v0  }
0x26: {  	[tilespmem:s0+$0x3C20] =	vst v0  }
0x27: {  	[tilespmem:s0+$0x3C30] =	vst v0  }
0x28: {  	[tilespmem:s0+$0x3C40] =	vst v0  }
0x29: {  	[tilespmem:s0+$0x3C50] =	vst v0  }
0x2a: {  	[tilespmem:s0+$0x3C60] =	vst v0  }
0x2b: {  	[spmem:s7] =	stream.linear.scatter [tilespmem:s20], [sflag:$0x3], $0x3C00, $0x38;
	[tilespmem:$0x1F480] =	vst v63  }
0x2c: {  	_ =	swait.ge [sflag:s18], $0x3C00  }
0x2d: {  	[sflag:s18] =	ssyncset.done $0x0  }
0x2e: {  	[sflag:s18] =	ssyncadd.s32 $0xFFFFC400  }
0x2f: {  	[spmem:s8] =	stream.linear.scatter [tilespmem:s20], [sflag:$0x3], $0x3C00, $0x38;
	[tilespmem:$0x1F480] =	vst v63  }
0x30: {  	_ =	swait.ge [sflag:s18], $0x3C00  }
0x31: {  	[sflag:s18] =	ssyncset.done $0x0  }
0x32: {  	[sflag:s18] =	ssyncadd.s32 $0xFFFFC400  }
0x33: {  	[spmem:s9] =	stream.linear.scatter [tilespmem:s20], [sflag:$0x3], $0x3C00, $0x38;
	[tilespmem:$0x1F480] =	vst v63  }
0x34: {  	_ =	swait.ge [sflag:s18], $0x3C00  }
0x35: {  	[sflag:s18] =	ssyncset.done $0x0  }
0x36: {  	[sflag:s18] =	ssyncadd.s32 $0xFFFFC400  }
0x37: {  	[spmem:s10] =	stream.linear.scatter [tilespmem:s20], [sflag:$0x3], $0x3C00, $0x38;
	[tilespmem:$0x1F480] =	vst v63  }
0x38: {  	_ =	swait.ge [sflag:s18], $0x3C00  }
0x39: {  	[sflag:s18] =	ssyncset.done $0x0  }
0x3a: {  	[sflag:s18] =	ssyncadd.s32 $0xFFFFC400  }
0x3b: {  	[spmem:s11] =	stream.linear.scatter [tilespmem:s20], [sflag:$0x3], $0x3C00, $0x38;
	[tilespmem:$0x1F480] =	vst v63  }
0x3c: {  	_ =	swait.ge [sflag:s18], $0x3C00  }
0x3d: {  	[sflag:s18] =	ssyncset.done $0x0  }
0x3e: {  	[sflag:s18] =	ssyncadd.s32 $0xFFFFC400  }
0x3f: {  	[spmem:s12] =	stream.linear.scatter [tilespmem:s20], [sflag:$0x3], $0xC00, $0x38;
	[tilespmem:$0x1F480] =	vst v63  }
0x40: {  	_ =	swait.ge [sflag:s18], $0xC00  }
0x41: {  	[sflag:s18] =	ssyncset.done $0x0  }
0x42: {  	s0 =	simm.s32 @!p0 $0x3C00;
	[sflag:s18] =	ssyncadd.s32 $0xFFFFF400  }
0x43: {  	[spmem:s13] =	stream.linear.scatter @!p0 [tilespmem:s0], [sflag:$0x3], $0x800, $0x38;
	[tilespmem:$0x1F480] =	vst v63  }
0x44: {  	s0 =	simm.s32 @!p0 $0x3  }
0x45: {  	_ =	swait.ge @!p0 [sflag:s0], $0x800  }
0x46: {  	[sflag:s0] =	ssyncset.done @!p0 $0x0  }
0x47: {  	[sflag:s0] =	ssyncadd.s32 @!p0 $0xFFFFF800  }
0x48: {  	p1 =	por $0x1, $0x1;
	s0 =	simm.s32 $0x0;
	[bflag:$0x0] =	sbarrier.arrive $0xFFFF  }
0x49: {  	[tilespmem:s20], [sflag:$0x1] =	stream.indirect.gather [hbm4b:s4+s21], $0x80, s0, s21, $0xb8;
	[tilespmem:$0x1F480] =	vst v63  }
0x4a: {  	s2 =	simm.s32 $0x80;
	p1 =	por p1, p1  }
0x4b: {  	[tilespmem:s23], [sflag:$0x2] =	stream.indirect.gather [hbm4b:s4+s21], $0x80, s2, s21, $0xb8;
	[tilespmem:$0x1F480] =	vst v63  }
0x4c: {  	s30 =	simm.s32 @!p1 $0x2800;
	s31 =	simm.s32 @!p1 $0x3;
	s2 =	simm.s32 @!p1 $0x0  }
0x4d: {  	[tilespmem:s30], [sflag:$0x3] =	stream.linear.gather @!p1 [hbm4b:s14+s2], $0x1400, $0x38;
	[tilespmem:$0x1F480] =	vst v63  }
0x4e: {  	_ =	swait.ge @!p1 [sflag:s31], $0x1400  }
0x4f: {  	[sflag:s31] =	ssyncset.done @!p1 $0x0  }
0x50: {  	s2 =	simm.s32 $0xFFFFB000;
	[sflag:s31] =	ssyncadd.s32 @!p1 $0xFFFFEC00;
	p1 =	por $0x1, $0x1  }
0x51: {  	_ =	swait.ge [sflag:s24], $0x3E80;
	s2 =	smov.u32 @p1 s0  }
0x52: {  	[sflag:s24] =	ssyncset.done $0x0;
	s0 =	sshra.s32 s2, $0x2  }
0x53: {  	[sflag:s24] =	ssyncadd.s32 $0xFFFFC180;
	s2 =	sadd.s32 $0x2800, s0  }
0x54: {  	[spmem:s1] =	stream.indirect.scatter.add.f32 [tilespmem:s20], [sflag:$0x3], $0x80, s2, s21, $0xb8;
	[tilespmem:$0x1F480] =	vst v63  }
0x55: {  	_ =	swait.ge [sflag:s18], $0x3E80  }
0x56: {  	[sflag:s18] =	ssyncset.done $0x0  }
0x57: {  	s26 =	simm.s32 $0x100;
	[sflag:s18] =	ssyncadd.s32 $0xFFFFC180  }
0x58: {  	[tilespmem:s20], [sflag:$0x1] =	stream.indirect.gather [hbm4b:s4+s21], $0x80, s26, s21, $0xb8;
	[tilespmem:$0x1F480] =	vst v63  }
0x59: {  	_ =	swait.ge [sflag:s25], $0x3E80  }
0x5a: {  	[sflag:s25] =	ssyncset.done $0x0  }
0x5b: {  	s0 =	sadd.s32 $0x2880, s0;
	[sflag:s25] =	ssyncadd.s32 $0xFFFFC180  }
0x5c: {  	[spmem:s1] =	stream.indirect.scatter.add.f32 [tilespmem:s23], [sflag:$0x3], $0x80, s0, s21, $0xb8;
	[tilespmem:$0x1F480] =	vst v63  }
0x5d: {  	p6 =	por $0x1, $0x1;
	s30 =	simm.s32 $0x400;
	_ =	swait.ge [sflag:s18], $0x3E80  }
0x5e: {  	s31 =	simm.s32 $0x1;
	p1 =	por p6, p6;
	[sflag:s18] =	ssyncset.done $0x0  }
0x5f: {  	s2 =	simm.s32 $0x180;
	s0 =	simm.s32 $0x800;
	[sflag:s18] =	ssyncadd.s32 $0xFFFFC180  }
.LBB2_4:
0x60: {  	[tilespmem:s23], [sflag:$0x2] =	stream.indirect.gather [hbm4b:s4+s21], $0x80, s2, s21, $0xb8;
	[tilespmem:$0x1F480] =	vst v63  }
0x61: {  	s2 =	smov.u32 s0  }
0x62: {  	s19 =	simm.s32 @!p1 $0x0;
	s22 =	simm.s32 @!p1 $0x2800;
	s26 =	simm.s32 @!p1 $0x3  }
0x63: {  	[tilespmem:s22], [sflag:$0x3] =	stream.linear.gather @!p1 [hbm4b:s14+s19], $0x1400, $0x38;
	[tilespmem:$0x1F480] =	vst v63  }
0x64: {  	s0 =	sadd.s32 $0x400, s0;
	p3 =	sne.s32 s2, $0x5000;
	_ =	swait.ge @!p1 [sflag:s26], $0x1400  }
0x65: {  	p2 =	sne.s32 s0, $0x9C00;
	[sflag:s26] =	ssyncset.done @!p1 $0x0  }
0x66: {  	s19 =	sadd.s32 $0xFFFFB000, s30;
	[sflag:s26] =	ssyncadd.s32 @!p1 $0xFFFFEC00;
	p1 =	slt.u32 s31, $0x14  }
0x67: {  	_ =	swait.ge [sflag:s24], $0x3E80;
	s19 =	smov.u32 @p1 s30;
	p1 =	por p3, p3  }
0x68: {  	[sflag:s24] =	ssyncset.done $0x0;
	s19 =	sshra.s32 s19, $0x2  }
0x69: {  	[sflag:s24] =	ssyncadd.s32 $0xFFFFC180;
	s22 =	sadd.s32 $0x2800, s19  }
0x6a: {  	[spmem:s1] =	stream.indirect.scatter.add.f32 [tilespmem:s20], [sflag:$0x3], $0x80, s22, s21, $0xb8;
	[tilespmem:$0x1F480] =	vst v63  }
0x6b: {  	_ =	swait.ge [sflag:s18], $0x3E80  }
0x6c: {  	s22 =	sshra.s32 s30, $0x2;
	s30 =	smov.u32 s2;
	[sflag:s18] =	ssyncset.done $0x0  }
0x6d: {  	s2 =	sadd.s32 $0x100, s22;
	[sflag:s18] =	ssyncadd.s32 $0xFFFFC180  }
0x6e: {  	[tilespmem:s20], [sflag:$0x1] =	stream.indirect.gather [hbm4b:s4+s21], $0x80, s2, s21, $0xb8;
	[tilespmem:$0x1F480] =	vst v63  }
0x6f: {  	_ =	swait.ge [sflag:s25], $0x3E80  }
0x70: {  	[sflag:s25] =	ssyncset.done $0x0  }
.Ltmp1:
0x71: {  	s2 =	sadd.s32 $0x2880, s19;
	[sflag:s25] =	ssyncadd.s32 $0xFFFFC180;
	(pc) =	sbr.rel @p2 .LBB2_4-.Ltmp1, $4  }
0x72: {  	[spmem:s1] =	stream.indirect.scatter.add.f32 [tilespmem:s23], [sflag:$0x3], $0x80, s2, s21, $0xb8;
	[tilespmem:$0x1F480] =	vst v63  }
0x73: {  	_ =	swait.ge [sflag:s18], $0x3E80  }
0x74: {  	[sflag:s18] =	ssyncset.done $0x0  }
0x75: {  	s31 =	sadd.s32 $0x1, s31;
	s2 =	sadd.s32 $0x180, s22;
	[sflag:s18] =	ssyncadd.s32 $0xFFFFC180  }
0x76: {  	[tilespmem:s23], [sflag:$0x2] =	stream.indirect.gather [hbm4b:s4+s21], $0x80, s2, s21, $0xb8;
	[tilespmem:$0x1F480] =	vst v63  }
0x77: {  	s0 =	simm.s32 @!p1 $0x0;
	s2 =	simm.s32 @!p1 $0x2800;
	s19 =	simm.s32 @!p1 $0x3  }
0x78: {  	[tilespmem:s2], [sflag:$0x3] =	stream.linear.gather @!p1 [hbm4b:s14+s0], $0x1400, $0x38;
	[tilespmem:$0x1F480] =	vst v63  }
0x79: {  	_ =	swait.ge @!p1 [sflag:s19], $0x1400  }
0x7a: {  	[sflag:s19] =	ssyncset.done @!p1 $0x0  }
0x7b: {  	s0 =	sadd.s32 $0xFFFFB000, s30;
	[sflag:s19] =	ssyncadd.s32 @!p1 $0xFFFFEC00;
	p1 =	slt.u32 s31, $0x14  }
0x7c: {  	_ =	swait.ge [sflag:s24], $0x3E80;
	s0 =	smov.u32 @p1 s30  }
0x7d: {  	[sflag:s24] =	ssyncset.done $0x0;
	s0 =	sshra.s32 s0, $0x2  }
0x7e: {  	[sflag:s24] =	ssyncadd.s32 $0xFFFFC180;
	s26 =	sadd.s32 $0x2800, s0  }
0x7f: {  	[spmem:s1] =	stream.indirect.scatter.add.f32 [tilespmem:s20], [sflag:$0x3], $0x80, s26, s21, $0xb8;
	[tilespmem:$0x1F480] =	vst v63  }
0x80: {  	_ =	swait.ge [sflag:s18], $0x3E80  }
0x81: {  	s30 =	sshra.s32 s30, $0x2;
	[sflag:s18] =	ssyncset.done $0x0  }
0x82: {  	s31 =	sadd.s32 $0x100, s30;
	[sflag:s18] =	ssyncadd.s32 $0xFFFFC180  }
0x83: {  	[tilespmem:s20], [sflag:$0x1] =	stream.indirect.gather [hbm4b:s4+s21], $0x80, s31, s21, $0xb8;
	[tilespmem:$0x1F480] =	vst v63  }
0x84: {  	_ =	swait.ge [sflag:s25], $0x3E80  }
0x85: {  	[sflag:s25] =	ssyncset.done $0x0  }
0x86: {  	s0 =	sadd.s32 $0x2880, s0;
	[sflag:s25] =	ssyncadd.s32 $0xFFFFC180  }
0x87: {  	[spmem:s1] =	stream.indirect.scatter.add.f32 [tilespmem:s23], [sflag:$0x3], $0x80, s0, s21, $0xb8;
	[tilespmem:$0x1F480] =	vst v63  }
0x88: {  	_ =	swait.ge [sflag:s18], $0x3E80  }
0x89: {  	[sflag:s18] =	ssyncset.done $0x0  }
0x8a: {  	s22 =	sadd.s32 $0x180, s30;
	[sflag:s18] =	ssyncadd.s32 $0xFFFFC180  }
0x8b: {  	[tilespmem:s23], [sflag:$0x2] =	stream.indirect.gather [hbm4b:s4+s21], $0x80, s22, s21, $0xb8;
	[tilespmem:$0x1F480] =	vst v63  }
0x8c: {  	_ =	swait.ge [sflag:s24], $0x3E80  }
0x8d: {  	[sflag:s24] =	ssyncset.done $0x0  }
0x8e: {  	s26 =	simm.s32 $0x3B00;
	[sflag:s24] =	ssyncadd.s32 $0xFFFFC180  }
0x8f: {  	[spmem:s1] =	stream.indirect.scatter.add.f32 [tilespmem:s20], [sflag:$0x3], $0x80, s26, s21, $0xb8;
	[tilespmem:$0x1F480] =	vst v63  }
0x90: {  	_ =	swait.ge [sflag:s18], $0x3E80  }
0x91: {  	[sflag:s18] =	ssyncset.done $0x0  }
0x92: {  	[sflag:s18] =	ssyncadd.s32 $0xFFFFC180  }
0x93: {  	_ =	swait.ge [sflag:s25], $0x3E80  }
0x94: {  	[sflag:s25] =	ssyncset.done $0x0  }
0x95: {  	[sflag:s25] =	ssyncadd.s32 $0xFFFFC180  }
0x96: {  	[spmem:s1] =	stream.indirect.scatter.add.f32 [tilespmem:s23], [sflag:$0x3], $0x80, s28, s21, $0xb8;
	[tilespmem:$0x1F480] =	vst v63  }
0x97: {  	_ =	swait.ge [sflag:s18], $0x3E80  }
0x98: {  	s30 =	stileid.u32;
	[sflag:s18] =	ssyncset.done $0x0  }
0x99: {  	s0 =	sshll.u32 s30, $0x6;
	[sflag:s18] =	ssyncadd.s32 $0xFFFFC180  }
0x9a: {  	s31 =	sshrl.u32 s7, $0x3;
	s0 =	sor.u32 $0x1C03, s0;
	[bflag:$0x0] =	sbarrier.arrive $0xFFFF  }
0x9b: {  	[hbm:s15], [sflag:s0] =	dma.local [spmem:s31], $0x2700  }
0x9c: {  	_ =	swait.ge [sflag:s18], $0x2700  }
0x9d: {  	s29 =	sadd.s32 $0x1, s29;
	[sflag:s18] =	ssyncset.done $0x0  }
0x9e: {  	s2 =	sshrl.u32 @!p0 s13, $0x3;
	p1 =	sne.s32 s29, s17;
	[sflag:s18] =	ssyncadd.s32 $0xFFFFD900  }
0x9f: {  	[hbm:s16], [sflag:s0] =	dma.local @!p0 [spmem:s2], $0x100  }
.Ltmp2:
0xa0: {  	_ = 	snop;
	(pc) =	sbr.rel @p1 .LBB2_1-.Ltmp2, $4  }
0xa1: {  	s0 =	simm.s32 @!p0 $0x3  }
0xa2: {  	_ =	swait.ge @!p0 [sflag:s0], $0x100  }
0xa3: {  	[sflag:s0] =	ssyncset.done @!p0 $0x0  }
0xa4: {  	[sflag:s0] =	ssyncadd.s32 @!p0 $0xFFFFFF00  }
0xa5: {  	_ =	sfence.sel $0x180000  }
0xa6: {  	[bflag:$0x0] =	sbarrier.arrive $0xFFFF  }
0xa7: {  	_ =	strace $0x9000004A  }
0xa8: {  	[bflag:$0x2] =	sbarrier.arrive $0xFFFF  }
0xa9: {  	s0 =	rddreg [dreg:$0x2]  }
0xaa: {  	s0 =	sadd.s32 @!p0 $0x100000, s0  }
0xab: {  	[sflag:s0] =	ssyncadd.tile.s32 @!p0 $0x1;
	_ =	shalt  }
.Lfunc_end2:
_tile_overlayer_lowered:
.L_overlay_start_2:
0xac: {  	(tag) =	ssettag $0x2  }
0xad: {  	s0 =	rddreg [dreg:$0x0];
	s2 =	stileid.u32  }
0xae: {  	s1 =	rddreg [dreg:$0x1];
	p0 =	sne.s32 s2, $0x0  }
0xaf: {  	s3 =	rddreg [dreg:$0x2];
	[bflag:$0x3] =	sbarrier.arrive $0xFFFF;
	s2 =	simm.s32 @!p0 $0x1C03  }
0xb0: {  	[timem:s3], [sflag:s2] =	dma.local @!p0 [hbm:s0], s1  }
0xb1: {  	s0 =	simm.s32 @!p0 $0x3  }
0xb2: {  	_ =	swait.ge @!p0 [sflag:s0], s1  }
0xb3: {  	s1 =	ssub.s32 @!p0 $0x0, s1;
	[sflag:s0] =	ssyncset.done @!p0 $0x0  }
0xb4: {  	[sflag:s0] =	ssyncadd.s32 @!p0 s1  }
0xb5: {  	[bflag:$0x3] =	sbarrier.arrive $0xFFFF  }
0xb6: {  	_ =	shalt  }

// kernel: kernel.20.cloned.1.call-start
scs
__scs_entry_jumppad:
0x0: {  	(pc) =	sbr.rel $0x88, $3  }
0x1: {  	(tag) =	ssettag $0x0;
	lr =	simm.s32 $0x1  }
0x2: {  	[smem:$0x3F8F] =	sst lr;
	_ =	strace $0xD0000000  }
0x3: {  	_ = 	snop  }
0x4: {  	_ = 	snop  }
0x5: {  	_ = 	snop  }
0x6: {  	_ = 	snop  }
0x7: {  	_ = 	snop  }
__scs_overlays_trampoline_lowered:
0x8: {  	[smem:$0x3F9E] =	sst s0  }
0x9: {  	[smem:$0x3F9F] =	sst s1  }
0xa: {  	[smem:$0x3FA0] =	sst s2  }
0xb: {  	[smem:$0x3FA1] =	sst s3  }
0xc: {  	[smem:$0x3FA2] =	sst s4  }
0xd: {  	[smem:$0x3FA3] =	sst s5  }
0xe: {  	[smem:$0x3FA4] =	sst s6  }
0xf: {  	[smem:$0x3FA5] =	sst s7  }
0x10: {  	[smem:$0x3FA6] =	sst s8  }
0x11: {  	[smem:$0x3FA7] =	sst s9;
	s0 =	simm.s32 @!p0 $0x0  }
0x12: {  	s1 =	sld [smem:$0x3F8D];
	s0 =	simm.s32 @p0 $0x1  }
0x13: {  	[smem:$0x3FA8] =	sst s0;
	s0 =	simm.s32 @!p1 $0x0  }
0x14: {  	s2 =	sld [smem:$0x3F8C];
	s0 =	simm.s32 @p1 $0x1  }
0x15: {  	[smem:$0x3FA9] =	sst s0;
	s0 =	simm.s32 @!p2 $0x0  }
0x16: {  	s3 =	sld [smem:$0x3FDB];
	s0 =	simm.s32 @p2 $0x1  }
0x17: {  	s4 =	simm.s32 $0x1BF5;
	[smem:$0x3FAB] =	sst s0  }
0x18: {  	s0 =	sld [smem:$0x3F8E];
	_ =	swait.ge [sflag:s4], $0x0  }
0x19: {  	s7 =	sld [smem:$0x3F8F]  }
0x1a: {  	s8 =	sadd.s32 $0xFFFFE003, lr  }
0x1b: {  	s9 =	sadd.s32 $0xFFFFFEF7, lr;
	s5 =	simm.s32 $0xFFFFFFFF;
	p2 =	slt.u32 s8, $0xFFFFF086  }
0x1c: {  	p1 =	slt.u32 s9, $0xF7A;
	s5 =	simm.s32 @!p2 $0x0  }
0x1d: {  	s5 =	simm.s32 @p1 $0x1;
	p0 =	seq.s32 s7, s2  }
0x1e: {  	s7 =	smul.u32 @!p0 $0xF7A, s2;
	p2 =	seq.s32 @!p0 s5, $0x0  }
0x1f: {  	s9 =	smul.u32 $0xF7A, s1;
	s8 =	simm.s32 @!p0 $0x1BF5;
	p2 =	por !p2, p0  }
0x20: {  	[sflag:s8] =	ssyncset.s32 @!p0 $0xFFFFF086;
	s6 =	sadd.s32 @!p0 s3, s7;
	s7 =	simm.s32 @!p0 $0x108  }
0x21: {  	s3 =	sadd.s32 s3, s9;
	s6 =	sadd.s32 @!p0 $0x88, s6;
	s7 =	simm.s32 @p2 $0x1082  }
0x22: {  	[simem:s7], [sflag:s8] =	dma.local @!p0 [hbm:s6], $0xF7A  }
0x23: {  	s9 =	sor.u32 $0xD0000000, s2;
	s6 =	simm.s32 $0x108;
	_ =	swait.ge @!p0 [sflag:s8], $0x0  }
0x24: {  	s3 =	sadd.s32 $0x88, s3;
	s6 =	simm.s32 @!p1 $0x1082;
	[sflag:s4] =	ssyncset.s32 $0xFFFFF086  }
0x25: {  	[simem:s6], [sflag:s4] =	dma.local [hbm:s3], $0xF7A  }
0x26: {  	[smem:$0x3F8F] =	sst s1;
	(tag) =	ssettag s2;
	_ =	strace s9  }
0x27: {  	s1 =	sld [smem:$0x3F9F]  }
0x28: {  	s2 =	sld [smem:$0x3FA0]  }
0x29: {  	s4 =	sld [smem:$0x3FA2]  }
0x2a: {  	p0 =	seq.s32 s5, $0x0;
	s5 =	sld [smem:$0x3FA3]  }
0x2b: {  	s6 =	sld [smem:$0x3FA4]  }
0x2c: {  	s7 =	sld [smem:$0x3FA5]  }
0x2d: {  	s3 =	simm.s32 $0x108;
	s8 =	sld [smem:$0x3FA6]  }
0x2e: {  	s3 =	simm.s32 @!p0 $0x1082;
	s9 =	sld [smem:$0x3FA7]  }
0x2f: {  	lr =	sadd.s32 s0, s3;
	s0 =	sld [smem:$0x3F9E]  }
0x30: {  	s3 =	sld [smem:$0x3FA1]  }
0x31: {  	[smem:$0x3FAA] =	sst s10  }
0x32: {  	s10 =	sld [smem:$0x3FA8];
	_ =	sdelay $0x3  }
0x33: {  	p0 =	seq.s32 s10, $0x1;
	s10 =	sld [smem:$0x3FAA];
	_ =	sdelay $0x3  }
0x34: {  	[smem:$0x3FAA] =	sst s10  }
0x35: {  	s10 =	sld [smem:$0x3FA9];
	_ =	sdelay $0x3  }
0x36: {  	p1 =	seq.s32 s10, $0x1;
	s10 =	sld [smem:$0x3FAA];
	_ =	sdelay $0x3  }
0x37: {  	[smem:$0x3FAA] =	sst s10  }
0x38: {  	s10 =	sld [smem:$0x3FAB]  }
0x39: {  	_ = 	snop;
	(pc) =	sbr.ind lr, $3  }
0x3a: {  	_ = 	snop  }
0x3b: {  	_ = 	snop  }
0x3c: {  	p2 =	seq.s32 s10, $0x1;
	s10 =	sld [smem:$0x3FAA]  }
0x3d: {  	_ =	shalt  }
0x3e: {  	_ =	shalt  }
0x3f: {  	_ =	shalt  }
0x40: {  	_ =	shalt  }
0x41: {  	_ =	shalt  }
0x42: {  	_ =	shalt  }
0x43: {  	_ =	shalt  }
0x44: {  	_ =	shalt  }
0x45: {  	_ =	shalt  }
0x46: {  	_ =	shalt  }
0x47: {  	_ =	shalt  }
0x48: {  	_ =	shalt  }
0x49: {  	_ =	shalt  }
0x4a: {  	_ =	shalt  }
0x4b: {  	_ =	shalt  }
0x4c: {  	_ =	shalt  }
0x4d: {  	_ =	shalt  }
0x4e: {  	_ =	shalt  }
0x4f: {  	_ =	shalt  }
0x50: {  	_ =	shalt  }
0x51: {  	_ =	shalt  }
0x52: {  	_ =	shalt  }
0x53: {  	_ =	shalt  }
0x54: {  	_ =	shalt  }
0x55: {  	_ =	shalt  }
0x56: {  	_ =	shalt  }
0x57: {  	_ =	shalt  }
0x58: {  	_ =	shalt  }
0x59: {  	_ =	shalt  }
0x5a: {  	_ =	shalt  }
0x5b: {  	_ =	shalt  }
0x5c: {  	_ =	shalt  }
0x5d: {  	_ =	shalt  }
0x5e: {  	_ =	shalt  }
0x5f: {  	_ =	shalt  }
0x60: {  	_ =	shalt  }
0x61: {  	_ =	shalt  }
0x62: {  	_ =	shalt  }
0x63: {  	_ =	shalt  }
0x64: {  	_ =	shalt  }
0x65: {  	_ =	shalt  }
0x66: {  	_ =	shalt  }
0x67: {  	_ =	shalt  }
0x68: {  	_ =	shalt  }
0x69: {  	_ =	shalt  }
0x6a: {  	_ =	shalt  }
0x6b: {  	_ =	shalt  }
0x6c: {  	_ =	shalt  }
0x6d: {  	_ =	shalt  }
0x6e: {  	_ =	shalt  }
0x6f: {  	_ =	shalt  }
0x70: {  	_ =	shalt  }
0x71: {  	_ =	shalt  }
0x72: {  	_ =	shalt  }
0x73: {  	_ =	shalt  }
0x74: {  	_ =	shalt  }
0x75: {  	_ =	shalt  }
0x76: {  	_ =	shalt  }
0x77: {  	_ =	shalt  }
0x78: {  	_ =	shalt  }
0x79: {  	_ =	shalt  }
0x7a: {  	_ =	shalt  }
0x7b: {  	_ =	shalt  }
0x7c: {  	_ =	shalt  }
0x7d: {  	_ =	shalt  }
0x7e: {  	_ =	shalt  }
0x7f: {  	_ =	shalt  }
0x80: {  	_ =	shalt  }
0x81: {  	_ =	shalt  }
0x82: {  	_ =	shalt  }
0x83: {  	_ =	shalt  }
0x84: {  	_ =	shalt  }
0x85: {  	_ =	shalt  }
0x86: {  	_ =	shalt  }
0x87: {  	_ =	shalt  }
.Lfunc_end0:
.L_simem_size_0:
called_computation.2_lowered:
.L_overlay_start_0:
0x88: {  	s2 =	sld [smem:$0x3FD9]  }
0x89: {  	s3 =	sld [smem:$0x3FFE];
	_ =	sdelay $0x1  }
0x8a: {  	s1 =	srdreg.scid  }
0x8b: {  	s0 =	sand.u32 $0x1, s1  }
0x8c: {  	s16 =	sshll.u32 s0, $0xA;
	s2 =	sadd.s32 s3, s2  }
0x8d: {  	s2 =	sadd.s32 s2, s16  }
0x8e: {  	[smem:$0x3FB6] =	sst s2  }
0x8f: {  	_ = 	snop  }
0x90: {  	(tm) =	ssettm $0x1  }
0x91: {  	s17 =	sld [smem:$0x3FFB];
	_ =	sdelay $0x3  }
0x92: {  	_ =	strace s17  }
0x93: {  	s2 =	sld [smem:$0x3FFC];
	_ =	sdelay $0x3  }
0x94: {  	_ =	strace s2  }
0x95: {  	s2 =	sld [smem:$0x3FFD];
	_ =	sdelay $0x3  }
0x96: {  	_ =	strace s2  }
0x97: {  	_ =	strace $0x8FFFFFFF  }
0x98: {  	s18 =	sld [smem:$0x3FDB];
	_ =	sdelay $0x1  }
0x99: {  	s19 =	simm.s32 $_scs_section_size  }
0x9a: {  	s4 =	simm.s32 $_size__tile_overlayer_lowered;
	s5 =	simm.s32 $_tile_overlayer_lowered  }
0x9b: {  	s22 =	simm.s32 $0x1BFF;
	s21 =	sshll.u32 s5, $0x1;
	s2 =	sadd.s32 s19, s18  }
0x9c: {  	s6 =	simm.s32 $0x0;
	s20 =	sshll.u32 s4, $0x1;
	s4 =	sadd.s32 s21, s2  }
0x9d: {  	[timem:s6], [sflag:s22] =	dma.local [hbm:s4], s20  }
0x9e: {  	_ =	swait.ge [sflag:s22], s20  }
0x9f: {  	s3 =	ssub.s32 $0x0, s20;
	[sflag:s22] =	ssyncset.done $0x0  }
0xa0: {  	[sflag:s22] =	ssyncadd.s32 s3;
	_ =	sdelay $0x1  }
0xa1: {  	s23 =	simm.s32 $0x1B8B  }
0xa2: {  	_ =	swait.ge [sflag:s23], $0x1  }
0xa3: {  	[sflag:s23] =	ssyncset.done $0x0  }
0xa4: {  	s25 =	simm.s32 $0x1B8E;
	s24 =	sld [smem:$0x3FFE];
	[sflag:s23] =	ssyncadd.s32 $0xFFFFFFFF  }
0xa5: {  	s26 =	simm.s32 $execute0_lowered;
	[smem:$0x3FD2] =	sst s25  }
0xa6: {  	s4 =	sshll.u32 s26, $0x1;
	_ =	strace $0x8000004C;
	[dreg:$0x1] =	wrdreg $0xFFFFFFFF  }
0xa7: {  	s28 =	simm.s32 $_size_execute0_lowered;
	s2 =	sadd.s32 s2, s4;
	[dreg:$0x0] =	wrdreg $0x0  }
0xa8: {  	s4 =	sshll.u32 s28, $0x1;
	[dreg:$0x2] =	wrdreg s2  }
0xa9: {  	[dreg:$0x3] =	wrdreg s4  }
0xaa: {  	[dreg:$0x4] =	wrdreg $0xC0  }
0xab: {  	_ =	task [dreg:s6], $0x5FFFF  }
0xac: {  	[dreg:$0x1] =	wrdreg $0xFFFFFFFF  }
0xad: {  	[dreg:$0x0] =	wrdreg $0x60  }
0xae: {  	[dreg:$0x2] =	wrdreg s24  }
0xaf: {  	[dreg:$0x3] =	wrdreg $0xBC000  }
0xb0: {  	[dreg:$0x4] =	wrdreg $0x9  }
0xb1: {  	_ =	task.clear_ibuf [dreg:s6], $0x5FFFF;
	_ =	strace $0x9000004C  }
0xb2: {  	s29 =	simm.s32 $0x9;
	_ =	strace $0x8000004E  }
0xb3: {  	_ =	swait.ge [sflag:s29], $0x1  }
0xb4: {  	[sflag:s29] =	ssyncadd.s32 $0xFFFFFFFF  }
0xb5: {  	_ =	strace $0x9000004E  }
0xb6: {  	_ =	sfence  }
0xb7: {  	s30 =	sld [smem:$0x0];
	_ =	sdelay $0x2  }
0xb8: {  	s31 =	sshll.u32 s1, $0xD;
	s1 =	sshrl.u32 s1, $0x2  }
0xb9: {  	s3 =	sand.u32 $0x4000, s31;
	s1 =	sadd.s32 s1, s30  }
0xba: {  	s0 =	sor.u32 s3, s0;
	s1 =	sshll.u32 s1, $0x11  }
0xbb: {  	s0 =	sor.u32 s1, s0  }
0xbc: {  	s0 =	sadd.s32 $0x8F2B, s0  }
0xbd: {  	[sflag:s0] =	ssyncadd.remote.s32 $0x1  }
0xbe: {  	_ =	sfence.sel $0xFFFF  }
0xbf: {  	[dreg:$0x0] =	wrdreg $0xFFFFFFFF;
	(pc) =	sbr.abs _section_cstart, $3  }
0xc0: {  	[dreg:$0x1] =	wrdreg $0xFFFFFFFF  }
0xc1: {  	_ =	task.clear_ibuf [dreg:s6], $0x2FFFF;
	_ =	strace $0x9FFFFFFF  }
0xc2: {  	(tm) =	ssettm $0x7FFFFFFF  }
0xc3: {  	_ =	shalt  }
tec
execute0_lowered:
.L_overlay_start_1:
0x0: {  	(tag) =	ssettag $0x1  }
0x1: {  	s2 =	rddreg [dreg:$0x0]  }
0x2: {  	s0 =	srdreg.scid;
	s1 =	rddreg [dreg:$0x1]  }
0x3: {  	s19 =	stileid.u32;
	s3 =	simm.s32 $0x0;
	s18 =	simm.s32 $0x3  }
0x4: {  	s20 =	simm.s32 $0x3C00;
	s21 =	simm.s32 $0x7D;
	s23 =	simm.s32 $0x7C00  }
0x5: {  	s24 =	simm.s32 $0x1;
	s25 =	simm.s32 $0x2;
	s28 =	simm.s32 $0x3B80  }
0x6: {  	s29 =	simm.s32 $0x0;
	s0 =	sand.u32 $0x1, s0;
	s9 =	smul.u32 $0x4E000, s19  }
0x7: {  	[smem:$0x7FF] =	sst s3;
	s14 =	sadd.s32 $0x11200, s2;
	s16 =	smul.u32 $0x13800, s19  }
0x8: {  	s13 =	sadd.s32 $0x138000, s1;
	p0 =	sne.s32 s19, $0x0;
	s4 =	sshll.u32 s0, $0x4  }
0x9: {  	_ =	strace $0x8000004D;
	s7 =	ssub.s32 $0x2, s0;
	s0 =	smul.u32 $0x138800, s0  }
0xa: {  	s8 =	sor.u32 s19, s4;
	s4 =	sadd.s32 $0x1B200, s2;
	s10 =	sshrl.u32 s7, $0x1  }
0xb: {  	s30 =	sshrl.u32 s9, $0x2;
	s6 =	smul.u32 $0x500, s8;
	s17 =	ssub.s32 s7, s10  }
0xc: {  	s7 =	sadd.s32 s30, s1;
	s15 =	smul.u32 $0x2800, s8;
	s31 =	sadd.s32 s16, s0  }
0xd: {  	s0 =	sshrl.u32 s0, $0x3;
	s8 =	sadd.s32 $0x3C00, s7;
	s9 =	sadd.s32 $0x7800, s7  }
0xe: {  	s10 =	sadd.s32 $0xB400, s7;
	s11 =	sadd.s32 $0xF000, s7;
	s12 =	sadd.s32 $0x12C00, s7  }
0xf: {  	s17 =	smax.u32 s17, $0x1;
	s5 =	sadd.s32 s6, s2;
	s2 =	sadd.s32 $0x42400, s2  }
0x10: {  	s6 =	sadd.s32 s14, s6;
	s15 =	sshrl.u32 s15, $0x3;
	s5 =	sadd.s32 $0x7200, s5  }
0x11: {  	s14 =	sadd.s32 s14, s15;
	s15 =	sshrl.u32 s31, $0x3;
	s0 =	sadd.s32 s2, s0  }
0x12: {  	v0 =	vimm.f32 $0.0e+00;
	s14 =	sadd.s32 $0x280, s14;
	s15 =	sadd.s32 s2, s15;
	s16 =	sadd.s32 $0x27000, s0  }
.LBB2_1:
0x13: {  	[tilespmem:s3], [sflag:$0x3] =	stream.linear.gather [hbm4b:s5+s3], $0x2800, $0x38;
	[tilespmem:$0x1F480] =	vst v63  }
0x14: {  	_ =	swait.ge [sflag:s18], $0x2800  }
0x15: {  	[sflag:s18] =	ssyncset.done $0x0  }
0x16: {  	s0 =	simm.s32 $0x2800;
	[sflag:s18] =	ssyncadd.s32 $0xFFFFD800  }
0x17: {  	[tilespmem:s0], [sflag:$0x3] =	stream.linear.gather [hbm4b:s6+s3], $0x1400, $0x38;
	[tilespmem:$0x1F480] =	vst v63  }
0x18: {  	_ =	swait.ge [sflag:s18], $0x1400  }
0x19: {  	[sflag:s18] =	ssyncset.done $0x0  }
0x1a: {  	s30 =	simm.s32 $0x200;
	s0 =	simm.s32 $0x0;
	[sflag:s18] =	ssyncadd.s32 $0xFFFFEC00  }
.LBB2_2:
0x1b: {  	p1 =	sne.s32 s30, $0xF800;
	[tilespmem:s0+$0x3C70] =	vst v0  }
0x1c: {  	[tilespmem:s0+$0x3C00] =	vst v0  }
0x1d: {  	[tilespmem:s0+$0x3C10] =	vst v0  }
.Ltmp0:
0x1e: {  	[tilespmem:s0+$0x3C20] =	vst v0;
	(pc) =	sbr.rel @p1 .LBB2_2-.Ltmp0, $4  }
0x1f: {  	[tilespmem:s0+$0x3C30] =	vst v0  }
0x20: {  	[tilespmem:s0+$0x3C40] =	vst v0  }
0x21: {  	[tilespmem:s0+$0x3C50] =	vst v0  }
0x22: {  	[tilespmem:s0+$0x3C60] =	vst v0;
	s0 =	sshra.s32 s30, $0x2;
	s30 =	sadd.s32 $0x200, s30  }
0x23: {  	[tilespmem:s0+$0x3C70] =	vst v0  }
0x24: {  	[tilespmem:s0+$0x3C00] =	vst v0  }
0x25: {  	[tilespmem:s0+$0x3C10] =	vst v0  }
0x26: {  	[tilespmem:s0+$0x3C20] =	vst v0  }
0x27: {  	[tilespmem:s0+$0x3C30] =	vst v0  }
0x28: {  	[tilespmem:s0+$0x3C40] =	vst v0  }
0x29: {  	[tilespmem:s0+$0x3C50] =	vst v0  }
0x2a: {  	[tilespmem:s0+$0x3C60] =	vst v0  }
0x2b: {  	[spmem:s7] =	stream.linear.scatter [tilespmem:s20], [sflag:$0x3], $0x3C00, $0x38;
	[tilespmem:$0x1F480] =	vst v63  }
0x2c: {  	_ =	swait.ge [sflag:s18], $0x3C00  }
0x2d: {  	[sflag:s18] =	ssyncset.done $0x0  }
0x2e: {  	[sflag:s18] =	ssyncadd.s32 $0xFFFFC400  }
0x2f: {  	[spmem:s8] =	stream.linear.scatter [tilespmem:s20], [sflag:$0x3], $0x3C00, $0x38;
	[tilespmem:$0x1F480] =	vst v63  }
0x30: {  	_ =	swait.ge [sflag:s18], $0x3C00  }
0x31: {  	[sflag:s18] =	ssyncset.done $0x0  }
0x32: {  	[sflag:s18] =	ssyncadd.s32 $0xFFFFC400  }
0x33: {  	[spmem:s9] =	stream.linear.scatter [tilespmem:s20], [sflag:$0x3], $0x3C00, $0x38;
	[tilespmem:$0x1F480] =	vst v63  }
0x34: {  	_ =	swait.ge [sflag:s18], $0x3C00  }
0x35: {  	[sflag:s18] =	ssyncset.done $0x0  }
0x36: {  	[sflag:s18] =	ssyncadd.s32 $0xFFFFC400  }
0x37: {  	[spmem:s10] =	stream.linear.scatter [tilespmem:s20], [sflag:$0x3], $0x3C00, $0x38;
	[tilespmem:$0x1F480] =	vst v63  }
0x38: {  	_ =	swait.ge [sflag:s18], $0x3C00  }
0x39: {  	[sflag:s18] =	ssyncset.done $0x0  }
0x3a: {  	[sflag:s18] =	ssyncadd.s32 $0xFFFFC400  }
0x3b: {  	[spmem:s11] =	stream.linear.scatter [tilespmem:s20], [sflag:$0x3], $0x3C00, $0x38;
	[tilespmem:$0x1F480] =	vst v63  }
0x3c: {  	_ =	swait.ge [sflag:s18], $0x3C00  }
0x3d: {  	[sflag:s18] =	ssyncset.done $0x0  }
0x3e: {  	[sflag:s18] =	ssyncadd.s32 $0xFFFFC400  }
0x3f: {  	[spmem:s12] =	stream.linear.scatter [tilespmem:s20], [sflag:$0x3], $0xC00, $0x38;
	[tilespmem:$0x1F480] =	vst v63  }
0x40: {  	_ =	swait.ge [sflag:s18], $0xC00  }
0x41: {  	[sflag:s18] =	ssyncset.done $0x0  }
0x42: {  	s0 =	simm.s32 @!p0 $0x3C00;
	[sflag:s18] =	ssyncadd.s32 $0xFFFFF400  }
0x43: {  	[spmem:s13] =	stream.linear.scatter @!p0 [tilespmem:s0], [sflag:$0x3], $0x800, $0x38;
	[tilespmem:$0x1F480] =	vst v63  }
0x44: {  	s0 =	simm.s32 @!p0 $0x3  }
0x45: {  	_ =	swait.ge @!p0 [sflag:s0], $0x800  }
0x46: {  	[sflag:s0] =	ssyncset.done @!p0 $0x0  }
0x47: {  	[sflag:s0] =	ssyncadd.s32 @!p0 $0xFFFFF800  }
0x48: {  	p1 =	por $0x1, $0x1;
	s0 =	simm.s32 $0x0;
	[bflag:$0x0] =	sbarrier.arrive $0xFFFF  }
0x49: {  	[tilespmem:s20], [sflag:$0x1] =	stream.indirect.gather [hbm4b:s4+s21], $0x80, s0, s21, $0xb8;
	[tilespmem:$0x1F480] =	vst v63  }
0x4a: {  	s2 =	simm.s32 $0x80;
	p1 =	por p1, p1  }
0x4b: {  	[tilespmem:s23], [sflag:$0x2] =	stream.indirect.gather [hbm4b:s4+s21], $0x80, s2, s21, $0xb8;
	[tilespmem:$0x1F480] =	vst v63  }
0x4c: {  	s30 =	simm.s32 @!p1 $0x2800;
	s31 =	simm.s32 @!p1 $0x3;
	s2 =	simm.s32 @!p1 $0x0  }
0x4d: {  	[tilespmem:s30], [sflag:$0x3] =	stream.linear.gather @!p1 [hbm4b:s14+s2], $0x1400, $0x38;
	[tilespmem:$0x1F480] =	vst v63  }
0x4e: {  	_ =	swait.ge @!p1 [sflag:s31], $0x1400  }
0x4f: {  	[sflag:s31] =	ssyncset.done @!p1 $0x0  }
0x50: {  	s2 =	simm.s32 $0xFFFFB000;
	[sflag:s31] =	ssyncadd.s32 @!p1 $0xFFFFEC00;
	p1 =	por $0x1, $0x1  }
0x51: {  	_ =	swait.ge [sflag:s24], $0x3E80;
	s2 =	smov.u32 @p1 s0  }
0x52: {  	[sflag:s24] =	ssyncset.done $0x0;
	s0 =	sshra.s32 s2, $0x2  }
0x53: {  	[sflag:s24] =	ssyncadd.s32 $0xFFFFC180;
	s2 =	sadd.s32 $0x2800, s0  }
0x54: {  	[spmem:s1] =	stream.indirect.scatter.add.f32 [tilespmem:s20], [sflag:$0x3], $0x80, s2, s21, $0xb8;
	[tilespmem:$0x1F480] =	vst v63  }
0x55: {  	_ =	swait.ge [sflag:s18], $0x3E80  }
0x56: {  	[sflag:s18] =	ssyncset.done $0x0  }
0x57: {  	s26 =	simm.s32 $0x100;
	[sflag:s18] =	ssyncadd.s32 $0xFFFFC180  }
0x58: {  	[tilespmem:s20], [sflag:$0x1] =	stream.indirect.gather [hbm4b:s4+s21], $0x80, s26, s21, $0xb8;
	[tilespmem:$0x1F480] =	vst v63  }
0x59: {  	_ =	swait.ge [sflag:s25], $0x3E80  }
0x5a: {  	[sflag:s25] =	ssyncset.done $0x0  }
0x5b: {  	s0 =	sadd.s32 $0x2880, s0;
	[sflag:s25] =	ssyncadd.s32 $0xFFFFC180  }
0x5c: {  	[spmem:s1] =	stream.indirect.scatter.add.f32 [tilespmem:s23], [sflag:$0x3], $0x80, s0, s21, $0xb8;
	[tilespmem:$0x1F480] =	vst v63  }
0x5d: {  	p6 =	por $0x1, $0x1;
	s30 =	simm.s32 $0x400;
	_ =	swait.ge [sflag:s18], $0x3E80  }
0x5e: {  	s31 =	simm.s32 $0x1;
	p1 =	por p6, p6;
	[sflag:s18] =	ssyncset.done $0x0  }
0x5f: {  	s2 =	simm.s32 $0x180;
	s0 =	simm.s32 $0x800;
	[sflag:s18] =	ssyncadd.s32 $0xFFFFC180  }
.LBB2_4:
0x60: {  	[tilespmem:s23], [sflag:$0x2] =	stream.indirect.gather [hbm4b:s4+s21], $0x80, s2, s21, $0xb8;
	[tilespmem:$0x1F480] =	vst v63  }
0x61: {  	s2 =	smov.u32 s0  }
0x62: {  	s19 =	simm.s32 @!p1 $0x0;
	s22 =	simm.s32 @!p1 $0x2800;
	s26 =	simm.s32 @!p1 $0x3  }
0x63: {  	[tilespmem:s22], [sflag:$0x3] =	stream.linear.gather @!p1 [hbm4b:s14+s19], $0x1400, $0x38;
	[tilespmem:$0x1F480] =	vst v63  }
0x64: {  	s0 =	sadd.s32 $0x400, s0;
	p3 =	sne.s32 s2, $0x5000;
	_ =	swait.ge @!p1 [sflag:s26], $0x1400  }
0x65: {  	p2 =	sne.s32 s0, $0x9C00;
	[sflag:s26] =	ssyncset.done @!p1 $0x0  }
0x66: {  	s19 =	sadd.s32 $0xFFFFB000, s30;
	[sflag:s26] =	ssyncadd.s32 @!p1 $0xFFFFEC00;
	p1 =	slt.u32 s31, $0x14  }
0x67: {  	_ =	swait.ge [sflag:s24], $0x3E80;
	s19 =	smov.u32 @p1 s30;
	p1 =	por p3, p3  }
0x68: {  	[sflag:s24] =	ssyncset.done $0x0;
	s19 =	sshra.s32 s19, $0x2  }
0x69: {  	[sflag:s24] =	ssyncadd.s32 $0xFFFFC180;
	s22 =	sadd.s32 $0x2800, s19  }
0x6a: {  	[spmem:s1] =	stream.indirect.scatter.add.f32 [tilespmem:s20], [sflag:$0x3], $0x80, s22, s21, $0xb8;
	[tilespmem:$0x1F480] =	vst v63  }
0x6b: {  	_ =	swait.ge [sflag:s18], $0x3E80  }
0x6c: {  	s22 =	sshra.s32 s30, $0x2;
	s30 =	smov.u32 s2;
	[sflag:s18] =	ssyncset.done $0x0  }
0x6d: {  	s2 =	sadd.s32 $0x100, s22;
	[sflag:s18] =	ssyncadd.s32 $0xFFFFC180  }
0x6e: {  	[tilespmem:s20], [sflag:$0x1] =	stream.indirect.gather [hbm4b:s4+s21], $0x80, s2, s21, $0xb8;
	[tilespmem:$0x1F480] =	vst v63  }
0x6f: {  	_ =	swait.ge [sflag:s25], $0x3E80  }
0x70: {  	[sflag:s25] =	ssyncset.done $0x0  }
.Ltmp1:
0x71: {  	s2 =	sadd.s32 $0x2880, s19;
	[sflag:s25] =	ssyncadd.s32 $0xFFFFC180;
	(pc) =	sbr.rel @p2 .LBB2_4-.Ltmp1, $4  }
0x72: {  	[spmem:s1] =	stream.indirect.scatter.add.f32 [tilespmem:s23], [sflag:$0x3], $0x80, s2, s21, $0xb8;
	[tilespmem:$0x1F480] =	vst v63  }
0x73: {  	_ =	swait.ge [sflag:s18], $0x3E80  }
0x74: {  	[sflag:s18] =	ssyncset.done $0x0  }
0x75: {  	s31 =	sadd.s32 $0x1, s31;
	s2 =	sadd.s32 $0x180, s22;
	[sflag:s18] =	ssyncadd.s32 $0xFFFFC180  }
0x76: {  	[tilespmem:s23], [sflag:$0x2] =	stream.indirect.gather [hbm4b:s4+s21], $0x80, s2, s21, $0xb8;
	[tilespmem:$0x1F480] =	vst v63  }
0x77: {  	s0 =	simm.s32 @!p1 $0x0;
	s2 =	simm.s32 @!p1 $0x2800;
	s19 =	simm.s32 @!p1 $0x3  }
0x78: {  	[tilespmem:s2], [sflag:$0x3] =	stream.linear.gather @!p1 [hbm4b:s14+s0], $0x1400, $0x38;
	[tilespmem:$0x1F480] =	vst v63  }
0x79: {  	_ =	swait.ge @!p1 [sflag:s19], $0x1400  }
0x7a: {  	[sflag:s19] =	ssyncset.done @!p1 $0x0  }
0x7b: {  	s0 =	sadd.s32 $0xFFFFB000, s30;
	[sflag:s19] =	ssyncadd.s32 @!p1 $0xFFFFEC00;
	p1 =	slt.u32 s31, $0x14  }
0x7c: {  	_ =	swait.ge [sflag:s24], $0x3E80;
	s0 =	smov.u32 @p1 s30  }
0x7d: {  	[sflag:s24] =	ssyncset.done $0x0;
	s0 =	sshra.s32 s0, $0x2  }
0x7e: {  	[sflag:s24] =	ssyncadd.s32 $0xFFFFC180;
	s26 =	sadd.s32 $0x2800, s0  }
0x7f: {  	[spmem:s1] =	stream.indirect.scatter.add.f32 [tilespmem:s20], [sflag:$0x3], $0x80, s26, s21, $0xb8;
	[tilespmem:$0x1F480] =	vst v63  }
0x80: {  	_ =	swait.ge [sflag:s18], $0x3E80  }
0x81: {  	s30 =	sshra.s32 s30, $0x2;
	[sflag:s18] =	ssyncset.done $0x0  }
0x82: {  	s31 =	sadd.s32 $0x100, s30;
	[sflag:s18] =	ssyncadd.s32 $0xFFFFC180  }
0x83: {  	[tilespmem:s20], [sflag:$0x1] =	stream.indirect.gather [hbm4b:s4+s21], $0x80, s31, s21, $0xb8;
	[tilespmem:$0x1F480] =	vst v63  }
0x84: {  	_ =	swait.ge [sflag:s25], $0x3E80  }
0x85: {  	[sflag:s25] =	ssyncset.done $0x0  }
0x86: {  	s0 =	sadd.s32 $0x2880, s0;
	[sflag:s25] =	ssyncadd.s32 $0xFFFFC180  }
0x87: {  	[spmem:s1] =	stream.indirect.scatter.add.f32 [tilespmem:s23], [sflag:$0x3], $0x80, s0, s21, $0xb8;
	[tilespmem:$0x1F480] =	vst v63  }
0x88: {  	_ =	swait.ge [sflag:s18], $0x3E80  }
0x89: {  	[sflag:s18] =	ssyncset.done $0x0  }
0x8a: {  	s22 =	sadd.s32 $0x180, s30;
	[sflag:s18] =	ssyncadd.s32 $0xFFFFC180  }
0x8b: {  	[tilespmem:s23], [sflag:$0x2] =	stream.indirect.gather [hbm4b:s4+s21], $0x80, s22, s21, $0xb8;
	[tilespmem:$0x1F480] =	vst v63  }
0x8c: {  	_ =	swait.ge [sflag:s24], $0x3E80  }
0x8d: {  	[sflag:s24] =	ssyncset.done $0x0  }
0x8e: {  	s26 =	simm.s32 $0x3B00;
	[sflag:s24] =	ssyncadd.s32 $0xFFFFC180  }
0x8f: {  	[spmem:s1] =	stream.indirect.scatter.add.f32 [tilespmem:s20], [sflag:$0x3], $0x80, s26, s21, $0xb8;
	[tilespmem:$0x1F480] =	vst v63  }
0x90: {  	_ =	swait.ge [sflag:s18], $0x3E80  }
0x91: {  	[sflag:s18] =	ssyncset.done $0x0  }
0x92: {  	[sflag:s18] =	ssyncadd.s32 $0xFFFFC180  }
0x93: {  	_ =	swait.ge [sflag:s25], $0x3E80  }
0x94: {  	[sflag:s25] =	ssyncset.done $0x0  }
0x95: {  	[sflag:s25] =	ssyncadd.s32 $0xFFFFC180  }
0x96: {  	[spmem:s1] =	stream.indirect.scatter.add.f32 [tilespmem:s23], [sflag:$0x3], $0x80, s28, s21, $0xb8;
	[tilespmem:$0x1F480] =	vst v63  }
0x97: {  	_ =	swait.ge [sflag:s18], $0x3E80  }
0x98: {  	s30 =	stileid.u32;
	[sflag:s18] =	ssyncset.done $0x0  }
0x99: {  	s0 =	sshll.u32 s30, $0x6;
	[sflag:s18] =	ssyncadd.s32 $0xFFFFC180  }
0x9a: {  	s31 =	sshrl.u32 s7, $0x3;
	s0 =	sor.u32 $0x1C03, s0;
	[bflag:$0x0] =	sbarrier.arrive $0xFFFF  }
0x9b: {  	[hbm:s15], [sflag:s0] =	dma.local [spmem:s31], $0x2700  }
0x9c: {  	_ =	swait.ge [sflag:s18], $0x2700  }
0x9d: {  	s29 =	sadd.s32 $0x1, s29;
	[sflag:s18] =	ssyncset.done $0x0  }
0x9e: {  	s2 =	sshrl.u32 @!p0 s13, $0x3;
	p1 =	sne.s32 s29, s17;
	[sflag:s18] =	ssyncadd.s32 $0xFFFFD900  }
0x9f: {  	[hbm:s16], [sflag:s0] =	dma.local @!p0 [spmem:s2], $0x100  }
.Ltmp2:
0xa0: {  	_ = 	snop;
	(pc) =	sbr.rel @p1 .LBB2_1-.Ltmp2, $4  }
0xa1: {  	s0 =	simm.s32 @!p0 $0x3  }
0xa2: {  	_ =	swait.ge @!p0 [sflag:s0], $0x100  }
0xa3: {  	[sflag:s0] =	ssyncset.done @!p0 $0x0  }
0xa4: {  	[sflag:s0] =	ssyncadd.s32 @!p0 $0xFFFFFF00  }
0xa5: {  	_ =	sfence.sel $0x180000  }
0xa6: {  	[bflag:$0x0] =	sbarrier.arrive $0xFFFF  }
0xa7: {  	_ =	strace $0x9000004D  }
0xa8: {  	[bflag:$0x2] =	sbarrier.arrive $0xFFFF  }
0xa9: {  	s0 =	rddreg [dreg:$0x2]  }
0xaa: {  	s0 =	sadd.s32 @!p0 $0x100000, s0  }
0xab: {  	[sflag:s0] =	ssyncadd.tile.s32 @!p0 $0x1;
	_ =	shalt  }
.Lfunc_end2:
_tile_overlayer_lowered:
.L_overlay_start_2:
0xac: {  	(tag) =	ssettag $0x2  }
0xad: {  	s0 =	rddreg [dreg:$0x0];
	s2 =	stileid.u32  }
0xae: {  	s1 =	rddreg [dreg:$0x1];
	p0 =	sne.s32 s2, $0x0  }
0xaf: {  	s3 =	rddreg [dreg:$0x2];
	[bflag:$0x3] =	sbarrier.arrive $0xFFFF;
	s2 =	simm.s32 @!p0 $0x1C03  }
0xb0: {  	[timem:s3], [sflag:s2] =	dma.local @!p0 [hbm:s0], s1  }
0xb1: {  	s0 =	simm.s32 @!p0 $0x3  }
0xb2: {  	_ =	swait.ge @!p0 [sflag:s0], s1  }
0xb3: {  	s1 =	ssub.s32 @!p0 $0x0, s1;
	[sflag:s0] =	ssyncset.done @!p0 $0x0  }
0xb4: {  	[sflag:s0] =	ssyncadd.s32 @!p0 s1  }
0xb5: {  	[bflag:$0x3] =	sbarrier.arrive $0xFFFF  }
0xb6: {  	_ =	shalt  }

// kernel: kernel.23.cloned.1.call-start
scs
__scs_entry_jumppad:
0x0: {  	(pc) =	sbr.rel $0x88, $3  }
0x1: {  	(tag) =	ssettag $0x0;
	lr =	simm.s32 $0x1  }
0x2: {  	[smem:$0x3F8F] =	sst lr;
	_ =	strace $0xD0000000  }
0x3: {  	_ = 	snop  }
0x4: {  	_ = 	snop  }
0x5: {  	_ = 	snop  }
0x6: {  	_ = 	snop  }
0x7: {  	_ = 	snop  }
__scs_overlays_trampoline_lowered:
0x8: {  	[smem:$0x3F9E] =	sst s0  }
0x9: {  	[smem:$0x3F9F] =	sst s1  }
0xa: {  	[smem:$0x3FA0] =	sst s2  }
0xb: {  	[smem:$0x3FA1] =	sst s3  }
0xc: {  	[smem:$0x3FA2] =	sst s4  }
0xd: {  	[smem:$0x3FA3] =	sst s5  }
0xe: {  	[smem:$0x3FA4] =	sst s6  }
0xf: {  	[smem:$0x3FA5] =	sst s7  }
0x10: {  	[smem:$0x3FA6] =	sst s8  }
0x11: {  	[smem:$0x3FA7] =	sst s9;
	s0 =	simm.s32 @!p0 $0x0  }
0x12: {  	s1 =	sld [smem:$0x3F8D];
	s0 =	simm.s32 @p0 $0x1  }
0x13: {  	[smem:$0x3FA8] =	sst s0;
	s0 =	simm.s32 @!p1 $0x0  }
0x14: {  	s2 =	sld [smem:$0x3F8C];
	s0 =	simm.s32 @p1 $0x1  }
0x15: {  	[smem:$0x3FA9] =	sst s0;
	s0 =	simm.s32 @!p2 $0x0  }
0x16: {  	s3 =	sld [smem:$0x3FDB];
	s0 =	simm.s32 @p2 $0x1  }
0x17: {  	s4 =	simm.s32 $0x1BF5;
	[smem:$0x3FAB] =	sst s0  }
0x18: {  	s0 =	sld [smem:$0x3F8E];
	_ =	swait.ge [sflag:s4], $0x0  }
0x19: {  	s7 =	sld [smem:$0x3F8F]  }
0x1a: {  	s8 =	sadd.s32 $0xFFFFE003, lr  }
0x1b: {  	s9 =	sadd.s32 $0xFFFFFEF7, lr;
	s5 =	simm.s32 $0xFFFFFFFF;
	p2 =	slt.u32 s8, $0xFFFFF086  }
0x1c: {  	p1 =	slt.u32 s9, $0xF7A;
	s5 =	simm.s32 @!p2 $0x0  }
0x1d: {  	s5 =	simm.s32 @p1 $0x1;
	p0 =	seq.s32 s7, s2  }
0x1e: {  	s7 =	smul.u32 @!p0 $0xF7A, s2;
	p2 =	seq.s32 @!p0 s5, $0x0  }
0x1f: {  	s9 =	smul.u32 $0xF7A, s1;
	s8 =	simm.s32 @!p0 $0x1BF5;
	p2 =	por !p2, p0  }
0x20: {  	[sflag:s8] =	ssyncset.s32 @!p0 $0xFFFFF086;
	s6 =	sadd.s32 @!p0 s3, s7;
	s7 =	simm.s32 @!p0 $0x108  }
0x21: {  	s3 =	sadd.s32 s3, s9;
	s6 =	sadd.s32 @!p0 $0x88, s6;
	s7 =	simm.s32 @p2 $0x1082  }
0x22: {  	[simem:s7], [sflag:s8] =	dma.local @!p0 [hbm:s6], $0xF7A  }
0x23: {  	s9 =	sor.u32 $0xD0000000, s2;
	s6 =	simm.s32 $0x108;
	_ =	swait.ge @!p0 [sflag:s8], $0x0  }
0x24: {  	s3 =	sadd.s32 $0x88, s3;
	s6 =	simm.s32 @!p1 $0x1082;
	[sflag:s4] =	ssyncset.s32 $0xFFFFF086  }
0x25: {  	[simem:s6], [sflag:s4] =	dma.local [hbm:s3], $0xF7A  }
0x26: {  	[smem:$0x3F8F] =	sst s1;
	(tag) =	ssettag s2;
	_ =	strace s9  }
0x27: {  	s1 =	sld [smem:$0x3F9F]  }
0x28: {  	s2 =	sld [smem:$0x3FA0]  }
0x29: {  	s4 =	sld [smem:$0x3FA2]  }
0x2a: {  	p0 =	seq.s32 s5, $0x0;
	s5 =	sld [smem:$0x3FA3]  }
0x2b: {  	s6 =	sld [smem:$0x3FA4]  }
0x2c: {  	s7 =	sld [smem:$0x3FA5]  }
0x2d: {  	s3 =	simm.s32 $0x108;
	s8 =	sld [smem:$0x3FA6]  }
0x2e: {  	s3 =	simm.s32 @!p0 $0x1082;
	s9 =	sld [smem:$0x3FA7]  }
0x2f: {  	lr =	sadd.s32 s0, s3;
	s0 =	sld [smem:$0x3F9E]  }
0x30: {  	s3 =	sld [smem:$0x3FA1]  }
0x31: {  	[smem:$0x3FAA] =	sst s10  }
0x32: {  	s10 =	sld [smem:$0x3FA8];
	_ =	sdelay $0x3  }
0x33: {  	p0 =	seq.s32 s10, $0x1;
	s10 =	sld [smem:$0x3FAA];
	_ =	sdelay $0x3  }
0x34: {  	[smem:$0x3FAA] =	sst s10  }
0x35: {  	s10 =	sld [smem:$0x3FA9];
	_ =	sdelay $0x3  }
0x36: {  	p1 =	seq.s32 s10, $0x1;
	s10 =	sld [smem:$0x3FAA];
	_ =	sdelay $0x3  }
0x37: {  	[smem:$0x3FAA] =	sst s10  }
0x38: {  	s10 =	sld [smem:$0x3FAB]  }
0x39: {  	_ = 	snop;
	(pc) =	sbr.ind lr, $3  }
0x3a: {  	_ = 	snop  }
0x3b: {  	_ = 	snop  }
0x3c: {  	p2 =	seq.s32 s10, $0x1;
	s10 =	sld [smem:$0x3FAA]  }
0x3d: {  	_ =	shalt  }
0x3e: {  	_ =	shalt  }
0x3f: {  	_ =	shalt  }
0x40: {  	_ =	shalt  }
0x41: {  	_ =	shalt  }
0x42: {  	_ =	shalt  }
0x43: {  	_ =	shalt  }
0x44: {  	_ =	shalt  }
0x45: {  	_ =	shalt  }
0x46: {  	_ =	shalt  }
0x47: {  	_ =	shalt  }
0x48: {  	_ =	shalt  }
0x49: {  	_ =	shalt  }
0x4a: {  	_ =	shalt  }
0x4b: {  	_ =	shalt  }
0x4c: {  	_ =	shalt  }
0x4d: {  	_ =	shalt  }
0x4e: {  	_ =	shalt  }
0x4f: {  	_ =	shalt  }
0x50: {  	_ =	shalt  }
0x51: {  	_ =	shalt  }
0x52: {  	_ =	shalt  }
0x53: {  	_ =	shalt  }
0x54: {  	_ =	shalt  }
0x55: {  	_ =	shalt  }
0x56: {  	_ =	shalt  }
0x57: {  	_ =	shalt  }
0x58: {  	_ =	shalt  }
0x59: {  	_ =	shalt  }
0x5a: {  	_ =	shalt  }
0x5b: {  	_ =	shalt  }
0x5c: {  	_ =	shalt  }
0x5d: {  	_ =	shalt  }
0x5e: {  	_ =	shalt  }
0x5f: {  	_ =	shalt  }
0x60: {  	_ =	shalt  }
0x61: {  	_ =	shalt  }
0x62: {  	_ =	shalt  }
0x63: {  	_ =	shalt  }
0x64: {  	_ =	shalt  }
0x65: {  	_ =	shalt  }
0x66: {  	_ =	shalt  }
0x67: {  	_ =	shalt  }
0x68: {  	_ =	shalt  }
0x69: {  	_ =	shalt  }
0x6a: {  	_ =	shalt  }
0x6b: {  	_ =	shalt  }
0x6c: {  	_ =	shalt  }
0x6d: {  	_ =	shalt  }
0x6e: {  	_ =	shalt  }
0x6f: {  	_ =	shalt  }
0x70: {  	_ =	shalt  }
0x71: {  	_ =	shalt  }
0x72: {  	_ =	shalt  }
0x73: {  	_ =	shalt  }
0x74: {  	_ =	shalt  }
0x75: {  	_ =	shalt  }
0x76: {  	_ =	shalt  }
0x77: {  	_ =	shalt  }
0x78: {  	_ =	shalt  }
0x79: {  	_ =	shalt  }
0x7a: {  	_ =	shalt  }
0x7b: {  	_ =	shalt  }
0x7c: {  	_ =	shalt  }
0x7d: {  	_ =	shalt  }
0x7e: {  	_ =	shalt  }
0x7f: {  	_ =	shalt  }
0x80: {  	_ =	shalt  }
0x81: {  	_ =	shalt  }
0x82: {  	_ =	shalt  }
0x83: {  	_ =	shalt  }
0x84: {  	_ =	shalt  }
0x85: {  	_ =	shalt  }
0x86: {  	_ =	shalt  }
0x87: {  	_ =	shalt  }
.Lfunc_end0:
.L_simem_size_0:
called_computation.3_lowered:
.L_overlay_start_0:
0x88: {  	s2 =	sld [smem:$0x3FD9]  }
0x89: {  	s3 =	sld [smem:$0x3FFE];
	_ =	sdelay $0x1  }
0x8a: {  	s1 =	srdreg.scid  }
0x8b: {  	s0 =	sand.u32 $0x1, s1  }
0x8c: {  	s16 =	sshll.u32 s0, $0xA;
	s2 =	sadd.s32 s3, s2  }
0x8d: {  	s2 =	sadd.s32 s2, s16  }
0x8e: {  	[smem:$0x3FB6] =	sst s2  }
0x8f: {  	_ = 	snop  }
0x90: {  	(tm) =	ssettm $0x1  }
0x91: {  	s17 =	sld [smem:$0x3FFB];
	_ =	sdelay $0x3  }
0x92: {  	_ =	strace s17  }
0x93: {  	s2 =	sld [smem:$0x3FFC];
	_ =	sdelay $0x3  }
0x94: {  	_ =	strace s2  }
0x95: {  	s2 =	sld [smem:$0x3FFD];
	_ =	sdelay $0x3  }
0x96: {  	_ =	strace s2  }
0x97: {  	_ =	strace $0x8FFFFFFF  }
0x98: {  	s18 =	sld [smem:$0x3FDB];
	_ =	sdelay $0x1  }
0x99: {  	s19 =	simm.s32 $_scs_section_size  }
0x9a: {  	s4 =	simm.s32 $_size__tile_overlayer_lowered;
	s5 =	simm.s32 $_tile_overlayer_lowered  }
0x9b: {  	s22 =	simm.s32 $0x1BFF;
	s21 =	sshll.u32 s5, $0x1;
	s2 =	sadd.s32 s19, s18  }
0x9c: {  	s6 =	simm.s32 $0x0;
	s20 =	sshll.u32 s4, $0x1;
	s4 =	sadd.s32 s21, s2  }
0x9d: {  	[timem:s6], [sflag:s22] =	dma.local [hbm:s4], s20  }
0x9e: {  	_ =	swait.ge [sflag:s22], s20  }
0x9f: {  	s3 =	ssub.s32 $0x0, s20;
	[sflag:s22] =	ssyncset.done $0x0  }
0xa0: {  	[sflag:s22] =	ssyncadd.s32 s3;
	_ =	sdelay $0x1  }
0xa1: {  	s23 =	simm.s32 $0x1B8B  }
0xa2: {  	_ =	swait.ge [sflag:s23], $0x1  }
0xa3: {  	[sflag:s23] =	ssyncset.done $0x0  }
0xa4: {  	s25 =	simm.s32 $0x1B8E;
	s24 =	sld [smem:$0x3FFE];
	[sflag:s23] =	ssyncadd.s32 $0xFFFFFFFF  }
0xa5: {  	s26 =	simm.s32 $execute0_lowered;
	[smem:$0x3FD2] =	sst s25  }
0xa6: {  	s4 =	sshll.u32 s26, $0x1;
	_ =	strace $0x8000004F;
	[dreg:$0x1] =	wrdreg $0xFFFFFFFF  }
0xa7: {  	s28 =	simm.s32 $_size_execute0_lowered;
	s2 =	sadd.s32 s2, s4;
	[dreg:$0x0] =	wrdreg $0x0  }
0xa8: {  	s4 =	sshll.u32 s28, $0x1;
	[dreg:$0x2] =	wrdreg s2  }
0xa9: {  	[dreg:$0x3] =	wrdreg s4  }
0xaa: {  	[dreg:$0x4] =	wrdreg $0xC0  }
0xab: {  	_ =	task [dreg:s6], $0x5FFFF  }
0xac: {  	[dreg:$0x1] =	wrdreg $0xFFFFFFFF  }
0xad: {  	[dreg:$0x0] =	wrdreg $0x60  }
0xae: {  	[dreg:$0x2] =	wrdreg s24  }
0xaf: {  	[dreg:$0x3] =	wrdreg $0xBC000  }
0xb0: {  	[dreg:$0x4] =	wrdreg $0x9  }
0xb1: {  	_ =	task.clear_ibuf [dreg:s6], $0x5FFFF;
	_ =	strace $0x9000004F  }
0xb2: {  	s29 =	simm.s32 $0x9;
	_ =	strace $0x80000051  }
0xb3: {  	_ =	swait.ge [sflag:s29], $0x1  }
0xb4: {  	[sflag:s29] =	ssyncadd.s32 $0xFFFFFFFF  }
0xb5: {  	_ =	strace $0x90000051  }
0xb6: {  	_ =	sfence  }
0xb7: {  	s30 =	sld [smem:$0x0];
	_ =	sdelay $0x2  }
0xb8: {  	s31 =	sshll.u32 s1, $0xD;
	s1 =	sshrl.u32 s1, $0x2  }
0xb9: {  	s3 =	sand.u32 $0x4000, s31;
	s1 =	sadd.s32 s1, s30  }
0xba: {  	s0 =	sor.u32 s3, s0;
	s1 =	sshll.u32 s1, $0x11  }
0xbb: {  	s0 =	sor.u32 s1, s0  }
0xbc: {  	s0 =	sadd.s32 $0x8F2B, s0  }
0xbd: {  	[sflag:s0] =	ssyncadd.remote.s32 $0x1  }
0xbe: {  	_ =	sfence.sel $0xFFFF  }
0xbf: {  	[dreg:$0x0] =	wrdreg $0xFFFFFFFF;
	(pc) =	sbr.abs _section_cstart, $3  }
0xc0: {  	[dreg:$0x1] =	wrdreg $0xFFFFFFFF  }
0xc1: {  	_ =	task.clear_ibuf [dreg:s6], $0x2FFFF;
	_ =	strace $0x9FFFFFFF  }
0xc2: {  	(tm) =	ssettm $0x7FFFFFFF  }
0xc3: {  	_ =	shalt  }
tec
execute0_lowered:
.L_overlay_start_1:
0x0: {  	(tag) =	ssettag $0x1  }
0x1: {  	s2 =	rddreg [dreg:$0x0]  }
0x2: {  	s0 =	srdreg.scid;
	s1 =	rddreg [dreg:$0x1]  }
0x3: {  	s19 =	stileid.u32;
	s3 =	simm.s32 $0x0;
	s18 =	simm.s32 $0x3  }
0x4: {  	s20 =	simm.s32 $0x3C00;
	s21 =	simm.s32 $0x7D;
	s23 =	simm.s32 $0x7C00  }
0x5: {  	s24 =	simm.s32 $0x1;
	s25 =	simm.s32 $0x2;
	s28 =	simm.s32 $0x3B80  }
0x6: {  	s29 =	simm.s32 $0x0;
	s0 =	sand.u32 $0x1, s0;
	s9 =	smul.u32 $0x4E000, s19  }
0x7: {  	[smem:$0x7FF] =	sst s3;
	s14 =	sadd.s32 $0x11200, s2;
	s16 =	smul.u32 $0x13800, s19  }
0x8: {  	s13 =	sadd.s32 $0x138000, s1;
	p0 =	sne.s32 s19, $0x0;
	s4 =	sshll.u32 s0, $0x4  }
0x9: {  	_ =	strace $0x80000050;
	s7 =	ssub.s32 $0x2, s0;
	s0 =	smul.u32 $0x138800, s0  }
0xa: {  	s8 =	sor.u32 s19, s4;
	s4 =	sadd.s32 $0x1B200, s2;
	s10 =	sshrl.u32 s7, $0x1  }
0xb: {  	s30 =	sshrl.u32 s9, $0x2;
	s6 =	smul.u32 $0x500, s8;
	s17 =	ssub.s32 s7, s10  }
0xc: {  	s7 =	sadd.s32 s30, s1;
	s15 =	smul.u32 $0x2800, s8;
	s31 =	sadd.s32 s16, s0  }
0xd: {  	s0 =	sshrl.u32 s0, $0x3;
	s8 =	sadd.s32 $0x3C00, s7;
	s9 =	sadd.s32 $0x7800, s7  }
0xe: {  	s10 =	sadd.s32 $0xB400, s7;
	s11 =	sadd.s32 $0xF000, s7;
	s12 =	sadd.s32 $0x12C00, s7  }
0xf: {  	s17 =	smax.u32 s17, $0x1;
	s5 =	sadd.s32 s6, s2;
	s2 =	sadd.s32 $0x42400, s2  }
0x10: {  	s6 =	sadd.s32 s14, s6;
	s15 =	sshrl.u32 s15, $0x3;
	s5 =	sadd.s32 $0x7200, s5  }
0x11: {  	s14 =	sadd.s32 s14, s15;
	s15 =	sshrl.u32 s31, $0x3;
	s0 =	sadd.s32 s2, s0  }
0x12: {  	v0 =	vimm.f32 $0.0e+00;
	s14 =	sadd.s32 $0x280, s14;
	s15 =	sadd.s32 s2, s15;
	s16 =	sadd.s32 $0x27000, s0  }
.LBB2_1:
0x13: {  	[tilespmem:s3], [sflag:$0x3] =	stream.linear.gather [hbm4b:s5+s3], $0x2800, $0x38;
	[tilespmem:$0x1F480] =	vst v63  }
0x14: {  	_ =	swait.ge [sflag:s18], $0x2800  }
0x15: {  	[sflag:s18] =	ssyncset.done $0x0  }
0x16: {  	s0 =	simm.s32 $0x2800;
	[sflag:s18] =	ssyncadd.s32 $0xFFFFD800  }
0x17: {  	[tilespmem:s0], [sflag:$0x3] =	stream.linear.gather [hbm4b:s6+s3], $0x1400, $0x38;
	[tilespmem:$0x1F480] =	vst v63  }
0x18: {  	_ =	swait.ge [sflag:s18], $0x1400  }
0x19: {  	[sflag:s18] =	ssyncset.done $0x0  }
0x1a: {  	s30 =	simm.s32 $0x200;
	s0 =	simm.s32 $0x0;
	[sflag:s18] =	ssyncadd.s32 $0xFFFFEC00  }
.LBB2_2:
0x1b: {  	p1 =	sne.s32 s30, $0xF800;
	[tilespmem:s0+$0x3C70] =	vst v0  }
0x1c: {  	[tilespmem:s0+$0x3C00] =	vst v0  }
0x1d: {  	[tilespmem:s0+$0x3C10] =	vst v0  }
.Ltmp0:
0x1e: {  	[tilespmem:s0+$0x3C20] =	vst v0;
	(pc) =	sbr.rel @p1 .LBB2_2-.Ltmp0, $4  }
0x1f: {  	[tilespmem:s0+$0x3C30] =	vst v0  }
0x20: {  	[tilespmem:s0+$0x3C40] =	vst v0  }
0x21: {  	[tilespmem:s0+$0x3C50] =	vst v0  }
0x22: {  	[tilespmem:s0+$0x3C60] =	vst v0;
	s0 =	sshra.s32 s30, $0x2;
	s30 =	sadd.s32 $0x200, s30  }
0x23: {  	[tilespmem:s0+$0x3C70] =	vst v0  }
0x24: {  	[tilespmem:s0+$0x3C00] =	vst v0  }
0x25: {  	[tilespmem:s0+$0x3C10] =	vst v0  }
0x26: {  	[tilespmem:s0+$0x3C20] =	vst v0  }
0x27: {  	[tilespmem:s0+$0x3C30] =	vst v0  }
0x28: {  	[tilespmem:s0+$0x3C40] =	vst v0  }
0x29: {  	[tilespmem:s0+$0x3C50] =	vst v0  }
0x2a: {  	[tilespmem:s0+$0x3C60] =	vst v0  }
0x2b: {  	[spmem:s7] =	stream.linear.scatter [tilespmem:s20], [sflag:$0x3], $0x3C00, $0x38;
	[tilespmem:$0x1F480] =	vst v63  }
0x2c: {  	_ =	swait.ge [sflag:s18], $0x3C00  }
0x2d: {  	[sflag:s18] =	ssyncset.done $0x0  }
0x2e: {  	[sflag:s18] =	ssyncadd.s32 $0xFFFFC400  }
0x2f: {  	[spmem:s8] =	stream.linear.scatter [tilespmem:s20], [sflag:$0x3], $0x3C00, $0x38;
	[tilespmem:$0x1F480] =	vst v63  }
0x30: {  	_ =	swait.ge [sflag:s18], $0x3C00  }
0x31: {  	[sflag:s18] =	ssyncset.done $0x0  }
0x32: {  	[sflag:s18] =	ssyncadd.s32 $0xFFFFC400  }
0x33: {  	[spmem:s9] =	stream.linear.scatter [tilespmem:s20], [sflag:$0x3], $0x3C00, $0x38;
	[tilespmem:$0x1F480] =	vst v63  }
0x34: {  	_ =	swait.ge [sflag:s18], $0x3C00  }
0x35: {  	[sflag:s18] =	ssyncset.done $0x0  }
0x36: {  	[sflag:s18] =	ssyncadd.s32 $0xFFFFC400  }
0x37: {  	[spmem:s10] =	stream.linear.scatter [tilespmem:s20], [sflag:$0x3], $0x3C00, $0x38;
	[tilespmem:$0x1F480] =	vst v63  }
0x38: {  	_ =	swait.ge [sflag:s18], $0x3C00  }
0x39: {  	[sflag:s18] =	ssyncset.done $0x0  }
0x3a: {  	[sflag:s18] =	ssyncadd.s32 $0xFFFFC400  }
0x3b: {  	[spmem:s11] =	stream.linear.scatter [tilespmem:s20], [sflag:$0x3], $0x3C00, $0x38;
	[tilespmem:$0x1F480] =	vst v63  }
0x3c: {  	_ =	swait.ge [sflag:s18], $0x3C00  }
0x3d: {  	[sflag:s18] =	ssyncset.done $0x0  }
0x3e: {  	[sflag:s18] =	ssyncadd.s32 $0xFFFFC400  }
0x3f: {  	[spmem:s12] =	stream.linear.scatter [tilespmem:s20], [sflag:$0x3], $0xC00, $0x38;
	[tilespmem:$0x1F480] =	vst v63  }
0x40: {  	_ =	swait.ge [sflag:s18], $0xC00  }
0x41: {  	[sflag:s18] =	ssyncset.done $0x0  }
0x42: {  	s0 =	simm.s32 @!p0 $0x3C00;
	[sflag:s18] =	ssyncadd.s32 $0xFFFFF400  }
0x43: {  	[spmem:s13] =	stream.linear.scatter @!p0 [tilespmem:s0], [sflag:$0x3], $0x800, $0x38;
	[tilespmem:$0x1F480] =	vst v63  }
0x44: {  	s0 =	simm.s32 @!p0 $0x3  }
0x45: {  	_ =	swait.ge @!p0 [sflag:s0], $0x800  }
0x46: {  	[sflag:s0] =	ssyncset.done @!p0 $0x0  }
0x47: {  	[sflag:s0] =	ssyncadd.s32 @!p0 $0xFFFFF800  }
0x48: {  	p1 =	por $0x1, $0x1;
	s0 =	simm.s32 $0x0;
	[bflag:$0x0] =	sbarrier.arrive $0xFFFF  }
0x49: {  	[tilespmem:s20], [sflag:$0x1] =	stream.indirect.gather [hbm4b:s4+s21], $0x80, s0, s21, $0xb8;
	[tilespmem:$0x1F480] =	vst v63  }
0x4a: {  	s2 =	simm.s32 $0x80;
	p1 =	por p1, p1  }
0x4b: {  	[tilespmem:s23], [sflag:$0x2] =	stream.indirect.gather [hbm4b:s4+s21], $0x80, s2, s21, $0xb8;
	[tilespmem:$0x1F480] =	vst v63  }
0x4c: {  	s30 =	simm.s32 @!p1 $0x2800;
	s31 =	simm.s32 @!p1 $0x3;
	s2 =	simm.s32 @!p1 $0x0  }
0x4d: {  	[tilespmem:s30], [sflag:$0x3] =	stream.linear.gather @!p1 [hbm4b:s14+s2], $0x1400, $0x38;
	[tilespmem:$0x1F480] =	vst v63  }
0x4e: {  	_ =	swait.ge @!p1 [sflag:s31], $0x1400  }
0x4f: {  	[sflag:s31] =	ssyncset.done @!p1 $0x0  }
0x50: {  	s2 =	simm.s32 $0xFFFFB000;
	[sflag:s31] =	ssyncadd.s32 @!p1 $0xFFFFEC00;
	p1 =	por $0x1, $0x1  }
0x51: {  	_ =	swait.ge [sflag:s24], $0x3E80;
	s2 =	smov.u32 @p1 s0  }
0x52: {  	[sflag:s24] =	ssyncset.done $0x0;
	s0 =	sshra.s32 s2, $0x2  }
0x53: {  	[sflag:s24] =	ssyncadd.s32 $0xFFFFC180;
	s2 =	sadd.s32 $0x2800, s0  }
0x54: {  	[spmem:s1] =	stream.indirect.scatter.add.f32 [tilespmem:s20], [sflag:$0x3], $0x80, s2, s21, $0xb8;
	[tilespmem:$0x1F480] =	vst v63  }
0x55: {  	_ =	swait.ge [sflag:s18], $0x3E80  }
0x56: {  	[sflag:s18] =	ssyncset.done $0x0  }
0x57: {  	s26 =	simm.s32 $0x100;
	[sflag:s18] =	ssyncadd.s32 $0xFFFFC180  }
0x58: {  	[tilespmem:s20], [sflag:$0x1] =	stream.indirect.gather [hbm4b:s4+s21], $0x80, s26, s21, $0xb8;
	[tilespmem:$0x1F480] =	vst v63  }
0x59: {  	_ =	swait.ge [sflag:s25], $0x3E80  }
0x5a: {  	[sflag:s25] =	ssyncset.done $0x0  }
0x5b: {  	s0 =	sadd.s32 $0x2880, s0;
	[sflag:s25] =	ssyncadd.s32 $0xFFFFC180  }
0x5c: {  	[spmem:s1] =	stream.indirect.scatter.add.f32 [tilespmem:s23], [sflag:$0x3], $0x80, s0, s21, $0xb8;
	[tilespmem:$0x1F480] =	vst v63  }
0x5d: {  	p6 =	por $0x1, $0x1;
	s30 =	simm.s32 $0x400;
	_ =	swait.ge [sflag:s18], $0x3E80  }
0x5e: {  	s31 =	simm.s32 $0x1;
	p1 =	por p6, p6;
	[sflag:s18] =	ssyncset.done $0x0  }
0x5f: {  	s2 =	simm.s32 $0x180;
	s0 =	simm.s32 $0x800;
	[sflag:s18] =	ssyncadd.s32 $0xFFFFC180  }
.LBB2_4:
0x60: {  	[tilespmem:s23], [sflag:$0x2] =	stream.indirect.gather [hbm4b:s4+s21], $0x80, s2, s21, $0xb8;
	[tilespmem:$0x1F480] =	vst v63  }
0x61: {  	s2 =	smov.u32 s0  }
0x62: {  	s19 =	simm.s32 @!p1 $0x0;
	s22 =	simm.s32 @!p1 $0x2800;
	s26 =	simm.s32 @!p1 $0x3  }
0x63: {  	[tilespmem:s22], [sflag:$0x3] =	stream.linear.gather @!p1 [hbm4b:s14+s19], $0x1400, $0x38;
	[tilespmem:$0x1F480] =	vst v63  }
0x64: {  	s0 =	sadd.s32 $0x400, s0;
	p3 =	sne.s32 s2, $0x5000;
	_ =	swait.ge @!p1 [sflag:s26], $0x1400  }
0x65: {  	p2 =	sne.s32 s0, $0x9C00;
	[sflag:s26] =	ssyncset.done @!p1 $0x0  }
0x66: {  	s19 =	sadd.s32 $0xFFFFB000, s30;
	[sflag:s26] =	ssyncadd.s32 @!p1 $0xFFFFEC00;
	p1 =	slt.u32 s31, $0x14  }
0x67: {  	_ =	swait.ge [sflag:s24], $0x3E80;
	s19 =	smov.u32 @p1 s30;
	p1 =	por p3, p3  }
0x68: {  	[sflag:s24] =	ssyncset.done $0x0;
	s19 =	sshra.s32 s19, $0x2  }
0x69: {  	[sflag:s24] =	ssyncadd.s32 $0xFFFFC180;
	s22 =	sadd.s32 $0x2800, s19  }
0x6a: {  	[spmem:s1] =	stream.indirect.scatter.add.f32 [tilespmem:s20], [sflag:$0x3], $0x80, s22, s21, $0xb8;
	[tilespmem:$0x1F480] =	vst v63  }
0x6b: {  	_ =	swait.ge [sflag:s18], $0x3E80  }
0x6c: {  	s22 =	sshra.s32 s30, $0x2;
	s30 =	smov.u32 s2;
	[sflag:s18] =	ssyncset.done $0x0  }
0x6d: {  	s2 =	sadd.s32 $0x100, s22;
	[sflag:s18] =	ssyncadd.s32 $0xFFFFC180  }
0x6e: {  	[tilespmem:s20], [sflag:$0x1] =	stream.indirect.gather [hbm4b:s4+s21], $0x80, s2, s21, $0xb8;
	[tilespmem:$0x1F480] =	vst v63  }
0x6f: {  	_ =	swait.ge [sflag:s25], $0x3E80  }
0x70: {  	[sflag:s25] =	ssyncset.done $0x0  }
.Ltmp1:
0x71: {  	s2 =	sadd.s32 $0x2880, s19;
	[sflag:s25] =	ssyncadd.s32 $0xFFFFC180;
	(pc) =	sbr.rel @p2 .LBB2_4-.Ltmp1, $4  }
0x72: {  	[spmem:s1] =	stream.indirect.scatter.add.f32 [tilespmem:s23], [sflag:$0x3], $0x80, s2, s21, $0xb8;
	[tilespmem:$0x1F480] =	vst v63  }
0x73: {  	_ =	swait.ge [sflag:s18], $0x3E80  }
0x74: {  	[sflag:s18] =	ssyncset.done $0x0  }
0x75: {  	s31 =	sadd.s32 $0x1, s31;
	s2 =	sadd.s32 $0x180, s22;
	[sflag:s18] =	ssyncadd.s32 $0xFFFFC180  }
0x76: {  	[tilespmem:s23], [sflag:$0x2] =	stream.indirect.gather [hbm4b:s4+s21], $0x80, s2, s21, $0xb8;
	[tilespmem:$0x1F480] =	vst v63  }
0x77: {  	s0 =	simm.s32 @!p1 $0x0;
	s2 =	simm.s32 @!p1 $0x2800;
	s19 =	simm.s32 @!p1 $0x3  }
0x78: {  	[tilespmem:s2], [sflag:$0x3] =	stream.linear.gather @!p1 [hbm4b:s14+s0], $0x1400, $0x38;
	[tilespmem:$0x1F480] =	vst v63  }
0x79: {  	_ =	swait.ge @!p1 [sflag:s19], $0x1400  }
0x7a: {  	[sflag:s19] =	ssyncset.done @!p1 $0x0  }
0x7b: {  	s0 =	sadd.s32 $0xFFFFB000, s30;
	[sflag:s19] =	ssyncadd.s32 @!p1 $0xFFFFEC00;
	p1 =	slt.u32 s31, $0x14  }
0x7c: {  	_ =	swait.ge [sflag:s24], $0x3E80;
	s0 =	smov.u32 @p1 s30  }
0x7d: {  	[sflag:s24] =	ssyncset.done $0x0;
	s0 =	sshra.s32 s0, $0x2  }
0x7e: {  	[sflag:s24] =	ssyncadd.s32 $0xFFFFC180;
	s26 =	sadd.s32 $0x2800, s0  }
0x7f: {  	[spmem:s1] =	stream.indirect.scatter.add.f32 [tilespmem:s20], [sflag:$0x3], $0x80, s26, s21, $0xb8;
	[tilespmem:$0x1F480] =	vst v63  }
0x80: {  	_ =	swait.ge [sflag:s18], $0x3E80  }
0x81: {  	s30 =	sshra.s32 s30, $0x2;
	[sflag:s18] =	ssyncset.done $0x0  }
0x82: {  	s31 =	sadd.s32 $0x100, s30;
	[sflag:s18] =	ssyncadd.s32 $0xFFFFC180  }
0x83: {  	[tilespmem:s20], [sflag:$0x1] =	stream.indirect.gather [hbm4b:s4+s21], $0x80, s31, s21, $0xb8;
	[tilespmem:$0x1F480] =	vst v63  }
0x84: {  	_ =	swait.ge [sflag:s25], $0x3E80  }
0x85: {  	[sflag:s25] =	ssyncset.done $0x0  }
0x86: {  	s0 =	sadd.s32 $0x2880, s0;
	[sflag:s25] =	ssyncadd.s32 $0xFFFFC180  }
0x87: {  	[spmem:s1] =	stream.indirect.scatter.add.f32 [tilespmem:s23], [sflag:$0x3], $0x80, s0, s21, $0xb8;
	[tilespmem:$0x1F480] =	vst v63  }
0x88: {  	_ =	swait.ge [sflag:s18], $0x3E80  }
0x89: {  	[sflag:s18] =	ssyncset.done $0x0  }
0x8a: {  	s22 =	sadd.s32 $0x180, s30;
	[sflag:s18] =	ssyncadd.s32 $0xFFFFC180  }
0x8b: {  	[tilespmem:s23], [sflag:$0x2] =	stream.indirect.gather [hbm4b:s4+s21], $0x80, s22, s21, $0xb8;
	[tilespmem:$0x1F480] =	vst v63  }
0x8c: {  	_ =	swait.ge [sflag:s24], $0x3E80  }
0x8d: {  	[sflag:s24] =	ssyncset.done $0x0  }
0x8e: {  	s26 =	simm.s32 $0x3B00;
	[sflag:s24] =	ssyncadd.s32 $0xFFFFC180  }
0x8f: {  	[spmem:s1] =	stream.indirect.scatter.add.f32 [tilespmem:s20], [sflag:$0x3], $0x80, s26, s21, $0xb8;
	[tilespmem:$0x1F480] =	vst v63  }
0x90: {  	_ =	swait.ge [sflag:s18], $0x3E80  }
0x91: {  	[sflag:s18] =	ssyncset.done $0x0  }
0x92: {  	[sflag:s18] =	ssyncadd.s32 $0xFFFFC180  }
0x93: {  	_ =	swait.ge [sflag:s25], $0x3E80  }
0x94: {  	[sflag:s25] =	ssyncset.done $0x0  }
0x95: {  	[sflag:s25] =	ssyncadd.s32 $0xFFFFC180  }
0x96: {  	[spmem:s1] =	stream.indirect.scatter.add.f32 [tilespmem:s23], [sflag:$0x3], $0x80, s28, s21, $0xb8;
	[tilespmem:$0x1F480] =	vst v63  }
0x97: {  	_ =	swait.ge [sflag:s18], $0x3E80  }
0x98: {  	s30 =	stileid.u32;
	[sflag:s18] =	ssyncset.done $0x0  }
0x99: {  	s0 =	sshll.u32 s30, $0x6;
	[sflag:s18] =	ssyncadd.s32 $0xFFFFC180  }
0x9a: {  	s31 =	sshrl.u32 s7, $0x3;
	s0 =	sor.u32 $0x1C03, s0;
	[bflag:$0x0] =	sbarrier.arrive $0xFFFF  }
0x9b: {  	[hbm:s15], [sflag:s0] =	dma.local [spmem:s31], $0x2700  }
0x9c: {  	_ =	swait.ge [sflag:s18], $0x2700  }
0x9d: {  	s29 =	sadd.s32 $0x1, s29;
	[sflag:s18] =	ssyncset.done $0x0  }
0x9e: {  	s2 =	sshrl.u32 @!p0 s13, $0x3;
	p1 =	sne.s32 s29, s17;
	[sflag:s18] =	ssyncadd.s32 $0xFFFFD900  }
0x9f: {  	[hbm:s16], [sflag:s0] =	dma.local @!p0 [spmem:s2], $0x100  }
.Ltmp2:
0xa0: {  	_ = 	snop;
	(pc) =	sbr.rel @p1 .LBB2_1-.Ltmp2, $4  }
0xa1: {  	s0 =	simm.s32 @!p0 $0x3  }
0xa2: {  	_ =	swait.ge @!p0 [sflag:s0], $0x100  }
0xa3: {  	[sflag:s0] =	ssyncset.done @!p0 $0x0  }
0xa4: {  	[sflag:s0] =	ssyncadd.s32 @!p0 $0xFFFFFF00  }
0xa5: {  	_ =	sfence.sel $0x180000  }
0xa6: {  	[bflag:$0x0] =	sbarrier.arrive $0xFFFF  }
0xa7: {  	_ =	strace $0x90000050  }
0xa8: {  	[bflag:$0x2] =	sbarrier.arrive $0xFFFF  }
0xa9: {  	s0 =	rddreg [dreg:$0x2]  }
0xaa: {  	s0 =	sadd.s32 @!p0 $0x100000, s0  }
0xab: {  	[sflag:s0] =	ssyncadd.tile.s32 @!p0 $0x1;
	_ =	shalt  }
.Lfunc_end2:
_tile_overlayer_lowered:
.L_overlay_start_2:
0xac: {  	(tag) =	ssettag $0x2  }
0xad: {  	s0 =	rddreg [dreg:$0x0];
	s2 =	stileid.u32  }
0xae: {  	s1 =	rddreg [dreg:$0x1];
	p0 =	sne.s32 s2, $0x0  }
0xaf: {  	s3 =	rddreg [dreg:$0x2];
	[bflag:$0x3] =	sbarrier.arrive $0xFFFF;
	s2 =	simm.s32 @!p0 $0x1C03  }
0xb0: {  	[timem:s3], [sflag:s2] =	dma.local @!p0 [hbm:s0], s1  }
0xb1: {  	s0 =	simm.s32 @!p0 $0x3  }
0xb2: {  	_ =	swait.ge @!p0 [sflag:s0], s1  }
0xb3: {  	s1 =	ssub.s32 @!p0 $0x0, s1;
	[sflag:s0] =	ssyncset.done @!p0 $0x0  }
0xb4: {  	[sflag:s0] =	ssyncadd.s32 @!p0 s1  }
0xb5: {  	[bflag:$0x3] =	sbarrier.arrive $0xFFFF  }
0xb6: {  	_ =	shalt  }

// kernel: kernel.26.cloned.1.call-start
scs
__scs_entry_jumppad:
0x0: {  	(pc) =	sbr.rel $0x88, $3  }
0x1: {  	(tag) =	ssettag $0x0;
	lr =	simm.s32 $0x1  }
0x2: {  	[smem:$0x3F8F] =	sst lr;
	_ =	strace $0xD0000000  }
0x3: {  	_ = 	snop  }
0x4: {  	_ = 	snop  }
0x5: {  	_ = 	snop  }
0x6: {  	_ = 	snop  }
0x7: {  	_ = 	snop  }
__scs_overlays_trampoline_lowered:
0x8: {  	[smem:$0x3F9E] =	sst s0  }
0x9: {  	[smem:$0x3F9F] =	sst s1  }
0xa: {  	[smem:$0x3FA0] =	sst s2  }
0xb: {  	[smem:$0x3FA1] =	sst s3  }
0xc: {  	[smem:$0x3FA2] =	sst s4  }
0xd: {  	[smem:$0x3FA3] =	sst s5  }
0xe: {  	[smem:$0x3FA4] =	sst s6  }
0xf: {  	[smem:$0x3FA5] =	sst s7  }
0x10: {  	[smem:$0x3FA6] =	sst s8  }
0x11: {  	[smem:$0x3FA7] =	sst s9;
	s0 =	simm.s32 @!p0 $0x0  }
0x12: {  	s1 =	sld [smem:$0x3F8D];
	s0 =	simm.s32 @p0 $0x1  }
0x13: {  	[smem:$0x3FA8] =	sst s0;
	s0 =	simm.s32 @!p1 $0x0  }
0x14: {  	s2 =	sld [smem:$0x3F8C];
	s0 =	simm.s32 @p1 $0x1  }
0x15: {  	[smem:$0x3FA9] =	sst s0;
	s0 =	simm.s32 @!p2 $0x0  }
0x16: {  	s3 =	sld [smem:$0x3FDB];
	s0 =	simm.s32 @p2 $0x1  }
0x17: {  	s4 =	simm.s32 $0x1BF5;
	[smem:$0x3FAB] =	sst s0  }
0x18: {  	s0 =	sld [smem:$0x3F8E];
	_ =	swait.ge [sflag:s4], $0x0  }
0x19: {  	s7 =	sld [smem:$0x3F8F]  }
0x1a: {  	s8 =	sadd.s32 $0xFFFFE003, lr  }
0x1b: {  	s9 =	sadd.s32 $0xFFFFFEF7, lr;
	s5 =	simm.s32 $0xFFFFFFFF;
	p2 =	slt.u32 s8, $0xFFFFF086  }
0x1c: {  	p1 =	slt.u32 s9, $0xF7A;
	s5 =	simm.s32 @!p2 $0x0  }
0x1d: {  	s5 =	simm.s32 @p1 $0x1;
	p0 =	seq.s32 s7, s2  }
0x1e: {  	s7 =	smul.u32 @!p0 $0xF7A, s2;
	p2 =	seq.s32 @!p0 s5, $0x0  }
0x1f: {  	s9 =	smul.u32 $0xF7A, s1;
	s8 =	simm.s32 @!p0 $0x1BF5;
	p2 =	por !p2, p0  }
0x20: {  	[sflag:s8] =	ssyncset.s32 @!p0 $0xFFFFF086;
	s6 =	sadd.s32 @!p0 s3, s7;
	s7 =	simm.s32 @!p0 $0x108  }
0x21: {  	s3 =	sadd.s32 s3, s9;
	s6 =	sadd.s32 @!p0 $0x88, s6;
	s7 =	simm.s32 @p2 $0x1082  }
0x22: {  	[simem:s7], [sflag:s8] =	dma.local @!p0 [hbm:s6], $0xF7A  }
0x23: {  	s9 =	sor.u32 $0xD0000000, s2;
	s6 =	simm.s32 $0x108;
	_ =	swait.ge @!p0 [sflag:s8], $0x0  }
0x24: {  	s3 =	sadd.s32 $0x88, s3;
	s6 =	simm.s32 @!p1 $0x1082;
	[sflag:s4] =	ssyncset.s32 $0xFFFFF086  }
0x25: {  	[simem:s6], [sflag:s4] =	dma.local [hbm:s3], $0xF7A  }
0x26: {  	[smem:$0x3F8F] =	sst s1;
	(tag) =	ssettag s2;
	_ =	strace s9  }
0x27: {  	s1 =	sld [smem:$0x3F9F]  }
0x28: {  	s2 =	sld [smem:$0x3FA0]  }
0x29: {  	s4 =	sld [smem:$0x3FA2]  }
0x2a: {  	p0 =	seq.s32 s5, $0x0;
	s5 =	sld [smem:$0x3FA3]  }
0x2b: {  	s6 =	sld [smem:$0x3FA4]  }
0x2c: {  	s7 =	sld [smem:$0x3FA5]  }
0x2d: {  	s3 =	simm.s32 $0x108;
	s8 =	sld [smem:$0x3FA6]  }
0x2e: {  	s3 =	simm.s32 @!p0 $0x1082;
	s9 =	sld [smem:$0x3FA7]  }
0x2f: {  	lr =	sadd.s32 s0, s3;
	s0 =	sld [smem:$0x3F9E]  }
0x30: {  	s3 =	sld [smem:$0x3FA1]  }
0x31: {  	[smem:$0x3FAA] =	sst s10  }
0x32: {  	s10 =	sld [smem:$0x3FA8];
	_ =	sdelay $0x3  }
0x33: {  	p0 =	seq.s32 s10, $0x1;
	s10 =	sld [smem:$0x3FAA];
	_ =	sdelay $0x3  }
0x34: {  	[smem:$0x3FAA] =	sst s10  }
0x35: {  	s10 =	sld [smem:$0x3FA9];
	_ =	sdelay $0x3  }
0x36: {  	p1 =	seq.s32 s10, $0x1;
	s10 =	sld [smem:$0x3FAA];
	_ =	sdelay $0x3  }
0x37: {  	[smem:$0x3FAA] =	sst s10  }
0x38: {  	s10 =	sld [smem:$0x3FAB]  }
0x39: {  	_ = 	snop;
	(pc) =	sbr.ind lr, $3  }
0x3a: {  	_ = 	snop  }
0x3b: {  	_ = 	snop  }
0x3c: {  	p2 =	seq.s32 s10, $0x1;
	s10 =	sld [smem:$0x3FAA]  }
0x3d: {  	_ =	shalt  }
0x3e: {  	_ =	shalt  }
0x3f: {  	_ =	shalt  }
0x40: {  	_ =	shalt  }
0x41: {  	_ =	shalt  }
0x42: {  	_ =	shalt  }
0x43: {  	_ =	shalt  }
0x44: {  	_ =	shalt  }
0x45: {  	_ =	shalt  }
0x46: {  	_ =	shalt  }
0x47: {  	_ =	shalt  }
0x48: {  	_ =	shalt  }
0x49: {  	_ =	shalt  }
0x4a: {  	_ =	shalt  }
0x4b: {  	_ =	shalt  }
0x4c: {  	_ =	shalt  }
0x4d: {  	_ =	shalt  }
0x4e: {  	_ =	shalt  }
0x4f: {  	_ =	shalt  }
0x50: {  	_ =	shalt  }
0x51: {  	_ =	shalt  }
0x52: {  	_ =	shalt  }
0x53: {  	_ =	shalt  }
0x54: {  	_ =	shalt  }
0x55: {  	_ =	shalt  }
0x56: {  	_ =	shalt  }
0x57: {  	_ =	shalt  }
0x58: {  	_ =	shalt  }
0x59: {  	_ =	shalt  }
0x5a: {  	_ =	shalt  }
0x5b: {  	_ =	shalt  }
0x5c: {  	_ =	shalt  }
0x5d: {  	_ =	shalt  }
0x5e: {  	_ =	shalt  }
0x5f: {  	_ =	shalt  }
0x60: {  	_ =	shalt  }
0x61: {  	_ =	shalt  }
0x62: {  	_ =	shalt  }
0x63: {  	_ =	shalt  }
0x64: {  	_ =	shalt  }
0x65: {  	_ =	shalt  }
0x66: {  	_ =	shalt  }
0x67: {  	_ =	shalt  }
0x68: {  	_ =	shalt  }
0x69: {  	_ =	shalt  }
0x6a: {  	_ =	shalt  }
0x6b: {  	_ =	shalt  }
0x6c: {  	_ =	shalt  }
0x6d: {  	_ =	shalt  }
0x6e: {  	_ =	shalt  }
0x6f: {  	_ =	shalt  }
0x70: {  	_ =	shalt  }
0x71: {  	_ =	shalt  }
0x72: {  	_ =	shalt  }
0x73: {  	_ =	shalt  }
0x74: {  	_ =	shalt  }
0x75: {  	_ =	shalt  }
0x76: {  	_ =	shalt  }
0x77: {  	_ =	shalt  }
0x78: {  	_ =	shalt  }
0x79: {  	_ =	shalt  }
0x7a: {  	_ =	shalt  }
0x7b: {  	_ =	shalt  }
0x7c: {  	_ =	shalt  }
0x7d: {  	_ =	shalt  }
0x7e: {  	_ =	shalt  }
0x7f: {  	_ =	shalt  }
0x80: {  	_ =	shalt  }
0x81: {  	_ =	shalt  }
0x82: {  	_ =	shalt  }
0x83: {  	_ =	shalt  }
0x84: {  	_ =	shalt  }
0x85: {  	_ =	shalt  }
0x86: {  	_ =	shalt  }
0x87: {  	_ =	shalt  }
.Lfunc_end0:
.L_simem_size_0:
called_computation.4_lowered:
.L_overlay_start_0:
0x88: {  	s2 =	sld [smem:$0x3FD9]  }
0x89: {  	s3 =	sld [smem:$0x3FFE];
	_ =	sdelay $0x1  }
0x8a: {  	s1 =	srdreg.scid  }
0x8b: {  	s0 =	sand.u32 $0x1, s1  }
0x8c: {  	s16 =	sshll.u32 s0, $0xA;
	s2 =	sadd.s32 s3, s2  }
0x8d: {  	s2 =	sadd.s32 s2, s16  }
0x8e: {  	[smem:$0x3FB6] =	sst s2  }
0x8f: {  	_ = 	snop  }
0x90: {  	(tm) =	ssettm $0x1  }
0x91: {  	s17 =	sld [smem:$0x3FFB];
	_ =	sdelay $0x3  }
0x92: {  	_ =	strace s17  }
0x93: {  	s2 =	sld [smem:$0x3FFC];
	_ =	sdelay $0x3  }
0x94: {  	_ =	strace s2  }
0x95: {  	s2 =	sld [smem:$0x3FFD];
	_ =	sdelay $0x3  }
0x96: {  	_ =	strace s2  }
0x97: {  	_ =	strace $0x8FFFFFFF  }
0x98: {  	s18 =	sld [smem:$0x3FDB];
	_ =	sdelay $0x1  }
0x99: {  	s19 =	simm.s32 $_scs_section_size  }
0x9a: {  	s4 =	simm.s32 $_size__tile_overlayer_lowered;
	s5 =	simm.s32 $_tile_overlayer_lowered  }
0x9b: {  	s22 =	simm.s32 $0x1BFF;
	s21 =	sshll.u32 s5, $0x1;
	s2 =	sadd.s32 s19, s18  }
0x9c: {  	s6 =	simm.s32 $0x0;
	s20 =	sshll.u32 s4, $0x1;
	s4 =	sadd.s32 s21, s2  }
0x9d: {  	[timem:s6], [sflag:s22] =	dma.local [hbm:s4], s20  }
0x9e: {  	_ =	swait.ge [sflag:s22], s20  }
0x9f: {  	s3 =	ssub.s32 $0x0, s20;
	[sflag:s22] =	ssyncset.done $0x0  }
0xa0: {  	[sflag:s22] =	ssyncadd.s32 s3;
	_ =	sdelay $0x1  }
0xa1: {  	s23 =	simm.s32 $0x1B8B  }
0xa2: {  	_ =	swait.ge [sflag:s23], $0x1  }
0xa3: {  	[sflag:s23] =	ssyncset.done $0x0  }
0xa4: {  	s25 =	simm.s32 $0x1B8E;
	s24 =	sld [smem:$0x3FFE];
	[sflag:s23] =	ssyncadd.s32 $0xFFFFFFFF  }
0xa5: {  	s26 =	simm.s32 $execute0_lowered;
	[smem:$0x3FD2] =	sst s25  }
0xa6: {  	s4 =	sshll.u32 s26, $0x1;
	_ =	strace $0x80000052;
	[dreg:$0x1] =	wrdreg $0xFFFFFFFF  }
0xa7: {  	s28 =	simm.s32 $_size_execute0_lowered;
	s2 =	sadd.s32 s2, s4;
	[dreg:$0x0] =	wrdreg $0x0  }
0xa8: {  	s4 =	sshll.u32 s28, $0x1;
	[dreg:$0x2] =	wrdreg s2  }
0xa9: {  	[dreg:$0x3] =	wrdreg s4  }
0xaa: {  	[dreg:$0x4] =	wrdreg $0xC0  }
0xab: {  	_ =	task [dreg:s6], $0x5FFFF  }
0xac: {  	[dreg:$0x1] =	wrdreg $0xFFFFFFFF  }
0xad: {  	[dreg:$0x0] =	wrdreg $0x60  }
0xae: {  	[dreg:$0x2] =	wrdreg s24  }
0xaf: {  	[dreg:$0x3] =	wrdreg $0xBC000  }
0xb0: {  	[dreg:$0x4] =	wrdreg $0x9  }
0xb1: {  	_ =	task.clear_ibuf [dreg:s6], $0x5FFFF;
	_ =	strace $0x90000052  }
0xb2: {  	s29 =	simm.s32 $0x9;
	_ =	strace $0x80000054  }
0xb3: {  	_ =	swait.ge [sflag:s29], $0x1  }
0xb4: {  	[sflag:s29] =	ssyncadd.s32 $0xFFFFFFFF  }
0xb5: {  	_ =	strace $0x90000054  }
0xb6: {  	_ =	sfence  }
0xb7: {  	s30 =	sld [smem:$0x0];
	_ =	sdelay $0x2  }
0xb8: {  	s31 =	sshll.u32 s1, $0xD;
	s1 =	sshrl.u32 s1, $0x2  }
0xb9: {  	s3 =	sand.u32 $0x4000, s31;
	s1 =	sadd.s32 s1, s30  }
0xba: {  	s0 =	sor.u32 s3, s0;
	s1 =	sshll.u32 s1, $0x11  }
0xbb: {  	s0 =	sor.u32 s1, s0  }
0xbc: {  	s0 =	sadd.s32 $0x8F2B, s0  }
0xbd: {  	[sflag:s0] =	ssyncadd.remote.s32 $0x1  }
0xbe: {  	_ =	sfence.sel $0xFFFF  }
0xbf: {  	[dreg:$0x0] =	wrdreg $0xFFFFFFFF;
	(pc) =	sbr.abs _section_cstart, $3  }
0xc0: {  	[dreg:$0x1] =	wrdreg $0xFFFFFFFF  }
0xc1: {  	_ =	task.clear_ibuf [dreg:s6], $0x2FFFF;
	_ =	strace $0x9FFFFFFF  }
0xc2: {  	(tm) =	ssettm $0x7FFFFFFF  }
0xc3: {  	_ =	shalt  }
tec
execute0_lowered:
.L_overlay_start_1:
0x0: {  	(tag) =	ssettag $0x1  }
0x1: {  	s2 =	rddreg [dreg:$0x0]  }
0x2: {  	s0 =	srdreg.scid;
	s1 =	rddreg [dreg:$0x1]  }
0x3: {  	s19 =	stileid.u32;
	s3 =	simm.s32 $0x0;
	s18 =	simm.s32 $0x3  }
0x4: {  	s20 =	simm.s32 $0x3C00;
	s21 =	simm.s32 $0x7D;
	s23 =	simm.s32 $0x7C00  }
0x5: {  	s24 =	simm.s32 $0x1;
	s25 =	simm.s32 $0x2;
	s28 =	simm.s32 $0x3B80  }
0x6: {  	s29 =	simm.s32 $0x0;
	s0 =	sand.u32 $0x1, s0;
	s9 =	smul.u32 $0x4E000, s19  }
0x7: {  	[smem:$0x7FF] =	sst s3;
	s14 =	sadd.s32 $0x11200, s2;
	s16 =	smul.u32 $0x13800, s19  }
0x8: {  	s13 =	sadd.s32 $0x138000, s1;
	p0 =	sne.s32 s19, $0x0;
	s4 =	sshll.u32 s0, $0x4  }
0x9: {  	_ =	strace $0x80000053;
	s7 =	ssub.s32 $0x2, s0;
	s0 =	smul.u32 $0x138800, s0  }
0xa: {  	s8 =	sor.u32 s19, s4;
	s4 =	sadd.s32 $0x1B200, s2;
	s10 =	sshrl.u32 s7, $0x1  }
0xb: {  	s30 =	sshrl.u32 s9, $0x2;
	s6 =	smul.u32 $0x500, s8;
	s17 =	ssub.s32 s7, s10  }
0xc: {  	s7 =	sadd.s32 s30, s1;
	s15 =	smul.u32 $0x2800, s8;
	s31 =	sadd.s32 s16, s0  }
0xd: {  	s0 =	sshrl.u32 s0, $0x3;
	s8 =	sadd.s32 $0x3C00, s7;
	s9 =	sadd.s32 $0x7800, s7  }
0xe: {  	s10 =	sadd.s32 $0xB400, s7;
	s11 =	sadd.s32 $0xF000, s7;
	s12 =	sadd.s32 $0x12C00, s7  }
0xf: {  	s17 =	smax.u32 s17, $0x1;
	s5 =	sadd.s32 s6, s2;
	s2 =	sadd.s32 $0x42400, s2  }
0x10: {  	s6 =	sadd.s32 s14, s6;
	s15 =	sshrl.u32 s15, $0x3;
	s5 =	sadd.s32 $0x7200, s5  }
0x11: {  	s14 =	sadd.s32 s14, s15;
	s15 =	sshrl.u32 s31, $0x3;
	s0 =	sadd.s32 s2, s0  }
0x12: {  	v0 =	vimm.f32 $0.0e+00;
	s14 =	sadd.s32 $0x280, s14;
	s15 =	sadd.s32 s2, s15;
	s16 =	sadd.s32 $0x27000, s0  }
.LBB2_1:
0x13: {  	[tilespmem:s3], [sflag:$0x3] =	stream.linear.gather [hbm4b:s5+s3], $0x2800, $0x38;
	[tilespmem:$0x1F480] =	vst v63  }
0x14: {  	_ =	swait.ge [sflag:s18], $0x2800  }
0x15: {  	[sflag:s18] =	ssyncset.done $0x0  }
0x16: {  	s0 =	simm.s32 $0x2800;
	[sflag:s18] =	ssyncadd.s32 $0xFFFFD800  }
0x17: {  	[tilespmem:s0], [sflag:$0x3] =	stream.linear.gather [hbm4b:s6+s3], $0x1400, $0x38;
	[tilespmem:$0x1F480] =	vst v63  }
0x18: {  	_ =	swait.ge [sflag:s18], $0x1400  }
0x19: {  	[sflag:s18] =	ssyncset.done $0x0  }
0x1a: {  	s30 =	simm.s32 $0x200;
	s0 =	simm.s32 $0x0;
	[sflag:s18] =	ssyncadd.s32 $0xFFFFEC00  }
.LBB2_2:
0x1b: {  	p1 =	sne.s32 s30, $0xF800;
	[tilespmem:s0+$0x3C70] =	vst v0  }
0x1c: {  	[tilespmem:s0+$0x3C00] =	vst v0  }
0x1d: {  	[tilespmem:s0+$0x3C10] =	vst v0  }
.Ltmp0:
0x1e: {  	[tilespmem:s0+$0x3C20] =	vst v0;
	(pc) =	sbr.rel @p1 .LBB2_2-.Ltmp0, $4  }
0x1f: {  	[tilespmem:s0+$0x3C30] =	vst v0  }
0x20: {  	[tilespmem:s0+$0x3C40] =	vst v0  }
0x21: {  	[tilespmem:s0+$0x3C50] =	vst v0  }
0x22: {  	[tilespmem:s0+$0x3C60] =	vst v0;
	s0 =	sshra.s32 s30, $0x2;
	s30 =	sadd.s32 $0x200, s30  }
0x23: {  	[tilespmem:s0+$0x3C70] =	vst v0  }
0x24: {  	[tilespmem:s0+$0x3C00] =	vst v0  }
0x25: {  	[tilespmem:s0+$0x3C10] =	vst v0  }
0x26: {  	[tilespmem:s0+$0x3C20] =	vst v0  }
0x27: {  	[tilespmem:s0+$0x3C30] =	vst v0  }
0x28: {  	[tilespmem:s0+$0x3C40] =	vst v0  }
0x29: {  	[tilespmem:s0+$0x3C50] =	vst v0  }
0x2a: {  	[tilespmem:s0+$0x3C60] =	vst v0  }
0x2b: {  	[spmem:s7] =	stream.linear.scatter [tilespmem:s20], [sflag:$0x3], $0x3C00, $0x38;
	[tilespmem:$0x1F480] =	vst v63  }
0x2c: {  	_ =	swait.ge [sflag:s18], $0x3C00  }
0x2d: {  	[sflag:s18] =	ssyncset.done $0x0  }
0x2e: {  	[sflag:s18] =	ssyncadd.s32 $0xFFFFC400  }
0x2f: {  	[spmem:s8] =	stream.linear.scatter [tilespmem:s20], [sflag:$0x3], $0x3C00, $0x38;
	[tilespmem:$0x1F480] =	vst v63  }
0x30: {  	_ =	swait.ge [sflag:s18], $0x3C00  }
0x31: {  	[sflag:s18] =	ssyncset.done $0x0  }
0x32: {  	[sflag:s18] =	ssyncadd.s32 $0xFFFFC400  }
0x33: {  	[spmem:s9] =	stream.linear.scatter [tilespmem:s20], [sflag:$0x3], $0x3C00, $0x38;
	[tilespmem:$0x1F480] =	vst v63  }
0x34: {  	_ =	swait.ge [sflag:s18], $0x3C00  }
0x35: {  	[sflag:s18] =	ssyncset.done $0x0  }
0x36: {  	[sflag:s18] =	ssyncadd.s32 $0xFFFFC400  }
0x37: {  	[spmem:s10] =	stream.linear.scatter [tilespmem:s20], [sflag:$0x3], $0x3C00, $0x38;
	[tilespmem:$0x1F480] =	vst v63  }
0x38: {  	_ =	swait.ge [sflag:s18], $0x3C00  }
0x39: {  	[sflag:s18] =	ssyncset.done $0x0  }
0x3a: {  	[sflag:s18] =	ssyncadd.s32 $0xFFFFC400  }
0x3b: {  	[spmem:s11] =	stream.linear.scatter [tilespmem:s20], [sflag:$0x3], $0x3C00, $0x38;
	[tilespmem:$0x1F480] =	vst v63  }
0x3c: {  	_ =	swait.ge [sflag:s18], $0x3C00  }
0x3d: {  	[sflag:s18] =	ssyncset.done $0x0  }
0x3e: {  	[sflag:s18] =	ssyncadd.s32 $0xFFFFC400  }
0x3f: {  	[spmem:s12] =	stream.linear.scatter [tilespmem:s20], [sflag:$0x3], $0xC00, $0x38;
	[tilespmem:$0x1F480] =	vst v63  }
0x40: {  	_ =	swait.ge [sflag:s18], $0xC00  }
0x41: {  	[sflag:s18] =	ssyncset.done $0x0  }
0x42: {  	s0 =	simm.s32 @!p0 $0x3C00;
	[sflag:s18] =	ssyncadd.s32 $0xFFFFF400  }
0x43: {  	[spmem:s13] =	stream.linear.scatter @!p0 [tilespmem:s0], [sflag:$0x3], $0x800, $0x38;
	[tilespmem:$0x1F480] =	vst v63  }
0x44: {  	s0 =	simm.s32 @!p0 $0x3  }
0x45: {  	_ =	swait.ge @!p0 [sflag:s0], $0x800  }
0x46: {  	[sflag:s0] =	ssyncset.done @!p0 $0x0  }
0x47: {  	[sflag:s0] =	ssyncadd.s32 @!p0 $0xFFFFF800  }
0x48: {  	p1 =	por $0x1, $0x1;
	s0 =	simm.s32 $0x0;
	[bflag:$0x0] =	sbarrier.arrive $0xFFFF  }
0x49: {  	[tilespmem:s20], [sflag:$0x1] =	stream.indirect.gather [hbm4b:s4+s21], $0x80, s0, s21, $0xb8;
	[tilespmem:$0x1F480] =	vst v63  }
0x4a: {  	s2 =	simm.s32 $0x80;
	p1 =	por p1, p1  }
0x4b: {  	[tilespmem:s23], [sflag:$0x2] =	stream.indirect.gather [hbm4b:s4+s21], $0x80, s2, s21, $0xb8;
	[tilespmem:$0x1F480] =	vst v63  }
0x4c: {  	s30 =	simm.s32 @!p1 $0x2800;
	s31 =	simm.s32 @!p1 $0x3;
	s2 =	simm.s32 @!p1 $0x0  }
0x4d: {  	[tilespmem:s30], [sflag:$0x3] =	stream.linear.gather @!p1 [hbm4b:s14+s2], $0x1400, $0x38;
	[tilespmem:$0x1F480] =	vst v63  }
0x4e: {  	_ =	swait.ge @!p1 [sflag:s31], $0x1400  }
0x4f: {  	[sflag:s31] =	ssyncset.done @!p1 $0x0  }
0x50: {  	s2 =	simm.s32 $0xFFFFB000;
	[sflag:s31] =	ssyncadd.s32 @!p1 $0xFFFFEC00;
	p1 =	por $0x1, $0x1  }
0x51: {  	_ =	swait.ge [sflag:s24], $0x3E80;
	s2 =	smov.u32 @p1 s0  }
0x52: {  	[sflag:s24] =	ssyncset.done $0x0;
	s0 =	sshra.s32 s2, $0x2  }
0x53: {  	[sflag:s24] =	ssyncadd.s32 $0xFFFFC180;
	s2 =	sadd.s32 $0x2800, s0  }
0x54: {  	[spmem:s1] =	stream.indirect.scatter.add.f32 [tilespmem:s20], [sflag:$0x3], $0x80, s2, s21, $0xb8;
	[tilespmem:$0x1F480] =	vst v63  }
0x55: {  	_ =	swait.ge [sflag:s18], $0x3E80  }
0x56: {  	[sflag:s18] =	ssyncset.done $0x0  }
0x57: {  	s26 =	simm.s32 $0x100;
	[sflag:s18] =	ssyncadd.s32 $0xFFFFC180  }
0x58: {  	[tilespmem:s20], [sflag:$0x1] =	stream.indirect.gather [hbm4b:s4+s21], $0x80, s26, s21, $0xb8;
	[tilespmem:$0x1F480] =	vst v63  }
0x59: {  	_ =	swait.ge [sflag:s25], $0x3E80  }
0x5a: {  	[sflag:s25] =	ssyncset.done $0x0  }
0x5b: {  	s0 =	sadd.s32 $0x2880, s0;
	[sflag:s25] =	ssyncadd.s32 $0xFFFFC180  }
0x5c: {  	[spmem:s1] =	stream.indirect.scatter.add.f32 [tilespmem:s23], [sflag:$0x3], $0x80, s0, s21, $0xb8;
	[tilespmem:$0x1F480] =	vst v63  }
0x5d: {  	p6 =	por $0x1, $0x1;
	s30 =	simm.s32 $0x400;
	_ =	swait.ge [sflag:s18], $0x3E80  }
0x5e: {  	s31 =	simm.s32 $0x1;
	p1 =	por p6, p6;
	[sflag:s18] =	ssyncset.done $0x0  }
0x5f: {  	s2 =	simm.s32 $0x180;
	s0 =	simm.s32 $0x800;
	[sflag:s18] =	ssyncadd.s32 $0xFFFFC180  }
.LBB2_4:
0x60: {  	[tilespmem:s23], [sflag:$0x2] =	stream.indirect.gather [hbm4b:s4+s21], $0x80, s2, s21, $0xb8;
	[tilespmem:$0x1F480] =	vst v63  }
0x61: {  	s2 =	smov.u32 s0  }
0x62: {  	s19 =	simm.s32 @!p1 $0x0;
	s22 =	simm.s32 @!p1 $0x2800;
	s26 =	simm.s32 @!p1 $0x3  }
0x63: {  	[tilespmem:s22], [sflag:$0x3] =	stream.linear.gather @!p1 [hbm4b:s14+s19], $0x1400, $0x38;
	[tilespmem:$0x1F480] =	vst v63  }
0x64: {  	s0 =	sadd.s32 $0x400, s0;
	p3 =	sne.s32 s2, $0x5000;
	_ =	swait.ge @!p1 [sflag:s26], $0x1400  }
0x65: {  	p2 =	sne.s32 s0, $0x9C00;
	[sflag:s26] =	ssyncset.done @!p1 $0x0  }
0x66: {  	s19 =	sadd.s32 $0xFFFFB000, s30;
	[sflag:s26] =	ssyncadd.s32 @!p1 $0xFFFFEC00;
	p1 =	slt.u32 s31, $0x14  }
0x67: {  	_ =	swait.ge [sflag:s24], $0x3E80;
	s19 =	smov.u32 @p1 s30;
	p1 =	por p3, p3  }
0x68: {  	[sflag:s24] =	ssyncset.done $0x0;
	s19 =	sshra.s32 s19, $0x2  }
0x69: {  	[sflag:s24] =	ssyncadd.s32 $0xFFFFC180;
	s22 =	sadd.s32 $0x2800, s19  }
0x6a: {  	[spmem:s1] =	stream.indirect.scatter.add.f32 [tilespmem:s20], [sflag:$0x3], $0x80, s22, s21, $0xb8;
	[tilespmem:$0x1F480] =	vst v63  }
0x6b: {  	_ =	swait.ge [sflag:s18], $0x3E80  }
0x6c: {  	s22 =	sshra.s32 s30, $0x2;
	s30 =	smov.u32 s2;
	[sflag:s18] =	ssyncset.done $0x0  }
0x6d: {  	s2 =	sadd.s32 $0x100, s22;
	[sflag:s18] =	ssyncadd.s32 $0xFFFFC180  }
0x6e: {  	[tilespmem:s20], [sflag:$0x1] =	stream.indirect.gather [hbm4b:s4+s21], $0x80, s2, s21, $0xb8;
	[tilespmem:$0x1F480] =	vst v63  }
0x6f: {  	_ =	swait.ge [sflag:s25], $0x3E80  }
0x70: {  	[sflag:s25] =	ssyncset.done $0x0  }
.Ltmp1:
0x71: {  	s2 =	sadd.s32 $0x2880, s19;
	[sflag:s25] =	ssyncadd.s32 $0xFFFFC180;
	(pc) =	sbr.rel @p2 .LBB2_4-.Ltmp1, $4  }
0x72: {  	[spmem:s1] =	stream.indirect.scatter.add.f32 [tilespmem:s23], [sflag:$0x3], $0x80, s2, s21, $0xb8;
	[tilespmem:$0x1F480] =	vst v63  }
0x73: {  	_ =	swait.ge [sflag:s18], $0x3E80  }
0x74: {  	[sflag:s18] =	ssyncset.done $0x0  }
0x75: {  	s31 =	sadd.s32 $0x1, s31;
	s2 =	sadd.s32 $0x180, s22;
	[sflag:s18] =	ssyncadd.s32 $0xFFFFC180  }
0x76: {  	[tilespmem:s23], [sflag:$0x2] =	stream.indirect.gather [hbm4b:s4+s21], $0x80, s2, s21, $0xb8;
	[tilespmem:$0x1F480] =	vst v63  }
0x77: {  	s0 =	simm.s32 @!p1 $0x0;
	s2 =	simm.s32 @!p1 $0x2800;
	s19 =	simm.s32 @!p1 $0x3  }
0x78: {  	[tilespmem:s2], [sflag:$0x3] =	stream.linear.gather @!p1 [hbm4b:s14+s0], $0x1400, $0x38;
	[tilespmem:$0x1F480] =	vst v63  }
0x79: {  	_ =	swait.ge @!p1 [sflag:s19], $0x1400  }
0x7a: {  	[sflag:s19] =	ssyncset.done @!p1 $0x0  }
0x7b: {  	s0 =	sadd.s32 $0xFFFFB000, s30;
	[sflag:s19] =	ssyncadd.s32 @!p1 $0xFFFFEC00;
	p1 =	slt.u32 s31, $0x14  }
0x7c: {  	_ =	swait.ge [sflag:s24], $0x3E80;
	s0 =	smov.u32 @p1 s30  }
0x7d: {  	[sflag:s24] =	ssyncset.done $0x0;
	s0 =	sshra.s32 s0, $0x2  }
0x7e: {  	[sflag:s24] =	ssyncadd.s32 $0xFFFFC180;
	s26 =	sadd.s32 $0x2800, s0  }
0x7f: {  	[spmem:s1] =	stream.indirect.scatter.add.f32 [tilespmem:s20], [sflag:$0x3], $0x80, s26, s21, $0xb8;
	[tilespmem:$0x1F480] =	vst v63  }
0x80: {  	_ =	swait.ge [sflag:s18], $0x3E80  }
0x81: {  	s30 =	sshra.s32 s30, $0x2;
	[sflag:s18] =	ssyncset.done $0x0  }
0x82: {  	s31 =	sadd.s32 $0x100, s30;
	[sflag:s18] =	ssyncadd.s32 $0xFFFFC180  }
0x83: {  	[tilespmem:s20], [sflag:$0x1] =	stream.indirect.gather [hbm4b:s4+s21], $0x80, s31, s21, $0xb8;
	[tilespmem:$0x1F480] =	vst v63  }
0x84: {  	_ =	swait.ge [sflag:s25], $0x3E80  }
0x85: {  	[sflag:s25] =	ssyncset.done $0x0  }
0x86: {  	s0 =	sadd.s32 $0x2880, s0;
	[sflag:s25] =	ssyncadd.s32 $0xFFFFC180  }
0x87: {  	[spmem:s1] =	stream.indirect.scatter.add.f32 [tilespmem:s23], [sflag:$0x3], $0x80, s0, s21, $0xb8;
	[tilespmem:$0x1F480] =	vst v63  }
0x88: {  	_ =	swait.ge [sflag:s18], $0x3E80  }
0x89: {  	[sflag:s18] =	ssyncset.done $0x0  }
0x8a: {  	s22 =	sadd.s32 $0x180, s30;
	[sflag:s18] =	ssyncadd.s32 $0xFFFFC180  }
0x8b: {  	[tilespmem:s23], [sflag:$0x2] =	stream.indirect.gather [hbm4b:s4+s21], $0x80, s22, s21, $0xb8;
	[tilespmem:$0x1F480] =	vst v63  }
0x8c: {  	_ =	swait.ge [sflag:s24], $0x3E80  }
0x8d: {  	[sflag:s24] =	ssyncset.done $0x0  }
0x8e: {  	s26 =	simm.s32 $0x3B00;
	[sflag:s24] =	ssyncadd.s32 $0xFFFFC180  }
0x8f: {  	[spmem:s1] =	stream.indirect.scatter.add.f32 [tilespmem:s20], [sflag:$0x3], $0x80, s26, s21, $0xb8;
	[tilespmem:$0x1F480] =	vst v63  }
0x90: {  	_ =	swait.ge [sflag:s18], $0x3E80  }
0x91: {  	[sflag:s18] =	ssyncset.done $0x0  }
0x92: {  	[sflag:s18] =	ssyncadd.s32 $0xFFFFC180  }
0x93: {  	_ =	swait.ge [sflag:s25], $0x3E80  }
0x94: {  	[sflag:s25] =	ssyncset.done $0x0  }
0x95: {  	[sflag:s25] =	ssyncadd.s32 $0xFFFFC180  }
0x96: {  	[spmem:s1] =	stream.indirect.scatter.add.f32 [tilespmem:s23], [sflag:$0x3], $0x80, s28, s21, $0xb8;
	[tilespmem:$0x1F480] =	vst v63  }
0x97: {  	_ =	swait.ge [sflag:s18], $0x3E80  }
0x98: {  	s30 =	stileid.u32;
	[sflag:s18] =	ssyncset.done $0x0  }
0x99: {  	s0 =	sshll.u32 s30, $0x6;
	[sflag:s18] =	ssyncadd.s32 $0xFFFFC180  }
0x9a: {  	s31 =	sshrl.u32 s7, $0x3;
	s0 =	sor.u32 $0x1C03, s0;
	[bflag:$0x0] =	sbarrier.arrive $0xFFFF  }
0x9b: {  	[hbm:s15], [sflag:s0] =	dma.local [spmem:s31], $0x2700  }
0x9c: {  	_ =	swait.ge [sflag:s18], $0x2700  }
0x9d: {  	s29 =	sadd.s32 $0x1, s29;
	[sflag:s18] =	ssyncset.done $0x0  }
0x9e: {  	s2 =	sshrl.u32 @!p0 s13, $0x3;
	p1 =	sne.s32 s29, s17;
	[sflag:s18] =	ssyncadd.s32 $0xFFFFD900  }
0x9f: {  	[hbm:s16], [sflag:s0] =	dma.local @!p0 [spmem:s2], $0x100  }
.Ltmp2:
0xa0: {  	_ = 	snop;
	(pc) =	sbr.rel @p1 .LBB2_1-.Ltmp2, $4  }
0xa1: {  	s0 =	simm.s32 @!p0 $0x3  }
0xa2: {  	_ =	swait.ge @!p0 [sflag:s0], $0x100  }
0xa3: {  	[sflag:s0] =	ssyncset.done @!p0 $0x0  }
0xa4: {  	[sflag:s0] =	ssyncadd.s32 @!p0 $0xFFFFFF00  }
0xa5: {  	_ =	sfence.sel $0x180000  }
0xa6: {  	[bflag:$0x0] =	sbarrier.arrive $0xFFFF  }
0xa7: {  	_ =	strace $0x90000053  }
0xa8: {  	[bflag:$0x2] =	sbarrier.arrive $0xFFFF  }
0xa9: {  	s0 =	rddreg [dreg:$0x2]  }
0xaa: {  	s0 =	sadd.s32 @!p0 $0x100000, s0  }
0xab: {  	[sflag:s0] =	ssyncadd.tile.s32 @!p0 $0x1;
	_ =	shalt  }
.Lfunc_end2:
_tile_overlayer_lowered:
.L_overlay_start_2:
0xac: {  	(tag) =	ssettag $0x2  }
0xad: {  	s0 =	rddreg [dreg:$0x0];
	s2 =	stileid.u32  }
0xae: {  	s1 =	rddreg [dreg:$0x1];
	p0 =	sne.s32 s2, $0x0  }
0xaf: {  	s3 =	rddreg [dreg:$0x2];
	[bflag:$0x3] =	sbarrier.arrive $0xFFFF;
	s2 =	simm.s32 @!p0 $0x1C03  }
0xb0: {  	[timem:s3], [sflag:s2] =	dma.local @!p0 [hbm:s0], s1  }
0xb1: {  	s0 =	simm.s32 @!p0 $0x3  }
0xb2: {  	_ =	swait.ge @!p0 [sflag:s0], s1  }
0xb3: {  	s1 =	ssub.s32 @!p0 $0x0, s1;
	[sflag:s0] =	ssyncset.done @!p0 $0x0  }
0xb4: {  	[sflag:s0] =	ssyncadd.s32 @!p0 s1  }
0xb5: {  	[bflag:$0x3] =	sbarrier.arrive $0xFFFF  }
0xb6: {  	_ =	shalt  }

</sc_bundles>
